<compile_context>
chip_gen: v7x
topology: tpu7x:2x2x1
jax: 0.10.2.dev20260603
libtpu: 0.0.44.dev20260713+nightly
codegen_flags: <defaults>
</compile_context>

<pallas_src>
import functools

import jax
import jax.numpy as jnp
from jax import lax
from jax.experimental import pallas as pl
from jax.experimental.pallas import tpu as pltpu
from jax.experimental.pallas import tpu_sc as plsc

N = 10000
D = 128
E = 320000

NC = 2
NS = 16
NW = NC * NS
CHUNK = 64
CHH = 40
CH = 4 * CHH
NBUF = 4
PRE = 3
E_PAD = NW * CH * CHUNK
N_PAD = 10112
RPT = N_PAD // NS
DEGW = 128


def _sc_agg_body(z_hbm, src_hbm, dst_hbm, zrows_hbm, agg_out,
                 src_v, dst_v, rows_v, agg_sh, sem):
    cid = lax.axis_index("c")
    sid = lax.axis_index("s")
    wid = sid * NC + cid
    base = sid * RPT

    pltpu.sync_copy(zrows_hbm, agg_sh.at[pl.ds(base, RPT)])
    plsc.subcore_barrier()

    for h in (0, 1, 2, 3):
        pltpu.sync_copy(src_hbm.at[wid, pl.ds(h * CHH, CHH)], src_v)
        pltpu.sync_copy(dst_hbm.at[wid, pl.ds(h * CHH, CHH)], dst_v)

        def chunk_body(j, carry):
            @pl.when(j < CHH)
            def _():
                off = (j % NBUF) * CHUNK
                pltpu.async_copy(z_hbm.at[src_v.at[j]],
                                 rows_v.at[pl.ds(off, CHUNK)], sem.at[j % NBUF])

            @pl.when(j >= PRE)
            def _():
                jp = j - PRE
                off = (jp % NBUF) * CHUNK
                buf = rows_v.at[pl.ds(off, CHUNK)]
                pltpu.make_async_copy(z_hbm.at[src_v.at[jp]], buf,
                                      sem.at[jp % NBUF]).wait()
                pltpu.sync_copy(buf, agg_sh.at[dst_v.at[jp]], add=True)

            return carry

        lax.fori_loop(0, CHH + PRE, chunk_body, 0)

    plsc.subcore_barrier()
    pltpu.sync_copy(agg_sh.at[pl.ds(base, RPT)], agg_out.at[cid, pl.ds(base, RPT)])


def _sc_deg_body(dst_hbm, zdeg_hbm, ones_hbm, deg_out,
                 dst_v, ones_v, deg_sh):
    cid = lax.axis_index("c")
    sid = lax.axis_index("s")
    wid = sid * NC + cid
    base = sid * RPT

    pltpu.sync_copy(zdeg_hbm, deg_sh.at[pl.ds(base, RPT)])
    pltpu.sync_copy(ones_hbm, ones_v)
    pltpu.sync_copy(dst_hbm.at[wid], dst_v)
    plsc.subcore_barrier()

    def chunk_body(j, carry):
        pltpu.sync_copy(ones_v, deg_sh.at[dst_v.at[j]], add=True)
        return carry

    lax.fori_loop(0, CH, chunk_body, 0)
    plsc.subcore_barrier()
    pltpu.sync_copy(deg_sh.at[pl.ds(base, RPT)], deg_out.at[cid, pl.ds(base, RPT)])


@functools.lru_cache(maxsize=None)
def _sc_kernels():
    mesh = plsc.VectorSubcoreMesh(
        core_axis_name="c", subcore_axis_name="s", num_cores=NC, num_subcores=NS)
    sc_deg = pl.kernel(
        _sc_deg_body,
        out_type=jax.ShapeDtypeStruct((NC, N_PAD, DEGW), jnp.float32),
        mesh=mesh,
        scratch_types=[
            pltpu.VMEM((CH, CHUNK), jnp.int32),
            pltpu.VMEM((CHUNK, DEGW), jnp.float32),
            pltpu.VMEM_SHARED((N_PAD, DEGW), jnp.float32),
        ],
    )
    sc_agg = pl.kernel(
        _sc_agg_body,
        out_type=jax.ShapeDtypeStruct((NC, N_PAD, D), jnp.float32),
        mesh=mesh,
        scratch_types=[
            pltpu.VMEM((CHH, CHUNK), jnp.int32),
            pltpu.VMEM((CHH, CHUNK), jnp.int32),
            pltpu.VMEM((NBUF * CHUNK, D), jnp.float32),
            pltpu.VMEM_SHARED((N_PAD, D), jnp.float32),
            pltpu.SemaphoreType.DMA((NBUF,)),
        ],
    )
    return sc_deg, sc_agg


R = 2000


def _tc_in_body(x_ref, wl_ref, wr_ref, z_ref, s_ref):
    h = x_ref[...]
    z_ref[...] = jnp.dot(h, wl_ref[...], preferred_element_type=jnp.float32)
    s_ref[...] = jnp.dot(h, wr_ref[...], preferred_element_type=jnp.float32)


def _tc_in(x, wl, wr):
    return pl.pallas_call(
        _tc_in_body,
        grid=(N // R,),
        in_specs=[
            pl.BlockSpec((R, D), lambda i: (i, 0)),
            pl.BlockSpec((D, D), lambda i: (0, 0)),
            pl.BlockSpec((D, D), lambda i: (0, 0)),
        ],
        out_specs=[
            pl.BlockSpec((R, D), lambda i: (i, 0)),
            pl.BlockSpec((R, D), lambda i: (i, 0)),
        ],
        out_shape=[
            jax.ShapeDtypeStruct((N, D), jnp.float32),
            jax.ShapeDtypeStruct((N, D), jnp.float32),
        ],
    )(x, wl, wr)


def _combine_mean(agg_ref, deg_ref, b_ref, s_ref):
    a = agg_ref[...]
    dg = deg_ref[...]
    aggsum = a[0] + a[1]
    deg = dg[0, :, 0:1] + dg[1, :, 0:1]
    mean = aggsum / jnp.maximum(deg, 1.0)
    return mean + b_ref[...] + s_ref[...]


def _tc_mid_body(agg_ref, deg_ref, b_ref, s_ref, wl_ref, wr_ref, z_ref, s2_ref):
    h = jnp.maximum(_combine_mean(agg_ref, deg_ref, b_ref, s_ref), 0.0)
    z_ref[...] = jnp.dot(h, wl_ref[...], preferred_element_type=jnp.float32)
    s2_ref[...] = jnp.dot(h, wr_ref[...], preferred_element_type=jnp.float32)


def _tc_mid(agg, deg, b, s, wl, wr):
    return pl.pallas_call(
        _tc_mid_body,
        grid=(N // R,),
        in_specs=[
            pl.BlockSpec((NC, R, D), lambda i: (0, i, 0)),
            pl.BlockSpec((NC, R, DEGW), lambda i: (0, i, 0)),
            pl.BlockSpec((1, D), lambda i: (0, 0)),
            pl.BlockSpec((R, D), lambda i: (i, 0)),
            pl.BlockSpec((D, D), lambda i: (0, 0)),
            pl.BlockSpec((D, D), lambda i: (0, 0)),
        ],
        out_specs=[
            pl.BlockSpec((R, D), lambda i: (i, 0)),
            pl.BlockSpec((R, D), lambda i: (i, 0)),
        ],
        out_shape=[
            jax.ShapeDtypeStruct((N, D), jnp.float32),
            jax.ShapeDtypeStruct((N, D), jnp.float32),
        ],
    )(agg, deg, b, s, wl, wr)


def _tc_final_body(agg_ref, deg_ref, b_ref, s_ref, out_ref):
    pre = _combine_mean(agg_ref, deg_ref, b_ref, s_ref)
    m = jnp.max(pre, axis=-1, keepdims=True)
    e = jnp.exp(pre - m)
    out_ref[...] = e / jnp.sum(e, axis=-1, keepdims=True)


def _tc_final(agg, deg, b, s):
    return pl.pallas_call(
        _tc_final_body,
        grid=(N // R,),
        in_specs=[
            pl.BlockSpec((NC, R, D), lambda i: (0, i, 0)),
            pl.BlockSpec((NC, R, DEGW), lambda i: (0, i, 0)),
            pl.BlockSpec((1, D), lambda i: (0, 0)),
            pl.BlockSpec((R, D), lambda i: (i, 0)),
        ],
        out_specs=pl.BlockSpec((R, D), lambda i: (i, 0)),
        out_shape=jax.ShapeDtypeStruct((N, D), jnp.float32),
    )(agg, deg, b, s)


def kernel(x, edge_index, W1l, b1, W1r, W2l, b2, W2r, W3l, b3, W3r):
    pad = E_PAD - E
    pad_src = (jnp.arange(pad, dtype=jnp.int32) * 37) % N
    pad_dst = N + (jnp.arange(pad, dtype=jnp.int32) % (N_PAD - N))
    src = jnp.concatenate([edge_index[0], pad_src])
    dst = jnp.concatenate([edge_index[1], pad_dst])
    src_r = src.reshape(NW, CH, CHUNK)
    dst_r = dst.reshape(NW, CH, CHUNK)

    zrows = jnp.zeros((RPT, D), jnp.float32)
    zdeg = jnp.zeros((RPT, DEGW), jnp.float32)
    ones = jnp.ones((CHUNK, DEGW), jnp.float32)

    b1r = b1.reshape(1, D)
    b2r = b2.reshape(1, D)
    b3r = b3.reshape(1, D)

    sc_deg, sc_agg = _sc_kernels()
    dega = sc_deg(dst_r, zdeg, ones)
    z1, s1 = _tc_in(x, W1l, W1r)
    agg1 = sc_agg(z1, src_r, dst_r, zrows)
    z2, s2 = _tc_mid(agg1, dega, b1r, s1, W2l, W2r)
    agg2 = sc_agg(z2, src_r, dst_r, zrows)
    z3, s3 = _tc_mid(agg2, dega, b2r, s2, W3l, W3r)
    agg3 = sc_agg(z3, src_r, dst_r, zrows)
    return _tc_final(agg3, dega, b3r, s3)

# --- scband reference (transcript-rebuilt; emitter-appended) ---
"""Pipeline reference for scband-graph-sage-27650999452047 (READ-ONLY COPY).

The authoritative reference and input builder live on the scoring server;
editing this copy changes nothing except your own understanding.
"""

import jax, jax.numpy as jnp
import numpy as np

N = 10000
E = 320000
D_IN = 128
D_H1 = 128
D_H2 = 128
D_OUT = 128


def _glorot(key, shape):
    fan_in = shape[0]
    return jax.random.normal(key, shape, dtype=jnp.float32) * (1.0 / np.sqrt(fan_in))


def setup_inputs(seed: int = 0) -> dict:
    key = jax.random.key(seed)
    ks = jax.random.split(key, 12)
    x = jax.random.normal(ks[0], (N, D_IN), dtype=jnp.float32)
    edge_index = jax.random.randint(ks[1], (2, E), 0, N, dtype=jnp.int32)
    # SAGEConv params: lin_l (applied to mean-aggregated neighbors, has bias),
    # lin_r (applied to root/self features, no bias) -- PyG convention.
    W1l = _glorot(ks[2], (D_IN, D_H1)); b1 = jnp.zeros((D_H1,), dtype=jnp.float32)
    W1r = _glorot(ks[3], (D_IN, D_H1))
    W2l = _glorot(ks[4], (D_H1, D_H2)); b2 = jnp.zeros((D_H2,), dtype=jnp.float32)
    W2r = _glorot(ks[5], (D_H1, D_H2))
    W3l = _glorot(ks[6], (D_H2, D_OUT)); b3 = jnp.zeros((D_OUT,), dtype=jnp.float32)
    W3r = _glorot(ks[7], (D_H2, D_OUT))
    return {
        "x": x, "edge_index": edge_index,
        "W1l": W1l, "b1": b1, "W1r": W1r,
        "W2l": W2l, "b2": b2, "W2r": W2r,
        "W3l": W3l, "b3": b3, "W3r": W3r,
    }


def _sage_layer(x, edge_index, Wl, bl, Wr):
    src = edge_index[0]
    dst = edge_index[1]
    msg = jnp.take(x, src, axis=0)                      # gather source node features
    agg = jax.ops.segment_sum(msg, dst, num_segments=N)  # scatter-add by dst
    deg = jax.ops.segment_sum(jnp.ones((edge_index.shape[1],), dtype=x.dtype), dst, num_segments=N)
    mean = agg / jnp.clip(deg, 1.0)[:, None]             # mean aggregation
    return mean @ Wl + bl + x @ Wr


def reference(x, edge_index, W1l, b1, W1r, W2l, b2, W2r, W3l, b3, W3r):
    # dropout is inactive in eval mode (training=False)
    h = jax.nn.relu(_sage_layer(x, edge_index, W1l, b1, W1r))
    h = jax.nn.relu(_sage_layer(h, edge_index, W2l, b2, W2r))
    out = _sage_layer(h, edge_index, W3l, b3, W3r)
    return jax.nn.softmax(out, axis=1)

if __name__ == "__main__":
    import jax
    _d = setup_inputs()
    print(jax.jit(kernel)(*tuple(_d.values())))

</pallas_src>

<mosaic_0001>
#map = affine_map<(d0, d1) -> (0, 0)>
#map1 = affine_map<(d0, d1) -> (0, 0, 0)>
module attributes {stable_mosaic.version = 14 : i64} {
  func.func @_sc_agg_body(%arg0: i32, %arg1: i32, %arg2: memref<10000x128xf32, #tpu.memory_space<hbm>>, %arg3: memref<32x160x64xi32, #tpu.memory_space<hbm>>, %arg4: memref<32x160x64xi32, #tpu.memory_space<hbm>>, %arg5: memref<632x128xf32, #tpu.memory_space<hbm>>, %arg6: memref<2x10112x128xf32, #tpu.memory_space<hbm>>, %arg7: memref<40x64xi32, #tpu.memory_space<vmem>>, %arg8: memref<40x64xi32, #tpu.memory_space<vmem>>, %arg9: memref<256x128xf32, #tpu.memory_space<vmem>>, %arg10: memref<10112x128xf32, #tpu.memory_space<vmem_shared>>, %arg11: memref<4x!tpu.dma_semaphore, #tpu.memory_space<semaphore_mem>>) attributes {dimension_semantics = [#tpu.dimension_semantics<core_parallel>, #tpu.dimension_semantics<subcore_parallel>], iteration_bounds = array<i64: 2, 16>, scalar_prefetch = 0 : i64, scratch_operands = 5 : i64, tpu.core_type = #tpu.core_type<sc_vector_subcore>, window_params = [{transform_indices = #map}, {transform_indices = #map1}, {transform_indices = #map1}, {transform_indices = #map}, {transform_indices = #map1}]} {
    %mul3A = arith.constant 2 : i32
    %mul3A_0 = arith.muli %arg1, %mul3A : i32
    %add3A = arith.addi %mul3A_0, %arg0 : i32
    %mul3A_1 = arith.constant 632 : i32
    %mul3A_2 = arith.muli %arg1, %mul3A_1 : i32
    "tpu.region"() ({
      %run_scoped3A = tpu.sem_alloc : memref<!tpu.dma_semaphore, #tpu.memory_space<semaphore_mem>>
      %dma_start3A = arith.constant 0 : i32
      %dma_start3A_27 = tpu.memref_slice %arg10[%mul3A_2, %dma_start3A] : memref<10112x128xf32, #tpu.memory_space<vmem_shared>> -> memref<632x128xf32, #tpu.memory_space<vmem_shared>>
      tpu.enqueue_dma source(%arg5 : memref<632x128xf32, #tpu.memory_space<hbm>>) target(%dma_start3A_27 : memref<632x128xf32, #tpu.memory_space<vmem_shared>>) target_semaphore(%run_scoped3A : memref<!tpu.dma_semaphore, #tpu.memory_space<semaphore_mem>>)
      %dma_wait3A = arith.constant 0 : i32
      %dma_wait3A_28 = tpu.memref_slice %arg10[%mul3A_2, %dma_wait3A] : memref<10112x128xf32, #tpu.memory_space<vmem_shared>> -> memref<632x128xf32, #tpu.memory_space<vmem_shared>>
      tpu.wait_dma2 semaphore(%run_scoped3A : memref<!tpu.dma_semaphore, #tpu.memory_space<semaphore_mem>>) src(%arg5 : memref<632x128xf32, #tpu.memory_space<hbm>>) dst(%dma_wait3A_28 : memref<632x128xf32, #tpu.memory_space<vmem_shared>>)
      tpu.yield
    }) : () -> ()
    %barrier3A = arith.constant 0 : index
    tpu.barrier barrier_id(%barrier3A)
    "tpu.region"() ({
      %run_scoped3A = tpu.sem_alloc : memref<!tpu.dma_semaphore, #tpu.memory_space<semaphore_mem>>
      %dma_start3A = arith.constant 0 : i32
      %dma_start3A_27 = arith.constant 0 : i32
      %dma_start3A_28 = tpu.memref_slice %arg3[%add3A, %dma_start3A, %dma_start3A_27] : memref<32x160x64xi32, #tpu.memory_space<hbm>> -> memref<1x40x64xi32, #tpu.memory_space<hbm>>
      %dma_start3A_29 = tpu.memref_squeeze %dma_start3A_28 : memref<1x40x64xi32, #tpu.memory_space<hbm>> -> memref<40x64xi32, #tpu.memory_space<hbm>>
      %dma_start3A_30 = arith.constant 0 : i32
      %dma_start3A_31 = arith.constant 0 : i32
      %dma_start3A_32 = tpu.memref_slice %arg3[%add3A, %dma_start3A_30, %dma_start3A_31] : memref<32x160x64xi32, #tpu.memory_space<hbm>> -> memref<1x40x64xi32, #tpu.memory_space<hbm>>
      %dma_start3A_33 = tpu.memref_squeeze %dma_start3A_32 : memref<1x40x64xi32, #tpu.memory_space<hbm>> -> memref<40x64xi32, #tpu.memory_space<hbm>>
      tpu.enqueue_dma source(%dma_start3A_33 : memref<40x64xi32, #tpu.memory_space<hbm>>) target(%arg7 : memref<40x64xi32, #tpu.memory_space<vmem>>) target_semaphore(%run_scoped3A : memref<!tpu.dma_semaphore, #tpu.memory_space<semaphore_mem>>)
      %dma_wait3A = arith.constant 0 : i32
      %dma_wait3A_34 = arith.constant 0 : i32
      %dma_wait3A_35 = tpu.memref_slice %arg3[%add3A, %dma_wait3A, %dma_wait3A_34] : memref<32x160x64xi32, #tpu.memory_space<hbm>> -> memref<1x40x64xi32, #tpu.memory_space<hbm>>
      %dma_wait3A_36 = tpu.memref_squeeze %dma_wait3A_35 : memref<1x40x64xi32, #tpu.memory_space<hbm>> -> memref<40x64xi32, #tpu.memory_space<hbm>>
      %dma_wait3A_37 = arith.constant 0 : i32
      %dma_wait3A_38 = arith.constant 0 : i32
      %dma_wait3A_39 = tpu.memref_slice %arg3[%add3A, %dma_wait3A_37, %dma_wait3A_38] : memref<32x160x64xi32, #tpu.memory_space<hbm>> -> memref<1x40x64xi32, #tpu.memory_space<hbm>>
      %dma_wait3A_40 = tpu.memref_squeeze %dma_wait3A_39 : memref<1x40x64xi32, #tpu.memory_space<hbm>> -> memref<40x64xi32, #tpu.memory_space<hbm>>
      tpu.wait_dma2 semaphore(%run_scoped3A : memref<!tpu.dma_semaphore, #tpu.memory_space<semaphore_mem>>) src(%dma_wait3A_40 : memref<40x64xi32, #tpu.memory_space<hbm>>) dst(%arg7 : memref<40x64xi32, #tpu.memory_space<vmem>>)
      tpu.yield
    }) : () -> ()
    "tpu.region"() ({
      %run_scoped3A = tpu.sem_alloc : memref<!tpu.dma_semaphore, #tpu.memory_space<semaphore_mem>>
      %dma_start3A = arith.constant 0 : i32
      %dma_start3A_27 = arith.constant 0 : i32
      %dma_start3A_28 = tpu.memref_slice %arg4[%add3A, %dma_start3A, %dma_start3A_27] : memref<32x160x64xi32, #tpu.memory_space<hbm>> -> memref<1x40x64xi32, #tpu.memory_space<hbm>>
      %dma_start3A_29 = tpu.memref_squeeze %dma_start3A_28 : memref<1x40x64xi32, #tpu.memory_space<hbm>> -> memref<40x64xi32, #tpu.memory_space<hbm>>
      %dma_start3A_30 = arith.constant 0 : i32
      %dma_start3A_31 = arith.constant 0 : i32
      %dma_start3A_32 = tpu.memref_slice %arg4[%add3A, %dma_start3A_30, %dma_start3A_31] : memref<32x160x64xi32, #tpu.memory_space<hbm>> -> memref<1x40x64xi32, #tpu.memory_space<hbm>>
      %dma_start3A_33 = tpu.memref_squeeze %dma_start3A_32 : memref<1x40x64xi32, #tpu.memory_space<hbm>> -> memref<40x64xi32, #tpu.memory_space<hbm>>
      tpu.enqueue_dma source(%dma_start3A_33 : memref<40x64xi32, #tpu.memory_space<hbm>>) target(%arg8 : memref<40x64xi32, #tpu.memory_space<vmem>>) target_semaphore(%run_scoped3A : memref<!tpu.dma_semaphore, #tpu.memory_space<semaphore_mem>>)
      %dma_wait3A = arith.constant 0 : i32
      %dma_wait3A_34 = arith.constant 0 : i32
      %dma_wait3A_35 = tpu.memref_slice %arg4[%add3A, %dma_wait3A, %dma_wait3A_34] : memref<32x160x64xi32, #tpu.memory_space<hbm>> -> memref<1x40x64xi32, #tpu.memory_space<hbm>>
      %dma_wait3A_36 = tpu.memref_squeeze %dma_wait3A_35 : memref<1x40x64xi32, #tpu.memory_space<hbm>> -> memref<40x64xi32, #tpu.memory_space<hbm>>
      %dma_wait3A_37 = arith.constant 0 : i32
      %dma_wait3A_38 = arith.constant 0 : i32
      %dma_wait3A_39 = tpu.memref_slice %arg4[%add3A, %dma_wait3A_37, %dma_wait3A_38] : memref<32x160x64xi32, #tpu.memory_space<hbm>> -> memref<1x40x64xi32, #tpu.memory_space<hbm>>
      %dma_wait3A_40 = tpu.memref_squeeze %dma_wait3A_39 : memref<1x40x64xi32, #tpu.memory_space<hbm>> -> memref<40x64xi32, #tpu.memory_space<hbm>>
      tpu.wait_dma2 semaphore(%run_scoped3A : memref<!tpu.dma_semaphore, #tpu.memory_space<semaphore_mem>>) src(%dma_wait3A_40 : memref<40x64xi32, #tpu.memory_space<hbm>>) dst(%arg8 : memref<40x64xi32, #tpu.memory_space<vmem>>)
      tpu.yield
    }) : () -> ()
    %scan3A = arith.constant 0 : i32
    %scan3A_3 = arith.constant 0 : i32
    %scan3A_4 = arith.constant 43 : i32
    %scan3A_5 = arith.addi %scan3A_3, %scan3A_4 : i32
    %scan3A_6 = arith.constant 1 : i32
    scf.for %scan3A_27 = %scan3A_3 to %scan3A_5 step %scan3A_6  : i32 {
      %lt3A = arith.constant 40 : i32
      %lt3A_28 = arith.cmpi slt, %scan3A_27, %lt3A : i32
      %convert_element_type3A = arith.extui %lt3A_28 : i1 to i32
      %cond3A = arith.constant 0 : i32
      %cond3A_29 = arith.cmpi ne, %convert_element_type3A, %cond3A : i32
      scf.if %cond3A_29 {
        %jit3A = arith.constant 4 : i32
        %eq3A = arith.constant 0 : i32
        %eq3A_34 = arith.cmpi eq, %jit3A, %eq3A : i32
        %jit3A_35 = arith.constant 1 : i32
        %select_n3A = arith.select %eq3A_34, %jit3A_35, %jit3A : i32
        %rem3A = arith.remsi %scan3A_27, %select_n3A : i32
        %ne3A = arith.constant 0 : i32
        %ne3A_36 = arith.cmpi ne, %rem3A, %ne3A : i32
        %lt3A_37 = arith.constant 0 : i32
        %lt3A_38 = arith.cmpi slt, %rem3A, %lt3A_37 : i32
        %lt3A_39 = arith.constant 0 : i32
        %lt3A_40 = arith.cmpi slt, %select_n3A, %lt3A_39 : i32
        %ne3A_41 = arith.xori %lt3A_38, %lt3A_40 : i1
        %and3A = arith.andi %ne3A_41, %ne3A_36 : i1
        %add3A_42 = arith.addi %rem3A, %select_n3A : i32
        %select_n3A_43 = arith.select %and3A, %add3A_42, %rem3A : i32
        %mul3A_44 = arith.constant 64 : i32
        %mul3A_45 = arith.muli %select_n3A_43, %mul3A_44 : i32
        %jit3A_46 = arith.constant 4 : i32
        %eq3A_47 = arith.constant 0 : i32
        %eq3A_48 = arith.cmpi eq, %jit3A_46, %eq3A_47 : i32
        %jit3A_49 = arith.constant 1 : i32
        %select_n3A_50 = arith.select %eq3A_48, %jit3A_49, %jit3A_46 : i32
        %rem3A_51 = arith.remsi %scan3A_27, %select_n3A_50 : i32
        %ne3A_52 = arith.constant 0 : i32
        %ne3A_53 = arith.cmpi ne, %rem3A_51, %ne3A_52 : i32
        %lt3A_54 = arith.constant 0 : i32
        %lt3A_55 = arith.cmpi slt, %rem3A_51, %lt3A_54 : i32
        %lt3A_56 = arith.constant 0 : i32
        %lt3A_57 = arith.cmpi slt, %select_n3A_50, %lt3A_56 : i32
        %ne3A_58 = arith.xori %lt3A_55, %lt3A_57 : i1
        %and3A_59 = arith.andi %ne3A_58, %ne3A_53 : i1
        %add3A_60 = arith.addi %rem3A_51, %select_n3A_50 : i32
        %select_n3A_61 = arith.select %and3A_59, %add3A_60, %rem3A_51 : i32
        %dma_start3A = arith.constant 0 : i32
        %dma_start3A_62 = tpu.memref_slice %arg9[%mul3A_45, %dma_start3A] : memref<256x128xf32, #tpu.memory_space<vmem>> -> memref<64x128xf32, #tpu.memory_space<vmem>>
        %dma_start3A_63 = arith.constant 0 : i32
        %dma_start3A_64 = tpu.memref_slice %arg7[%scan3A_27, %dma_start3A_63] : memref<40x64xi32, #tpu.memory_space<vmem>> -> memref<1x64xi32, #tpu.memory_space<vmem>>
        %dma_start3A_65 = tpu.memref_squeeze %dma_start3A_64 : memref<1x64xi32, #tpu.memory_space<vmem>> -> memref<64xi32, #tpu.memory_space<vmem>>
        %dma_start3A_66 = arith.constant 0 : i32
        %dma_start3A_67 = arith.constant 0 : i32
        %dma_start3A_68 = tpu.memref_slice %arg2[%dma_start3A_66, %dma_start3A_67] : memref<10000x128xf32, #tpu.memory_space<hbm>> -> memref<10000x128xf32, #tpu.memory_space<hbm>>
        %dma_start3A_69 = tpu.memref_slice %arg11[%select_n3A_61] : memref<4x!tpu.dma_semaphore, #tpu.memory_space<semaphore_mem>> -> memref<1x!tpu.dma_semaphore, #tpu.memory_space<semaphore_mem>>
        %dma_start3A_70 = tpu.memref_squeeze %dma_start3A_69 : memref<1x!tpu.dma_semaphore, #tpu.memory_space<semaphore_mem>> -> memref<!tpu.dma_semaphore, #tpu.memory_space<semaphore_mem>>
        tpu.enqueue_indirect_dma source(%dma_start3A_68 : memref<10000x128xf32, #tpu.memory_space<hbm>>) target(%dma_start3A_62 : memref<64x128xf32, #tpu.memory_space<vmem>>) offsets(%dma_start3A_65 : memref<64xi32, #tpu.memory_space<vmem>>) semaphore(%dma_start3A_70 : memref<!tpu.dma_semaphore, #tpu.memory_space<semaphore_mem>>)
      } else {
      }
      %ge3A = arith.constant 3 : i32
      %ge3A_30 = arith.cmpi sge, %scan3A_27, %ge3A : i32
      %convert_element_type3A_31 = arith.extui %ge3A_30 : i1 to i32
      %cond3A_32 = arith.constant 0 : i32
      %cond3A_33 = arith.cmpi ne, %convert_element_type3A_31, %cond3A_32 : i32
      scf.if %cond3A_33 {
        %sub3A = arith.constant 3 : i32
        %sub3A_34 = arith.subi %scan3A_27, %sub3A : i32
        %jit3A = arith.constant 4 : i32
        %eq3A = arith.constant 0 : i32
        %eq3A_35 = arith.cmpi eq, %jit3A, %eq3A : i32
        %jit3A_36 = arith.constant 1 : i32
        %select_n3A = arith.select %eq3A_35, %jit3A_36, %jit3A : i32
        %rem3A = arith.remsi %sub3A_34, %select_n3A : i32
        %ne3A = arith.constant 0 : i32
        %ne3A_37 = arith.cmpi ne, %rem3A, %ne3A : i32
        %lt3A_38 = arith.constant 0 : i32
        %lt3A_39 = arith.cmpi slt, %rem3A, %lt3A_38 : i32
        %lt3A_40 = arith.constant 0 : i32
        %lt3A_41 = arith.cmpi slt, %select_n3A, %lt3A_40 : i32
        %ne3A_42 = arith.xori %lt3A_39, %lt3A_41 : i1
        %and3A = arith.andi %ne3A_42, %ne3A_37 : i1
        %add3A_43 = arith.addi %rem3A, %select_n3A : i32
        %select_n3A_44 = arith.select %and3A, %add3A_43, %rem3A : i32
        %mul3A_45 = arith.constant 64 : i32
        %mul3A_46 = arith.muli %select_n3A_44, %mul3A_45 : i32
        %jit3A_47 = arith.constant 4 : i32
        %eq3A_48 = arith.constant 0 : i32
        %eq3A_49 = arith.cmpi eq, %jit3A_47, %eq3A_48 : i32
        %jit3A_50 = arith.constant 1 : i32
        %select_n3A_51 = arith.select %eq3A_49, %jit3A_50, %jit3A_47 : i32
        %rem3A_52 = arith.remsi %sub3A_34, %select_n3A_51 : i32
        %ne3A_53 = arith.constant 0 : i32
        %ne3A_54 = arith.cmpi ne, %rem3A_52, %ne3A_53 : i32
        %lt3A_55 = arith.constant 0 : i32
        %lt3A_56 = arith.cmpi slt, %rem3A_52, %lt3A_55 : i32
        %lt3A_57 = arith.constant 0 : i32
        %lt3A_58 = arith.cmpi slt, %select_n3A_51, %lt3A_57 : i32
        %ne3A_59 = arith.xori %lt3A_56, %lt3A_58 : i1
        %and3A_60 = arith.andi %ne3A_59, %ne3A_54 : i1
        %add3A_61 = arith.addi %rem3A_52, %select_n3A_51 : i32
        %select_n3A_62 = arith.select %and3A_60, %add3A_61, %rem3A_52 : i32
        %dma_wait3A = arith.constant 0 : i32
        %dma_wait3A_63 = tpu.memref_slice %arg9[%mul3A_46, %dma_wait3A] : memref<256x128xf32, #tpu.memory_space<vmem>> -> memref<64x128xf32, #tpu.memory_space<vmem>>
        %dma_wait3A_64 = arith.constant 0 : i32
        %dma_wait3A_65 = tpu.memref_slice %arg7[%sub3A_34, %dma_wait3A_64] : memref<40x64xi32, #tpu.memory_space<vmem>> -> memref<1x64xi32, #tpu.memory_space<vmem>>
        %dma_wait3A_66 = tpu.memref_squeeze %dma_wait3A_65 : memref<1x64xi32, #tpu.memory_space<vmem>> -> memref<64xi32, #tpu.memory_space<vmem>>
        %dma_wait3A_67 = arith.constant 0 : i32
        %dma_wait3A_68 = arith.constant 0 : i32
        %dma_wait3A_69 = tpu.memref_slice %arg2[%dma_wait3A_67, %dma_wait3A_68] : memref<10000x128xf32, #tpu.memory_space<hbm>> -> memref<10000x128xf32, #tpu.memory_space<hbm>>
        %dma_wait3A_70 = tpu.memref_slice %arg11[%select_n3A_62] : memref<4x!tpu.dma_semaphore, #tpu.memory_space<semaphore_mem>> -> memref<1x!tpu.dma_semaphore, #tpu.memory_space<semaphore_mem>>
        %dma_wait3A_71 = tpu.memref_squeeze %dma_wait3A_70 : memref<1x!tpu.dma_semaphore, #tpu.memory_space<semaphore_mem>> -> memref<!tpu.dma_semaphore, #tpu.memory_space<semaphore_mem>>
        tpu.wait_indirect_dma semaphore(%dma_wait3A_71 : memref<!tpu.dma_semaphore, #tpu.memory_space<semaphore_mem>>) src(%dma_wait3A_69 : memref<10000x128xf32, #tpu.memory_space<hbm>>) dst(%dma_wait3A_63 : memref<64x128xf32, #tpu.memory_space<vmem>>)
        "tpu.region"() ({
          %run_scoped3A = tpu.sem_alloc : memref<!tpu.dma_semaphore, #tpu.memory_space<semaphore_mem>>
          %dma_start3A = arith.constant 0 : i32
          %dma_start3A_72 = tpu.memref_slice %arg9[%mul3A_46, %dma_start3A] : memref<256x128xf32, #tpu.memory_space<vmem>> -> memref<64x128xf32, #tpu.memory_space<vmem>>
          %dma_start3A_73 = arith.constant 0 : i32
          %dma_start3A_74 = tpu.memref_slice %arg8[%sub3A_34, %dma_start3A_73] : memref<40x64xi32, #tpu.memory_space<vmem>> -> memref<1x64xi32, #tpu.memory_space<vmem>>
          %dma_start3A_75 = tpu.memref_squeeze %dma_start3A_74 : memref<1x64xi32, #tpu.memory_space<vmem>> -> memref<64xi32, #tpu.memory_space<vmem>>
          %dma_start3A_76 = arith.constant 0 : i32
          %dma_start3A_77 = arith.constant 0 : i32
          %dma_start3A_78 = tpu.memref_slice %arg10[%dma_start3A_76, %dma_start3A_77] : memref<10112x128xf32, #tpu.memory_space<vmem_shared>> -> memref<10112x128xf32, #tpu.memory_space<vmem_shared>>
          tpu.enqueue_indirect_dma source(%dma_start3A_72 : memref<64x128xf32, #tpu.memory_space<vmem>>) target(%dma_start3A_78 : memref<10112x128xf32, #tpu.memory_space<vmem_shared>>) offsets(%dma_start3A_75 : memref<64xi32, #tpu.memory_space<vmem>>) semaphore(%run_scoped3A : memref<!tpu.dma_semaphore, #tpu.memory_space<semaphore_mem>>) {add = true}
          %dma_wait3A_79 = arith.constant 0 : i32
          %dma_wait3A_80 = tpu.memref_slice %arg9[%mul3A_46, %dma_wait3A_79] : memref<256x128xf32, #tpu.memory_space<vmem>> -> memref<64x128xf32, #tpu.memory_space<vmem>>
          %dma_wait3A_81 = arith.constant 0 : i32
          %dma_wait3A_82 = tpu.memref_slice %arg8[%sub3A_34, %dma_wait3A_81] : memref<40x64xi32, #tpu.memory_space<vmem>> -> memref<1x64xi32, #tpu.memory_space<vmem>>
          %dma_wait3A_83 = tpu.memref_squeeze %dma_wait3A_82 : memref<1x64xi32, #tpu.memory_space<vmem>> -> memref<64xi32, #tpu.memory_space<vmem>>
          %dma_wait3A_84 = arith.constant 0 : i32
          %dma_wait3A_85 = arith.constant 0 : i32
          %dma_wait3A_86 = tpu.memref_slice %arg10[%dma_wait3A_84, %dma_wait3A_85] : memref<10112x128xf32, #tpu.memory_space<vmem_shared>> -> memref<10112x128xf32, #tpu.memory_space<vmem_shared>>
          tpu.wait_indirect_dma semaphore(%run_scoped3A : memref<!tpu.dma_semaphore, #tpu.memory_space<semaphore_mem>>) src(%dma_wait3A_80 : memref<64x128xf32, #tpu.memory_space<vmem>>) dst(%dma_wait3A_86 : memref<10112x128xf32, #tpu.memory_space<vmem_shared>>)
          tpu.yield
        }) : () -> ()
      } else {
      }
    }
    %scan3A_7 = arith.constant 43 : i32
    "tpu.region"() ({
      %run_scoped3A = tpu.sem_alloc : memref<!tpu.dma_semaphore, #tpu.memory_space<semaphore_mem>>
      %dma_start3A = arith.constant 40 : i32
      %dma_start3A_27 = arith.constant 0 : i32
      %dma_start3A_28 = tpu.memref_slice %arg3[%add3A, %dma_start3A, %dma_start3A_27] : memref<32x160x64xi32, #tpu.memory_space<hbm>> -> memref<1x40x64xi32, #tpu.memory_space<hbm>>
      %dma_start3A_29 = tpu.memref_squeeze %dma_start3A_28 : memref<1x40x64xi32, #tpu.memory_space<hbm>> -> memref<40x64xi32, #tpu.memory_space<hbm>>
      %dma_start3A_30 = arith.constant 40 : i32
      %dma_start3A_31 = arith.constant 0 : i32
      %dma_start3A_32 = tpu.memref_slice %arg3[%add3A, %dma_start3A_30, %dma_start3A_31] : memref<32x160x64xi32, #tpu.memory_space<hbm>> -> memref<1x40x64xi32, #tpu.memory_space<hbm>>
      %dma_start3A_33 = tpu.memref_squeeze %dma_start3A_32 : memref<1x40x64xi32, #tpu.memory_space<hbm>> -> memref<40x64xi32, #tpu.memory_space<hbm>>
      tpu.enqueue_dma source(%dma_start3A_33 : memref<40x64xi32, #tpu.memory_space<hbm>>) target(%arg7 : memref<40x64xi32, #tpu.memory_space<vmem>>) target_semaphore(%run_scoped3A : memref<!tpu.dma_semaphore, #tpu.memory_space<semaphore_mem>>)
      %dma_wait3A = arith.constant 40 : i32
      %dma_wait3A_34 = arith.constant 0 : i32
      %dma_wait3A_35 = tpu.memref_slice %arg3[%add3A, %dma_wait3A, %dma_wait3A_34] : memref<32x160x64xi32, #tpu.memory_space<hbm>> -> memref<1x40x64xi32, #tpu.memory_space<hbm>>
      %dma_wait3A_36 = tpu.memref_squeeze %dma_wait3A_35 : memref<1x40x64xi32, #tpu.memory_space<hbm>> -> memref<40x64xi32, #tpu.memory_space<hbm>>
      %dma_wait3A_37 = arith.constant 40 : i32
      %dma_wait3A_38 = arith.constant 0 : i32
      %dma_wait3A_39 = tpu.memref_slice %arg3[%add3A, %dma_wait3A_37, %dma_wait3A_38] : memref<32x160x64xi32, #tpu.memory_space<hbm>> -> memref<1x40x64xi32, #tpu.memory_space<hbm>>
      %dma_wait3A_40 = tpu.memref_squeeze %dma_wait3A_39 : memref<1x40x64xi32, #tpu.memory_space<hbm>> -> memref<40x64xi32, #tpu.memory_space<hbm>>
      tpu.wait_dma2 semaphore(%run_scoped3A : memref<!tpu.dma_semaphore, #tpu.memory_space<semaphore_mem>>) src(%dma_wait3A_40 : memref<40x64xi32, #tpu.memory_space<hbm>>) dst(%arg7 : memref<40x64xi32, #tpu.memory_space<vmem>>)
      tpu.yield
    }) : () -> ()
    "tpu.region"() ({
      %run_scoped3A = tpu.sem_alloc : memref<!tpu.dma_semaphore, #tpu.memory_space<semaphore_mem>>
      %dma_start3A = arith.constant 40 : i32
      %dma_start3A_27 = arith.constant 0 : i32
      %dma_start3A_28 = tpu.memref_slice %arg4[%add3A, %dma_start3A, %dma_start3A_27] : memref<32x160x64xi32, #tpu.memory_space<hbm>> -> memref<1x40x64xi32, #tpu.memory_space<hbm>>
      %dma_start3A_29 = tpu.memref_squeeze %dma_start3A_28 : memref<1x40x64xi32, #tpu.memory_space<hbm>> -> memref<40x64xi32, #tpu.memory_space<hbm>>
      %dma_start3A_30 = arith.constant 40 : i32
      %dma_start3A_31 = arith.constant 0 : i32
      %dma_start3A_32 = tpu.memref_slice %arg4[%add3A, %dma_start3A_30, %dma_start3A_31] : memref<32x160x64xi32, #tpu.memory_space<hbm>> -> memref<1x40x64xi32, #tpu.memory_space<hbm>>
      %dma_start3A_33 = tpu.memref_squeeze %dma_start3A_32 : memref<1x40x64xi32, #tpu.memory_space<hbm>> -> memref<40x64xi32, #tpu.memory_space<hbm>>
      tpu.enqueue_dma source(%dma_start3A_33 : memref<40x64xi32, #tpu.memory_space<hbm>>) target(%arg8 : memref<40x64xi32, #tpu.memory_space<vmem>>) target_semaphore(%run_scoped3A : memref<!tpu.dma_semaphore, #tpu.memory_space<semaphore_mem>>)
      %dma_wait3A = arith.constant 40 : i32
      %dma_wait3A_34 = arith.constant 0 : i32
      %dma_wait3A_35 = tpu.memref_slice %arg4[%add3A, %dma_wait3A, %dma_wait3A_34] : memref<32x160x64xi32, #tpu.memory_space<hbm>> -> memref<1x40x64xi32, #tpu.memory_space<hbm>>
      %dma_wait3A_36 = tpu.memref_squeeze %dma_wait3A_35 : memref<1x40x64xi32, #tpu.memory_space<hbm>> -> memref<40x64xi32, #tpu.memory_space<hbm>>
      %dma_wait3A_37 = arith.constant 40 : i32
      %dma_wait3A_38 = arith.constant 0 : i32
      %dma_wait3A_39 = tpu.memref_slice %arg4[%add3A, %dma_wait3A_37, %dma_wait3A_38] : memref<32x160x64xi32, #tpu.memory_space<hbm>> -> memref<1x40x64xi32, #tpu.memory_space<hbm>>
      %dma_wait3A_40 = tpu.memref_squeeze %dma_wait3A_39 : memref<1x40x64xi32, #tpu.memory_space<hbm>> -> memref<40x64xi32, #tpu.memory_space<hbm>>
      tpu.wait_dma2 semaphore(%run_scoped3A : memref<!tpu.dma_semaphore, #tpu.memory_space<semaphore_mem>>) src(%dma_wait3A_40 : memref<40x64xi32, #tpu.memory_space<hbm>>) dst(%arg8 : memref<40x64xi32, #tpu.memory_space<vmem>>)
      tpu.yield
    }) : () -> ()
    %scan3A_8 = arith.constant 0 : i32
    %scan3A_9 = arith.constant 0 : i32
    %scan3A_10 = arith.constant 43 : i32
    %scan3A_11 = arith.addi %scan3A_9, %scan3A_10 : i32
    %scan3A_12 = arith.constant 1 : i32
    scf.for %scan3A_27 = %scan3A_9 to %scan3A_11 step %scan3A_12  : i32 {
      %lt3A = arith.constant 40 : i32
      %lt3A_28 = arith.cmpi slt, %scan3A_27, %lt3A : i32
      %convert_element_type3A = arith.extui %lt3A_28 : i1 to i32
      %cond3A = arith.constant 0 : i32
      %cond3A_29 = arith.cmpi ne, %convert_element_type3A, %cond3A : i32
      scf.if %cond3A_29 {
        %jit3A = arith.constant 4 : i32
        %eq3A = arith.constant 0 : i32
        %eq3A_34 = arith.cmpi eq, %jit3A, %eq3A : i32
        %jit3A_35 = arith.constant 1 : i32
        %select_n3A = arith.select %eq3A_34, %jit3A_35, %jit3A : i32
        %rem3A = arith.remsi %scan3A_27, %select_n3A : i32
        %ne3A = arith.constant 0 : i32
        %ne3A_36 = arith.cmpi ne, %rem3A, %ne3A : i32
        %lt3A_37 = arith.constant 0 : i32
        %lt3A_38 = arith.cmpi slt, %rem3A, %lt3A_37 : i32
        %lt3A_39 = arith.constant 0 : i32
        %lt3A_40 = arith.cmpi slt, %select_n3A, %lt3A_39 : i32
        %ne3A_41 = arith.xori %lt3A_38, %lt3A_40 : i1
        %and3A = arith.andi %ne3A_41, %ne3A_36 : i1
        %add3A_42 = arith.addi %rem3A, %select_n3A : i32
        %select_n3A_43 = arith.select %and3A, %add3A_42, %rem3A : i32
        %mul3A_44 = arith.constant 64 : i32
        %mul3A_45 = arith.muli %select_n3A_43, %mul3A_44 : i32
        %jit3A_46 = arith.constant 4 : i32
        %eq3A_47 = arith.constant 0 : i32
        %eq3A_48 = arith.cmpi eq, %jit3A_46, %eq3A_47 : i32
        %jit3A_49 = arith.constant 1 : i32
        %select_n3A_50 = arith.select %eq3A_48, %jit3A_49, %jit3A_46 : i32
        %rem3A_51 = arith.remsi %scan3A_27, %select_n3A_50 : i32
        %ne3A_52 = arith.constant 0 : i32
        %ne3A_53 = arith.cmpi ne, %rem3A_51, %ne3A_52 : i32
        %lt3A_54 = arith.constant 0 : i32
        %lt3A_55 = arith.cmpi slt, %rem3A_51, %lt3A_54 : i32
        %lt3A_56 = arith.constant 0 : i32
        %lt3A_57 = arith.cmpi slt, %select_n3A_50, %lt3A_56 : i32
        %ne3A_58 = arith.xori %lt3A_55, %lt3A_57 : i1
        %and3A_59 = arith.andi %ne3A_58, %ne3A_53 : i1
        %add3A_60 = arith.addi %rem3A_51, %select_n3A_50 : i32
        %select_n3A_61 = arith.select %and3A_59, %add3A_60, %rem3A_51 : i32
        %dma_start3A = arith.constant 0 : i32
        %dma_start3A_62 = tpu.memref_slice %arg9[%mul3A_45, %dma_start3A] : memref<256x128xf32, #tpu.memory_space<vmem>> -> memref<64x128xf32, #tpu.memory_space<vmem>>
        %dma_start3A_63 = arith.constant 0 : i32
        %dma_start3A_64 = tpu.memref_slice %arg7[%scan3A_27, %dma_start3A_63] : memref<40x64xi32, #tpu.memory_space<vmem>> -> memref<1x64xi32, #tpu.memory_space<vmem>>
        %dma_start3A_65 = tpu.memref_squeeze %dma_start3A_64 : memref<1x64xi32, #tpu.memory_space<vmem>> -> memref<64xi32, #tpu.memory_space<vmem>>
        %dma_start3A_66 = arith.constant 0 : i32
        %dma_start3A_67 = arith.constant 0 : i32
        %dma_start3A_68 = tpu.memref_slice %arg2[%dma_start3A_66, %dma_start3A_67] : memref<10000x128xf32, #tpu.memory_space<hbm>> -> memref<10000x128xf32, #tpu.memory_space<hbm>>
        %dma_start3A_69 = tpu.memref_slice %arg11[%select_n3A_61] : memref<4x!tpu.dma_semaphore, #tpu.memory_space<semaphore_mem>> -> memref<1x!tpu.dma_semaphore, #tpu.memory_space<semaphore_mem>>
        %dma_start3A_70 = tpu.memref_squeeze %dma_start3A_69 : memref<1x!tpu.dma_semaphore, #tpu.memory_space<semaphore_mem>> -> memref<!tpu.dma_semaphore, #tpu.memory_space<semaphore_mem>>
        tpu.enqueue_indirect_dma source(%dma_start3A_68 : memref<10000x128xf32, #tpu.memory_space<hbm>>) target(%dma_start3A_62 : memref<64x128xf32, #tpu.memory_space<vmem>>) offsets(%dma_start3A_65 : memref<64xi32, #tpu.memory_space<vmem>>) semaphore(%dma_start3A_70 : memref<!tpu.dma_semaphore, #tpu.memory_space<semaphore_mem>>)
      } else {
      }
      %ge3A = arith.constant 3 : i32
      %ge3A_30 = arith.cmpi sge, %scan3A_27, %ge3A : i32
      %convert_element_type3A_31 = arith.extui %ge3A_30 : i1 to i32
      %cond3A_32 = arith.constant 0 : i32
      %cond3A_33 = arith.cmpi ne, %convert_element_type3A_31, %cond3A_32 : i32
      scf.if %cond3A_33 {
        %sub3A = arith.constant 3 : i32
        %sub3A_34 = arith.subi %scan3A_27, %sub3A : i32
        %jit3A = arith.constant 4 : i32
        %eq3A = arith.constant 0 : i32
        %eq3A_35 = arith.cmpi eq, %jit3A, %eq3A : i32
        %jit3A_36 = arith.constant 1 : i32
        %select_n3A = arith.select %eq3A_35, %jit3A_36, %jit3A : i32
        %rem3A = arith.remsi %sub3A_34, %select_n3A : i32
        %ne3A = arith.constant 0 : i32
        %ne3A_37 = arith.cmpi ne, %rem3A, %ne3A : i32
        %lt3A_38 = arith.constant 0 : i32
        %lt3A_39 = arith.cmpi slt, %rem3A, %lt3A_38 : i32
        %lt3A_40 = arith.constant 0 : i32
        %lt3A_41 = arith.cmpi slt, %select_n3A, %lt3A_40 : i32
        %ne3A_42 = arith.xori %lt3A_39, %lt3A_41 : i1
        %and3A = arith.andi %ne3A_42, %ne3A_37 : i1
        %add3A_43 = arith.addi %rem3A, %select_n3A : i32
        %select_n3A_44 = arith.select %and3A, %add3A_43, %rem3A : i32
        %mul3A_45 = arith.constant 64 : i32
        %mul3A_46 = arith.muli %select_n3A_44, %mul3A_45 : i32
        %jit3A_47 = arith.constant 4 : i32
        %eq3A_48 = arith.constant 0 : i32
        %eq3A_49 = arith.cmpi eq, %jit3A_47, %eq3A_48 : i32
        %jit3A_50 = arith.constant 1 : i32
        %select_n3A_51 = arith.select %eq3A_49, %jit3A_50, %jit3A_47 : i32
        %rem3A_52 = arith.remsi %sub3A_34, %select_n3A_51 : i32
        %ne3A_53 = arith.constant 0 : i32
        %ne3A_54 = arith.cmpi ne, %rem3A_52, %ne3A_53 : i32
        %lt3A_55 = arith.constant 0 : i32
        %lt3A_56 = arith.cmpi slt, %rem3A_52, %lt3A_55 : i32
        %lt3A_57 = arith.constant 0 : i32
        %lt3A_58 = arith.cmpi slt, %select_n3A_51, %lt3A_57 : i32
        %ne3A_59 = arith.xori %lt3A_56, %lt3A_58 : i1
        %and3A_60 = arith.andi %ne3A_59, %ne3A_54 : i1
        %add3A_61 = arith.addi %rem3A_52, %select_n3A_51 : i32
        %select_n3A_62 = arith.select %and3A_60, %add3A_61, %rem3A_52 : i32
        %dma_wait3A = arith.constant 0 : i32
        %dma_wait3A_63 = tpu.memref_slice %arg9[%mul3A_46, %dma_wait3A] : memref<256x128xf32, #tpu.memory_space<vmem>> -> memref<64x128xf32, #tpu.memory_space<vmem>>
        %dma_wait3A_64 = arith.constant 0 : i32
        %dma_wait3A_65 = tpu.memref_slice %arg7[%sub3A_34, %dma_wait3A_64] : memref<40x64xi32, #tpu.memory_space<vmem>> -> memref<1x64xi32, #tpu.memory_space<vmem>>
        %dma_wait3A_66 = tpu.memref_squeeze %dma_wait3A_65 : memref<1x64xi32, #tpu.memory_space<vmem>> -> memref<64xi32, #tpu.memory_space<vmem>>
        %dma_wait3A_67 = arith.constant 0 : i32
        %dma_wait3A_68 = arith.constant 0 : i32
        %dma_wait3A_69 = tpu.memref_slice %arg2[%dma_wait3A_67, %dma_wait3A_68] : memref<10000x128xf32, #tpu.memory_space<hbm>> -> memref<10000x128xf32, #tpu.memory_space<hbm>>
        %dma_wait3A_70 = tpu.memref_slice %arg11[%select_n3A_62] : memref<4x!tpu.dma_semaphore, #tpu.memory_space<semaphore_mem>> -> memref<1x!tpu.dma_semaphore, #tpu.memory_space<semaphore_mem>>
        %dma_wait3A_71 = tpu.memref_squeeze %dma_wait3A_70 : memref<1x!tpu.dma_semaphore, #tpu.memory_space<semaphore_mem>> -> memref<!tpu.dma_semaphore, #tpu.memory_space<semaphore_mem>>
        tpu.wait_indirect_dma semaphore(%dma_wait3A_71 : memref<!tpu.dma_semaphore, #tpu.memory_space<semaphore_mem>>) src(%dma_wait3A_69 : memref<10000x128xf32, #tpu.memory_space<hbm>>) dst(%dma_wait3A_63 : memref<64x128xf32, #tpu.memory_space<vmem>>)
        "tpu.region"() ({
          %run_scoped3A = tpu.sem_alloc : memref<!tpu.dma_semaphore, #tpu.memory_space<semaphore_mem>>
          %dma_start3A = arith.constant 0 : i32
          %dma_start3A_72 = tpu.memref_slice %arg9[%mul3A_46, %dma_start3A] : memref<256x128xf32, #tpu.memory_space<vmem>> -> memref<64x128xf32, #tpu.memory_space<vmem>>
          %dma_start3A_73 = arith.constant 0 : i32
          %dma_start3A_74 = tpu.memref_slice %arg8[%sub3A_34, %dma_start3A_73] : memref<40x64xi32, #tpu.memory_space<vmem>> -> memref<1x64xi32, #tpu.memory_space<vmem>>
          %dma_start3A_75 = tpu.memref_squeeze %dma_start3A_74 : memref<1x64xi32, #tpu.memory_space<vmem>> -> memref<64xi32, #tpu.memory_space<vmem>>
          %dma_start3A_76 = arith.constant 0 : i32
          %dma_start3A_77 = arith.constant 0 : i32
          %dma_start3A_78 = tpu.memref_slice %arg10[%dma_start3A_76, %dma_start3A_77] : memref<10112x128xf32, #tpu.memory_space<vmem_shared>> -> memref<10112x128xf32, #tpu.memory_space<vmem_shared>>
          tpu.enqueue_indirect_dma source(%dma_start3A_72 : memref<64x128xf32, #tpu.memory_space<vmem>>) target(%dma_start3A_78 : memref<10112x128xf32, #tpu.memory_space<vmem_shared>>) offsets(%dma_start3A_75 : memref<64xi32, #tpu.memory_space<vmem>>) semaphore(%run_scoped3A : memref<!tpu.dma_semaphore, #tpu.memory_space<semaphore_mem>>) {add = true}
          %dma_wait3A_79 = arith.constant 0 : i32
          %dma_wait3A_80 = tpu.memref_slice %arg9[%mul3A_46, %dma_wait3A_79] : memref<256x128xf32, #tpu.memory_space<vmem>> -> memref<64x128xf32, #tpu.memory_space<vmem>>
          %dma_wait3A_81 = arith.constant 0 : i32
          %dma_wait3A_82 = tpu.memref_slice %arg8[%sub3A_34, %dma_wait3A_81] : memref<40x64xi32, #tpu.memory_space<vmem>> -> memref<1x64xi32, #tpu.memory_space<vmem>>
          %dma_wait3A_83 = tpu.memref_squeeze %dma_wait3A_82 : memref<1x64xi32, #tpu.memory_space<vmem>> -> memref<64xi32, #tpu.memory_space<vmem>>
          %dma_wait3A_84 = arith.constant 0 : i32
          %dma_wait3A_85 = arith.constant 0 : i32
          %dma_wait3A_86 = tpu.memref_slice %arg10[%dma_wait3A_84, %dma_wait3A_85] : memref<10112x128xf32, #tpu.memory_space<vmem_shared>> -> memref<10112x128xf32, #tpu.memory_space<vmem_shared>>
          tpu.wait_indirect_dma semaphore(%run_scoped3A : memref<!tpu.dma_semaphore, #tpu.memory_space<semaphore_mem>>) src(%dma_wait3A_80 : memref<64x128xf32, #tpu.memory_space<vmem>>) dst(%dma_wait3A_86 : memref<10112x128xf32, #tpu.memory_space<vmem_shared>>)
          tpu.yield
        }) : () -> ()
      } else {
      }
    }
    %scan3A_13 = arith.constant 43 : i32
    "tpu.region"() ({
      %run_scoped3A = tpu.sem_alloc : memref<!tpu.dma_semaphore, #tpu.memory_space<semaphore_mem>>
      %dma_start3A = arith.constant 80 : i32
      %dma_start3A_27 = arith.constant 0 : i32
      %dma_start3A_28 = tpu.memref_slice %arg3[%add3A, %dma_start3A, %dma_start3A_27] : memref<32x160x64xi32, #tpu.memory_space<hbm>> -> memref<1x40x64xi32, #tpu.memory_space<hbm>>
      %dma_start3A_29 = tpu.memref_squeeze %dma_start3A_28 : memref<1x40x64xi32, #tpu.memory_space<hbm>> -> memref<40x64xi32, #tpu.memory_space<hbm>>
      %dma_start3A_30 = arith.constant 80 : i32
      %dma_start3A_31 = arith.constant 0 : i32
      %dma_start3A_32 = tpu.memref_slice %arg3[%add3A, %dma_start3A_30, %dma_start3A_31] : memref<32x160x64xi32, #tpu.memory_space<hbm>> -> memref<1x40x64xi32, #tpu.memory_space<hbm>>
      %dma_start3A_33 = tpu.memref_squeeze %dma_start3A_32 : memref<1x40x64xi32, #tpu.memory_space<hbm>> -> memref<40x64xi32, #tpu.memory_space<hbm>>
      tpu.enqueue_dma source(%dma_start3A_33 : memref<40x64xi32, #tpu.memory_space<hbm>>) target(%arg7 : memref<40x64xi32, #tpu.memory_space<vmem>>) target_semaphore(%run_scoped3A : memref<!tpu.dma_semaphore, #tpu.memory_space<semaphore_mem>>)
      %dma_wait3A = arith.constant 80 : i32
      %dma_wait3A_34 = arith.constant 0 : i32
      %dma_wait3A_35 = tpu.memref_slice %arg3[%add3A, %dma_wait3A, %dma_wait3A_34] : memref<32x160x64xi32, #tpu.memory_space<hbm>> -> memref<1x40x64xi32, #tpu.memory_space<hbm>>
      %dma_wait3A_36 = tpu.memref_squeeze %dma_wait3A_35 : memref<1x40x64xi32, #tpu.memory_space<hbm>> -> memref<40x64xi32, #tpu.memory_space<hbm>>
      %dma_wait3A_37 = arith.constant 80 : i32
      %dma_wait3A_38 = arith.constant 0 : i32
      %dma_wait3A_39 = tpu.memref_slice %arg3[%add3A, %dma_wait3A_37, %dma_wait3A_38] : memref<32x160x64xi32, #tpu.memory_space<hbm>> -> memref<1x40x64xi32, #tpu.memory_space<hbm>>
      %dma_wait3A_40 = tpu.memref_squeeze %dma_wait3A_39 : memref<1x40x64xi32, #tpu.memory_space<hbm>> -> memref<40x64xi32, #tpu.memory_space<hbm>>
      tpu.wait_dma2 semaphore(%run_scoped3A : memref<!tpu.dma_semaphore, #tpu.memory_space<semaphore_mem>>) src(%dma_wait3A_40 : memref<40x64xi32, #tpu.memory_space<hbm>>) dst(%arg7 : memref<40x64xi32, #tpu.memory_space<vmem>>)
      tpu.yield
    }) : () -> ()
    "tpu.region"() ({
      %run_scoped3A = tpu.sem_alloc : memref<!tpu.dma_semaphore, #tpu.memory_space<semaphore_mem>>
      %dma_start3A = arith.constant 80 : i32
      %dma_start3A_27 = arith.constant 0 : i32
      %dma_start3A_28 = tpu.memref_slice %arg4[%add3A, %dma_start3A, %dma_start3A_27] : memref<32x160x64xi32, #tpu.memory_space<hbm>> -> memref<1x40x64xi32, #tpu.memory_space<hbm>>
      %dma_start3A_29 = tpu.memref_squeeze %dma_start3A_28 : memref<1x40x64xi32, #tpu.memory_space<hbm>> -> memref<40x64xi32, #tpu.memory_space<hbm>>
      %dma_start3A_30 = arith.constant 80 : i32
      %dma_start3A_31 = arith.constant 0 : i32
      %dma_start3A_32 = tpu.memref_slice %arg4[%add3A, %dma_start3A_30, %dma_start3A_31] : memref<32x160x64xi32, #tpu.memory_space<hbm>> -> memref<1x40x64xi32, #tpu.memory_space<hbm>>
      %dma_start3A_33 = tpu.memref_squeeze %dma_start3A_32 : memref<1x40x64xi32, #tpu.memory_space<hbm>> -> memref<40x64xi32, #tpu.memory_space<hbm>>
      tpu.enqueue_dma source(%dma_start3A_33 : memref<40x64xi32, #tpu.memory_space<hbm>>) target(%arg8 : memref<40x64xi32, #tpu.memory_space<vmem>>) target_semaphore(%run_scoped3A : memref<!tpu.dma_semaphore, #tpu.memory_space<semaphore_mem>>)
      %dma_wait3A = arith.constant 80 : i32
      %dma_wait3A_34 = arith.constant 0 : i32
      %dma_wait3A_35 = tpu.memref_slice %arg4[%add3A, %dma_wait3A, %dma_wait3A_34] : memref<32x160x64xi32, #tpu.memory_space<hbm>> -> memref<1x40x64xi32, #tpu.memory_space<hbm>>
      %dma_wait3A_36 = tpu.memref_squeeze %dma_wait3A_35 : memref<1x40x64xi32, #tpu.memory_space<hbm>> -> memref<40x64xi32, #tpu.memory_space<hbm>>
      %dma_wait3A_37 = arith.constant 80 : i32
      %dma_wait3A_38 = arith.constant 0 : i32
      %dma_wait3A_39 = tpu.memref_slice %arg4[%add3A, %dma_wait3A_37, %dma_wait3A_38] : memref<32x160x64xi32, #tpu.memory_space<hbm>> -> memref<1x40x64xi32, #tpu.memory_space<hbm>>
      %dma_wait3A_40 = tpu.memref_squeeze %dma_wait3A_39 : memref<1x40x64xi32, #tpu.memory_space<hbm>> -> memref<40x64xi32, #tpu.memory_space<hbm>>
      tpu.wait_dma2 semaphore(%run_scoped3A : memref<!tpu.dma_semaphore, #tpu.memory_space<semaphore_mem>>) src(%dma_wait3A_40 : memref<40x64xi32, #tpu.memory_space<hbm>>) dst(%arg8 : memref<40x64xi32, #tpu.memory_space<vmem>>)
      tpu.yield
    }) : () -> ()
    %scan3A_14 = arith.constant 0 : i32
    %scan3A_15 = arith.constant 0 : i32
    %scan3A_16 = arith.constant 43 : i32
    %scan3A_17 = arith.addi %scan3A_15, %scan3A_16 : i32
    %scan3A_18 = arith.constant 1 : i32
    scf.for %scan3A_27 = %scan3A_15 to %scan3A_17 step %scan3A_18  : i32 {
      %lt3A = arith.constant 40 : i32
      %lt3A_28 = arith.cmpi slt, %scan3A_27, %lt3A : i32
      %convert_element_type3A = arith.extui %lt3A_28 : i1 to i32
      %cond3A = arith.constant 0 : i32
      %cond3A_29 = arith.cmpi ne, %convert_element_type3A, %cond3A : i32
      scf.if %cond3A_29 {
        %jit3A = arith.constant 4 : i32
        %eq3A = arith.constant 0 : i32
        %eq3A_34 = arith.cmpi eq, %jit3A, %eq3A : i32
        %jit3A_35 = arith.constant 1 : i32
        %select_n3A = arith.select %eq3A_34, %jit3A_35, %jit3A : i32
        %rem3A = arith.remsi %scan3A_27, %select_n3A : i32
        %ne3A = arith.constant 0 : i32
        %ne3A_36 = arith.cmpi ne, %rem3A, %ne3A : i32
        %lt3A_37 = arith.constant 0 : i32
        %lt3A_38 = arith.cmpi slt, %rem3A, %lt3A_37 : i32
        %lt3A_39 = arith.constant 0 : i32
        %lt3A_40 = arith.cmpi slt, %select_n3A, %lt3A_39 : i32
        %ne3A_41 = arith.xori %lt3A_38, %lt3A_40 : i1
        %and3A = arith.andi %ne3A_41, %ne3A_36 : i1
        %add3A_42 = arith.addi %rem3A, %select_n3A : i32
        %select_n3A_43 = arith.select %and3A, %add3A_42, %rem3A : i32
        %mul3A_44 = arith.constant 64 : i32
        %mul3A_45 = arith.muli %select_n3A_43, %mul3A_44 : i32
        %jit3A_46 = arith.constant 4 : i32
        %eq3A_47 = arith.constant 0 : i32
        %eq3A_48 = arith.cmpi eq, %jit3A_46, %eq3A_47 : i32
        %jit3A_49 = arith.constant 1 : i32
        %select_n3A_50 = arith.select %eq3A_48, %jit3A_49, %jit3A_46 : i32
        %rem3A_51 = arith.remsi %scan3A_27, %select_n3A_50 : i32
        %ne3A_52 = arith.constant 0 : i32
        %ne3A_53 = arith.cmpi ne, %rem3A_51, %ne3A_52 : i32
        %lt3A_54 = arith.constant 0 : i32
        %lt3A_55 = arith.cmpi slt, %rem3A_51, %lt3A_54 : i32
        %lt3A_56 = arith.constant 0 : i32
        %lt3A_57 = arith.cmpi slt, %select_n3A_50, %lt3A_56 : i32
        %ne3A_58 = arith.xori %lt3A_55, %lt3A_57 : i1
        %and3A_59 = arith.andi %ne3A_58, %ne3A_53 : i1
        %add3A_60 = arith.addi %rem3A_51, %select_n3A_50 : i32
        %select_n3A_61 = arith.select %and3A_59, %add3A_60, %rem3A_51 : i32
        %dma_start3A = arith.constant 0 : i32
        %dma_start3A_62 = tpu.memref_slice %arg9[%mul3A_45, %dma_start3A] : memref<256x128xf32, #tpu.memory_space<vmem>> -> memref<64x128xf32, #tpu.memory_space<vmem>>
        %dma_start3A_63 = arith.constant 0 : i32
        %dma_start3A_64 = tpu.memref_slice %arg7[%scan3A_27, %dma_start3A_63] : memref<40x64xi32, #tpu.memory_space<vmem>> -> memref<1x64xi32, #tpu.memory_space<vmem>>
        %dma_start3A_65 = tpu.memref_squeeze %dma_start3A_64 : memref<1x64xi32, #tpu.memory_space<vmem>> -> memref<64xi32, #tpu.memory_space<vmem>>
        %dma_start3A_66 = arith.constant 0 : i32
        %dma_start3A_67 = arith.constant 0 : i32
        %dma_start3A_68 = tpu.memref_slice %arg2[%dma_start3A_66, %dma_start3A_67] : memref<10000x128xf32, #tpu.memory_space<hbm>> -> memref<10000x128xf32, #tpu.memory_space<hbm>>
        %dma_start3A_69 = tpu.memref_slice %arg11[%select_n3A_61] : memref<4x!tpu.dma_semaphore, #tpu.memory_space<semaphore_mem>> -> memref<1x!tpu.dma_semaphore, #tpu.memory_space<semaphore_mem>>
        %dma_start3A_70 = tpu.memref_squeeze %dma_start3A_69 : memref<1x!tpu.dma_semaphore, #tpu.memory_space<semaphore_mem>> -> memref<!tpu.dma_semaphore, #tpu.memory_space<semaphore_mem>>
        tpu.enqueue_indirect_dma source(%dma_start3A_68 : memref<10000x128xf32, #tpu.memory_space<hbm>>) target(%dma_start3A_62 : memref<64x128xf32, #tpu.memory_space<vmem>>) offsets(%dma_start3A_65 : memref<64xi32, #tpu.memory_space<vmem>>) semaphore(%dma_start3A_70 : memref<!tpu.dma_semaphore, #tpu.memory_space<semaphore_mem>>)
      } else {
      }
      %ge3A = arith.constant 3 : i32
      %ge3A_30 = arith.cmpi sge, %scan3A_27, %ge3A : i32
      %convert_element_type3A_31 = arith.extui %ge3A_30 : i1 to i32
      %cond3A_32 = arith.constant 0 : i32
      %cond3A_33 = arith.cmpi ne, %convert_element_type3A_31, %cond3A_32 : i32
      scf.if %cond3A_33 {
        %sub3A = arith.constant 3 : i32
        %sub3A_34 = arith.subi %scan3A_27, %sub3A : i32
        %jit3A = arith.constant 4 : i32
        %eq3A = arith.constant 0 : i32
        %eq3A_35 = arith.cmpi eq, %jit3A, %eq3A : i32
        %jit3A_36 = arith.constant 1 : i32
        %select_n3A = arith.select %eq3A_35, %jit3A_36, %jit3A : i32
        %rem3A = arith.remsi %sub3A_34, %select_n3A : i32
        %ne3A = arith.constant 0 : i32
        %ne3A_37 = arith.cmpi ne, %rem3A, %ne3A : i32
        %lt3A_38 = arith.constant 0 : i32
        %lt3A_39 = arith.cmpi slt, %rem3A, %lt3A_38 : i32
        %lt3A_40 = arith.constant 0 : i32
        %lt3A_41 = arith.cmpi slt, %select_n3A, %lt3A_40 : i32
        %ne3A_42 = arith.xori %lt3A_39, %lt3A_41 : i1
        %and3A = arith.andi %ne3A_42, %ne3A_37 : i1
        %add3A_43 = arith.addi %rem3A, %select_n3A : i32
        %select_n3A_44 = arith.select %and3A, %add3A_43, %rem3A : i32
        %mul3A_45 = arith.constant 64 : i32
        %mul3A_46 = arith.muli %select_n3A_44, %mul3A_45 : i32
        %jit3A_47 = arith.constant 4 : i32
        %eq3A_48 = arith.constant 0 : i32
        %eq3A_49 = arith.cmpi eq, %jit3A_47, %eq3A_48 : i32
        %jit3A_50 = arith.constant 1 : i32
        %select_n3A_51 = arith.select %eq3A_49, %jit3A_50, %jit3A_47 : i32
        %rem3A_52 = arith.remsi %sub3A_34, %select_n3A_51 : i32
        %ne3A_53 = arith.constant 0 : i32
        %ne3A_54 = arith.cmpi ne, %rem3A_52, %ne3A_53 : i32
        %lt3A_55 = arith.constant 0 : i32
        %lt3A_56 = arith.cmpi slt, %rem3A_52, %lt3A_55 : i32
        %lt3A_57 = arith.constant 0 : i32
        %lt3A_58 = arith.cmpi slt, %select_n3A_51, %lt3A_57 : i32
        %ne3A_59 = arith.xori %lt3A_56, %lt3A_58 : i1
        %and3A_60 = arith.andi %ne3A_59, %ne3A_54 : i1
        %add3A_61 = arith.addi %rem3A_52, %select_n3A_51 : i32
        %select_n3A_62 = arith.select %and3A_60, %add3A_61, %rem3A_52 : i32
        %dma_wait3A = arith.constant 0 : i32
        %dma_wait3A_63 = tpu.memref_slice %arg9[%mul3A_46, %dma_wait3A] : memref<256x128xf32, #tpu.memory_space<vmem>> -> memref<64x128xf32, #tpu.memory_space<vmem>>
        %dma_wait3A_64 = arith.constant 0 : i32
        %dma_wait3A_65 = tpu.memref_slice %arg7[%sub3A_34, %dma_wait3A_64] : memref<40x64xi32, #tpu.memory_space<vmem>> -> memref<1x64xi32, #tpu.memory_space<vmem>>
        %dma_wait3A_66 = tpu.memref_squeeze %dma_wait3A_65 : memref<1x64xi32, #tpu.memory_space<vmem>> -> memref<64xi32, #tpu.memory_space<vmem>>
        %dma_wait3A_67 = arith.constant 0 : i32
        %dma_wait3A_68 = arith.constant 0 : i32
        %dma_wait3A_69 = tpu.memref_slice %arg2[%dma_wait3A_67, %dma_wait3A_68] : memref<10000x128xf32, #tpu.memory_space<hbm>> -> memref<10000x128xf32, #tpu.memory_space<hbm>>
        %dma_wait3A_70 = tpu.memref_slice %arg11[%select_n3A_62] : memref<4x!tpu.dma_semaphore, #tpu.memory_space<semaphore_mem>> -> memref<1x!tpu.dma_semaphore, #tpu.memory_space<semaphore_mem>>
        %dma_wait3A_71 = tpu.memref_squeeze %dma_wait3A_70 : memref<1x!tpu.dma_semaphore, #tpu.memory_space<semaphore_mem>> -> memref<!tpu.dma_semaphore, #tpu.memory_space<semaphore_mem>>
        tpu.wait_indirect_dma semaphore(%dma_wait3A_71 : memref<!tpu.dma_semaphore, #tpu.memory_space<semaphore_mem>>) src(%dma_wait3A_69 : memref<10000x128xf32, #tpu.memory_space<hbm>>) dst(%dma_wait3A_63 : memref<64x128xf32, #tpu.memory_space<vmem>>)
        "tpu.region"() ({
          %run_scoped3A = tpu.sem_alloc : memref<!tpu.dma_semaphore, #tpu.memory_space<semaphore_mem>>
          %dma_start3A = arith.constant 0 : i32
          %dma_start3A_72 = tpu.memref_slice %arg9[%mul3A_46, %dma_start3A] : memref<256x128xf32, #tpu.memory_space<vmem>> -> memref<64x128xf32, #tpu.memory_space<vmem>>
          %dma_start3A_73 = arith.constant 0 : i32
          %dma_start3A_74 = tpu.memref_slice %arg8[%sub3A_34, %dma_start3A_73] : memref<40x64xi32, #tpu.memory_space<vmem>> -> memref<1x64xi32, #tpu.memory_space<vmem>>
          %dma_start3A_75 = tpu.memref_squeeze %dma_start3A_74 : memref<1x64xi32, #tpu.memory_space<vmem>> -> memref<64xi32, #tpu.memory_space<vmem>>
          %dma_start3A_76 = arith.constant 0 : i32
          %dma_start3A_77 = arith.constant 0 : i32
          %dma_start3A_78 = tpu.memref_slice %arg10[%dma_start3A_76, %dma_start3A_77] : memref<10112x128xf32, #tpu.memory_space<vmem_shared>> -> memref<10112x128xf32, #tpu.memory_space<vmem_shared>>
          tpu.enqueue_indirect_dma source(%dma_start3A_72 : memref<64x128xf32, #tpu.memory_space<vmem>>) target(%dma_start3A_78 : memref<10112x128xf32, #tpu.memory_space<vmem_shared>>) offsets(%dma_start3A_75 : memref<64xi32, #tpu.memory_space<vmem>>) semaphore(%run_scoped3A : memref<!tpu.dma_semaphore, #tpu.memory_space<semaphore_mem>>) {add = true}
          %dma_wait3A_79 = arith.constant 0 : i32
          %dma_wait3A_80 = tpu.memref_slice %arg9[%mul3A_46, %dma_wait3A_79] : memref<256x128xf32, #tpu.memory_space<vmem>> -> memref<64x128xf32, #tpu.memory_space<vmem>>
          %dma_wait3A_81 = arith.constant 0 : i32
          %dma_wait3A_82 = tpu.memref_slice %arg8[%sub3A_34, %dma_wait3A_81] : memref<40x64xi32, #tpu.memory_space<vmem>> -> memref<1x64xi32, #tpu.memory_space<vmem>>
          %dma_wait3A_83 = tpu.memref_squeeze %dma_wait3A_82 : memref<1x64xi32, #tpu.memory_space<vmem>> -> memref<64xi32, #tpu.memory_space<vmem>>
          %dma_wait3A_84 = arith.constant 0 : i32
          %dma_wait3A_85 = arith.constant 0 : i32
          %dma_wait3A_86 = tpu.memref_slice %arg10[%dma_wait3A_84, %dma_wait3A_85] : memref<10112x128xf32, #tpu.memory_space<vmem_shared>> -> memref<10112x128xf32, #tpu.memory_space<vmem_shared>>
          tpu.wait_indirect_dma semaphore(%run_scoped3A : memref<!tpu.dma_semaphore, #tpu.memory_space<semaphore_mem>>) src(%dma_wait3A_80 : memref<64x128xf32, #tpu.memory_space<vmem>>) dst(%dma_wait3A_86 : memref<10112x128xf32, #tpu.memory_space<vmem_shared>>)
          tpu.yield
        }) : () -> ()
      } else {
      }
    }
    %scan3A_19 = arith.constant 43 : i32
    "tpu.region"() ({
      %run_scoped3A = tpu.sem_alloc : memref<!tpu.dma_semaphore, #tpu.memory_space<semaphore_mem>>
      %dma_start3A = arith.constant 120 : i32
      %dma_start3A_27 = arith.constant 0 : i32
      %dma_start3A_28 = tpu.memref_slice %arg3[%add3A, %dma_start3A, %dma_start3A_27] : memref<32x160x64xi32, #tpu.memory_space<hbm>> -> memref<1x40x64xi32, #tpu.memory_space<hbm>>
      %dma_start3A_29 = tpu.memref_squeeze %dma_start3A_28 : memref<1x40x64xi32, #tpu.memory_space<hbm>> -> memref<40x64xi32, #tpu.memory_space<hbm>>
      %dma_start3A_30 = arith.constant 120 : i32
      %dma_start3A_31 = arith.constant 0 : i32
      %dma_start3A_32 = tpu.memref_slice %arg3[%add3A, %dma_start3A_30, %dma_start3A_31] : memref<32x160x64xi32, #tpu.memory_space<hbm>> -> memref<1x40x64xi32, #tpu.memory_space<hbm>>
      %dma_start3A_33 = tpu.memref_squeeze %dma_start3A_32 : memref<1x40x64xi32, #tpu.memory_space<hbm>> -> memref<40x64xi32, #tpu.memory_space<hbm>>
      tpu.enqueue_dma source(%dma_start3A_33 : memref<40x64xi32, #tpu.memory_space<hbm>>) target(%arg7 : memref<40x64xi32, #tpu.memory_space<vmem>>) target_semaphore(%run_scoped3A : memref<!tpu.dma_semaphore, #tpu.memory_space<semaphore_mem>>)
      %dma_wait3A = arith.constant 120 : i32
      %dma_wait3A_34 = arith.constant 0 : i32
      %dma_wait3A_35 = tpu.memref_slice %arg3[%add3A, %dma_wait3A, %dma_wait3A_34] : memref<32x160x64xi32, #tpu.memory_space<hbm>> -> memref<1x40x64xi32, #tpu.memory_space<hbm>>
      %dma_wait3A_36 = tpu.memref_squeeze %dma_wait3A_35 : memref<1x40x64xi32, #tpu.memory_space<hbm>> -> memref<40x64xi32, #tpu.memory_space<hbm>>
      %dma_wait3A_37 = arith.constant 120 : i32
      %dma_wait3A_38 = arith.constant 0 : i32
      %dma_wait3A_39 = tpu.memref_slice %arg3[%add3A, %dma_wait3A_37, %dma_wait3A_38] : memref<32x160x64xi32, #tpu.memory_space<hbm>> -> memref<1x40x64xi32, #tpu.memory_space<hbm>>
      %dma_wait3A_40 = tpu.memref_squeeze %dma_wait3A_39 : memref<1x40x64xi32, #tpu.memory_space<hbm>> -> memref<40x64xi32, #tpu.memory_space<hbm>>
      tpu.wait_dma2 semaphore(%run_scoped3A : memref<!tpu.dma_semaphore, #tpu.memory_space<semaphore_mem>>) src(%dma_wait3A_40 : memref<40x64xi32, #tpu.memory_space<hbm>>) dst(%arg7 : memref<40x64xi32, #tpu.memory_space<vmem>>)
      tpu.yield
    }) : () -> ()
    "tpu.region"() ({
      %run_scoped3A = tpu.sem_alloc : memref<!tpu.dma_semaphore, #tpu.memory_space<semaphore_mem>>
      %dma_start3A = arith.constant 120 : i32
      %dma_start3A_27 = arith.constant 0 : i32
      %dma_start3A_28 = tpu.memref_slice %arg4[%add3A, %dma_start3A, %dma_start3A_27] : memref<32x160x64xi32, #tpu.memory_space<hbm>> -> memref<1x40x64xi32, #tpu.memory_space<hbm>>
      %dma_start3A_29 = tpu.memref_squeeze %dma_start3A_28 : memref<1x40x64xi32, #tpu.memory_space<hbm>> -> memref<40x64xi32, #tpu.memory_space<hbm>>
      %dma_start3A_30 = arith.constant 120 : i32
      %dma_start3A_31 = arith.constant 0 : i32
      %dma_start3A_32 = tpu.memref_slice %arg4[%add3A, %dma_start3A_30, %dma_start3A_31] : memref<32x160x64xi32, #tpu.memory_space<hbm>> -> memref<1x40x64xi32, #tpu.memory_space<hbm>>
      %dma_start3A_33 = tpu.memref_squeeze %dma_start3A_32 : memref<1x40x64xi32, #tpu.memory_space<hbm>> -> memref<40x64xi32, #tpu.memory_space<hbm>>
      tpu.enqueue_dma source(%dma_start3A_33 : memref<40x64xi32, #tpu.memory_space<hbm>>) target(%arg8 : memref<40x64xi32, #tpu.memory_space<vmem>>) target_semaphore(%run_scoped3A : memref<!tpu.dma_semaphore, #tpu.memory_space<semaphore_mem>>)
      %dma_wait3A = arith.constant 120 : i32
      %dma_wait3A_34 = arith.constant 0 : i32
      %dma_wait3A_35 = tpu.memref_slice %arg4[%add3A, %dma_wait3A, %dma_wait3A_34] : memref<32x160x64xi32, #tpu.memory_space<hbm>> -> memref<1x40x64xi32, #tpu.memory_space<hbm>>
      %dma_wait3A_36 = tpu.memref_squeeze %dma_wait3A_35 : memref<1x40x64xi32, #tpu.memory_space<hbm>> -> memref<40x64xi32, #tpu.memory_space<hbm>>
      %dma_wait3A_37 = arith.constant 120 : i32
      %dma_wait3A_38 = arith.constant 0 : i32
      %dma_wait3A_39 = tpu.memref_slice %arg4[%add3A, %dma_wait3A_37, %dma_wait3A_38] : memref<32x160x64xi32, #tpu.memory_space<hbm>> -> memref<1x40x64xi32, #tpu.memory_space<hbm>>
      %dma_wait3A_40 = tpu.memref_squeeze %dma_wait3A_39 : memref<1x40x64xi32, #tpu.memory_space<hbm>> -> memref<40x64xi32, #tpu.memory_space<hbm>>
      tpu.wait_dma2 semaphore(%run_scoped3A : memref<!tpu.dma_semaphore, #tpu.memory_space<semaphore_mem>>) src(%dma_wait3A_40 : memref<40x64xi32, #tpu.memory_space<hbm>>) dst(%arg8 : memref<40x64xi32, #tpu.memory_space<vmem>>)
      tpu.yield
    }) : () -> ()
    %scan3A_20 = arith.constant 0 : i32
    %scan3A_21 = arith.constant 0 : i32
    %scan3A_22 = arith.constant 43 : i32
    %scan3A_23 = arith.addi %scan3A_21, %scan3A_22 : i32
    %scan3A_24 = arith.constant 1 : i32
    scf.for %scan3A_27 = %scan3A_21 to %scan3A_23 step %scan3A_24  : i32 {
      %lt3A = arith.constant 40 : i32
      %lt3A_28 = arith.cmpi slt, %scan3A_27, %lt3A : i32
      %convert_element_type3A = arith.extui %lt3A_28 : i1 to i32
      %cond3A = arith.constant 0 : i32
      %cond3A_29 = arith.cmpi ne, %convert_element_type3A, %cond3A : i32
      scf.if %cond3A_29 {
        %jit3A = arith.constant 4 : i32
        %eq3A = arith.constant 0 : i32
        %eq3A_34 = arith.cmpi eq, %jit3A, %eq3A : i32
        %jit3A_35 = arith.constant 1 : i32
        %select_n3A = arith.select %eq3A_34, %jit3A_35, %jit3A : i32
        %rem3A = arith.remsi %scan3A_27, %select_n3A : i32
        %ne3A = arith.constant 0 : i32
        %ne3A_36 = arith.cmpi ne, %rem3A, %ne3A : i32
        %lt3A_37 = arith.constant 0 : i32
        %lt3A_38 = arith.cmpi slt, %rem3A, %lt3A_37 : i32
        %lt3A_39 = arith.constant 0 : i32
        %lt3A_40 = arith.cmpi slt, %select_n3A, %lt3A_39 : i32
        %ne3A_41 = arith.xori %lt3A_38, %lt3A_40 : i1
        %and3A = arith.andi %ne3A_41, %ne3A_36 : i1
        %add3A_42 = arith.addi %rem3A, %select_n3A : i32
        %select_n3A_43 = arith.select %and3A, %add3A_42, %rem3A : i32
        %mul3A_44 = arith.constant 64 : i32
        %mul3A_45 = arith.muli %select_n3A_43, %mul3A_44 : i32
        %jit3A_46 = arith.constant 4 : i32
        %eq3A_47 = arith.constant 0 : i32
        %eq3A_48 = arith.cmpi eq, %jit3A_46, %eq3A_47 : i32
        %jit3A_49 = arith.constant 1 : i32
        %select_n3A_50 = arith.select %eq3A_48, %jit3A_49, %jit3A_46 : i32
        %rem3A_51 = arith.remsi %scan3A_27, %select_n3A_50 : i32
        %ne3A_52 = arith.constant 0 : i32
        %ne3A_53 = arith.cmpi ne, %rem3A_51, %ne3A_52 : i32
        %lt3A_54 = arith.constant 0 : i32
        %lt3A_55 = arith.cmpi slt, %rem3A_51, %lt3A_54 : i32
        %lt3A_56 = arith.constant 0 : i32
        %lt3A_57 = arith.cmpi slt, %select_n3A_50, %lt3A_56 : i32
        %ne3A_58 = arith.xori %lt3A_55, %lt3A_57 : i1
        %and3A_59 = arith.andi %ne3A_58, %ne3A_53 : i1
        %add3A_60 = arith.addi %rem3A_51, %select_n3A_50 : i32
        %select_n3A_61 = arith.select %and3A_59, %add3A_60, %rem3A_51 : i32
        %dma_start3A = arith.constant 0 : i32
        %dma_start3A_62 = tpu.memref_slice %arg9[%mul3A_45, %dma_start3A] : memref<256x128xf32, #tpu.memory_space<vmem>> -> memref<64x128xf32, #tpu.memory_space<vmem>>
        %dma_start3A_63 = arith.constant 0 : i32
        %dma_start3A_64 = tpu.memref_slice %arg7[%scan3A_27, %dma_start3A_63] : memref<40x64xi32, #tpu.memory_space<vmem>> -> memref<1x64xi32, #tpu.memory_space<vmem>>
        %dma_start3A_65 = tpu.memref_squeeze %dma_start3A_64 : memref<1x64xi32, #tpu.memory_space<vmem>> -> memref<64xi32, #tpu.memory_space<vmem>>
        %dma_start3A_66 = arith.constant 0 : i32
        %dma_start3A_67 = arith.constant 0 : i32
        %dma_start3A_68 = tpu.memref_slice %arg2[%dma_start3A_66, %dma_start3A_67] : memref<10000x128xf32, #tpu.memory_space<hbm>> -> memref<10000x128xf32, #tpu.memory_space<hbm>>
        %dma_start3A_69 = tpu.memref_slice %arg11[%select_n3A_61] : memref<4x!tpu.dma_semaphore, #tpu.memory_space<semaphore_mem>> -> memref<1x!tpu.dma_semaphore, #tpu.memory_space<semaphore_mem>>
        %dma_start3A_70 = tpu.memref_squeeze %dma_start3A_69 : memref<1x!tpu.dma_semaphore, #tpu.memory_space<semaphore_mem>> -> memref<!tpu.dma_semaphore, #tpu.memory_space<semaphore_mem>>
        tpu.enqueue_indirect_dma source(%dma_start3A_68 : memref<10000x128xf32, #tpu.memory_space<hbm>>) target(%dma_start3A_62 : memref<64x128xf32, #tpu.memory_space<vmem>>) offsets(%dma_start3A_65 : memref<64xi32, #tpu.memory_space<vmem>>) semaphore(%dma_start3A_70 : memref<!tpu.dma_semaphore, #tpu.memory_space<semaphore_mem>>)
      } else {
      }
      %ge3A = arith.constant 3 : i32
      %ge3A_30 = arith.cmpi sge, %scan3A_27, %ge3A : i32
      %convert_element_type3A_31 = arith.extui %ge3A_30 : i1 to i32
      %cond3A_32 = arith.constant 0 : i32
      %cond3A_33 = arith.cmpi ne, %convert_element_type3A_31, %cond3A_32 : i32
      scf.if %cond3A_33 {
        %sub3A = arith.constant 3 : i32
        %sub3A_34 = arith.subi %scan3A_27, %sub3A : i32
        %jit3A = arith.constant 4 : i32
        %eq3A = arith.constant 0 : i32
        %eq3A_35 = arith.cmpi eq, %jit3A, %eq3A : i32
        %jit3A_36 = arith.constant 1 : i32
        %select_n3A = arith.select %eq3A_35, %jit3A_36, %jit3A : i32
        %rem3A = arith.remsi %sub3A_34, %select_n3A : i32
        %ne3A = arith.constant 0 : i32
        %ne3A_37 = arith.cmpi ne, %rem3A, %ne3A : i32
        %lt3A_38 = arith.constant 0 : i32
        %lt3A_39 = arith.cmpi slt, %rem3A, %lt3A_38 : i32
        %lt3A_40 = arith.constant 0 : i32
        %lt3A_41 = arith.cmpi slt, %select_n3A, %lt3A_40 : i32
        %ne3A_42 = arith.xori %lt3A_39, %lt3A_41 : i1
        %and3A = arith.andi %ne3A_42, %ne3A_37 : i1
        %add3A_43 = arith.addi %rem3A, %select_n3A : i32
        %select_n3A_44 = arith.select %and3A, %add3A_43, %rem3A : i32
        %mul3A_45 = arith.constant 64 : i32
        %mul3A_46 = arith.muli %select_n3A_44, %mul3A_45 : i32
        %jit3A_47 = arith.constant 4 : i32
        %eq3A_48 = arith.constant 0 : i32
        %eq3A_49 = arith.cmpi eq, %jit3A_47, %eq3A_48 : i32
        %jit3A_50 = arith.constant 1 : i32
        %select_n3A_51 = arith.select %eq3A_49, %jit3A_50, %jit3A_47 : i32
        %rem3A_52 = arith.remsi %sub3A_34, %select_n3A_51 : i32
        %ne3A_53 = arith.constant 0 : i32
        %ne3A_54 = arith.cmpi ne, %rem3A_52, %ne3A_53 : i32
        %lt3A_55 = arith.constant 0 : i32
        %lt3A_56 = arith.cmpi slt, %rem3A_52, %lt3A_55 : i32
        %lt3A_57 = arith.constant 0 : i32
        %lt3A_58 = arith.cmpi slt, %select_n3A_51, %lt3A_57 : i32
        %ne3A_59 = arith.xori %lt3A_56, %lt3A_58 : i1
        %and3A_60 = arith.andi %ne3A_59, %ne3A_54 : i1
        %add3A_61 = arith.addi %rem3A_52, %select_n3A_51 : i32
        %select_n3A_62 = arith.select %and3A_60, %add3A_61, %rem3A_52 : i32
        %dma_wait3A = arith.constant 0 : i32
        %dma_wait3A_63 = tpu.memref_slice %arg9[%mul3A_46, %dma_wait3A] : memref<256x128xf32, #tpu.memory_space<vmem>> -> memref<64x128xf32, #tpu.memory_space<vmem>>
        %dma_wait3A_64 = arith.constant 0 : i32
        %dma_wait3A_65 = tpu.memref_slice %arg7[%sub3A_34, %dma_wait3A_64] : memref<40x64xi32, #tpu.memory_space<vmem>> -> memref<1x64xi32, #tpu.memory_space<vmem>>
        %dma_wait3A_66 = tpu.memref_squeeze %dma_wait3A_65 : memref<1x64xi32, #tpu.memory_space<vmem>> -> memref<64xi32, #tpu.memory_space<vmem>>
        %dma_wait3A_67 = arith.constant 0 : i32
        %dma_wait3A_68 = arith.constant 0 : i32
        %dma_wait3A_69 = tpu.memref_slice %arg2[%dma_wait3A_67, %dma_wait3A_68] : memref<10000x128xf32, #tpu.memory_space<hbm>> -> memref<10000x128xf32, #tpu.memory_space<hbm>>
        %dma_wait3A_70 = tpu.memref_slice %arg11[%select_n3A_62] : memref<4x!tpu.dma_semaphore, #tpu.memory_space<semaphore_mem>> -> memref<1x!tpu.dma_semaphore, #tpu.memory_space<semaphore_mem>>
        %dma_wait3A_71 = tpu.memref_squeeze %dma_wait3A_70 : memref<1x!tpu.dma_semaphore, #tpu.memory_space<semaphore_mem>> -> memref<!tpu.dma_semaphore, #tpu.memory_space<semaphore_mem>>
        tpu.wait_indirect_dma semaphore(%dma_wait3A_71 : memref<!tpu.dma_semaphore, #tpu.memory_space<semaphore_mem>>) src(%dma_wait3A_69 : memref<10000x128xf32, #tpu.memory_space<hbm>>) dst(%dma_wait3A_63 : memref<64x128xf32, #tpu.memory_space<vmem>>)
        "tpu.region"() ({
          %run_scoped3A = tpu.sem_alloc : memref<!tpu.dma_semaphore, #tpu.memory_space<semaphore_mem>>
          %dma_start3A = arith.constant 0 : i32
          %dma_start3A_72 = tpu.memref_slice %arg9[%mul3A_46, %dma_start3A] : memref<256x128xf32, #tpu.memory_space<vmem>> -> memref<64x128xf32, #tpu.memory_space<vmem>>
          %dma_start3A_73 = arith.constant 0 : i32
          %dma_start3A_74 = tpu.memref_slice %arg8[%sub3A_34, %dma_start3A_73] : memref<40x64xi32, #tpu.memory_space<vmem>> -> memref<1x64xi32, #tpu.memory_space<vmem>>
          %dma_start3A_75 = tpu.memref_squeeze %dma_start3A_74 : memref<1x64xi32, #tpu.memory_space<vmem>> -> memref<64xi32, #tpu.memory_space<vmem>>
          %dma_start3A_76 = arith.constant 0 : i32
          %dma_start3A_77 = arith.constant 0 : i32
          %dma_start3A_78 = tpu.memref_slice %arg10[%dma_start3A_76, %dma_start3A_77] : memref<10112x128xf32, #tpu.memory_space<vmem_shared>> -> memref<10112x128xf32, #tpu.memory_space<vmem_shared>>
          tpu.enqueue_indirect_dma source(%dma_start3A_72 : memref<64x128xf32, #tpu.memory_space<vmem>>) target(%dma_start3A_78 : memref<10112x128xf32, #tpu.memory_space<vmem_shared>>) offsets(%dma_start3A_75 : memref<64xi32, #tpu.memory_space<vmem>>) semaphore(%run_scoped3A : memref<!tpu.dma_semaphore, #tpu.memory_space<semaphore_mem>>) {add = true}
          %dma_wait3A_79 = arith.constant 0 : i32
          %dma_wait3A_80 = tpu.memref_slice %arg9[%mul3A_46, %dma_wait3A_79] : memref<256x128xf32, #tpu.memory_space<vmem>> -> memref<64x128xf32, #tpu.memory_space<vmem>>
          %dma_wait3A_81 = arith.constant 0 : i32
          %dma_wait3A_82 = tpu.memref_slice %arg8[%sub3A_34, %dma_wait3A_81] : memref<40x64xi32, #tpu.memory_space<vmem>> -> memref<1x64xi32, #tpu.memory_space<vmem>>
          %dma_wait3A_83 = tpu.memref_squeeze %dma_wait3A_82 : memref<1x64xi32, #tpu.memory_space<vmem>> -> memref<64xi32, #tpu.memory_space<vmem>>
          %dma_wait3A_84 = arith.constant 0 : i32
          %dma_wait3A_85 = arith.constant 0 : i32
          %dma_wait3A_86 = tpu.memref_slice %arg10[%dma_wait3A_84, %dma_wait3A_85] : memref<10112x128xf32, #tpu.memory_space<vmem_shared>> -> memref<10112x128xf32, #tpu.memory_space<vmem_shared>>
          tpu.wait_indirect_dma semaphore(%run_scoped3A : memref<!tpu.dma_semaphore, #tpu.memory_space<semaphore_mem>>) src(%dma_wait3A_80 : memref<64x128xf32, #tpu.memory_space<vmem>>) dst(%dma_wait3A_86 : memref<10112x128xf32, #tpu.memory_space<vmem_shared>>)
          tpu.yield
        }) : () -> ()
      } else {
      }
    }
    %scan3A_25 = arith.constant 43 : i32
    %barrier3A_26 = arith.constant 0 : index
    tpu.barrier barrier_id(%barrier3A_26)
    "tpu.region"() ({
      %run_scoped3A = tpu.sem_alloc : memref<!tpu.dma_semaphore, #tpu.memory_space<semaphore_mem>>
      %dma_start3A = arith.constant 0 : i32
      %dma_start3A_27 = tpu.memref_slice %arg6[%arg0, %mul3A_2, %dma_start3A] : memref<2x10112x128xf32, #tpu.memory_space<hbm>> -> memref<1x632x128xf32, #tpu.memory_space<hbm>>
      %dma_start3A_28 = tpu.memref_squeeze %dma_start3A_27 : memref<1x632x128xf32, #tpu.memory_space<hbm>> -> memref<632x128xf32, #tpu.memory_space<hbm>>
      %dma_start3A_29 = arith.constant 0 : i32
      %dma_start3A_30 = tpu.memref_slice %arg10[%mul3A_2, %dma_start3A_29] : memref<10112x128xf32, #tpu.memory_space<vmem_shared>> -> memref<632x128xf32, #tpu.memory_space<vmem_shared>>
      tpu.enqueue_dma source(%dma_start3A_30 : memref<632x128xf32, #tpu.memory_space<vmem_shared>>) target(%dma_start3A_28 : memref<632x128xf32, #tpu.memory_space<hbm>>) target_semaphore(%run_scoped3A : memref<!tpu.dma_semaphore, #tpu.memory_space<semaphore_mem>>)
      %dma_wait3A = arith.constant 0 : i32
      %dma_wait3A_31 = tpu.memref_slice %arg6[%arg0, %mul3A_2, %dma_wait3A] : memref<2x10112x128xf32, #tpu.memory_space<hbm>> -> memref<1x632x128xf32, #tpu.memory_space<hbm>>
      %dma_wait3A_32 = tpu.memref_squeeze %dma_wait3A_31 : memref<1x632x128xf32, #tpu.memory_space<hbm>> -> memref<632x128xf32, #tpu.memory_space<hbm>>
      %dma_wait3A_33 = arith.constant 0 : i32
      %dma_wait3A_34 = tpu.memref_slice %arg10[%mul3A_2, %dma_wait3A_33] : memref<10112x128xf32, #tpu.memory_space<vmem_shared>> -> memref<632x128xf32, #tpu.memory_space<vmem_shared>>
      tpu.wait_dma2 semaphore(%run_scoped3A : memref<!tpu.dma_semaphore, #tpu.memory_space<semaphore_mem>>) src(%dma_wait3A_34 : memref<632x128xf32, #tpu.memory_space<vmem_shared>>) dst(%dma_wait3A_32 : memref<632x128xf32, #tpu.memory_space<hbm>>)
      tpu.yield
    }) : () -> ()
    return
  }
}

#map = affine_map<(d0, d1) -> (0, 0)>
#map1 = affine_map<(d0, d1) -> (0, 0, 0)>
module attributes {stable_mosaic.version = 14 : i64} {
  func.func @_sc_agg_body(%arg0: i32, %arg1: i32, %arg2: memref<10000x128xf32, #tpu.memory_space<hbm>>, %arg3: memref<32x160x64xi32, #tpu.memory_space<hbm>>, %arg4: memref<32x160x64xi32, #tpu.memory_space<hbm>>, %arg5: memref<632x128xf32, #tpu.memory_space<hbm>>, %arg6: memref<2x10112x128xf32, #tpu.memory_space<hbm>>, %arg7: memref<40x64xi32, #tpu.memory_space<vmem>>, %arg8: memref<40x64xi32, #tpu.memory_space<vmem>>, %arg9: memref<256x128xf32, #tpu.memory_space<vmem>>, %arg10: memref<10112x128xf32, #tpu.memory_space<vmem_shared>>, %arg11: memref<4x!tpu.dma_semaphore, #tpu.memory_space<semaphore_mem>>) attributes {dimension_semantics = [#tpu.dimension_semantics<core_parallel>, #tpu.dimension_semantics<subcore_parallel>], iteration_bounds = array<i64: 2, 16>, scalar_prefetch = 0 : i64, scratch_operands = 5 : i64, tpu.core_type = #tpu.core_type<sc_vector_subcore>, window_params = [{transform_indices = #map}, {transform_indices = #map1}, {transform_indices = #map1}, {transform_indices = #map}, {transform_indices = #map1}]} {
    %mul3A = arith.constant 2 : i32
    %mul3A_0 = arith.muli %arg1, %mul3A : i32
    %add3A = arith.addi %mul3A_0, %arg0 : i32
    %mul3A_1 = arith.constant 632 : i32
    %mul3A_2 = arith.muli %arg1, %mul3A_1 : i32
    "tpu.region"() ({
      %run_scoped3A = tpu.sem_alloc : memref<!tpu.dma_semaphore, #tpu.memory_space<semaphore_mem>>
      %dma_start3A = arith.constant 0 : i32
      %dma_start3A_27 = tpu.memref_slice %arg10[%mul3A_2, %dma_start3A] : memref<10112x128xf32, #tpu.memory_space<vmem_shared>> -> memref<632x128xf32, #tpu.memory_space<vmem_shared>>
      tpu.enqueue_dma source(%arg5 : memref<632x128xf32, #tpu.memory_space<hbm>>) target(%dma_start3A_27 : memref<632x128xf32, #tpu.memory_space<vmem_shared>>) target_semaphore(%run_scoped3A : memref<!tpu.dma_semaphore, #tpu.memory_space<semaphore_mem>>)
      %dma_wait3A = arith.constant 0 : i32
      %dma_wait3A_28 = tpu.memref_slice %arg10[%mul3A_2, %dma_wait3A] : memref<10112x128xf32, #tpu.memory_space<vmem_shared>> -> memref<632x128xf32, #tpu.memory_space<vmem_shared>>
      tpu.wait_dma2 semaphore(%run_scoped3A : memref<!tpu.dma_semaphore, #tpu.memory_space<semaphore_mem>>) src(%arg5 : memref<632x128xf32, #tpu.memory_space<hbm>>) dst(%dma_wait3A_28 : memref<632x128xf32, #tpu.memory_space<vmem_shared>>)
      tpu.yield
    }) : () -> ()
    %barrier3A = arith.constant 0 : index
    tpu.barrier barrier_id(%barrier3A)
    "tpu.region"() ({
      %run_scoped3A = tpu.sem_alloc : memref<!tpu.dma_semaphore, #tpu.memory_space<semaphore_mem>>
      %dma_start3A = arith.constant 0 : i32
      %dma_start3A_27 = arith.constant 0 : i32
      %dma_start3A_28 = tpu.memref_slice %arg3[%add3A, %dma_start3A, %dma_start3A_27] : memref<32x160x64xi32, #tpu.memory_space<hbm>> -> memref<1x40x64xi32, #tpu.memory_space<hbm>>
      %dma_start3A_29 = tpu.memref_squeeze %dma_start3A_28 : memref<1x40x64xi32, #tpu.memory_space<hbm>> -> memref<40x64xi32, #tpu.memory_space<hbm>>
      %dma_start3A_30 = arith.constant 0 : i32
      %dma_start3A_31 = arith.constant 0 : i32
      %dma_start3A_32 = tpu.memref_slice %arg3[%add3A, %dma_start3A_30, %dma_start3A_31] : memref<32x160x64xi32, #tpu.memory_space<hbm>> -> memref<1x40x64xi32, #tpu.memory_space<hbm>>
      %dma_start3A_33 = tpu.memref_squeeze %dma_start3A_32 : memref<1x40x64xi32, #tpu.memory_space<hbm>> -> memref<40x64xi32, #tpu.memory_space<hbm>>
      tpu.enqueue_dma source(%dma_start3A_33 : memref<40x64xi32, #tpu.memory_space<hbm>>) target(%arg7 : memref<40x64xi32, #tpu.memory_space<vmem>>) target_semaphore(%run_scoped3A : memref<!tpu.dma_semaphore, #tpu.memory_space<semaphore_mem>>)
      %dma_wait3A = arith.constant 0 : i32
      %dma_wait3A_34 = arith.constant 0 : i32
      %dma_wait3A_35 = tpu.memref_slice %arg3[%add3A, %dma_wait3A, %dma_wait3A_34] : memref<32x160x64xi32, #tpu.memory_space<hbm>> -> memref<1x40x64xi32, #tpu.memory_space<hbm>>
      %dma_wait3A_36 = tpu.memref_squeeze %dma_wait3A_35 : memref<1x40x64xi32, #tpu.memory_space<hbm>> -> memref<40x64xi32, #tpu.memory_space<hbm>>
      %dma_wait3A_37 = arith.constant 0 : i32
      %dma_wait3A_38 = arith.constant 0 : i32
      %dma_wait3A_39 = tpu.memref_slice %arg3[%add3A, %dma_wait3A_37, %dma_wait3A_38] : memref<32x160x64xi32, #tpu.memory_space<hbm>> -> memref<1x40x64xi32, #tpu.memory_space<hbm>>
      %dma_wait3A_40 = tpu.memref_squeeze %dma_wait3A_39 : memref<1x40x64xi32, #tpu.memory_space<hbm>> -> memref<40x64xi32, #tpu.memory_space<hbm>>
      tpu.wait_dma2 semaphore(%run_scoped3A : memref<!tpu.dma_semaphore, #tpu.memory_space<semaphore_mem>>) src(%dma_wait3A_40 : memref<40x64xi32, #tpu.memory_space<hbm>>) dst(%arg7 : memref<40x64xi32, #tpu.memory_space<vmem>>)
      tpu.yield
    }) : () -> ()
    "tpu.region"() ({
      %run_scoped3A = tpu.sem_alloc : memref<!tpu.dma_semaphore, #tpu.memory_space<semaphore_mem>>
      %dma_start3A = arith.constant 0 : i32
      %dma_start3A_27 = arith.constant 0 : i32
      %dma_start3A_28 = tpu.memref_slice %arg4[%add3A, %dma_start3A, %dma_start3A_27] : memref<32x160x64xi32, #tpu.memory_space<hbm>> -> memref<1x40x64xi32, #tpu.memory_space<hbm>>
      %dma_start3A_29 = tpu.memref_squeeze %dma_start3A_28 : memref<1x40x64xi32, #tpu.memory_space<hbm>> -> memref<40x64xi32, #tpu.memory_space<hbm>>
      %dma_start3A_30 = arith.constant 0 : i32
      %dma_start3A_31 = arith.constant 0 : i32
      %dma_start3A_32 = tpu.memref_slice %arg4[%add3A, %dma_start3A_30, %dma_start3A_31] : memref<32x160x64xi32, #tpu.memory_space<hbm>> -> memref<1x40x64xi32, #tpu.memory_space<hbm>>
      %dma_start3A_33 = tpu.memref_squeeze %dma_start3A_32 : memref<1x40x64xi32, #tpu.memory_space<hbm>> -> memref<40x64xi32, #tpu.memory_space<hbm>>
      tpu.enqueue_dma source(%dma_start3A_33 : memref<40x64xi32, #tpu.memory_space<hbm>>) target(%arg8 : memref<40x64xi32, #tpu.memory_space<vmem>>) target_semaphore(%run_scoped3A : memref<!tpu.dma_semaphore, #tpu.memory_space<semaphore_mem>>)
      %dma_wait3A = arith.constant 0 : i32
      %dma_wait3A_34 = arith.constant 0 : i32
      %dma_wait3A_35 = tpu.memref_slice %arg4[%add3A, %dma_wait3A, %dma_wait3A_34] : memref<32x160x64xi32, #tpu.memory_space<hbm>> -> memref<1x40x64xi32, #tpu.memory_space<hbm>>
      %dma_wait3A_36 = tpu.memref_squeeze %dma_wait3A_35 : memref<1x40x64xi32, #tpu.memory_space<hbm>> -> memref<40x64xi32, #tpu.memory_space<hbm>>
      %dma_wait3A_37 = arith.constant 0 : i32
      %dma_wait3A_38 = arith.constant 0 : i32
      %dma_wait3A_39 = tpu.memref_slice %arg4[%add3A, %dma_wait3A_37, %dma_wait3A_38] : memref<32x160x64xi32, #tpu.memory_space<hbm>> -> memref<1x40x64xi32, #tpu.memory_space<hbm>>
      %dma_wait3A_40 = tpu.memref_squeeze %dma_wait3A_39 : memref<1x40x64xi32, #tpu.memory_space<hbm>> -> memref<40x64xi32, #tpu.memory_space<hbm>>
      tpu.wait_dma2 semaphore(%run_scoped3A : memref<!tpu.dma_semaphore, #tpu.memory_space<semaphore_mem>>) src(%dma_wait3A_40 : memref<40x64xi32, #tpu.memory_space<hbm>>) dst(%arg8 : memref<40x64xi32, #tpu.memory_space<vmem>>)
      tpu.yield
    }) : () -> ()
    %scan3A = arith.constant 0 : i32
    %scan3A_3 = arith.constant 0 : i32
    %scan3A_4 = arith.constant 43 : i32
    %scan3A_5 = arith.addi %scan3A_3, %scan3A_4 : i32
    %scan3A_6 = arith.constant 1 : i32
    scf.for %scan3A_27 = %scan3A_3 to %scan3A_5 step %scan3A_6  : i32 {
      %lt3A = arith.constant 40 : i32
      %lt3A_28 = arith.cmpi slt, %scan3A_27, %lt3A : i32
      %convert_element_type3A = arith.extui %lt3A_28 : i1 to i32
      %cond3A = arith.constant 0 : i32
      %cond3A_29 = arith.cmpi ne, %convert_element_type3A, %cond3A : i32
      scf.if %cond3A_29 {
        %jit3A = arith.constant 4 : i32
        %eq3A = arith.constant 0 : i32
        %eq3A_34 = arith.cmpi eq, %jit3A, %eq3A : i32
        %jit3A_35 = arith.constant 1 : i32
        %select_n3A = arith.select %eq3A_34, %jit3A_35, %jit3A : i32
        %rem3A = arith.remsi %scan3A_27, %select_n3A : i32
        %ne3A = arith.constant 0 : i32
        %ne3A_36 = arith.cmpi ne, %rem3A, %ne3A : i32
        %lt3A_37 = arith.constant 0 : i32
        %lt3A_38 = arith.cmpi slt, %rem3A, %lt3A_37 : i32
        %lt3A_39 = arith.constant 0 : i32
        %lt3A_40 = arith.cmpi slt, %select_n3A, %lt3A_39 : i32
        %ne3A_41 = arith.xori %lt3A_38, %lt3A_40 : i1
        %and3A = arith.andi %ne3A_41, %ne3A_36 : i1
        %add3A_42 = arith.addi %rem3A, %select_n3A : i32
        %select_n3A_43 = arith.select %and3A, %add3A_42, %rem3A : i32
        %mul3A_44 = arith.constant 64 : i32
        %mul3A_45 = arith.muli %select_n3A_43, %mul3A_44 : i32
        %jit3A_46 = arith.constant 4 : i32
        %eq3A_47 = arith.constant 0 : i32
        %eq3A_48 = arith.cmpi eq, %jit3A_46, %eq3A_47 : i32
        %jit3A_49 = arith.constant 1 : i32
        %select_n3A_50 = arith.select %eq3A_48, %jit3A_49, %jit3A_46 : i32
        %rem3A_51 = arith.remsi %scan3A_27, %select_n3A_50 : i32
        %ne3A_52 = arith.constant 0 : i32
        %ne3A_53 = arith.cmpi ne, %rem3A_51, %ne3A_52 : i32
        %lt3A_54 = arith.constant 0 : i32
        %lt3A_55 = arith.cmpi slt, %rem3A_51, %lt3A_54 : i32
        %lt3A_56 = arith.constant 0 : i32
        %lt3A_57 = arith.cmpi slt, %select_n3A_50, %lt3A_56 : i32
        %ne3A_58 = arith.xori %lt3A_55, %lt3A_57 : i1
        %and3A_59 = arith.andi %ne3A_58, %ne3A_53 : i1
        %add3A_60 = arith.addi %rem3A_51, %select_n3A_50 : i32
        %select_n3A_61 = arith.select %and3A_59, %add3A_60, %rem3A_51 : i32
        %dma_start3A = arith.constant 0 : i32
        %dma_start3A_62 = tpu.memref_slice %arg9[%mul3A_45, %dma_start3A] : memref<256x128xf32, #tpu.memory_space<vmem>> -> memref<64x128xf32, #tpu.memory_space<vmem>>
        %dma_start3A_63 = arith.constant 0 : i32
        %dma_start3A_64 = tpu.memref_slice %arg7[%scan3A_27, %dma_start3A_63] : memref<40x64xi32, #tpu.memory_space<vmem>> -> memref<1x64xi32, #tpu.memory_space<vmem>>
        %dma_start3A_65 = tpu.memref_squeeze %dma_start3A_64 : memref<1x64xi32, #tpu.memory_space<vmem>> -> memref<64xi32, #tpu.memory_space<vmem>>
        %dma_start3A_66 = arith.constant 0 : i32
        %dma_start3A_67 = arith.constant 0 : i32
        %dma_start3A_68 = tpu.memref_slice %arg2[%dma_start3A_66, %dma_start3A_67] : memref<10000x128xf32, #tpu.memory_space<hbm>> -> memref<10000x128xf32, #tpu.memory_space<hbm>>
        %dma_start3A_69 = tpu.memref_slice %arg11[%select_n3A_61] : memref<4x!tpu.dma_semaphore, #tpu.memory_space<semaphore_mem>> -> memref<1x!tpu.dma_semaphore, #tpu.memory_space<semaphore_mem>>
        %dma_start3A_70 = tpu.memref_squeeze %dma_start3A_69 : memref<1x!tpu.dma_semaphore, #tpu.memory_space<semaphore_mem>> -> memref<!tpu.dma_semaphore, #tpu.memory_space<semaphore_mem>>
        tpu.enqueue_indirect_dma source(%dma_start3A_68 : memref<10000x128xf32, #tpu.memory_space<hbm>>) target(%dma_start3A_62 : memref<64x128xf32, #tpu.memory_space<vmem>>) offsets(%dma_start3A_65 : memref<64xi32, #tpu.memory_space<vmem>>) semaphore(%dma_start3A_70 : memref<!tpu.dma_semaphore, #tpu.memory_space<semaphore_mem>>)
      } else {
      }
      %ge3A = arith.constant 3 : i32
      %ge3A_30 = arith.cmpi sge, %scan3A_27, %ge3A : i32
      %convert_element_type3A_31 = arith.extui %ge3A_30 : i1 to i32
      %cond3A_32 = arith.constant 0 : i32
      %cond3A_33 = arith.cmpi ne, %convert_element_type3A_31, %cond3A_32 : i32
      scf.if %cond3A_33 {
        %sub3A = arith.constant 3 : i32
        %sub3A_34 = arith.subi %scan3A_27, %sub3A : i32
        %jit3A = arith.constant 4 : i32
        %eq3A = arith.constant 0 : i32
        %eq3A_35 = arith.cmpi eq, %jit3A, %eq3A : i32
        %jit3A_36 = arith.constant 1 : i32
        %select_n3A = arith.select %eq3A_35, %jit3A_36, %jit3A : i32
        %rem3A = arith.remsi %sub3A_34, %select_n3A : i32
        %ne3A = arith.constant 0 : i32
        %ne3A_37 = arith.cmpi ne, %rem3A, %ne3A : i32
        %lt3A_38 = arith.constant 0 : i32
        %lt3A_39 = arith.cmpi slt, %rem3A, %lt3A_38 : i32
        %lt3A_40 = arith.constant 0 : i32
        %lt3A_41 = arith.cmpi slt, %select_n3A, %lt3A_40 : i32
        %ne3A_42 = arith.xori %lt3A_39, %lt3A_41 : i1
        %and3A = arith.andi %ne3A_42, %ne3A_37 : i1
        %add3A_43 = arith.addi %rem3A, %select_n3A : i32
        %select_n3A_44 = arith.select %and3A, %add3A_43, %rem3A : i32
        %mul3A_45 = arith.constant 64 : i32
        %mul3A_46 = arith.muli %select_n3A_44, %mul3A_45 : i32
        %jit3A_47 = arith.constant 4 : i32
        %eq3A_48 = arith.constant 0 : i32
        %eq3A_49 = arith.cmpi eq, %jit3A_47, %eq3A_48 : i32
        %jit3A_50 = arith.constant 1 : i32
        %select_n3A_51 = arith.select %eq3A_49, %jit3A_50, %jit3A_47 : i32
        %rem3A_52 = arith.remsi %sub3A_34, %select_n3A_51 : i32
        %ne3A_53 = arith.constant 0 : i32
        %ne3A_54 = arith.cmpi ne, %rem3A_52, %ne3A_53 : i32
        %lt3A_55 = arith.constant 0 : i32
        %lt3A_56 = arith.cmpi slt, %rem3A_52, %lt3A_55 : i32
        %lt3A_57 = arith.constant 0 : i32
        %lt3A_58 = arith.cmpi slt, %select_n3A_51, %lt3A_57 : i32
        %ne3A_59 = arith.xori %lt3A_56, %lt3A_58 : i1
        %and3A_60 = arith.andi %ne3A_59, %ne3A_54 : i1
        %add3A_61 = arith.addi %rem3A_52, %select_n3A_51 : i32
        %select_n3A_62 = arith.select %and3A_60, %add3A_61, %rem3A_52 : i32
        %dma_wait3A = arith.constant 0 : i32
        %dma_wait3A_63 = tpu.memref_slice %arg9[%mul3A_46, %dma_wait3A] : memref<256x128xf32, #tpu.memory_space<vmem>> -> memref<64x128xf32, #tpu.memory_space<vmem>>
        %dma_wait3A_64 = arith.constant 0 : i32
        %dma_wait3A_65 = tpu.memref_slice %arg7[%sub3A_34, %dma_wait3A_64] : memref<40x64xi32, #tpu.memory_space<vmem>> -> memref<1x64xi32, #tpu.memory_space<vmem>>
        %dma_wait3A_66 = tpu.memref_squeeze %dma_wait3A_65 : memref<1x64xi32, #tpu.memory_space<vmem>> -> memref<64xi32, #tpu.memory_space<vmem>>
        %dma_wait3A_67 = arith.constant 0 : i32
        %dma_wait3A_68 = arith.constant 0 : i32
        %dma_wait3A_69 = tpu.memref_slice %arg2[%dma_wait3A_67, %dma_wait3A_68] : memref<10000x128xf32, #tpu.memory_space<hbm>> -> memref<10000x128xf32, #tpu.memory_space<hbm>>
        %dma_wait3A_70 = tpu.memref_slice %arg11[%select_n3A_62] : memref<4x!tpu.dma_semaphore, #tpu.memory_space<semaphore_mem>> -> memref<1x!tpu.dma_semaphore, #tpu.memory_space<semaphore_mem>>
        %dma_wait3A_71 = tpu.memref_squeeze %dma_wait3A_70 : memref<1x!tpu.dma_semaphore, #tpu.memory_space<semaphore_mem>> -> memref<!tpu.dma_semaphore, #tpu.memory_space<semaphore_mem>>
        tpu.wait_indirect_dma semaphore(%dma_wait3A_71 : memref<!tpu.dma_semaphore, #tpu.memory_space<semaphore_mem>>) src(%dma_wait3A_69 : memref<10000x128xf32, #tpu.memory_space<hbm>>) dst(%dma_wait3A_63 : memref<64x128xf32, #tpu.memory_space<vmem>>)
        "tpu.region"() ({
          %run_scoped3A = tpu.sem_alloc : memref<!tpu.dma_semaphore, #tpu.memory_space<semaphore_mem>>
          %dma_start3A = arith.constant 0 : i32
          %dma_start3A_72 = tpu.memref_slice %arg9[%mul3A_46, %dma_start3A] : memref<256x128xf32, #tpu.memory_space<vmem>> -> memref<64x128xf32, #tpu.memory_space<vmem>>
          %dma_start3A_73 = arith.constant 0 : i32
          %dma_start3A_74 = tpu.memref_slice %arg8[%sub3A_34, %dma_start3A_73] : memref<40x64xi32, #tpu.memory_space<vmem>> -> memref<1x64xi32, #tpu.memory_space<vmem>>
          %dma_start3A_75 = tpu.memref_squeeze %dma_start3A_74 : memref<1x64xi32, #tpu.memory_space<vmem>> -> memref<64xi32, #tpu.memory_space<vmem>>
          %dma_start3A_76 = arith.constant 0 : i32
          %dma_start3A_77 = arith.constant 0 : i32
          %dma_start3A_78 = tpu.memref_slice %arg10[%dma_start3A_76, %dma_start3A_77] : memref<10112x128xf32, #tpu.memory_space<vmem_shared>> -> memref<10112x128xf32, #tpu.memory_space<vmem_shared>>
          tpu.enqueue_indirect_dma source(%dma_start3A_72 : memref<64x128xf32, #tpu.memory_space<vmem>>) target(%dma_start3A_78 : memref<10112x128xf32, #tpu.memory_space<vmem_shared>>) offsets(%dma_start3A_75 : memref<64xi32, #tpu.memory_space<vmem>>) semaphore(%run_scoped3A : memref<!tpu.dma_semaphore, #tpu.memory_space<semaphore_mem>>) {add = true}
          %dma_wait3A_79 = arith.constant 0 : i32
          %dma_wait3A_80 = tpu.memref_slice %arg9[%mul3A_46, %dma_wait3A_79] : memref<256x128xf32, #tpu.memory_space<vmem>> -> memref<64x128xf32, #tpu.memory_space<vmem>>
          %dma_wait3A_81 = arith.constant 0 : i32
          %dma_wait3A_82 = tpu.memref_slice %arg8[%sub3A_34, %dma_wait3A_81] : memref<40x64xi32, #tpu.memory_space<vmem>> -> memref<1x64xi32, #tpu.memory_space<vmem>>
          %dma_wait3A_83 = tpu.memref_squeeze %dma_wait3A_82 : memref<1x64xi32, #tpu.memory_space<vmem>> -> memref<64xi32, #tpu.memory_space<vmem>>
          %dma_wait3A_84 = arith.constant 0 : i32
          %dma_wait3A_85 = arith.constant 0 : i32
          %dma_wait3A_86 = tpu.memref_slice %arg10[%dma_wait3A_84, %dma_wait3A_85] : memref<10112x128xf32, #tpu.memory_space<vmem_shared>> -> memref<10112x128xf32, #tpu.memory_space<vmem_shared>>
          tpu.wait_indirect_dma semaphore(%run_scoped3A : memref<!tpu.dma_semaphore, #tpu.memory_space<semaphore_mem>>) src(%dma_wait3A_80 : memref<64x128xf32, #tpu.memory_space<vmem>>) dst(%dma_wait3A_86 : memref<10112x128xf32, #tpu.memory_space<vmem_shared>>)
          tpu.yield
        }) : () -> ()
      } else {
      }
    }
    %scan3A_7 = arith.constant 43 : i32
    "tpu.region"() ({
      %run_scoped3A = tpu.sem_alloc : memref<!tpu.dma_semaphore, #tpu.memory_space<semaphore_mem>>
      %dma_start3A = arith.constant 40 : i32
      %dma_start3A_27 = arith.constant 0 : i32
      %dma_start3A_28 = tpu.memref_slice %arg3[%add3A, %dma_start3A, %dma_start3A_27] : memref<32x160x64xi32, #tpu.memory_space<hbm>> -> memref<1x40x64xi32, #tpu.memory_space<hbm>>
      %dma_start3A_29 = tpu.memref_squeeze %dma_start3A_28 : memref<1x40x64xi32, #tpu.memory_space<hbm>> -> memref<40x64xi32, #tpu.memory_space<hbm>>
      %dma_start3A_30 = arith.constant 40 : i32
      %dma_start3A_31 = arith.constant 0 : i32
      %dma_start3A_32 = tpu.memref_slice %arg3[%add3A, %dma_start3A_30, %dma_start3A_31] : memref<32x160x64xi32, #tpu.memory_space<hbm>> -> memref<1x40x64xi32, #tpu.memory_space<hbm>>
      %dma_start3A_33 = tpu.memref_squeeze %dma_start3A_32 : memref<1x40x64xi32, #tpu.memory_space<hbm>> -> memref<40x64xi32, #tpu.memory_space<hbm>>
      tpu.enqueue_dma source(%dma_start3A_33 : memref<40x64xi32, #tpu.memory_space<hbm>>) target(%arg7 : memref<40x64xi32, #tpu.memory_space<vmem>>) target_semaphore(%run_scoped3A : memref<!tpu.dma_semaphore, #tpu.memory_space<semaphore_mem>>)
      %dma_wait3A = arith.constant 40 : i32
      %dma_wait3A_34 = arith.constant 0 : i32
      %dma_wait3A_35 = tpu.memref_slice %arg3[%add3A, %dma_wait3A, %dma_wait3A_34] : memref<32x160x64xi32, #tpu.memory_space<hbm>> -> memref<1x40x64xi32, #tpu.memory_space<hbm>>
      %dma_wait3A_36 = tpu.memref_squeeze %dma_wait3A_35 : memref<1x40x64xi32, #tpu.memory_space<hbm>> -> memref<40x64xi32, #tpu.memory_space<hbm>>
      %dma_wait3A_37 = arith.constant 40 : i32
      %dma_wait3A_38 = arith.constant 0 : i32
      %dma_wait3A_39 = tpu.memref_slice %arg3[%add3A, %dma_wait3A_37, %dma_wait3A_38] : memref<32x160x64xi32, #tpu.memory_space<hbm>> -> memref<1x40x64xi32, #tpu.memory_space<hbm>>
      %dma_wait3A_40 = tpu.memref_squeeze %dma_wait3A_39 : memref<1x40x64xi32, #tpu.memory_space<hbm>> -> memref<40x64xi32, #tpu.memory_space<hbm>>
      tpu.wait_dma2 semaphore(%run_scoped3A : memref<!tpu.dma_semaphore, #tpu.memory_space<semaphore_mem>>) src(%dma_wait3A_40 : memref<40x64xi32, #tpu.memory_space<hbm>>) dst(%arg7 : memref<40x64xi32, #tpu.memory_space<vmem>>)
      tpu.yield
    }) : () -> ()
    "tpu.region"() ({
      %run_scoped3A = tpu.sem_alloc : memref<!tpu.dma_semaphore, #tpu.memory_space<semaphore_mem>>
      %dma_start3A = arith.constant 40 : i32
      %dma_start3A_27 = arith.constant 0 : i32
      %dma_start3A_28 = tpu.memref_slice %arg4[%add3A, %dma_start3A, %dma_start3A_27] : memref<32x160x64xi32, #tpu.memory_space<hbm>> -> memref<1x40x64xi32, #tpu.memory_space<hbm>>
      %dma_start3A_29 = tpu.memref_squeeze %dma_start3A_28 : memref<1x40x64xi32, #tpu.memory_space<hbm>> -> memref<40x64xi32, #tpu.memory_space<hbm>>
      %dma_start3A_30 = arith.constant 40 : i32
      %dma_start3A_31 = arith.constant 0 : i32
      %dma_start3A_32 = tpu.memref_slice %arg4[%add3A, %dma_start3A_30, %dma_start3A_31] : memref<32x160x64xi32, #tpu.memory_space<hbm>> -> memref<1x40x64xi32, #tpu.memory_space<hbm>>
      %dma_start3A_33 = tpu.memref_squeeze %dma_start3A_32 : memref<1x40x64xi32, #tpu.memory_space<hbm>> -> memref<40x64xi32, #tpu.memory_space<hbm>>
      tpu.enqueue_dma source(%dma_start3A_33 : memref<40x64xi32, #tpu.memory_space<hbm>>) target(%arg8 : memref<40x64xi32, #tpu.memory_space<vmem>>) target_semaphore(%run_scoped3A : memref<!tpu.dma_semaphore, #tpu.memory_space<semaphore_mem>>)
      %dma_wait3A = arith.constant 40 : i32
      %dma_wait3A_34 = arith.constant 0 : i32
      %dma_wait3A_35 = tpu.memref_slice %arg4[%add3A, %dma_wait3A, %dma_wait3A_34] : memref<32x160x64xi32, #tpu.memory_space<hbm>> -> memref<1x40x64xi32, #tpu.memory_space<hbm>>
      %dma_wait3A_36 = tpu.memref_squeeze %dma_wait3A_35 : memref<1x40x64xi32, #tpu.memory_space<hbm>> -> memref<40x64xi32, #tpu.memory_space<hbm>>
      %dma_wait3A_37 = arith.constant 40 : i32
      %dma_wait3A_38 = arith.constant 0 : i32
      %dma_wait3A_39 = tpu.memref_slice %arg4[%add3A, %dma_wait3A_37, %dma_wait3A_38] : memref<32x160x64xi32, #tpu.memory_space<hbm>> -> memref<1x40x64xi32, #tpu.memory_space<hbm>>
      %dma_wait3A_40 = tpu.memref_squeeze %dma_wait3A_39 : memref<1x40x64xi32, #tpu.memory_space<hbm>> -> memref<40x64xi32, #tpu.memory_space<hbm>>
      tpu.wait_dma2 semaphore(%run_scoped3A : memref<!tpu.dma_semaphore, #tpu.memory_space<semaphore_mem>>) src(%dma_wait3A_40 : memref<40x64xi32, #tpu.memory_space<hbm>>) dst(%arg8 : memref<40x64xi32, #tpu.memory_space<vmem>>)
      tpu.yield
    }) : () -> ()
    %scan3A_8 = arith.constant 0 : i32
    %scan3A_9 = arith.constant 0 : i32
    %scan3A_10 = arith.constant 43 : i32
    %scan3A_11 = arith.addi %scan3A_9, %scan3A_10 : i32
    %scan3A_12 = arith.constant 1 : i32
    scf.for %scan3A_27 = %scan3A_9 to %scan3A_11 step %scan3A_12  : i32 {
      %lt3A = arith.constant 40 : i32
      %lt3A_28 = arith.cmpi slt, %scan3A_27, %lt3A : i32
      %convert_element_type3A = arith.extui %lt3A_28 : i1 to i32
      %cond3A = arith.constant 0 : i32
      %cond3A_29 = arith.cmpi ne, %convert_element_type3A, %cond3A : i32
      scf.if %cond3A_29 {
        %jit3A = arith.constant 4 : i32
        %eq3A = arith.constant 0 : i32
        %eq3A_34 = arith.cmpi eq, %jit3A, %eq3A : i32
        %jit3A_35 = arith.constant 1 : i32
        %select_n3A = arith.select %eq3A_34, %jit3A_35, %jit3A : i32
        %rem3A = arith.remsi %scan3A_27, %select_n3A : i32
        %ne3A = arith.constant 0 : i32
        %ne3A_36 = arith.cmpi ne, %rem3A, %ne3A : i32
        %lt3A_37 = arith.constant 0 : i32
        %lt3A_38 = arith.cmpi slt, %rem3A, %lt3A_37 : i32
        %lt3A_39 = arith.constant 0 : i32
        %lt3A_40 = arith.cmpi slt, %select_n3A, %lt3A_39 : i32
        %ne3A_41 = arith.xori %lt3A_38, %lt3A_40 : i1
        %and3A = arith.andi %ne3A_41, %ne3A_36 : i1
        %add3A_42 = arith.addi %rem3A, %select_n3A : i32
        %select_n3A_43 = arith.select %and3A, %add3A_42, %rem3A : i32
        %mul3A_44 = arith.constant 64 : i32
        %mul3A_45 = arith.muli %select_n3A_43, %mul3A_44 : i32
        %jit3A_46 = arith.constant 4 : i32
        %eq3A_47 = arith.constant 0 : i32
        %eq3A_48 = arith.cmpi eq, %jit3A_46, %eq3A_47 : i32
        %jit3A_49 = arith.constant 1 : i32
        %select_n3A_50 = arith.select %eq3A_48, %jit3A_49, %jit3A_46 : i32
        %rem3A_51 = arith.remsi %scan3A_27, %select_n3A_50 : i32
        %ne3A_52 = arith.constant 0 : i32
        %ne3A_53 = arith.cmpi ne, %rem3A_51, %ne3A_52 : i32
        %lt3A_54 = arith.constant 0 : i32
        %lt3A_55 = arith.cmpi slt, %rem3A_51, %lt3A_54 : i32
        %lt3A_56 = arith.constant 0 : i32
        %lt3A_57 = arith.cmpi slt, %select_n3A_50, %lt3A_56 : i32
        %ne3A_58 = arith.xori %lt3A_55, %lt3A_57 : i1
        %and3A_59 = arith.andi %ne3A_58, %ne3A_53 : i1
        %add3A_60 = arith.addi %rem3A_51, %select_n3A_50 : i32
        %select_n3A_61 = arith.select %and3A_59, %add3A_60, %rem3A_51 : i32
        %dma_start3A = arith.constant 0 : i32
        %dma_start3A_62 = tpu.memref_slice %arg9[%mul3A_45, %dma_start3A] : memref<256x128xf32, #tpu.memory_space<vmem>> -> memref<64x128xf32, #tpu.memory_space<vmem>>
        %dma_start3A_63 = arith.constant 0 : i32
        %dma_start3A_64 = tpu.memref_slice %arg7[%scan3A_27, %dma_start3A_63] : memref<40x64xi32, #tpu.memory_space<vmem>> -> memref<1x64xi32, #tpu.memory_space<vmem>>
        %dma_start3A_65 = tpu.memref_squeeze %dma_start3A_64 : memref<1x64xi32, #tpu.memory_space<vmem>> -> memref<64xi32, #tpu.memory_space<vmem>>
        %dma_start3A_66 = arith.constant 0 : i32
        %dma_start3A_67 = arith.constant 0 : i32
        %dma_start3A_68 = tpu.memref_slice %arg2[%dma_start3A_66, %dma_start3A_67] : memref<10000x128xf32, #tpu.memory_space<hbm>> -> memref<10000x128xf32, #tpu.memory_space<hbm>>
        %dma_start3A_69 = tpu.memref_slice %arg11[%select_n3A_61] : memref<4x!tpu.dma_semaphore, #tpu.memory_space<semaphore_mem>> -> memref<1x!tpu.dma_semaphore, #tpu.memory_space<semaphore_mem>>
        %dma_start3A_70 = tpu.memref_squeeze %dma_start3A_69 : memref<1x!tpu.dma_semaphore, #tpu.memory_space<semaphore_mem>> -> memref<!tpu.dma_semaphore, #tpu.memory_space<semaphore_mem>>
        tpu.enqueue_indirect_dma source(%dma_start3A_68 : memref<10000x128xf32, #tpu.memory_space<hbm>>) target(%dma_start3A_62 : memref<64x128xf32, #tpu.memory_space<vmem>>) offsets(%dma_start3A_65 : memref<64xi32, #tpu.memory_space<vmem>>) semaphore(%dma_start3A_70 : memref<!tpu.dma_semaphore, #tpu.memory_space<semaphore_mem>>)
      } else {
      }
      %ge3A = arith.constant 3 : i32
      %ge3A_30 = arith.cmpi sge, %scan3A_27, %ge3A : i32
      %convert_element_type3A_31 = arith.extui %ge3A_30 : i1 to i32
      %cond3A_32 = arith.constant 0 : i32
      %cond3A_33 = arith.cmpi ne, %convert_element_type3A_31, %cond3A_32 : i32
      scf.if %cond3A_33 {
        %sub3A = arith.constant 3 : i32
        %sub3A_34 = arith.subi %scan3A_27, %sub3A : i32
        %jit3A = arith.constant 4 : i32
        %eq3A = arith.constant 0 : i32
        %eq3A_35 = arith.cmpi eq, %jit3A, %eq3A : i32
        %jit3A_36 = arith.constant 1 : i32
        %select_n3A = arith.select %eq3A_35, %jit3A_36, %jit3A : i32
        %rem3A = arith.remsi %sub3A_34, %select_n3A : i32
        %ne3A = arith.constant 0 : i32
        %ne3A_37 = arith.cmpi ne, %rem3A, %ne3A : i32
        %lt3A_38 = arith.constant 0 : i32
        %lt3A_39 = arith.cmpi slt, %rem3A, %lt3A_38 : i32
        %lt3A_40 = arith.constant 0 : i32
        %lt3A_41 = arith.cmpi slt, %select_n3A, %lt3A_40 : i32
        %ne3A_42 = arith.xori %lt3A_39, %lt3A_41 : i1
        %and3A = arith.andi %ne3A_42, %ne3A_37 : i1
        %add3A_43 = arith.addi %rem3A, %select_n3A : i32
        %select_n3A_44 = arith.select %and3A, %add3A_43, %rem3A : i32
        %mul3A_45 = arith.constant 64 : i32
        %mul3A_46 = arith.muli %select_n3A_44, %mul3A_45 : i32
        %jit3A_47 = arith.constant 4 : i32
        %eq3A_48 = arith.constant 0 : i32
        %eq3A_49 = arith.cmpi eq, %jit3A_47, %eq3A_48 : i32
        %jit3A_50 = arith.constant 1 : i32
        %select_n3A_51 = arith.select %eq3A_49, %jit3A_50, %jit3A_47 : i32
        %rem3A_52 = arith.remsi %sub3A_34, %select_n3A_51 : i32
        %ne3A_53 = arith.constant 0 : i32
        %ne3A_54 = arith.cmpi ne, %rem3A_52, %ne3A_53 : i32
        %lt3A_55 = arith.constant 0 : i32
        %lt3A_56 = arith.cmpi slt, %rem3A_52, %lt3A_55 : i32
        %lt3A_57 = arith.constant 0 : i32
        %lt3A_58 = arith.cmpi slt, %select_n3A_51, %lt3A_57 : i32
        %ne3A_59 = arith.xori %lt3A_56, %lt3A_58 : i1
        %and3A_60 = arith.andi %ne3A_59, %ne3A_54 : i1
        %add3A_61 = arith.addi %rem3A_52, %select_n3A_51 : i32
        %select_n3A_62 = arith.select %and3A_60, %add3A_61, %rem3A_52 : i32
        %dma_wait3A = arith.constant 0 : i32
        %dma_wait3A_63 = tpu.memref_slice %arg9[%mul3A_46, %dma_wait3A] : memref<256x128xf32, #tpu.memory_space<vmem>> -> memref<64x128xf32, #tpu.memory_space<vmem>>
        %dma_wait3A_64 = arith.constant 0 : i32
        %dma_wait3A_65 = tpu.memref_slice %arg7[%sub3A_34, %dma_wait3A_64] : memref<40x64xi32, #tpu.memory_space<vmem>> -> memref<1x64xi32, #tpu.memory_space<vmem>>
        %dma_wait3A_66 = tpu.memref_squeeze %dma_wait3A_65 : memref<1x64xi32, #tpu.memory_space<vmem>> -> memref<64xi32, #tpu.memory_space<vmem>>
        %dma_wait3A_67 = arith.constant 0 : i32
        %dma_wait3A_68 = arith.constant 0 : i32
        %dma_wait3A_69 = tpu.memref_slice %arg2[%dma_wait3A_67, %dma_wait3A_68] : memref<10000x128xf32, #tpu.memory_space<hbm>> -> memref<10000x128xf32, #tpu.memory_space<hbm>>
        %dma_wait3A_70 = tpu.memref_slice %arg11[%select_n3A_62] : memref<4x!tpu.dma_semaphore, #tpu.memory_space<semaphore_mem>> -> memref<1x!tpu.dma_semaphore, #tpu.memory_space<semaphore_mem>>
        %dma_wait3A_71 = tpu.memref_squeeze %dma_wait3A_70 : memref<1x!tpu.dma_semaphore, #tpu.memory_space<semaphore_mem>> -> memref<!tpu.dma_semaphore, #tpu.memory_space<semaphore_mem>>
        tpu.wait_indirect_dma semaphore(%dma_wait3A_71 : memref<!tpu.dma_semaphore, #tpu.memory_space<semaphore_mem>>) src(%dma_wait3A_69 : memref<10000x128xf32, #tpu.memory_space<hbm>>) dst(%dma_wait3A_63 : memref<64x128xf32, #tpu.memory_space<vmem>>)
        "tpu.region"() ({
          %run_scoped3A = tpu.sem_alloc : memref<!tpu.dma_semaphore, #tpu.memory_space<semaphore_mem>>
          %dma_start3A = arith.constant 0 : i32
          %dma_start3A_72 = tpu.memref_slice %arg9[%mul3A_46, %dma_start3A] : memref<256x128xf32, #tpu.memory_space<vmem>> -> memref<64x128xf32, #tpu.memory_space<vmem>>
          %dma_start3A_73 = arith.constant 0 : i32
          %dma_start3A_74 = tpu.memref_slice %arg8[%sub3A_34, %dma_start3A_73] : memref<40x64xi32, #tpu.memory_space<vmem>> -> memref<1x64xi32, #tpu.memory_space<vmem>>
          %dma_start3A_75 = tpu.memref_squeeze %dma_start3A_74 : memref<1x64xi32, #tpu.memory_space<vmem>> -> memref<64xi32, #tpu.memory_space<vmem>>
          %dma_start3A_76 = arith.constant 0 : i32
          %dma_start3A_77 = arith.constant 0 : i32
          %dma_start3A_78 = tpu.memref_slice %arg10[%dma_start3A_76, %dma_start3A_77] : memref<10112x128xf32, #tpu.memory_space<vmem_shared>> -> memref<10112x128xf32, #tpu.memory_space<vmem_shared>>
          tpu.enqueue_indirect_dma source(%dma_start3A_72 : memref<64x128xf32, #tpu.memory_space<vmem>>) target(%dma_start3A_78 : memref<10112x128xf32, #tpu.memory_space<vmem_shared>>) offsets(%dma_start3A_75 : memref<64xi32, #tpu.memory_space<vmem>>) semaphore(%run_scoped3A : memref<!tpu.dma_semaphore, #tpu.memory_space<semaphore_mem>>) {add = true}
          %dma_wait3A_79 = arith.constant 0 : i32
          %dma_wait3A_80 = tpu.memref_slice %arg9[%mul3A_46, %dma_wait3A_79] : memref<256x128xf32, #tpu.memory_space<vmem>> -> memref<64x128xf32, #tpu.memory_space<vmem>>
          %dma_wait3A_81 = arith.constant 0 : i32
          %dma_wait3A_82 = tpu.memref_slice %arg8[%sub3A_34, %dma_wait3A_81] : memref<40x64xi32, #tpu.memory_space<vmem>> -> memref<1x64xi32, #tpu.memory_space<vmem>>
          %dma_wait3A_83 = tpu.memref_squeeze %dma_wait3A_82 : memref<1x64xi32, #tpu.memory_space<vmem>> -> memref<64xi32, #tpu.memory_space<vmem>>
          %dma_wait3A_84 = arith.constant 0 : i32
          %dma_wait3A_85 = arith.constant 0 : i32
          %dma_wait3A_86 = tpu.memref_slice %arg10[%dma_wait3A_84, %dma_wait3A_85] : memref<10112x128xf32, #tpu.memory_space<vmem_shared>> -> memref<10112x128xf32, #tpu.memory_space<vmem_shared>>
          tpu.wait_indirect_dma semaphore(%run_scoped3A : memref<!tpu.dma_semaphore, #tpu.memory_space<semaphore_mem>>) src(%dma_wait3A_80 : memref<64x128xf32, #tpu.memory_space<vmem>>) dst(%dma_wait3A_86 : memref<10112x128xf32, #tpu.memory_space<vmem_shared>>)
          tpu.yield
        }) : () -> ()
      } else {
      }
    }
    %scan3A_13 = arith.constant 43 : i32
    "tpu.region"() ({
      %run_scoped3A = tpu.sem_alloc : memref<!tpu.dma_semaphore, #tpu.memory_space<semaphore_mem>>
      %dma_start3A = arith.constant 80 : i32
      %dma_start3A_27 = arith.constant 0 : i32
      %dma_start3A_28 = tpu.memref_slice %arg3[%add3A, %dma_start3A, %dma_start3A_27] : memref<32x160x64xi32, #tpu.memory_space<hbm>> -> memref<1x40x64xi32, #tpu.memory_space<hbm>>
      %dma_start3A_29 = tpu.memref_squeeze %dma_start3A_28 : memref<1x40x64xi32, #tpu.memory_space<hbm>> -> memref<40x64xi32, #tpu.memory_space<hbm>>
      %dma_start3A_30 = arith.constant 80 : i32
      %dma_start3A_31 = arith.constant 0 : i32
      %dma_start3A_32 = tpu.memref_slice %arg3[%add3A, %dma_start3A_30, %dma_start3A_31] : memref<32x160x64xi32, #tpu.memory_space<hbm>> -> memref<1x40x64xi32, #tpu.memory_space<hbm>>
      %dma_start3A_33 = tpu.memref_squeeze %dma_start3A_32 : memref<1x40x64xi32, #tpu.memory_space<hbm>> -> memref<40x64xi32, #tpu.memory_space<hbm>>
      tpu.enqueue_dma source(%dma_start3A_33 : memref<40x64xi32, #tpu.memory_space<hbm>>) target(%arg7 : memref<40x64xi32, #tpu.memory_space<vmem>>) target_semaphore(%run_scoped3A : memref<!tpu.dma_semaphore, #tpu.memory_space<semaphore_mem>>)
      %dma_wait3A = arith.constant 80 : i32
      %dma_wait3A_34 = arith.constant 0 : i32
      %dma_wait3A_35 = tpu.memref_slice %arg3[%add3A, %dma_wait3A, %dma_wait3A_34] : memref<32x160x64xi32, #tpu.memory_space<hbm>> -> memref<1x40x64xi32, #tpu.memory_space<hbm>>
      %dma_wait3A_36 = tpu.memref_squeeze %dma_wait3A_35 : memref<1x40x64xi32, #tpu.memory_space<hbm>> -> memref<40x64xi32, #tpu.memory_space<hbm>>
      %dma_wait3A_37 = arith.constant 80 : i32
      %dma_wait3A_38 = arith.constant 0 : i32
      %dma_wait3A_39 = tpu.memref_slice %arg3[%add3A, %dma_wait3A_37, %dma_wait3A_38] : memref<32x160x64xi32, #tpu.memory_space<hbm>> -> memref<1x40x64xi32, #tpu.memory_space<hbm>>
      %dma_wait3A_40 = tpu.memref_squeeze %dma_wait3A_39 : memref<1x40x64xi32, #tpu.memory_space<hbm>> -> memref<40x64xi32, #tpu.memory_space<hbm>>
      tpu.wait_dma2 semaphore(%run_scoped3A : memref<!tpu.dma_semaphore, #tpu.memory_space<semaphore_mem>>) src(%dma_wait3A_40 : memref<40x64xi32, #tpu.memory_space<hbm>>) dst(%arg7 : memref<40x64xi32, #tpu.memory_space<vmem>>)
      tpu.yield
    }) : () -> ()
    "tpu.region"() ({
      %run_scoped3A = tpu.sem_alloc : memref<!tpu.dma_semaphore, #tpu.memory_space<semaphore_mem>>
      %dma_start3A = arith.constant 80 : i32
      %dma_start3A_27 = arith.constant 0 : i32
      %dma_start3A_28 = tpu.memref_slice %arg4[%add3A, %dma_start3A, %dma_start3A_27] : memref<32x160x64xi32, #tpu.memory_space<hbm>> -> memref<1x40x64xi32, #tpu.memory_space<hbm>>
      %dma_start3A_29 = tpu.memref_squeeze %dma_start3A_28 : memref<1x40x64xi32, #tpu.memory_space<hbm>> -> memref<40x64xi32, #tpu.memory_space<hbm>>
      %dma_start3A_30 = arith.constant 80 : i32
      %dma_start3A_31 = arith.constant 0 : i32
      %dma_start3A_32 = tpu.memref_slice %arg4[%add3A, %dma_start3A_30, %dma_start3A_31] : memref<32x160x64xi32, #tpu.memory_space<hbm>> -> memref<1x40x64xi32, #tpu.memory_space<hbm>>
      %dma_start3A_33 = tpu.memref_squeeze %dma_start3A_32 : memref<1x40x64xi32, #tpu.memory_space<hbm>> -> memref<40x64xi32, #tpu.memory_space<hbm>>
      tpu.enqueue_dma source(%dma_start3A_33 : memref<40x64xi32, #tpu.memory_space<hbm>>) target(%arg8 : memref<40x64xi32, #tpu.memory_space<vmem>>) target_semaphore(%run_scoped3A : memref<!tpu.dma_semaphore, #tpu.memory_space<semaphore_mem>>)
      %dma_wait3A = arith.constant 80 : i32
      %dma_wait3A_34 = arith.constant 0 : i32
      %dma_wait3A_35 = tpu.memref_slice %arg4[%add3A, %dma_wait3A, %dma_wait3A_34] : memref<32x160x64xi32, #tpu.memory_space<hbm>> -> memref<1x40x64xi32, #tpu.memory_space<hbm>>
      %dma_wait3A_36 = tpu.memref_squeeze %dma_wait3A_35 : memref<1x40x64xi32, #tpu.memory_space<hbm>> -> memref<40x64xi32, #tpu.memory_space<hbm>>
      %dma_wait3A_37 = arith.constant 80 : i32
      %dma_wait3A_38 = arith.constant 0 : i32
      %dma_wait3A_39 = tpu.memref_slice %arg4[%add3A, %dma_wait3A_37, %dma_wait3A_38] : memref<32x160x64xi32, #tpu.memory_space<hbm>> -> memref<1x40x64xi32, #tpu.memory_space<hbm>>
      %dma_wait3A_40 = tpu.memref_squeeze %dma_wait3A_39 : memref<1x40x64xi32, #tpu.memory_space<hbm>> -> memref<40x64xi32, #tpu.memory_space<hbm>>
      tpu.wait_dma2 semaphore(%run_scoped3A : memref<!tpu.dma_semaphore, #tpu.memory_space<semaphore_mem>>) src(%dma_wait3A_40 : memref<40x64xi32, #tpu.memory_space<hbm>>) dst(%arg8 : memref<40x64xi32, #tpu.memory_space<vmem>>)
      tpu.yield
    }) : () -> ()
    %scan3A_14 = arith.constant 0 : i32
    %scan3A_15 = arith.constant 0 : i32
    %scan3A_16 = arith.constant 43 : i32
    %scan3A_17 = arith.addi %scan3A_15, %scan3A_16 : i32
    %scan3A_18 = arith.constant 1 : i32
    scf.for %scan3A_27 = %scan3A_15 to %scan3A_17 step %scan3A_18  : i32 {
      %lt3A = arith.constant 40 : i32
      %lt3A_28 = arith.cmpi slt, %scan3A_27, %lt3A : i32
      %convert_element_type3A = arith.extui %lt3A_28 : i1 to i32
      %cond3A = arith.constant 0 : i32
      %cond3A_29 = arith.cmpi ne, %convert_element_type3A, %cond3A : i32
      scf.if %cond3A_29 {
        %jit3A = arith.constant 4 : i32
        %eq3A = arith.constant 0 : i32
        %eq3A_34 = arith.cmpi eq, %jit3A, %eq3A : i32
        %jit3A_35 = arith.constant 1 : i32
        %select_n3A = arith.select %eq3A_34, %jit3A_35, %jit3A : i32
        %rem3A = arith.remsi %scan3A_27, %select_n3A : i32
        %ne3A = arith.constant 0 : i32
        %ne3A_36 = arith.cmpi ne, %rem3A, %ne3A : i32
        %lt3A_37 = arith.constant 0 : i32
        %lt3A_38 = arith.cmpi slt, %rem3A, %lt3A_37 : i32
        %lt3A_39 = arith.constant 0 : i32
        %lt3A_40 = arith.cmpi slt, %select_n3A, %lt3A_39 : i32
        %ne3A_41 = arith.xori %lt3A_38, %lt3A_40 : i1
        %and3A = arith.andi %ne3A_41, %ne3A_36 : i1
        %add3A_42 = arith.addi %rem3A, %select_n3A : i32
        %select_n3A_43 = arith.select %and3A, %add3A_42, %rem3A : i32
        %mul3A_44 = arith.constant 64 : i32
        %mul3A_45 = arith.muli %select_n3A_43, %mul3A_44 : i32
        %jit3A_46 = arith.constant 4 : i32
        %eq3A_47 = arith.constant 0 : i32
        %eq3A_48 = arith.cmpi eq, %jit3A_46, %eq3A_47 : i32
        %jit3A_49 = arith.constant 1 : i32
        %select_n3A_50 = arith.select %eq3A_48, %jit3A_49, %jit3A_46 : i32
        %rem3A_51 = arith.remsi %scan3A_27, %select_n3A_50 : i32
        %ne3A_52 = arith.constant 0 : i32
        %ne3A_53 = arith.cmpi ne, %rem3A_51, %ne3A_52 : i32
        %lt3A_54 = arith.constant 0 : i32
        %lt3A_55 = arith.cmpi slt, %rem3A_51, %lt3A_54 : i32
        %lt3A_56 = arith.constant 0 : i32
        %lt3A_57 = arith.cmpi slt, %select_n3A_50, %lt3A_56 : i32
        %ne3A_58 = arith.xori %lt3A_55, %lt3A_57 : i1
        %and3A_59 = arith.andi %ne3A_58, %ne3A_53 : i1
        %add3A_60 = arith.addi %rem3A_51, %select_n3A_50 : i32
        %select_n3A_61 = arith.select %and3A_59, %add3A_60, %rem3A_51 : i32
        %dma_start3A = arith.constant 0 : i32
        %dma_start3A_62 = tpu.memref_slice %arg9[%mul3A_45, %dma_start3A] : memref<256x128xf32, #tpu.memory_space<vmem>> -> memref<64x128xf32, #tpu.memory_space<vmem>>
        %dma_start3A_63 = arith.constant 0 : i32
        %dma_start3A_64 = tpu.memref_slice %arg7[%scan3A_27, %dma_start3A_63] : memref<40x64xi32, #tpu.memory_space<vmem>> -> memref<1x64xi32, #tpu.memory_space<vmem>>
        %dma_start3A_65 = tpu.memref_squeeze %dma_start3A_64 : memref<1x64xi32, #tpu.memory_space<vmem>> -> memref<64xi32, #tpu.memory_space<vmem>>
        %dma_start3A_66 = arith.constant 0 : i32
        %dma_start3A_67 = arith.constant 0 : i32
        %dma_start3A_68 = tpu.memref_slice %arg2[%dma_start3A_66, %dma_start3A_67] : memref<10000x128xf32, #tpu.memory_space<hbm>> -> memref<10000x128xf32, #tpu.memory_space<hbm>>
        %dma_start3A_69 = tpu.memref_slice %arg11[%select_n3A_61] : memref<4x!tpu.dma_semaphore, #tpu.memory_space<semaphore_mem>> -> memref<1x!tpu.dma_semaphore, #tpu.memory_space<semaphore_mem>>
        %dma_start3A_70 = tpu.memref_squeeze %dma_start3A_69 : memref<1x!tpu.dma_semaphore, #tpu.memory_space<semaphore_mem>> -> memref<!tpu.dma_semaphore, #tpu.memory_space<semaphore_mem>>
        tpu.enqueue_indirect_dma source(%dma_start3A_68 : memref<10000x128xf32, #tpu.memory_space<hbm>>) target(%dma_start3A_62 : memref<64x128xf32, #tpu.memory_space<vmem>>) offsets(%dma_start3A_65 : memref<64xi32, #tpu.memory_space<vmem>>) semaphore(%dma_start3A_70 : memref<!tpu.dma_semaphore, #tpu.memory_space<semaphore_mem>>)
      } else {
      }
      %ge3A = arith.constant 3 : i32
      %ge3A_30 = arith.cmpi sge, %scan3A_27, %ge3A : i32
      %convert_element_type3A_31 = arith.extui %ge3A_30 : i1 to i32
      %cond3A_32 = arith.constant 0 : i32
      %cond3A_33 = arith.cmpi ne, %convert_element_type3A_31, %cond3A_32 : i32
      scf.if %cond3A_33 {
        %sub3A = arith.constant 3 : i32
        %sub3A_34 = arith.subi %scan3A_27, %sub3A : i32
        %jit3A = arith.constant 4 : i32
        %eq3A = arith.constant 0 : i32
        %eq3A_35 = arith.cmpi eq, %jit3A, %eq3A : i32
        %jit3A_36 = arith.constant 1 : i32
        %select_n3A = arith.select %eq3A_35, %jit3A_36, %jit3A : i32
        %rem3A = arith.remsi %sub3A_34, %select_n3A : i32
        %ne3A = arith.constant 0 : i32
        %ne3A_37 = arith.cmpi ne, %rem3A, %ne3A : i32
        %lt3A_38 = arith.constant 0 : i32
        %lt3A_39 = arith.cmpi slt, %rem3A, %lt3A_38 : i32
        %lt3A_40 = arith.constant 0 : i32
        %lt3A_41 = arith.cmpi slt, %select_n3A, %lt3A_40 : i32
        %ne3A_42 = arith.xori %lt3A_39, %lt3A_41 : i1
        %and3A = arith.andi %ne3A_42, %ne3A_37 : i1
        %add3A_43 = arith.addi %rem3A, %select_n3A : i32
        %select_n3A_44 = arith.select %and3A, %add3A_43, %rem3A : i32
        %mul3A_45 = arith.constant 64 : i32
        %mul3A_46 = arith.muli %select_n3A_44, %mul3A_45 : i32
        %jit3A_47 = arith.constant 4 : i32
        %eq3A_48 = arith.constant 0 : i32
        %eq3A_49 = arith.cmpi eq, %jit3A_47, %eq3A_48 : i32
        %jit3A_50 = arith.constant 1 : i32
        %select_n3A_51 = arith.select %eq3A_49, %jit3A_50, %jit3A_47 : i32
        %rem3A_52 = arith.remsi %sub3A_34, %select_n3A_51 : i32
        %ne3A_53 = arith.constant 0 : i32
        %ne3A_54 = arith.cmpi ne, %rem3A_52, %ne3A_53 : i32
        %lt3A_55 = arith.constant 0 : i32
        %lt3A_56 = arith.cmpi slt, %rem3A_52, %lt3A_55 : i32
        %lt3A_57 = arith.constant 0 : i32
        %lt3A_58 = arith.cmpi slt, %select_n3A_51, %lt3A_57 : i32
        %ne3A_59 = arith.xori %lt3A_56, %lt3A_58 : i1
        %and3A_60 = arith.andi %ne3A_59, %ne3A_54 : i1
        %add3A_61 = arith.addi %rem3A_52, %select_n3A_51 : i32
        %select_n3A_62 = arith.select %and3A_60, %add3A_61, %rem3A_52 : i32
        %dma_wait3A = arith.constant 0 : i32
        %dma_wait3A_63 = tpu.memref_slice %arg9[%mul3A_46, %dma_wait3A] : memref<256x128xf32, #tpu.memory_space<vmem>> -> memref<64x128xf32, #tpu.memory_space<vmem>>
        %dma_wait3A_64 = arith.constant 0 : i32
        %dma_wait3A_65 = tpu.memref_slice %arg7[%sub3A_34, %dma_wait3A_64] : memref<40x64xi32, #tpu.memory_space<vmem>> -> memref<1x64xi32, #tpu.memory_space<vmem>>
        %dma_wait3A_66 = tpu.memref_squeeze %dma_wait3A_65 : memref<1x64xi32, #tpu.memory_space<vmem>> -> memref<64xi32, #tpu.memory_space<vmem>>
        %dma_wait3A_67 = arith.constant 0 : i32
        %dma_wait3A_68 = arith.constant 0 : i32
        %dma_wait3A_69 = tpu.memref_slice %arg2[%dma_wait3A_67, %dma_wait3A_68] : memref<10000x128xf32, #tpu.memory_space<hbm>> -> memref<10000x128xf32, #tpu.memory_space<hbm>>
        %dma_wait3A_70 = tpu.memref_slice %arg11[%select_n3A_62] : memref<4x!tpu.dma_semaphore, #tpu.memory_space<semaphore_mem>> -> memref<1x!tpu.dma_semaphore, #tpu.memory_space<semaphore_mem>>
        %dma_wait3A_71 = tpu.memref_squeeze %dma_wait3A_70 : memref<1x!tpu.dma_semaphore, #tpu.memory_space<semaphore_mem>> -> memref<!tpu.dma_semaphore, #tpu.memory_space<semaphore_mem>>
        tpu.wait_indirect_dma semaphore(%dma_wait3A_71 : memref<!tpu.dma_semaphore, #tpu.memory_space<semaphore_mem>>) src(%dma_wait3A_69 : memref<10000x128xf32, #tpu.memory_space<hbm>>) dst(%dma_wait3A_63 : memref<64x128xf32, #tpu.memory_space<vmem>>)
        "tpu.region"() ({
          %run_scoped3A = tpu.sem_alloc : memref<!tpu.dma_semaphore, #tpu.memory_space<semaphore_mem>>
          %dma_start3A = arith.constant 0 : i32
          %dma_start3A_72 = tpu.memref_slice %arg9[%mul3A_46, %dma_start3A] : memref<256x128xf32, #tpu.memory_space<vmem>> -> memref<64x128xf32, #tpu.memory_space<vmem>>
          %dma_start3A_73 = arith.constant 0 : i32
          %dma_start3A_74 = tpu.memref_slice %arg8[%sub3A_34, %dma_start3A_73] : memref<40x64xi32, #tpu.memory_space<vmem>> -> memref<1x64xi32, #tpu.memory_space<vmem>>
          %dma_start3A_75 = tpu.memref_squeeze %dma_start3A_74 : memref<1x64xi32, #tpu.memory_space<vmem>> -> memref<64xi32, #tpu.memory_space<vmem>>
          %dma_start3A_76 = arith.constant 0 : i32
          %dma_start3A_77 = arith.constant 0 : i32
          %dma_start3A_78 = tpu.memref_slice %arg10[%dma_start3A_76, %dma_start3A_77] : memref<10112x128xf32, #tpu.memory_space<vmem_shared>> -> memref<10112x128xf32, #tpu.memory_space<vmem_shared>>
          tpu.enqueue_indirect_dma source(%dma_start3A_72 : memref<64x128xf32, #tpu.memory_space<vmem>>) target(%dma_start3A_78 : memref<10112x128xf32, #tpu.memory_space<vmem_shared>>) offsets(%dma_start3A_75 : memref<64xi32, #tpu.memory_space<vmem>>) semaphore(%run_scoped3A : memref<!tpu.dma_semaphore, #tpu.memory_space<semaphore_mem>>) {add = true}
          %dma_wait3A_79 = arith.constant 0 : i32
          %dma_wait3A_80 = tpu.memref_slice %arg9[%mul3A_46, %dma_wait3A_79] : memref<256x128xf32, #tpu.memory_space<vmem>> -> memref<64x128xf32, #tpu.memory_space<vmem>>
          %dma_wait3A_81 = arith.constant 0 : i32
          %dma_wait3A_82 = tpu.memref_slice %arg8[%sub3A_34, %dma_wait3A_81] : memref<40x64xi32, #tpu.memory_space<vmem>> -> memref<1x64xi32, #tpu.memory_space<vmem>>
          %dma_wait3A_83 = tpu.memref_squeeze %dma_wait3A_82 : memref<1x64xi32, #tpu.memory_space<vmem>> -> memref<64xi32, #tpu.memory_space<vmem>>
          %dma_wait3A_84 = arith.constant 0 : i32
          %dma_wait3A_85 = arith.constant 0 : i32
          %dma_wait3A_86 = tpu.memref_slice %arg10[%dma_wait3A_84, %dma_wait3A_85] : memref<10112x128xf32, #tpu.memory_space<vmem_shared>> -> memref<10112x128xf32, #tpu.memory_space<vmem_shared>>
          tpu.wait_indirect_dma semaphore(%run_scoped3A : memref<!tpu.dma_semaphore, #tpu.memory_space<semaphore_mem>>) src(%dma_wait3A_80 : memref<64x128xf32, #tpu.memory_space<vmem>>) dst(%dma_wait3A_86 : memref<10112x128xf32, #tpu.memory_space<vmem_shared>>)
          tpu.yield
        }) : () -> ()
      } else {
      }
    }
    %scan3A_19 = arith.constant 43 : i32
    "tpu.region"() ({
      %run_scoped3A = tpu.sem_alloc : memref<!tpu.dma_semaphore, #tpu.memory_space<semaphore_mem>>
      %dma_start3A = arith.constant 120 : i32
      %dma_start3A_27 = arith.constant 0 : i32
      %dma_start3A_28 = tpu.memref_slice %arg3[%add3A, %dma_start3A, %dma_start3A_27] : memref<32x160x64xi32, #tpu.memory_space<hbm>> -> memref<1x40x64xi32, #tpu.memory_space<hbm>>
      %dma_start3A_29 = tpu.memref_squeeze %dma_start3A_28 : memref<1x40x64xi32, #tpu.memory_space<hbm>> -> memref<40x64xi32, #tpu.memory_space<hbm>>
      %dma_start3A_30 = arith.constant 120 : i32
      %dma_start3A_31 = arith.constant 0 : i32
      %dma_start3A_32 = tpu.memref_slice %arg3[%add3A, %dma_start3A_30, %dma_start3A_31] : memref<32x160x64xi32, #tpu.memory_space<hbm>> -> memref<1x40x64xi32, #tpu.memory_space<hbm>>
      %dma_start3A_33 = tpu.memref_squeeze %dma_start3A_32 : memref<1x40x64xi32, #tpu.memory_space<hbm>> -> memref<40x64xi32, #tpu.memory_space<hbm>>
      tpu.enqueue_dma source(%dma_start3A_33 : memref<40x64xi32, #tpu.memory_space<hbm>>) target(%arg7 : memref<40x64xi32, #tpu.memory_space<vmem>>) target_semaphore(%run_scoped3A : memref<!tpu.dma_semaphore, #tpu.memory_space<semaphore_mem>>)
      %dma_wait3A = arith.constant 120 : i32
      %dma_wait3A_34 = arith.constant 0 : i32
      %dma_wait3A_35 = tpu.memref_slice %arg3[%add3A, %dma_wait3A, %dma_wait3A_34] : memref<32x160x64xi32, #tpu.memory_space<hbm>> -> memref<1x40x64xi32, #tpu.memory_space<hbm>>
      %dma_wait3A_36 = tpu.memref_squeeze %dma_wait3A_35 : memref<1x40x64xi32, #tpu.memory_space<hbm>> -> memref<40x64xi32, #tpu.memory_space<hbm>>
      %dma_wait3A_37 = arith.constant 120 : i32
      %dma_wait3A_38 = arith.constant 0 : i32
      %dma_wait3A_39 = tpu.memref_slice %arg3[%add3A, %dma_wait3A_37, %dma_wait3A_38] : memref<32x160x64xi32, #tpu.memory_space<hbm>> -> memref<1x40x64xi32, #tpu.memory_space<hbm>>
      %dma_wait3A_40 = tpu.memref_squeeze %dma_wait3A_39 : memref<1x40x64xi32, #tpu.memory_space<hbm>> -> memref<40x64xi32, #tpu.memory_space<hbm>>
      tpu.wait_dma2 semaphore(%run_scoped3A : memref<!tpu.dma_semaphore, #tpu.memory_space<semaphore_mem>>) src(%dma_wait3A_40 : memref<40x64xi32, #tpu.memory_space<hbm>>) dst(%arg7 : memref<40x64xi32, #tpu.memory_space<vmem>>)
      tpu.yield
    }) : () -> ()
    "tpu.region"() ({
      %run_scoped3A = tpu.sem_alloc : memref<!tpu.dma_semaphore, #tpu.memory_space<semaphore_mem>>
      %dma_start3A = arith.constant 120 : i32
      %dma_start3A_27 = arith.constant 0 : i32
      %dma_start3A_28 = tpu.memref_slice %arg4[%add3A, %dma_start3A, %dma_start3A_27] : memref<32x160x64xi32, #tpu.memory_space<hbm>> -> memref<1x40x64xi32, #tpu.memory_space<hbm>>
      %dma_start3A_29 = tpu.memref_squeeze %dma_start3A_28 : memref<1x40x64xi32, #tpu.memory_space<hbm>> -> memref<40x64xi32, #tpu.memory_space<hbm>>
      %dma_start3A_30 = arith.constant 120 : i32
      %dma_start3A_31 = arith.constant 0 : i32
      %dma_start3A_32 = tpu.memref_slice %arg4[%add3A, %dma_start3A_30, %dma_start3A_31] : memref<32x160x64xi32, #tpu.memory_space<hbm>> -> memref<1x40x64xi32, #tpu.memory_space<hbm>>
      %dma_start3A_33 = tpu.memref_squeeze %dma_start3A_32 : memref<1x40x64xi32, #tpu.memory_space<hbm>> -> memref<40x64xi32, #tpu.memory_space<hbm>>
      tpu.enqueue_dma source(%dma_start3A_33 : memref<40x64xi32, #tpu.memory_space<hbm>>) target(%arg8 : memref<40x64xi32, #tpu.memory_space<vmem>>) target_semaphore(%run_scoped3A : memref<!tpu.dma_semaphore, #tpu.memory_space<semaphore_mem>>)
      %dma_wait3A = arith.constant 120 : i32
      %dma_wait3A_34 = arith.constant 0 : i32
      %dma_wait3A_35 = tpu.memref_slice %arg4[%add3A, %dma_wait3A, %dma_wait3A_34] : memref<32x160x64xi32, #tpu.memory_space<hbm>> -> memref<1x40x64xi32, #tpu.memory_space<hbm>>
      %dma_wait3A_36 = tpu.memref_squeeze %dma_wait3A_35 : memref<1x40x64xi32, #tpu.memory_space<hbm>> -> memref<40x64xi32, #tpu.memory_space<hbm>>
      %dma_wait3A_37 = arith.constant 120 : i32
      %dma_wait3A_38 = arith.constant 0 : i32
      %dma_wait3A_39 = tpu.memref_slice %arg4[%add3A, %dma_wait3A_37, %dma_wait3A_38] : memref<32x160x64xi32, #tpu.memory_space<hbm>> -> memref<1x40x64xi32, #tpu.memory_space<hbm>>
      %dma_wait3A_40 = tpu.memref_squeeze %dma_wait3A_39 : memref<1x40x64xi32, #tpu.memory_space<hbm>> -> memref<40x64xi32, #tpu.memory_space<hbm>>
      tpu.wait_dma2 semaphore(%run_scoped3A : memref<!tpu.dma_semaphore, #tpu.memory_space<semaphore_mem>>) src(%dma_wait3A_40 : memref<40x64xi32, #tpu.memory_space<hbm>>) dst(%arg8 : memref<40x64xi32, #tpu.memory_space<vmem>>)
      tpu.yield
    }) : () -> ()
    %scan3A_20 = arith.constant 0 : i32
    %scan3A_21 = arith.constant 0 : i32
    %scan3A_22 = arith.constant 43 : i32
    %scan3A_23 = arith.addi %scan3A_21, %scan3A_22 : i32
    %scan3A_24 = arith.constant 1 : i32
    scf.for %scan3A_27 = %scan3A_21 to %scan3A_23 step %scan3A_24  : i32 {
      %lt3A = arith.constant 40 : i32
      %lt3A_28 = arith.cmpi slt, %scan3A_27, %lt3A : i32
      %convert_element_type3A = arith.extui %lt3A_28 : i1 to i32
      %cond3A = arith.constant 0 : i32
      %cond3A_29 = arith.cmpi ne, %convert_element_type3A, %cond3A : i32
      scf.if %cond3A_29 {
        %jit3A = arith.constant 4 : i32
        %eq3A = arith.constant 0 : i32
        %eq3A_34 = arith.cmpi eq, %jit3A, %eq3A : i32
        %jit3A_35 = arith.constant 1 : i32
        %select_n3A = arith.select %eq3A_34, %jit3A_35, %jit3A : i32
        %rem3A = arith.remsi %scan3A_27, %select_n3A : i32
        %ne3A = arith.constant 0 : i32
        %ne3A_36 = arith.cmpi ne, %rem3A, %ne3A : i32
        %lt3A_37 = arith.constant 0 : i32
        %lt3A_38 = arith.cmpi slt, %rem3A, %lt3A_37 : i32
        %lt3A_39 = arith.constant 0 : i32
        %lt3A_40 = arith.cmpi slt, %select_n3A, %lt3A_39 : i32
        %ne3A_41 = arith.xori %lt3A_38, %lt3A_40 : i1
        %and3A = arith.andi %ne3A_41, %ne3A_36 : i1
        %add3A_42 = arith.addi %rem3A, %select_n3A : i32
        %select_n3A_43 = arith.select %and3A, %add3A_42, %rem3A : i32
        %mul3A_44 = arith.constant 64 : i32
        %mul3A_45 = arith.muli %select_n3A_43, %mul3A_44 : i32
        %jit3A_46 = arith.constant 4 : i32
        %eq3A_47 = arith.constant 0 : i32
        %eq3A_48 = arith.cmpi eq, %jit3A_46, %eq3A_47 : i32
        %jit3A_49 = arith.constant 1 : i32
        %select_n3A_50 = arith.select %eq3A_48, %jit3A_49, %jit3A_46 : i32
        %rem3A_51 = arith.remsi %scan3A_27, %select_n3A_50 : i32
        %ne3A_52 = arith.constant 0 : i32
        %ne3A_53 = arith.cmpi ne, %rem3A_51, %ne3A_52 : i32
        %lt3A_54 = arith.constant 0 : i32
        %lt3A_55 = arith.cmpi slt, %rem3A_51, %lt3A_54 : i32
        %lt3A_56 = arith.constant 0 : i32
        %lt3A_57 = arith.cmpi slt, %select_n3A_50, %lt3A_56 : i32
        %ne3A_58 = arith.xori %lt3A_55, %lt3A_57 : i1
        %and3A_59 = arith.andi %ne3A_58, %ne3A_53 : i1
        %add3A_60 = arith.addi %rem3A_51, %select_n3A_50 : i32
        %select_n3A_61 = arith.select %and3A_59, %add3A_60, %rem3A_51 : i32
        %dma_start3A = arith.constant 0 : i32
        %dma_start3A_62 = tpu.memref_slice %arg9[%mul3A_45, %dma_start3A] : memref<256x128xf32, #tpu.memory_space<vmem>> -> memref<64x128xf32, #tpu.memory_space<vmem>>
        %dma_start3A_63 = arith.constant 0 : i32
        %dma_start3A_64 = tpu.memref_slice %arg7[%scan3A_27, %dma_start3A_63] : memref<40x64xi32, #tpu.memory_space<vmem>> -> memref<1x64xi32, #tpu.memory_space<vmem>>
        %dma_start3A_65 = tpu.memref_squeeze %dma_start3A_64 : memref<1x64xi32, #tpu.memory_space<vmem>> -> memref<64xi32, #tpu.memory_space<vmem>>
        %dma_start3A_66 = arith.constant 0 : i32
        %dma_start3A_67 = arith.constant 0 : i32
        %dma_start3A_68 = tpu.memref_slice %arg2[%dma_start3A_66, %dma_start3A_67] : memref<10000x128xf32, #tpu.memory_space<hbm>> -> memref<10000x128xf32, #tpu.memory_space<hbm>>
        %dma_start3A_69 = tpu.memref_slice %arg11[%select_n3A_61] : memref<4x!tpu.dma_semaphore, #tpu.memory_space<semaphore_mem>> -> memref<1x!tpu.dma_semaphore, #tpu.memory_space<semaphore_mem>>
        %dma_start3A_70 = tpu.memref_squeeze %dma_start3A_69 : memref<1x!tpu.dma_semaphore, #tpu.memory_space<semaphore_mem>> -> memref<!tpu.dma_semaphore, #tpu.memory_space<semaphore_mem>>
        tpu.enqueue_indirect_dma source(%dma_start3A_68 : memref<10000x128xf32, #tpu.memory_space<hbm>>) target(%dma_start3A_62 : memref<64x128xf32, #tpu.memory_space<vmem>>) offsets(%dma_start3A_65 : memref<64xi32, #tpu.memory_space<vmem>>) semaphore(%dma_start3A_70 : memref<!tpu.dma_semaphore, #tpu.memory_space<semaphore_mem>>)
      } else {
      }
      %ge3A = arith.constant 3 : i32
      %ge3A_30 = arith.cmpi sge, %scan3A_27, %ge3A : i32
      %convert_element_type3A_31 = arith.extui %ge3A_30 : i1 to i32
      %cond3A_32 = arith.constant 0 : i32
      %cond3A_33 = arith.cmpi ne, %convert_element_type3A_31, %cond3A_32 : i32
      scf.if %cond3A_33 {
        %sub3A = arith.constant 3 : i32
        %sub3A_34 = arith.subi %scan3A_27, %sub3A : i32
        %jit3A = arith.constant 4 : i32
        %eq3A = arith.constant 0 : i32
        %eq3A_35 = arith.cmpi eq, %jit3A, %eq3A : i32
        %jit3A_36 = arith.constant 1 : i32
        %select_n3A = arith.select %eq3A_35, %jit3A_36, %jit3A : i32
        %rem3A = arith.remsi %sub3A_34, %select_n3A : i32
        %ne3A = arith.constant 0 : i32
        %ne3A_37 = arith.cmpi ne, %rem3A, %ne3A : i32
        %lt3A_38 = arith.constant 0 : i32
        %lt3A_39 = arith.cmpi slt, %rem3A, %lt3A_38 : i32
        %lt3A_40 = arith.constant 0 : i32
        %lt3A_41 = arith.cmpi slt, %select_n3A, %lt3A_40 : i32
        %ne3A_42 = arith.xori %lt3A_39, %lt3A_41 : i1
        %and3A = arith.andi %ne3A_42, %ne3A_37 : i1
        %add3A_43 = arith.addi %rem3A, %select_n3A : i32
        %select_n3A_44 = arith.select %and3A, %add3A_43, %rem3A : i32
        %mul3A_45 = arith.constant 64 : i32
        %mul3A_46 = arith.muli %select_n3A_44, %mul3A_45 : i32
        %jit3A_47 = arith.constant 4 : i32
        %eq3A_48 = arith.constant 0 : i32
        %eq3A_49 = arith.cmpi eq, %jit3A_47, %eq3A_48 : i32
        %jit3A_50 = arith.constant 1 : i32
        %select_n3A_51 = arith.select %eq3A_49, %jit3A_50, %jit3A_47 : i32
        %rem3A_52 = arith.remsi %sub3A_34, %select_n3A_51 : i32
        %ne3A_53 = arith.constant 0 : i32
        %ne3A_54 = arith.cmpi ne, %rem3A_52, %ne3A_53 : i32
        %lt3A_55 = arith.constant 0 : i32
        %lt3A_56 = arith.cmpi slt, %rem3A_52, %lt3A_55 : i32
        %lt3A_57 = arith.constant 0 : i32
        %lt3A_58 = arith.cmpi slt, %select_n3A_51, %lt3A_57 : i32
        %ne3A_59 = arith.xori %lt3A_56, %lt3A_58 : i1
        %and3A_60 = arith.andi %ne3A_59, %ne3A_54 : i1
        %add3A_61 = arith.addi %rem3A_52, %select_n3A_51 : i32
        %select_n3A_62 = arith.select %and3A_60, %add3A_61, %rem3A_52 : i32
        %dma_wait3A = arith.constant 0 : i32
        %dma_wait3A_63 = tpu.memref_slice %arg9[%mul3A_46, %dma_wait3A] : memref<256x128xf32, #tpu.memory_space<vmem>> -> memref<64x128xf32, #tpu.memory_space<vmem>>
        %dma_wait3A_64 = arith.constant 0 : i32
        %dma_wait3A_65 = tpu.memref_slice %arg7[%sub3A_34, %dma_wait3A_64] : memref<40x64xi32, #tpu.memory_space<vmem>> -> memref<1x64xi32, #tpu.memory_space<vmem>>
        %dma_wait3A_66 = tpu.memref_squeeze %dma_wait3A_65 : memref<1x64xi32, #tpu.memory_space<vmem>> -> memref<64xi32, #tpu.memory_space<vmem>>
        %dma_wait3A_67 = arith.constant 0 : i32
        %dma_wait3A_68 = arith.constant 0 : i32
        %dma_wait3A_69 = tpu.memref_slice %arg2[%dma_wait3A_67, %dma_wait3A_68] : memref<10000x128xf32, #tpu.memory_space<hbm>> -> memref<10000x128xf32, #tpu.memory_space<hbm>>
        %dma_wait3A_70 = tpu.memref_slice %arg11[%select_n3A_62] : memref<4x!tpu.dma_semaphore, #tpu.memory_space<semaphore_mem>> -> memref<1x!tpu.dma_semaphore, #tpu.memory_space<semaphore_mem>>
        %dma_wait3A_71 = tpu.memref_squeeze %dma_wait3A_70 : memref<1x!tpu.dma_semaphore, #tpu.memory_space<semaphore_mem>> -> memref<!tpu.dma_semaphore, #tpu.memory_space<semaphore_mem>>
        tpu.wait_indirect_dma semaphore(%dma_wait3A_71 : memref<!tpu.dma_semaphore, #tpu.memory_space<semaphore_mem>>) src(%dma_wait3A_69 : memref<10000x128xf32, #tpu.memory_space<hbm>>) dst(%dma_wait3A_63 : memref<64x128xf32, #tpu.memory_space<vmem>>)
        "tpu.region"() ({
          %run_scoped3A = tpu.sem_alloc : memref<!tpu.dma_semaphore, #tpu.memory_space<semaphore_mem>>
          %dma_start3A = arith.constant 0 : i32
          %dma_start3A_72 = tpu.memref_slice %arg9[%mul3A_46, %dma_start3A] : memref<256x128xf32, #tpu.memory_space<vmem>> -> memref<64x128xf32, #tpu.memory_space<vmem>>
          %dma_start3A_73 = arith.constant 0 : i32
          %dma_start3A_74 = tpu.memref_slice %arg8[%sub3A_34, %dma_start3A_73] : memref<40x64xi32, #tpu.memory_space<vmem>> -> memref<1x64xi32, #tpu.memory_space<vmem>>
          %dma_start3A_75 = tpu.memref_squeeze %dma_start3A_74 : memref<1x64xi32, #tpu.memory_space<vmem>> -> memref<64xi32, #tpu.memory_space<vmem>>
          %dma_start3A_76 = arith.constant 0 : i32
          %dma_start3A_77 = arith.constant 0 : i32
          %dma_start3A_78 = tpu.memref_slice %arg10[%dma_start3A_76, %dma_start3A_77] : memref<10112x128xf32, #tpu.memory_space<vmem_shared>> -> memref<10112x128xf32, #tpu.memory_space<vmem_shared>>
          tpu.enqueue_indirect_dma source(%dma_start3A_72 : memref<64x128xf32, #tpu.memory_space<vmem>>) target(%dma_start3A_78 : memref<10112x128xf32, #tpu.memory_space<vmem_shared>>) offsets(%dma_start3A_75 : memref<64xi32, #tpu.memory_space<vmem>>) semaphore(%run_scoped3A : memref<!tpu.dma_semaphore, #tpu.memory_space<semaphore_mem>>) {add = true}
          %dma_wait3A_79 = arith.constant 0 : i32
          %dma_wait3A_80 = tpu.memref_slice %arg9[%mul3A_46, %dma_wait3A_79] : memref<256x128xf32, #tpu.memory_space<vmem>> -> memref<64x128xf32, #tpu.memory_space<vmem>>
          %dma_wait3A_81 = arith.constant 0 : i32
          %dma_wait3A_82 = tpu.memref_slice %arg8[%sub3A_34, %dma_wait3A_81] : memref<40x64xi32, #tpu.memory_space<vmem>> -> memref<1x64xi32, #tpu.memory_space<vmem>>
          %dma_wait3A_83 = tpu.memref_squeeze %dma_wait3A_82 : memref<1x64xi32, #tpu.memory_space<vmem>> -> memref<64xi32, #tpu.memory_space<vmem>>
          %dma_wait3A_84 = arith.constant 0 : i32
          %dma_wait3A_85 = arith.constant 0 : i32
          %dma_wait3A_86 = tpu.memref_slice %arg10[%dma_wait3A_84, %dma_wait3A_85] : memref<10112x128xf32, #tpu.memory_space<vmem_shared>> -> memref<10112x128xf32, #tpu.memory_space<vmem_shared>>
          tpu.wait_indirect_dma semaphore(%run_scoped3A : memref<!tpu.dma_semaphore, #tpu.memory_space<semaphore_mem>>) src(%dma_wait3A_80 : memref<64x128xf32, #tpu.memory_space<vmem>>) dst(%dma_wait3A_86 : memref<10112x128xf32, #tpu.memory_space<vmem_shared>>)
          tpu.yield
        }) : () -> ()
      } else {
      }
    }
    %scan3A_25 = arith.constant 43 : i32
    %barrier3A_26 = arith.constant 0 : index
    tpu.barrier barrier_id(%barrier3A_26)
    "tpu.region"() ({
      %run_scoped3A = tpu.sem_alloc : memref<!tpu.dma_semaphore, #tpu.memory_space<semaphore_mem>>
      %dma_start3A = arith.constant 0 : i32
      %dma_start3A_27 = tpu.memref_slice %arg6[%arg0, %mul3A_2, %dma_start3A] : memref<2x10112x128xf32, #tpu.memory_space<hbm>> -> memref<1x632x128xf32, #tpu.memory_space<hbm>>
      %dma_start3A_28 = tpu.memref_squeeze %dma_start3A_27 : memref<1x632x128xf32, #tpu.memory_space<hbm>> -> memref<632x128xf32, #tpu.memory_space<hbm>>
      %dma_start3A_29 = arith.constant 0 : i32
      %dma_start3A_30 = tpu.memref_slice %arg10[%mul3A_2, %dma_start3A_29] : memref<10112x128xf32, #tpu.memory_space<vmem_shared>> -> memref<632x128xf32, #tpu.memory_space<vmem_shared>>
      tpu.enqueue_dma source(%dma_start3A_30 : memref<632x128xf32, #tpu.memory_space<vmem_shared>>) target(%dma_start3A_28 : memref<632x128xf32, #tpu.memory_space<hbm>>) target_semaphore(%run_scoped3A : memref<!tpu.dma_semaphore, #tpu.memory_space<semaphore_mem>>)
      %dma_wait3A = arith.constant 0 : i32
      %dma_wait3A_31 = tpu.memref_slice %arg6[%arg0, %mul3A_2, %dma_wait3A] : memref<2x10112x128xf32, #tpu.memory_space<hbm>> -> memref<1x632x128xf32, #tpu.memory_space<hbm>>
      %dma_wait3A_32 = tpu.memref_squeeze %dma_wait3A_31 : memref<1x632x128xf32, #tpu.memory_space<hbm>> -> memref<632x128xf32, #tpu.memory_space<hbm>>
      %dma_wait3A_33 = arith.constant 0 : i32
      %dma_wait3A_34 = tpu.memref_slice %arg10[%mul3A_2, %dma_wait3A_33] : memref<10112x128xf32, #tpu.memory_space<vmem_shared>> -> memref<632x128xf32, #tpu.memory_space<vmem_shared>>
      tpu.wait_dma2 semaphore(%run_scoped3A : memref<!tpu.dma_semaphore, #tpu.memory_space<semaphore_mem>>) src(%dma_wait3A_34 : memref<632x128xf32, #tpu.memory_space<vmem_shared>>) dst(%dma_wait3A_32 : memref<632x128xf32, #tpu.memory_space<hbm>>)
      tpu.yield
    }) : () -> ()
    return
  }
}

#map = affine_map<(d0, d1) -> (0, 0, 0)>
#map1 = affine_map<(d0, d1) -> (0, 0)>
module attributes {stable_mosaic.version = 14 : i64} {
  func.func @_sc_deg_body(%arg0: i32, %arg1: i32, %arg2: memref<32x160x64xi32, #tpu.memory_space<hbm>>, %arg3: memref<632x128xf32, #tpu.memory_space<hbm>>, %arg4: memref<64x128xf32, #tpu.memory_space<hbm>>, %arg5: memref<2x10112x128xf32, #tpu.memory_space<hbm>>, %arg6: memref<160x64xi32, #tpu.memory_space<vmem>>, %arg7: memref<64x128xf32, #tpu.memory_space<vmem>>, %arg8: memref<10112x128xf32, #tpu.memory_space<vmem_shared>>) attributes {dimension_semantics = [#tpu.dimension_semantics<core_parallel>, #tpu.dimension_semantics<subcore_parallel>], iteration_bounds = array<i64: 2, 16>, scalar_prefetch = 0 : i64, scratch_operands = 3 : i64, tpu.core_type = #tpu.core_type<sc_vector_subcore>, window_params = [{transform_indices = #map}, {transform_indices = #map1}, {transform_indices = #map1}, {transform_indices = #map}]} {
    %mul3A = arith.constant 2 : i32
    %mul3A_0 = arith.muli %arg1, %mul3A : i32
    %add3A = arith.addi %mul3A_0, %arg0 : i32
    %mul3A_1 = arith.constant 632 : i32
    %mul3A_2 = arith.muli %arg1, %mul3A_1 : i32
    "tpu.region"() ({
      %run_scoped3A = tpu.sem_alloc : memref<!tpu.dma_semaphore, #tpu.memory_space<semaphore_mem>>
      %dma_start3A = arith.constant 0 : i32
      %dma_start3A_9 = tpu.memref_slice %arg8[%mul3A_2, %dma_start3A] : memref<10112x128xf32, #tpu.memory_space<vmem_shared>> -> memref<632x128xf32, #tpu.memory_space<vmem_shared>>
      tpu.enqueue_dma source(%arg3 : memref<632x128xf32, #tpu.memory_space<hbm>>) target(%dma_start3A_9 : memref<632x128xf32, #tpu.memory_space<vmem_shared>>) target_semaphore(%run_scoped3A : memref<!tpu.dma_semaphore, #tpu.memory_space<semaphore_mem>>)
      %dma_wait3A = arith.constant 0 : i32
      %dma_wait3A_10 = tpu.memref_slice %arg8[%mul3A_2, %dma_wait3A] : memref<10112x128xf32, #tpu.memory_space<vmem_shared>> -> memref<632x128xf32, #tpu.memory_space<vmem_shared>>
      tpu.wait_dma2 semaphore(%run_scoped3A : memref<!tpu.dma_semaphore, #tpu.memory_space<semaphore_mem>>) src(%arg3 : memref<632x128xf32, #tpu.memory_space<hbm>>) dst(%dma_wait3A_10 : memref<632x128xf32, #tpu.memory_space<vmem_shared>>)
      tpu.yield
    }) : () -> ()
    "tpu.region"() ({
      %run_scoped3A = tpu.sem_alloc : memref<!tpu.dma_semaphore, #tpu.memory_space<semaphore_mem>>
      tpu.enqueue_dma source(%arg4 : memref<64x128xf32, #tpu.memory_space<hbm>>) target(%arg7 : memref<64x128xf32, #tpu.memory_space<vmem>>) target_semaphore(%run_scoped3A : memref<!tpu.dma_semaphore, #tpu.memory_space<semaphore_mem>>)
      tpu.wait_dma2 semaphore(%run_scoped3A : memref<!tpu.dma_semaphore, #tpu.memory_space<semaphore_mem>>) src(%arg4 : memref<64x128xf32, #tpu.memory_space<hbm>>) dst(%arg7 : memref<64x128xf32, #tpu.memory_space<vmem>>)
      tpu.yield
    }) : () -> ()
    "tpu.region"() ({
      %run_scoped3A = tpu.sem_alloc : memref<!tpu.dma_semaphore, #tpu.memory_space<semaphore_mem>>
      %dma_start3A = arith.constant 0 : i32
      %dma_start3A_9 = arith.constant 0 : i32
      %dma_start3A_10 = tpu.memref_slice %arg2[%add3A, %dma_start3A, %dma_start3A_9] : memref<32x160x64xi32, #tpu.memory_space<hbm>> -> memref<1x160x64xi32, #tpu.memory_space<hbm>>
      %dma_start3A_11 = tpu.memref_squeeze %dma_start3A_10 : memref<1x160x64xi32, #tpu.memory_space<hbm>> -> memref<160x64xi32, #tpu.memory_space<hbm>>
      %dma_start3A_12 = arith.constant 0 : i32
      %dma_start3A_13 = arith.constant 0 : i32
      %dma_start3A_14 = tpu.memref_slice %arg2[%add3A, %dma_start3A_12, %dma_start3A_13] : memref<32x160x64xi32, #tpu.memory_space<hbm>> -> memref<1x160x64xi32, #tpu.memory_space<hbm>>
      %dma_start3A_15 = tpu.memref_squeeze %dma_start3A_14 : memref<1x160x64xi32, #tpu.memory_space<hbm>> -> memref<160x64xi32, #tpu.memory_space<hbm>>
      tpu.enqueue_dma source(%dma_start3A_15 : memref<160x64xi32, #tpu.memory_space<hbm>>) target(%arg6 : memref<160x64xi32, #tpu.memory_space<vmem>>) target_semaphore(%run_scoped3A : memref<!tpu.dma_semaphore, #tpu.memory_space<semaphore_mem>>)
      %dma_wait3A = arith.constant 0 : i32
      %dma_wait3A_16 = arith.constant 0 : i32
      %dma_wait3A_17 = tpu.memref_slice %arg2[%add3A, %dma_wait3A, %dma_wait3A_16] : memref<32x160x64xi32, #tpu.memory_space<hbm>> -> memref<1x160x64xi32, #tpu.memory_space<hbm>>
      %dma_wait3A_18 = tpu.memref_squeeze %dma_wait3A_17 : memref<1x160x64xi32, #tpu.memory_space<hbm>> -> memref<160x64xi32, #tpu.memory_space<hbm>>
      %dma_wait3A_19 = arith.constant 0 : i32
      %dma_wait3A_20 = arith.constant 0 : i32
      %dma_wait3A_21 = tpu.memref_slice %arg2[%add3A, %dma_wait3A_19, %dma_wait3A_20] : memref<32x160x64xi32, #tpu.memory_space<hbm>> -> memref<1x160x64xi32, #tpu.memory_space<hbm>>
      %dma_wait3A_22 = tpu.memref_squeeze %dma_wait3A_21 : memref<1x160x64xi32, #tpu.memory_space<hbm>> -> memref<160x64xi32, #tpu.memory_space<hbm>>
      tpu.wait_dma2 semaphore(%run_scoped3A : memref<!tpu.dma_semaphore, #tpu.memory_space<semaphore_mem>>) src(%dma_wait3A_22 : memref<160x64xi32, #tpu.memory_space<hbm>>) dst(%arg6 : memref<160x64xi32, #tpu.memory_space<vmem>>)
      tpu.yield
    }) : () -> ()
    %barrier3A = arith.constant 0 : index
    tpu.barrier barrier_id(%barrier3A)
    %scan3A = arith.constant 0 : i32
    %scan3A_3 = arith.constant 0 : i32
    %scan3A_4 = arith.constant 160 : i32
    %scan3A_5 = arith.addi %scan3A_3, %scan3A_4 : i32
    %scan3A_6 = arith.constant 1 : i32
    scf.for %scan3A_9 = %scan3A_3 to %scan3A_5 step %scan3A_6  : i32 {
      "tpu.region"() ({
        %run_scoped3A = tpu.sem_alloc : memref<!tpu.dma_semaphore, #tpu.memory_space<semaphore_mem>>
        %dma_start3A = arith.constant 0 : i32
        %dma_start3A_10 = tpu.memref_slice %arg6[%scan3A_9, %dma_start3A] : memref<160x64xi32, #tpu.memory_space<vmem>> -> memref<1x64xi32, #tpu.memory_space<vmem>>
        %dma_start3A_11 = tpu.memref_squeeze %dma_start3A_10 : memref<1x64xi32, #tpu.memory_space<vmem>> -> memref<64xi32, #tpu.memory_space<vmem>>
        %dma_start3A_12 = arith.constant 0 : i32
        %dma_start3A_13 = arith.constant 0 : i32
        %dma_start3A_14 = tpu.memref_slice %arg8[%dma_start3A_12, %dma_start3A_13] : memref<10112x128xf32, #tpu.memory_space<vmem_shared>> -> memref<10112x128xf32, #tpu.memory_space<vmem_shared>>
        tpu.enqueue_indirect_dma source(%arg7 : memref<64x128xf32, #tpu.memory_space<vmem>>) target(%dma_start3A_14 : memref<10112x128xf32, #tpu.memory_space<vmem_shared>>) offsets(%dma_start3A_11 : memref<64xi32, #tpu.memory_space<vmem>>) semaphore(%run_scoped3A : memref<!tpu.dma_semaphore, #tpu.memory_space<semaphore_mem>>) {add = true}
        %dma_wait3A = arith.constant 0 : i32
        %dma_wait3A_15 = tpu.memref_slice %arg6[%scan3A_9, %dma_wait3A] : memref<160x64xi32, #tpu.memory_space<vmem>> -> memref<1x64xi32, #tpu.memory_space<vmem>>
        %dma_wait3A_16 = tpu.memref_squeeze %dma_wait3A_15 : memref<1x64xi32, #tpu.memory_space<vmem>> -> memref<64xi32, #tpu.memory_space<vmem>>
        %dma_wait3A_17 = arith.constant 0 : i32
        %dma_wait3A_18 = arith.constant 0 : i32
        %dma_wait3A_19 = tpu.memref_slice %arg8[%dma_wait3A_17, %dma_wait3A_18] : memref<10112x128xf32, #tpu.memory_space<vmem_shared>> -> memref<10112x128xf32, #tpu.memory_space<vmem_shared>>
        tpu.wait_indirect_dma semaphore(%run_scoped3A : memref<!tpu.dma_semaphore, #tpu.memory_space<semaphore_mem>>) src(%arg7 : memref<64x128xf32, #tpu.memory_space<vmem>>) dst(%dma_wait3A_19 : memref<10112x128xf32, #tpu.memory_space<vmem_shared>>)
        tpu.yield
      }) : () -> ()
    }
    %scan3A_7 = arith.constant 160 : i32
    %barrier3A_8 = arith.constant 0 : index
    tpu.barrier barrier_id(%barrier3A_8)
    "tpu.region"() ({
      %run_scoped3A = tpu.sem_alloc : memref<!tpu.dma_semaphore, #tpu.memory_space<semaphore_mem>>
      %dma_start3A = arith.constant 0 : i32
      %dma_start3A_9 = tpu.memref_slice %arg5[%arg0, %mul3A_2, %dma_start3A] : memref<2x10112x128xf32, #tpu.memory_space<hbm>> -> memref<1x632x128xf32, #tpu.memory_space<hbm>>
      %dma_start3A_10 = tpu.memref_squeeze %dma_start3A_9 : memref<1x632x128xf32, #tpu.memory_space<hbm>> -> memref<632x128xf32, #tpu.memory_space<hbm>>
      %dma_start3A_11 = arith.constant 0 : i32
      %dma_start3A_12 = tpu.memref_slice %arg8[%mul3A_2, %dma_start3A_11] : memref<10112x128xf32, #tpu.memory_space<vmem_shared>> -> memref<632x128xf32, #tpu.memory_space<vmem_shared>>
      tpu.enqueue_dma source(%dma_start3A_12 : memref<632x128xf32, #tpu.memory_space<vmem_shared>>) target(%dma_start3A_10 : memref<632x128xf32, #tpu.memory_space<hbm>>) target_semaphore(%run_scoped3A : memref<!tpu.dma_semaphore, #tpu.memory_space<semaphore_mem>>)
      %dma_wait3A = arith.constant 0 : i32
      %dma_wait3A_13 = tpu.memref_slice %arg5[%arg0, %mul3A_2, %dma_wait3A] : memref<2x10112x128xf32, #tpu.memory_space<hbm>> -> memref<1x632x128xf32, #tpu.memory_space<hbm>>
      %dma_wait3A_14 = tpu.memref_squeeze %dma_wait3A_13 : memref<1x632x128xf32, #tpu.memory_space<hbm>> -> memref<632x128xf32, #tpu.memory_space<hbm>>
      %dma_wait3A_15 = arith.constant 0 : i32
      %dma_wait3A_16 = tpu.memref_slice %arg8[%mul3A_2, %dma_wait3A_15] : memref<10112x128xf32, #tpu.memory_space<vmem_shared>> -> memref<632x128xf32, #tpu.memory_space<vmem_shared>>
      tpu.wait_dma2 semaphore(%run_scoped3A : memref<!tpu.dma_semaphore, #tpu.memory_space<semaphore_mem>>) src(%dma_wait3A_16 : memref<632x128xf32, #tpu.memory_space<vmem_shared>>) dst(%dma_wait3A_14 : memref<632x128xf32, #tpu.memory_space<hbm>>)
      tpu.yield
    }) : () -> ()
    return
  }
}

#map = affine_map<(d0, d1) -> (0, 0)>
#map1 = affine_map<(d0, d1) -> (0, 0, 0)>
module attributes {stable_mosaic.version = 14 : i64} {
  func.func @_sc_agg_body(%arg0: i32, %arg1: i32, %arg2: memref<10000x128xf32, #tpu.memory_space<hbm>>, %arg3: memref<32x160x64xi32, #tpu.memory_space<hbm>>, %arg4: memref<32x160x64xi32, #tpu.memory_space<hbm>>, %arg5: memref<632x128xf32, #tpu.memory_space<hbm>>, %arg6: memref<2x10112x128xf32, #tpu.memory_space<hbm>>, %arg7: memref<40x64xi32, #tpu.memory_space<vmem>>, %arg8: memref<40x64xi32, #tpu.memory_space<vmem>>, %arg9: memref<256x128xf32, #tpu.memory_space<vmem>>, %arg10: memref<10112x128xf32, #tpu.memory_space<vmem_shared>>, %arg11: memref<4x!tpu.dma_semaphore, #tpu.memory_space<semaphore_mem>>) attributes {dimension_semantics = [#tpu.dimension_semantics<core_parallel>, #tpu.dimension_semantics<subcore_parallel>], iteration_bounds = array<i64: 2, 16>, scalar_prefetch = 0 : i64, scratch_operands = 5 : i64, tpu.core_type = #tpu.core_type<sc_vector_subcore>, window_params = [{transform_indices = #map}, {transform_indices = #map1}, {transform_indices = #map1}, {transform_indices = #map}, {transform_indices = #map1}]} {
    %mul3A = arith.constant 2 : i32
    %mul3A_0 = arith.muli %arg1, %mul3A : i32
    %add3A = arith.addi %mul3A_0, %arg0 : i32
    %mul3A_1 = arith.constant 632 : i32
    %mul3A_2 = arith.muli %arg1, %mul3A_1 : i32
    "tpu.region"() ({
      %run_scoped3A = tpu.sem_alloc : memref<!tpu.dma_semaphore, #tpu.memory_space<semaphore_mem>>
      %dma_start3A = arith.constant 0 : i32
      %dma_start3A_27 = tpu.memref_slice %arg10[%mul3A_2, %dma_start3A] : memref<10112x128xf32, #tpu.memory_space<vmem_shared>> -> memref<632x128xf32, #tpu.memory_space<vmem_shared>>
      tpu.enqueue_dma source(%arg5 : memref<632x128xf32, #tpu.memory_space<hbm>>) target(%dma_start3A_27 : memref<632x128xf32, #tpu.memory_space<vmem_shared>>) target_semaphore(%run_scoped3A : memref<!tpu.dma_semaphore, #tpu.memory_space<semaphore_mem>>)
      %dma_wait3A = arith.constant 0 : i32
      %dma_wait3A_28 = tpu.memref_slice %arg10[%mul3A_2, %dma_wait3A] : memref<10112x128xf32, #tpu.memory_space<vmem_shared>> -> memref<632x128xf32, #tpu.memory_space<vmem_shared>>
      tpu.wait_dma2 semaphore(%run_scoped3A : memref<!tpu.dma_semaphore, #tpu.memory_space<semaphore_mem>>) src(%arg5 : memref<632x128xf32, #tpu.memory_space<hbm>>) dst(%dma_wait3A_28 : memref<632x128xf32, #tpu.memory_space<vmem_shared>>)
      tpu.yield
    }) : () -> ()
    %barrier3A = arith.constant 0 : index
    tpu.barrier barrier_id(%barrier3A)
    "tpu.region"() ({
      %run_scoped3A = tpu.sem_alloc : memref<!tpu.dma_semaphore, #tpu.memory_space<semaphore_mem>>
      %dma_start3A = arith.constant 0 : i32
      %dma_start3A_27 = arith.constant 0 : i32
      %dma_start3A_28 = tpu.memref_slice %arg3[%add3A, %dma_start3A, %dma_start3A_27] : memref<32x160x64xi32, #tpu.memory_space<hbm>> -> memref<1x40x64xi32, #tpu.memory_space<hbm>>
      %dma_start3A_29 = tpu.memref_squeeze %dma_start3A_28 : memref<1x40x64xi32, #tpu.memory_space<hbm>> -> memref<40x64xi32, #tpu.memory_space<hbm>>
      %dma_start3A_30 = arith.constant 0 : i32
      %dma_start3A_31 = arith.constant 0 : i32
      %dma_start3A_32 = tpu.memref_slice %arg3[%add3A, %dma_start3A_30, %dma_start3A_31] : memref<32x160x64xi32, #tpu.memory_space<hbm>> -> memref<1x40x64xi32, #tpu.memory_space<hbm>>
      %dma_start3A_33 = tpu.memref_squeeze %dma_start3A_32 : memref<1x40x64xi32, #tpu.memory_space<hbm>> -> memref<40x64xi32, #tpu.memory_space<hbm>>
      tpu.enqueue_dma source(%dma_start3A_33 : memref<40x64xi32, #tpu.memory_space<hbm>>) target(%arg7 : memref<40x64xi32, #tpu.memory_space<vmem>>) target_semaphore(%run_scoped3A : memref<!tpu.dma_semaphore, #tpu.memory_space<semaphore_mem>>)
      %dma_wait3A = arith.constant 0 : i32
      %dma_wait3A_34 = arith.constant 0 : i32
      %dma_wait3A_35 = tpu.memref_slice %arg3[%add3A, %dma_wait3A, %dma_wait3A_34] : memref<32x160x64xi32, #tpu.memory_space<hbm>> -> memref<1x40x64xi32, #tpu.memory_space<hbm>>
      %dma_wait3A_36 = tpu.memref_squeeze %dma_wait3A_35 : memref<1x40x64xi32, #tpu.memory_space<hbm>> -> memref<40x64xi32, #tpu.memory_space<hbm>>
      %dma_wait3A_37 = arith.constant 0 : i32
      %dma_wait3A_38 = arith.constant 0 : i32
      %dma_wait3A_39 = tpu.memref_slice %arg3[%add3A, %dma_wait3A_37, %dma_wait3A_38] : memref<32x160x64xi32, #tpu.memory_space<hbm>> -> memref<1x40x64xi32, #tpu.memory_space<hbm>>
      %dma_wait3A_40 = tpu.memref_squeeze %dma_wait3A_39 : memref<1x40x64xi32, #tpu.memory_space<hbm>> -> memref<40x64xi32, #tpu.memory_space<hbm>>
      tpu.wait_dma2 semaphore(%run_scoped3A : memref<!tpu.dma_semaphore, #tpu.memory_space<semaphore_mem>>) src(%dma_wait3A_40 : memref<40x64xi32, #tpu.memory_space<hbm>>) dst(%arg7 : memref<40x64xi32, #tpu.memory_space<vmem>>)
      tpu.yield
    }) : () -> ()
    "tpu.region"() ({
      %run_scoped3A = tpu.sem_alloc : memref<!tpu.dma_semaphore, #tpu.memory_space<semaphore_mem>>
      %dma_start3A = arith.constant 0 : i32
      %dma_start3A_27 = arith.constant 0 : i32
      %dma_start3A_28 = tpu.memref_slice %arg4[%add3A, %dma_start3A, %dma_start3A_27] : memref<32x160x64xi32, #tpu.memory_space<hbm>> -> memref<1x40x64xi32, #tpu.memory_space<hbm>>
      %dma_start3A_29 = tpu.memref_squeeze %dma_start3A_28 : memref<1x40x64xi32, #tpu.memory_space<hbm>> -> memref<40x64xi32, #tpu.memory_space<hbm>>
      %dma_start3A_30 = arith.constant 0 : i32
      %dma_start3A_31 = arith.constant 0 : i32
      %dma_start3A_32 = tpu.memref_slice %arg4[%add3A, %dma_start3A_30, %dma_start3A_31] : memref<32x160x64xi32, #tpu.memory_space<hbm>> -> memref<1x40x64xi32, #tpu.memory_space<hbm>>
      %dma_start3A_33 = tpu.memref_squeeze %dma_start3A_32 : memref<1x40x64xi32, #tpu.memory_space<hbm>> -> memref<40x64xi32, #tpu.memory_space<hbm>>
      tpu.enqueue_dma source(%dma_start3A_33 : memref<40x64xi32, #tpu.memory_space<hbm>>) target(%arg8 : memref<40x64xi32, #tpu.memory_space<vmem>>) target_semaphore(%run_scoped3A : memref<!tpu.dma_semaphore, #tpu.memory_space<semaphore_mem>>)
      %dma_wait3A = arith.constant 0 : i32
      %dma_wait3A_34 = arith.constant 0 : i32
      %dma_wait3A_35 = tpu.memref_slice %arg4[%add3A, %dma_wait3A, %dma_wait3A_34] : memref<32x160x64xi32, #tpu.memory_space<hbm>> -> memref<1x40x64xi32, #tpu.memory_space<hbm>>
      %dma_wait3A_36 = tpu.memref_squeeze %dma_wait3A_35 : memref<1x40x64xi32, #tpu.memory_space<hbm>> -> memref<40x64xi32, #tpu.memory_space<hbm>>
      %dma_wait3A_37 = arith.constant 0 : i32
      %dma_wait3A_38 = arith.constant 0 : i32
      %dma_wait3A_39 = tpu.memref_slice %arg4[%add3A, %dma_wait3A_37, %dma_wait3A_38] : memref<32x160x64xi32, #tpu.memory_space<hbm>> -> memref<1x40x64xi32, #tpu.memory_space<hbm>>
      %dma_wait3A_40 = tpu.memref_squeeze %dma_wait3A_39 : memref<1x40x64xi32, #tpu.memory_space<hbm>> -> memref<40x64xi32, #tpu.memory_space<hbm>>
      tpu.wait_dma2 semaphore(%run_scoped3A : memref<!tpu.dma_semaphore, #tpu.memory_space<semaphore_mem>>) src(%dma_wait3A_40 : memref<40x64xi32, #tpu.memory_space<hbm>>) dst(%arg8 : memref<40x64xi32, #tpu.memory_space<vmem>>)
      tpu.yield
    }) : () -> ()
    %scan3A = arith.constant 0 : i32
    %scan3A_3 = arith.constant 0 : i32
    %scan3A_4 = arith.constant 43 : i32
    %scan3A_5 = arith.addi %scan3A_3, %scan3A_4 : i32
    %scan3A_6 = arith.constant 1 : i32
    scf.for %scan3A_27 = %scan3A_3 to %scan3A_5 step %scan3A_6  : i32 {
      %lt3A = arith.constant 40 : i32
      %lt3A_28 = arith.cmpi slt, %scan3A_27, %lt3A : i32
      %convert_element_type3A = arith.extui %lt3A_28 : i1 to i32
      %cond3A = arith.constant 0 : i32
      %cond3A_29 = arith.cmpi ne, %convert_element_type3A, %cond3A : i32
      scf.if %cond3A_29 {
        %jit3A = arith.constant 4 : i32
        %eq3A = arith.constant 0 : i32
        %eq3A_34 = arith.cmpi eq, %jit3A, %eq3A : i32
        %jit3A_35 = arith.constant 1 : i32
        %select_n3A = arith.select %eq3A_34, %jit3A_35, %jit3A : i32
        %rem3A = arith.remsi %scan3A_27, %select_n3A : i32
        %ne3A = arith.constant 0 : i32
        %ne3A_36 = arith.cmpi ne, %rem3A, %ne3A : i32
        %lt3A_37 = arith.constant 0 : i32
        %lt3A_38 = arith.cmpi slt, %rem3A, %lt3A_37 : i32
        %lt3A_39 = arith.constant 0 : i32
        %lt3A_40 = arith.cmpi slt, %select_n3A, %lt3A_39 : i32
        %ne3A_41 = arith.xori %lt3A_38, %lt3A_40 : i1
        %and3A = arith.andi %ne3A_41, %ne3A_36 : i1
        %add3A_42 = arith.addi %rem3A, %select_n3A : i32
        %select_n3A_43 = arith.select %and3A, %add3A_42, %rem3A : i32
        %mul3A_44 = arith.constant 64 : i32
        %mul3A_45 = arith.muli %select_n3A_43, %mul3A_44 : i32
        %jit3A_46 = arith.constant 4 : i32
        %eq3A_47 = arith.constant 0 : i32
        %eq3A_48 = arith.cmpi eq, %jit3A_46, %eq3A_47 : i32
        %jit3A_49 = arith.constant 1 : i32
        %select_n3A_50 = arith.select %eq3A_48, %jit3A_49, %jit3A_46 : i32
        %rem3A_51 = arith.remsi %scan3A_27, %select_n3A_50 : i32
        %ne3A_52 = arith.constant 0 : i32
        %ne3A_53 = arith.cmpi ne, %rem3A_51, %ne3A_52 : i32
        %lt3A_54 = arith.constant 0 : i32
        %lt3A_55 = arith.cmpi slt, %rem3A_51, %lt3A_54 : i32
        %lt3A_56 = arith.constant 0 : i32
        %lt3A_57 = arith.cmpi slt, %select_n3A_50, %lt3A_56 : i32
        %ne3A_58 = arith.xori %lt3A_55, %lt3A_57 : i1
        %and3A_59 = arith.andi %ne3A_58, %ne3A_53 : i1
        %add3A_60 = arith.addi %rem3A_51, %select_n3A_50 : i32
        %select_n3A_61 = arith.select %and3A_59, %add3A_60, %rem3A_51 : i32
        %dma_start3A = arith.constant 0 : i32
        %dma_start3A_62 = tpu.memref_slice %arg9[%mul3A_45, %dma_start3A] : memref<256x128xf32, #tpu.memory_space<vmem>> -> memref<64x128xf32, #tpu.memory_space<vmem>>
        %dma_start3A_63 = arith.constant 0 : i32
        %dma_start3A_64 = tpu.memref_slice %arg7[%scan3A_27, %dma_start3A_63] : memref<40x64xi32, #tpu.memory_space<vmem>> -> memref<1x64xi32, #tpu.memory_space<vmem>>
        %dma_start3A_65 = tpu.memref_squeeze %dma_start3A_64 : memref<1x64xi32, #tpu.memory_space<vmem>> -> memref<64xi32, #tpu.memory_space<vmem>>
        %dma_start3A_66 = arith.constant 0 : i32
        %dma_start3A_67 = arith.constant 0 : i32
        %dma_start3A_68 = tpu.memref_slice %arg2[%dma_start3A_66, %dma_start3A_67] : memref<10000x128xf32, #tpu.memory_space<hbm>> -> memref<10000x128xf32, #tpu.memory_space<hbm>>
        %dma_start3A_69 = tpu.memref_slice %arg11[%select_n3A_61] : memref<4x!tpu.dma_semaphore, #tpu.memory_space<semaphore_mem>> -> memref<1x!tpu.dma_semaphore, #tpu.memory_space<semaphore_mem>>
        %dma_start3A_70 = tpu.memref_squeeze %dma_start3A_69 : memref<1x!tpu.dma_semaphore, #tpu.memory_space<semaphore_mem>> -> memref<!tpu.dma_semaphore, #tpu.memory_space<semaphore_mem>>
        tpu.enqueue_indirect_dma source(%dma_start3A_68 : memref<10000x128xf32, #tpu.memory_space<hbm>>) target(%dma_start3A_62 : memref<64x128xf32, #tpu.memory_space<vmem>>) offsets(%dma_start3A_65 : memref<64xi32, #tpu.memory_space<vmem>>) semaphore(%dma_start3A_70 : memref<!tpu.dma_semaphore, #tpu.memory_space<semaphore_mem>>)
      } else {
      }
      %ge3A = arith.constant 3 : i32
      %ge3A_30 = arith.cmpi sge, %scan3A_27, %ge3A : i32
      %convert_element_type3A_31 = arith.extui %ge3A_30 : i1 to i32
      %cond3A_32 = arith.constant 0 : i32
      %cond3A_33 = arith.cmpi ne, %convert_element_type3A_31, %cond3A_32 : i32
      scf.if %cond3A_33 {
        %sub3A = arith.constant 3 : i32
        %sub3A_34 = arith.subi %scan3A_27, %sub3A : i32
        %jit3A = arith.constant 4 : i32
        %eq3A = arith.constant 0 : i32
        %eq3A_35 = arith.cmpi eq, %jit3A, %eq3A : i32
        %jit3A_36 = arith.constant 1 : i32
        %select_n3A = arith.select %eq3A_35, %jit3A_36, %jit3A : i32
        %rem3A = arith.remsi %sub3A_34, %select_n3A : i32
        %ne3A = arith.constant 0 : i32
        %ne3A_37 = arith.cmpi ne, %rem3A, %ne3A : i32
        %lt3A_38 = arith.constant 0 : i32
        %lt3A_39 = arith.cmpi slt, %rem3A, %lt3A_38 : i32
        %lt3A_40 = arith.constant 0 : i32
        %lt3A_41 = arith.cmpi slt, %select_n3A, %lt3A_40 : i32
        %ne3A_42 = arith.xori %lt3A_39, %lt3A_41 : i1
        %and3A = arith.andi %ne3A_42, %ne3A_37 : i1
        %add3A_43 = arith.addi %rem3A, %select_n3A : i32
        %select_n3A_44 = arith.select %and3A, %add3A_43, %rem3A : i32
        %mul3A_45 = arith.constant 64 : i32
        %mul3A_46 = arith.muli %select_n3A_44, %mul3A_45 : i32
        %jit3A_47 = arith.constant 4 : i32
        %eq3A_48 = arith.constant 0 : i32
        %eq3A_49 = arith.cmpi eq, %jit3A_47, %eq3A_48 : i32
        %jit3A_50 = arith.constant 1 : i32
        %select_n3A_51 = arith.select %eq3A_49, %jit3A_50, %jit3A_47 : i32
        %rem3A_52 = arith.remsi %sub3A_34, %select_n3A_51 : i32
        %ne3A_53 = arith.constant 0 : i32
        %ne3A_54 = arith.cmpi ne, %rem3A_52, %ne3A_53 : i32
        %lt3A_55 = arith.constant 0 : i32
        %lt3A_56 = arith.cmpi slt, %rem3A_52, %lt3A_55 : i32
        %lt3A_57 = arith.constant 0 : i32
        %lt3A_58 = arith.cmpi slt, %select_n3A_51, %lt3A_57 : i32
        %ne3A_59 = arith.xori %lt3A_56, %lt3A_58 : i1
        %and3A_60 = arith.andi %ne3A_59, %ne3A_54 : i1
        %add3A_61 = arith.addi %rem3A_52, %select_n3A_51 : i32
        %select_n3A_62 = arith.select %and3A_60, %add3A_61, %rem3A_52 : i32
        %dma_wait3A = arith.constant 0 : i32
        %dma_wait3A_63 = tpu.memref_slice %arg9[%mul3A_46, %dma_wait3A] : memref<256x128xf32, #tpu.memory_space<vmem>> -> memref<64x128xf32, #tpu.memory_space<vmem>>
        %dma_wait3A_64 = arith.constant 0 : i32
        %dma_wait3A_65 = tpu.memref_slice %arg7[%sub3A_34, %dma_wait3A_64] : memref<40x64xi32, #tpu.memory_space<vmem>> -> memref<1x64xi32, #tpu.memory_space<vmem>>
        %dma_wait3A_66 = tpu.memref_squeeze %dma_wait3A_65 : memref<1x64xi32, #tpu.memory_space<vmem>> -> memref<64xi32, #tpu.memory_space<vmem>>
        %dma_wait3A_67 = arith.constant 0 : i32
        %dma_wait3A_68 = arith.constant 0 : i32
        %dma_wait3A_69 = tpu.memref_slice %arg2[%dma_wait3A_67, %dma_wait3A_68] : memref<10000x128xf32, #tpu.memory_space<hbm>> -> memref<10000x128xf32, #tpu.memory_space<hbm>>
        %dma_wait3A_70 = tpu.memref_slice %arg11[%select_n3A_62] : memref<4x!tpu.dma_semaphore, #tpu.memory_space<semaphore_mem>> -> memref<1x!tpu.dma_semaphore, #tpu.memory_space<semaphore_mem>>
        %dma_wait3A_71 = tpu.memref_squeeze %dma_wait3A_70 : memref<1x!tpu.dma_semaphore, #tpu.memory_space<semaphore_mem>> -> memref<!tpu.dma_semaphore, #tpu.memory_space<semaphore_mem>>
        tpu.wait_indirect_dma semaphore(%dma_wait3A_71 : memref<!tpu.dma_semaphore, #tpu.memory_space<semaphore_mem>>) src(%dma_wait3A_69 : memref<10000x128xf32, #tpu.memory_space<hbm>>) dst(%dma_wait3A_63 : memref<64x128xf32, #tpu.memory_space<vmem>>)
        "tpu.region"() ({
          %run_scoped3A = tpu.sem_alloc : memref<!tpu.dma_semaphore, #tpu.memory_space<semaphore_mem>>
          %dma_start3A = arith.constant 0 : i32
          %dma_start3A_72 = tpu.memref_slice %arg9[%mul3A_46, %dma_start3A] : memref<256x128xf32, #tpu.memory_space<vmem>> -> memref<64x128xf32, #tpu.memory_space<vmem>>
          %dma_start3A_73 = arith.constant 0 : i32
          %dma_start3A_74 = tpu.memref_slice %arg8[%sub3A_34, %dma_start3A_73] : memref<40x64xi32, #tpu.memory_space<vmem>> -> memref<1x64xi32, #tpu.memory_space<vmem>>
          %dma_start3A_75 = tpu.memref_squeeze %dma_start3A_74 : memref<1x64xi32, #tpu.memory_space<vmem>> -> memref<64xi32, #tpu.memory_space<vmem>>
          %dma_start3A_76 = arith.constant 0 : i32
          %dma_start3A_77 = arith.constant 0 : i32
          %dma_start3A_78 = tpu.memref_slice %arg10[%dma_start3A_76, %dma_start3A_77] : memref<10112x128xf32, #tpu.memory_space<vmem_shared>> -> memref<10112x128xf32, #tpu.memory_space<vmem_shared>>
          tpu.enqueue_indirect_dma source(%dma_start3A_72 : memref<64x128xf32, #tpu.memory_space<vmem>>) target(%dma_start3A_78 : memref<10112x128xf32, #tpu.memory_space<vmem_shared>>) offsets(%dma_start3A_75 : memref<64xi32, #tpu.memory_space<vmem>>) semaphore(%run_scoped3A : memref<!tpu.dma_semaphore, #tpu.memory_space<semaphore_mem>>) {add = true}
          %dma_wait3A_79 = arith.constant 0 : i32
          %dma_wait3A_80 = tpu.memref_slice %arg9[%mul3A_46, %dma_wait3A_79] : memref<256x128xf32, #tpu.memory_space<vmem>> -> memref<64x128xf32, #tpu.memory_space<vmem>>
          %dma_wait3A_81 = arith.constant 0 : i32
          %dma_wait3A_82 = tpu.memref_slice %arg8[%sub3A_34, %dma_wait3A_81] : memref<40x64xi32, #tpu.memory_space<vmem>> -> memref<1x64xi32, #tpu.memory_space<vmem>>
          %dma_wait3A_83 = tpu.memref_squeeze %dma_wait3A_82 : memref<1x64xi32, #tpu.memory_space<vmem>> -> memref<64xi32, #tpu.memory_space<vmem>>
          %dma_wait3A_84 = arith.constant 0 : i32
          %dma_wait3A_85 = arith.constant 0 : i32
          %dma_wait3A_86 = tpu.memref_slice %arg10[%dma_wait3A_84, %dma_wait3A_85] : memref<10112x128xf32, #tpu.memory_space<vmem_shared>> -> memref<10112x128xf32, #tpu.memory_space<vmem_shared>>
          tpu.wait_indirect_dma semaphore(%run_scoped3A : memref<!tpu.dma_semaphore, #tpu.memory_space<semaphore_mem>>) src(%dma_wait3A_80 : memref<64x128xf32, #tpu.memory_space<vmem>>) dst(%dma_wait3A_86 : memref<10112x128xf32, #tpu.memory_space<vmem_shared>>)
          tpu.yield
        }) : () -> ()
      } else {
      }
    }
    %scan3A_7 = arith.constant 43 : i32
    "tpu.region"() ({
      %run_scoped3A = tpu.sem_alloc : memref<!tpu.dma_semaphore, #tpu.memory_space<semaphore_mem>>
      %dma_start3A = arith.constant 40 : i32
      %dma_start3A_27 = arith.constant 0 : i32
      %dma_start3A_28 = tpu.memref_slice %arg3[%add3A, %dma_start3A, %dma_start3A_27] : memref<32x160x64xi32, #tpu.memory_space<hbm>> -> memref<1x40x64xi32, #tpu.memory_space<hbm>>
      %dma_start3A_29 = tpu.memref_squeeze %dma_start3A_28 : memref<1x40x64xi32, #tpu.memory_space<hbm>> -> memref<40x64xi32, #tpu.memory_space<hbm>>
      %dma_start3A_30 = arith.constant 40 : i32
      %dma_start3A_31 = arith.constant 0 : i32
      %dma_start3A_32 = tpu.memref_slice %arg3[%add3A, %dma_start3A_30, %dma_start3A_31] : memref<32x160x64xi32, #tpu.memory_space<hbm>> -> memref<1x40x64xi32, #tpu.memory_space<hbm>>
      %dma_start3A_33 = tpu.memref_squeeze %dma_start3A_32 : memref<1x40x64xi32, #tpu.memory_space<hbm>> -> memref<40x64xi32, #tpu.memory_space<hbm>>
      tpu.enqueue_dma source(%dma_start3A_33 : memref<40x64xi32, #tpu.memory_space<hbm>>) target(%arg7 : memref<40x64xi32, #tpu.memory_space<vmem>>) target_semaphore(%run_scoped3A : memref<!tpu.dma_semaphore, #tpu.memory_space<semaphore_mem>>)
      %dma_wait3A = arith.constant 40 : i32
      %dma_wait3A_34 = arith.constant 0 : i32
      %dma_wait3A_35 = tpu.memref_slice %arg3[%add3A, %dma_wait3A, %dma_wait3A_34] : memref<32x160x64xi32, #tpu.memory_space<hbm>> -> memref<1x40x64xi32, #tpu.memory_space<hbm>>
      %dma_wait3A_36 = tpu.memref_squeeze %dma_wait3A_35 : memref<1x40x64xi32, #tpu.memory_space<hbm>> -> memref<40x64xi32, #tpu.memory_space<hbm>>
      %dma_wait3A_37 = arith.constant 40 : i32
      %dma_wait3A_38 = arith.constant 0 : i32
      %dma_wait3A_39 = tpu.memref_slice %arg3[%add3A, %dma_wait3A_37, %dma_wait3A_38] : memref<32x160x64xi32, #tpu.memory_space<hbm>> -> memref<1x40x64xi32, #tpu.memory_space<hbm>>
      %dma_wait3A_40 = tpu.memref_squeeze %dma_wait3A_39 : memref<1x40x64xi32, #tpu.memory_space<hbm>> -> memref<40x64xi32, #tpu.memory_space<hbm>>
      tpu.wait_dma2 semaphore(%run_scoped3A : memref<!tpu.dma_semaphore, #tpu.memory_space<semaphore_mem>>) src(%dma_wait3A_40 : memref<40x64xi32, #tpu.memory_space<hbm>>) dst(%arg7 : memref<40x64xi32, #tpu.memory_space<vmem>>)
      tpu.yield
    }) : () -> ()
    "tpu.region"() ({
      %run_scoped3A = tpu.sem_alloc : memref<!tpu.dma_semaphore, #tpu.memory_space<semaphore_mem>>
      %dma_start3A = arith.constant 40 : i32
      %dma_start3A_27 = arith.constant 0 : i32
      %dma_start3A_28 = tpu.memref_slice %arg4[%add3A, %dma_start3A, %dma_start3A_27] : memref<32x160x64xi32, #tpu.memory_space<hbm>> -> memref<1x40x64xi32, #tpu.memory_space<hbm>>
      %dma_start3A_29 = tpu.memref_squeeze %dma_start3A_28 : memref<1x40x64xi32, #tpu.memory_space<hbm>> -> memref<40x64xi32, #tpu.memory_space<hbm>>
      %dma_start3A_30 = arith.constant 40 : i32
      %dma_start3A_31 = arith.constant 0 : i32
      %dma_start3A_32 = tpu.memref_slice %arg4[%add3A, %dma_start3A_30, %dma_start3A_31] : memref<32x160x64xi32, #tpu.memory_space<hbm>> -> memref<1x40x64xi32, #tpu.memory_space<hbm>>
      %dma_start3A_33 = tpu.memref_squeeze %dma_start3A_32 : memref<1x40x64xi32, #tpu.memory_space<hbm>> -> memref<40x64xi32, #tpu.memory_space<hbm>>
      tpu.enqueue_dma source(%dma_start3A_33 : memref<40x64xi32, #tpu.memory_space<hbm>>) target(%arg8 : memref<40x64xi32, #tpu.memory_space<vmem>>) target_semaphore(%run_scoped3A : memref<!tpu.dma_semaphore, #tpu.memory_space<semaphore_mem>>)
      %dma_wait3A = arith.constant 40 : i32
      %dma_wait3A_34 = arith.constant 0 : i32
      %dma_wait3A_35 = tpu.memref_slice %arg4[%add3A, %dma_wait3A, %dma_wait3A_34] : memref<32x160x64xi32, #tpu.memory_space<hbm>> -> memref<1x40x64xi32, #tpu.memory_space<hbm>>
      %dma_wait3A_36 = tpu.memref_squeeze %dma_wait3A_35 : memref<1x40x64xi32, #tpu.memory_space<hbm>> -> memref<40x64xi32, #tpu.memory_space<hbm>>
      %dma_wait3A_37 = arith.constant 40 : i32
      %dma_wait3A_38 = arith.constant 0 : i32
      %dma_wait3A_39 = tpu.memref_slice %arg4[%add3A, %dma_wait3A_37, %dma_wait3A_38] : memref<32x160x64xi32, #tpu.memory_space<hbm>> -> memref<1x40x64xi32, #tpu.memory_space<hbm>>
      %dma_wait3A_40 = tpu.memref_squeeze %dma_wait3A_39 : memref<1x40x64xi32, #tpu.memory_space<hbm>> -> memref<40x64xi32, #tpu.memory_space<hbm>>
      tpu.wait_dma2 semaphore(%run_scoped3A : memref<!tpu.dma_semaphore, #tpu.memory_space<semaphore_mem>>) src(%dma_wait3A_40 : memref<40x64xi32, #tpu.memory_space<hbm>>) dst(%arg8 : memref<40x64xi32, #tpu.memory_space<vmem>>)
      tpu.yield
    }) : () -> ()
    %scan3A_8 = arith.constant 0 : i32
    %scan3A_9 = arith.constant 0 : i32
    %scan3A_10 = arith.constant 43 : i32
    %scan3A_11 = arith.addi %scan3A_9, %scan3A_10 : i32
    %scan3A_12 = arith.constant 1 : i32
    scf.for %scan3A_27 = %scan3A_9 to %scan3A_11 step %scan3A_12  : i32 {
      %lt3A = arith.constant 40 : i32
      %lt3A_28 = arith.cmpi slt, %scan3A_27, %lt3A : i32
      %convert_element_type3A = arith.extui %lt3A_28 : i1 to i32
      %cond3A = arith.constant 0 : i32
      %cond3A_29 = arith.cmpi ne, %convert_element_type3A, %cond3A : i32
      scf.if %cond3A_29 {
        %jit3A = arith.constant 4 : i32
        %eq3A = arith.constant 0 : i32
        %eq3A_34 = arith.cmpi eq, %jit3A, %eq3A : i32
        %jit3A_35 = arith.constant 1 : i32
        %select_n3A = arith.select %eq3A_34, %jit3A_35, %jit3A : i32
        %rem3A = arith.remsi %scan3A_27, %select_n3A : i32
        %ne3A = arith.constant 0 : i32
        %ne3A_36 = arith.cmpi ne, %rem3A, %ne3A : i32
        %lt3A_37 = arith.constant 0 : i32
        %lt3A_38 = arith.cmpi slt, %rem3A, %lt3A_37 : i32
        %lt3A_39 = arith.constant 0 : i32
        %lt3A_40 = arith.cmpi slt, %select_n3A, %lt3A_39 : i32
        %ne3A_41 = arith.xori %lt3A_38, %lt3A_40 : i1
        %and3A = arith.andi %ne3A_41, %ne3A_36 : i1
        %add3A_42 = arith.addi %rem3A, %select_n3A : i32
        %select_n3A_43 = arith.select %and3A, %add3A_42, %rem3A : i32
        %mul3A_44 = arith.constant 64 : i32
        %mul3A_45 = arith.muli %select_n3A_43, %mul3A_44 : i32
        %jit3A_46 = arith.constant 4 : i32
        %eq3A_47 = arith.constant 0 : i32
        %eq3A_48 = arith.cmpi eq, %jit3A_46, %eq3A_47 : i32
        %jit3A_49 = arith.constant 1 : i32
        %select_n3A_50 = arith.select %eq3A_48, %jit3A_49, %jit3A_46 : i32
        %rem3A_51 = arith.remsi %scan3A_27, %select_n3A_50 : i32
        %ne3A_52 = arith.constant 0 : i32
        %ne3A_53 = arith.cmpi ne, %rem3A_51, %ne3A_52 : i32
        %lt3A_54 = arith.constant 0 : i32
        %lt3A_55 = arith.cmpi slt, %rem3A_51, %lt3A_54 : i32
        %lt3A_56 = arith.constant 0 : i32
        %lt3A_57 = arith.cmpi slt, %select_n3A_50, %lt3A_56 : i32
        %ne3A_58 = arith.xori %lt3A_55, %lt3A_57 : i1
        %and3A_59 = arith.andi %ne3A_58, %ne3A_53 : i1
        %add3A_60 = arith.addi %rem3A_51, %select_n3A_50 : i32
        %select_n3A_61 = arith.select %and3A_59, %add3A_60, %rem3A_51 : i32
        %dma_start3A = arith.constant 0 : i32
        %dma_start3A_62 = tpu.memref_slice %arg9[%mul3A_45, %dma_start3A] : memref<256x128xf32, #tpu.memory_space<vmem>> -> memref<64x128xf32, #tpu.memory_space<vmem>>
        %dma_start3A_63 = arith.constant 0 : i32
        %dma_start3A_64 = tpu.memref_slice %arg7[%scan3A_27, %dma_start3A_63] : memref<40x64xi32, #tpu.memory_space<vmem>> -> memref<1x64xi32, #tpu.memory_space<vmem>>
        %dma_start3A_65 = tpu.memref_squeeze %dma_start3A_64 : memref<1x64xi32, #tpu.memory_space<vmem>> -> memref<64xi32, #tpu.memory_space<vmem>>
        %dma_start3A_66 = arith.constant 0 : i32
        %dma_start3A_67 = arith.constant 0 : i32
        %dma_start3A_68 = tpu.memref_slice %arg2[%dma_start3A_66, %dma_start3A_67] : memref<10000x128xf32, #tpu.memory_space<hbm>> -> memref<10000x128xf32, #tpu.memory_space<hbm>>
        %dma_start3A_69 = tpu.memref_slice %arg11[%select_n3A_61] : memref<4x!tpu.dma_semaphore, #tpu.memory_space<semaphore_mem>> -> memref<1x!tpu.dma_semaphore, #tpu.memory_space<semaphore_mem>>
        %dma_start3A_70 = tpu.memref_squeeze %dma_start3A_69 : memref<1x!tpu.dma_semaphore, #tpu.memory_space<semaphore_mem>> -> memref<!tpu.dma_semaphore, #tpu.memory_space<semaphore_mem>>
        tpu.enqueue_indirect_dma source(%dma_start3A_68 : memref<10000x128xf32, #tpu.memory_space<hbm>>) target(%dma_start3A_62 : memref<64x128xf32, #tpu.memory_space<vmem>>) offsets(%dma_start3A_65 : memref<64xi32, #tpu.memory_space<vmem>>) semaphore(%dma_start3A_70 : memref<!tpu.dma_semaphore, #tpu.memory_space<semaphore_mem>>)
      } else {
      }
      %ge3A = arith.constant 3 : i32
      %ge3A_30 = arith.cmpi sge, %scan3A_27, %ge3A : i32
      %convert_element_type3A_31 = arith.extui %ge3A_30 : i1 to i32
      %cond3A_32 = arith.constant 0 : i32
      %cond3A_33 = arith.cmpi ne, %convert_element_type3A_31, %cond3A_32 : i32
      scf.if %cond3A_33 {
        %sub3A = arith.constant 3 : i32
        %sub3A_34 = arith.subi %scan3A_27, %sub3A : i32
        %jit3A = arith.constant 4 : i32
        %eq3A = arith.constant 0 : i32
        %eq3A_35 = arith.cmpi eq, %jit3A, %eq3A : i32
        %jit3A_36 = arith.constant 1 : i32
        %select_n3A = arith.select %eq3A_35, %jit3A_36, %jit3A : i32
        %rem3A = arith.remsi %sub3A_34, %select_n3A : i32
        %ne3A = arith.constant 0 : i32
        %ne3A_37 = arith.cmpi ne, %rem3A, %ne3A : i32
        %lt3A_38 = arith.constant 0 : i32
        %lt3A_39 = arith.cmpi slt, %rem3A, %lt3A_38 : i32
        %lt3A_40 = arith.constant 0 : i32
        %lt3A_41 = arith.cmpi slt, %select_n3A, %lt3A_40 : i32
        %ne3A_42 = arith.xori %lt3A_39, %lt3A_41 : i1
        %and3A = arith.andi %ne3A_42, %ne3A_37 : i1
        %add3A_43 = arith.addi %rem3A, %select_n3A : i32
        %select_n3A_44 = arith.select %and3A, %add3A_43, %rem3A : i32
        %mul3A_45 = arith.constant 64 : i32
        %mul3A_46 = arith.muli %select_n3A_44, %mul3A_45 : i32
        %jit3A_47 = arith.constant 4 : i32
        %eq3A_48 = arith.constant 0 : i32
        %eq3A_49 = arith.cmpi eq, %jit3A_47, %eq3A_48 : i32
        %jit3A_50 = arith.constant 1 : i32
        %select_n3A_51 = arith.select %eq3A_49, %jit3A_50, %jit3A_47 : i32
        %rem3A_52 = arith.remsi %sub3A_34, %select_n3A_51 : i32
        %ne3A_53 = arith.constant 0 : i32
        %ne3A_54 = arith.cmpi ne, %rem3A_52, %ne3A_53 : i32
        %lt3A_55 = arith.constant 0 : i32
        %lt3A_56 = arith.cmpi slt, %rem3A_52, %lt3A_55 : i32
        %lt3A_57 = arith.constant 0 : i32
        %lt3A_58 = arith.cmpi slt, %select_n3A_51, %lt3A_57 : i32
        %ne3A_59 = arith.xori %lt3A_56, %lt3A_58 : i1
        %and3A_60 = arith.andi %ne3A_59, %ne3A_54 : i1
        %add3A_61 = arith.addi %rem3A_52, %select_n3A_51 : i32
        %select_n3A_62 = arith.select %and3A_60, %add3A_61, %rem3A_52 : i32
        %dma_wait3A = arith.constant 0 : i32
        %dma_wait3A_63 = tpu.memref_slice %arg9[%mul3A_46, %dma_wait3A] : memref<256x128xf32, #tpu.memory_space<vmem>> -> memref<64x128xf32, #tpu.memory_space<vmem>>
        %dma_wait3A_64 = arith.constant 0 : i32
        %dma_wait3A_65 = tpu.memref_slice %arg7[%sub3A_34, %dma_wait3A_64] : memref<40x64xi32, #tpu.memory_space<vmem>> -> memref<1x64xi32, #tpu.memory_space<vmem>>
        %dma_wait3A_66 = tpu.memref_squeeze %dma_wait3A_65 : memref<1x64xi32, #tpu.memory_space<vmem>> -> memref<64xi32, #tpu.memory_space<vmem>>
        %dma_wait3A_67 = arith.constant 0 : i32
        %dma_wait3A_68 = arith.constant 0 : i32
        %dma_wait3A_69 = tpu.memref_slice %arg2[%dma_wait3A_67, %dma_wait3A_68] : memref<10000x128xf32, #tpu.memory_space<hbm>> -> memref<10000x128xf32, #tpu.memory_space<hbm>>
        %dma_wait3A_70 = tpu.memref_slice %arg11[%select_n3A_62] : memref<4x!tpu.dma_semaphore, #tpu.memory_space<semaphore_mem>> -> memref<1x!tpu.dma_semaphore, #tpu.memory_space<semaphore_mem>>
        %dma_wait3A_71 = tpu.memref_squeeze %dma_wait3A_70 : memref<1x!tpu.dma_semaphore, #tpu.memory_space<semaphore_mem>> -> memref<!tpu.dma_semaphore, #tpu.memory_space<semaphore_mem>>
        tpu.wait_indirect_dma semaphore(%dma_wait3A_71 : memref<!tpu.dma_semaphore, #tpu.memory_space<semaphore_mem>>) src(%dma_wait3A_69 : memref<10000x128xf32, #tpu.memory_space<hbm>>) dst(%dma_wait3A_63 : memref<64x128xf32, #tpu.memory_space<vmem>>)
        "tpu.region"() ({
          %run_scoped3A = tpu.sem_alloc : memref<!tpu.dma_semaphore, #tpu.memory_space<semaphore_mem>>
          %dma_start3A = arith.constant 0 : i32
          %dma_start3A_72 = tpu.memref_slice %arg9[%mul3A_46, %dma_start3A] : memref<256x128xf32, #tpu.memory_space<vmem>> -> memref<64x128xf32, #tpu.memory_space<vmem>>
          %dma_start3A_73 = arith.constant 0 : i32
          %dma_start3A_74 = tpu.memref_slice %arg8[%sub3A_34, %dma_start3A_73] : memref<40x64xi32, #tpu.memory_space<vmem>> -> memref<1x64xi32, #tpu.memory_space<vmem>>
          %dma_start3A_75 = tpu.memref_squeeze %dma_start3A_74 : memref<1x64xi32, #tpu.memory_space<vmem>> -> memref<64xi32, #tpu.memory_space<vmem>>
          %dma_start3A_76 = arith.constant 0 : i32
          %dma_start3A_77 = arith.constant 0 : i32
          %dma_start3A_78 = tpu.memref_slice %arg10[%dma_start3A_76, %dma_start3A_77] : memref<10112x128xf32, #tpu.memory_space<vmem_shared>> -> memref<10112x128xf32, #tpu.memory_space<vmem_shared>>
          tpu.enqueue_indirect_dma source(%dma_start3A_72 : memref<64x128xf32, #tpu.memory_space<vmem>>) target(%dma_start3A_78 : memref<10112x128xf32, #tpu.memory_space<vmem_shared>>) offsets(%dma_start3A_75 : memref<64xi32, #tpu.memory_space<vmem>>) semaphore(%run_scoped3A : memref<!tpu.dma_semaphore, #tpu.memory_space<semaphore_mem>>) {add = true}
          %dma_wait3A_79 = arith.constant 0 : i32
          %dma_wait3A_80 = tpu.memref_slice %arg9[%mul3A_46, %dma_wait3A_79] : memref<256x128xf32, #tpu.memory_space<vmem>> -> memref<64x128xf32, #tpu.memory_space<vmem>>
          %dma_wait3A_81 = arith.constant 0 : i32
          %dma_wait3A_82 = tpu.memref_slice %arg8[%sub3A_34, %dma_wait3A_81] : memref<40x64xi32, #tpu.memory_space<vmem>> -> memref<1x64xi32, #tpu.memory_space<vmem>>
          %dma_wait3A_83 = tpu.memref_squeeze %dma_wait3A_82 : memref<1x64xi32, #tpu.memory_space<vmem>> -> memref<64xi32, #tpu.memory_space<vmem>>
          %dma_wait3A_84 = arith.constant 0 : i32
          %dma_wait3A_85 = arith.constant 0 : i32
          %dma_wait3A_86 = tpu.memref_slice %arg10[%dma_wait3A_84, %dma_wait3A_85] : memref<10112x128xf32, #tpu.memory_space<vmem_shared>> -> memref<10112x128xf32, #tpu.memory_space<vmem_shared>>
          tpu.wait_indirect_dma semaphore(%run_scoped3A : memref<!tpu.dma_semaphore, #tpu.memory_space<semaphore_mem>>) src(%dma_wait3A_80 : memref<64x128xf32, #tpu.memory_space<vmem>>) dst(%dma_wait3A_86 : memref<10112x128xf32, #tpu.memory_space<vmem_shared>>)
          tpu.yield
        }) : () -> ()
      } else {
      }
    }
    %scan3A_13 = arith.constant 43 : i32
    "tpu.region"() ({
      %run_scoped3A = tpu.sem_alloc : memref<!tpu.dma_semaphore, #tpu.memory_space<semaphore_mem>>
      %dma_start3A = arith.constant 80 : i32
      %dma_start3A_27 = arith.constant 0 : i32
      %dma_start3A_28 = tpu.memref_slice %arg3[%add3A, %dma_start3A, %dma_start3A_27] : memref<32x160x64xi32, #tpu.memory_space<hbm>> -> memref<1x40x64xi32, #tpu.memory_space<hbm>>
      %dma_start3A_29 = tpu.memref_squeeze %dma_start3A_28 : memref<1x40x64xi32, #tpu.memory_space<hbm>> -> memref<40x64xi32, #tpu.memory_space<hbm>>
      %dma_start3A_30 = arith.constant 80 : i32
      %dma_start3A_31 = arith.constant 0 : i32
      %dma_start3A_32 = tpu.memref_slice %arg3[%add3A, %dma_start3A_30, %dma_start3A_31] : memref<32x160x64xi32, #tpu.memory_space<hbm>> -> memref<1x40x64xi32, #tpu.memory_space<hbm>>
      %dma_start3A_33 = tpu.memref_squeeze %dma_start3A_32 : memref<1x40x64xi32, #tpu.memory_space<hbm>> -> memref<40x64xi32, #tpu.memory_space<hbm>>
      tpu.enqueue_dma source(%dma_start3A_33 : memref<40x64xi32, #tpu.memory_space<hbm>>) target(%arg7 : memref<40x64xi32, #tpu.memory_space<vmem>>) target_semaphore(%run_scoped3A : memref<!tpu.dma_semaphore, #tpu.memory_space<semaphore_mem>>)
      %dma_wait3A = arith.constant 80 : i32
      %dma_wait3A_34 = arith.constant 0 : i32
      %dma_wait3A_35 = tpu.memref_slice %arg3[%add3A, %dma_wait3A, %dma_wait3A_34] : memref<32x160x64xi32, #tpu.memory_space<hbm>> -> memref<1x40x64xi32, #tpu.memory_space<hbm>>
      %dma_wait3A_36 = tpu.memref_squeeze %dma_wait3A_35 : memref<1x40x64xi32, #tpu.memory_space<hbm>> -> memref<40x64xi32, #tpu.memory_space<hbm>>
      %dma_wait3A_37 = arith.constant 80 : i32
      %dma_wait3A_38 = arith.constant 0 : i32
      %dma_wait3A_39 = tpu.memref_slice %arg3[%add3A, %dma_wait3A_37, %dma_wait3A_38] : memref<32x160x64xi32, #tpu.memory_space<hbm>> -> memref<1x40x64xi32, #tpu.memory_space<hbm>>
      %dma_wait3A_40 = tpu.memref_squeeze %dma_wait3A_39 : memref<1x40x64xi32, #tpu.memory_space<hbm>> -> memref<40x64xi32, #tpu.memory_space<hbm>>
      tpu.wait_dma2 semaphore(%run_scoped3A : memref<!tpu.dma_semaphore, #tpu.memory_space<semaphore_mem>>) src(%dma_wait3A_40 : memref<40x64xi32, #tpu.memory_space<hbm>>) dst(%arg7 : memref<40x64xi32, #tpu.memory_space<vmem>>)
      tpu.yield
    }) : () -> ()
    "tpu.region"() ({
      %run_scoped3A = tpu.sem_alloc : memref<!tpu.dma_semaphore, #tpu.memory_space<semaphore_mem>>
      %dma_start3A = arith.constant 80 : i32
      %dma_start3A_27 = arith.constant 0 : i32
      %dma_start3A_28 = tpu.memref_slice %arg4[%add3A, %dma_start3A, %dma_start3A_27] : memref<32x160x64xi32, #tpu.memory_space<hbm>> -> memref<1x40x64xi32, #tpu.memory_space<hbm>>
      %dma_start3A_29 = tpu.memref_squeeze %dma_start3A_28 : memref<1x40x64xi32, #tpu.memory_space<hbm>> -> memref<40x64xi32, #tpu.memory_space<hbm>>
      %dma_start3A_30 = arith.constant 80 : i32
      %dma_start3A_31 = arith.constant 0 : i32
      %dma_start3A_32 = tpu.memref_slice %arg4[%add3A, %dma_start3A_30, %dma_start3A_31] : memref<32x160x64xi32, #tpu.memory_space<hbm>> -> memref<1x40x64xi32, #tpu.memory_space<hbm>>
      %dma_start3A_33 = tpu.memref_squeeze %dma_start3A_32 : memref<1x40x64xi32, #tpu.memory_space<hbm>> -> memref<40x64xi32, #tpu.memory_space<hbm>>
      tpu.enqueue_dma source(%dma_start3A_33 : memref<40x64xi32, #tpu.memory_space<hbm>>) target(%arg8 : memref<40x64xi32, #tpu.memory_space<vmem>>) target_semaphore(%run_scoped3A : memref<!tpu.dma_semaphore, #tpu.memory_space<semaphore_mem>>)
      %dma_wait3A = arith.constant 80 : i32
      %dma_wait3A_34 = arith.constant 0 : i32
      %dma_wait3A_35 = tpu.memref_slice %arg4[%add3A, %dma_wait3A, %dma_wait3A_34] : memref<32x160x64xi32, #tpu.memory_space<hbm>> -> memref<1x40x64xi32, #tpu.memory_space<hbm>>
      %dma_wait3A_36 = tpu.memref_squeeze %dma_wait3A_35 : memref<1x40x64xi32, #tpu.memory_space<hbm>> -> memref<40x64xi32, #tpu.memory_space<hbm>>
      %dma_wait3A_37 = arith.constant 80 : i32
      %dma_wait3A_38 = arith.constant 0 : i32
      %dma_wait3A_39 = tpu.memref_slice %arg4[%add3A, %dma_wait3A_37, %dma_wait3A_38] : memref<32x160x64xi32, #tpu.memory_space<hbm>> -> memref<1x40x64xi32, #tpu.memory_space<hbm>>
      %dma_wait3A_40 = tpu.memref_squeeze %dma_wait3A_39 : memref<1x40x64xi32, #tpu.memory_space<hbm>> -> memref<40x64xi32, #tpu.memory_space<hbm>>
      tpu.wait_dma2 semaphore(%run_scoped3A : memref<!tpu.dma_semaphore, #tpu.memory_space<semaphore_mem>>) src(%dma_wait3A_40 : memref<40x64xi32, #tpu.memory_space<hbm>>) dst(%arg8 : memref<40x64xi32, #tpu.memory_space<vmem>>)
      tpu.yield
    }) : () -> ()
    %scan3A_14 = arith.constant 0 : i32
    %scan3A_15 = arith.constant 0 : i32
    %scan3A_16 = arith.constant 43 : i32
    %scan3A_17 = arith.addi %scan3A_15, %scan3A_16 : i32
    %scan3A_18 = arith.constant 1 : i32
    scf.for %scan3A_27 = %scan3A_15 to %scan3A_17 step %scan3A_18  : i32 {
      %lt3A = arith.constant 40 : i32
      %lt3A_28 = arith.cmpi slt, %scan3A_27, %lt3A : i32
      %convert_element_type3A = arith.extui %lt3A_28 : i1 to i32
      %cond3A = arith.constant 0 : i32
      %cond3A_29 = arith.cmpi ne, %convert_element_type3A, %cond3A : i32
      scf.if %cond3A_29 {
        %jit3A = arith.constant 4 : i32
        %eq3A = arith.constant 0 : i32
        %eq3A_34 = arith.cmpi eq, %jit3A, %eq3A : i32
        %jit3A_35 = arith.constant 1 : i32
        %select_n3A = arith.select %eq3A_34, %jit3A_35, %jit3A : i32
        %rem3A = arith.remsi %scan3A_27, %select_n3A : i32
        %ne3A = arith.constant 0 : i32
        %ne3A_36 = arith.cmpi ne, %rem3A, %ne3A : i32
        %lt3A_37 = arith.constant 0 : i32
        %lt3A_38 = arith.cmpi slt, %rem3A, %lt3A_37 : i32
        %lt3A_39 = arith.constant 0 : i32
        %lt3A_40 = arith.cmpi slt, %select_n3A, %lt3A_39 : i32
        %ne3A_41 = arith.xori %lt3A_38, %lt3A_40 : i1
        %and3A = arith.andi %ne3A_41, %ne3A_36 : i1
        %add3A_42 = arith.addi %rem3A, %select_n3A : i32
        %select_n3A_43 = arith.select %and3A, %add3A_42, %rem3A : i32
        %mul3A_44 = arith.constant 64 : i32
        %mul3A_45 = arith.muli %select_n3A_43, %mul3A_44 : i32
        %jit3A_46 = arith.constant 4 : i32
        %eq3A_47 = arith.constant 0 : i32
        %eq3A_48 = arith.cmpi eq, %jit3A_46, %eq3A_47 : i32
        %jit3A_49 = arith.constant 1 : i32
        %select_n3A_50 = arith.select %eq3A_48, %jit3A_49, %jit3A_46 : i32
        %rem3A_51 = arith.remsi %scan3A_27, %select_n3A_50 : i32
        %ne3A_52 = arith.constant 0 : i32
        %ne3A_53 = arith.cmpi ne, %rem3A_51, %ne3A_52 : i32
        %lt3A_54 = arith.constant 0 : i32
        %lt3A_55 = arith.cmpi slt, %rem3A_51, %lt3A_54 : i32
        %lt3A_56 = arith.constant 0 : i32
        %lt3A_57 = arith.cmpi slt, %select_n3A_50, %lt3A_56 : i32
        %ne3A_58 = arith.xori %lt3A_55, %lt3A_57 : i1
        %and3A_59 = arith.andi %ne3A_58, %ne3A_53 : i1
        %add3A_60 = arith.addi %rem3A_51, %select_n3A_50 : i32
        %select_n3A_61 = arith.select %and3A_59, %add3A_60, %rem3A_51 : i32
        %dma_start3A = arith.constant 0 : i32
        %dma_start3A_62 = tpu.memref_slice %arg9[%mul3A_45, %dma_start3A] : memref<256x128xf32, #tpu.memory_space<vmem>> -> memref<64x128xf32, #tpu.memory_space<vmem>>
        %dma_start3A_63 = arith.constant 0 : i32
        %dma_start3A_64 = tpu.memref_slice %arg7[%scan3A_27, %dma_start3A_63] : memref<40x64xi32, #tpu.memory_space<vmem>> -> memref<1x64xi32, #tpu.memory_space<vmem>>
        %dma_start3A_65 = tpu.memref_squeeze %dma_start3A_64 : memref<1x64xi32, #tpu.memory_space<vmem>> -> memref<64xi32, #tpu.memory_space<vmem>>
        %dma_start3A_66 = arith.constant 0 : i32
        %dma_start3A_67 = arith.constant 0 : i32
        %dma_start3A_68 = tpu.memref_slice %arg2[%dma_start3A_66, %dma_start3A_67] : memref<10000x128xf32, #tpu.memory_space<hbm>> -> memref<10000x128xf32, #tpu.memory_space<hbm>>
        %dma_start3A_69 = tpu.memref_slice %arg11[%select_n3A_61] : memref<4x!tpu.dma_semaphore, #tpu.memory_space<semaphore_mem>> -> memref<1x!tpu.dma_semaphore, #tpu.memory_space<semaphore_mem>>
        %dma_start3A_70 = tpu.memref_squeeze %dma_start3A_69 : memref<1x!tpu.dma_semaphore, #tpu.memory_space<semaphore_mem>> -> memref<!tpu.dma_semaphore, #tpu.memory_space<semaphore_mem>>
        tpu.enqueue_indirect_dma source(%dma_start3A_68 : memref<10000x128xf32, #tpu.memory_space<hbm>>) target(%dma_start3A_62 : memref<64x128xf32, #tpu.memory_space<vmem>>) offsets(%dma_start3A_65 : memref<64xi32, #tpu.memory_space<vmem>>) semaphore(%dma_start3A_70 : memref<!tpu.dma_semaphore, #tpu.memory_space<semaphore_mem>>)
      } else {
      }
      %ge3A = arith.constant 3 : i32
      %ge3A_30 = arith.cmpi sge, %scan3A_27, %ge3A : i32
      %convert_element_type3A_31 = arith.extui %ge3A_30 : i1 to i32
      %cond3A_32 = arith.constant 0 : i32
      %cond3A_33 = arith.cmpi ne, %convert_element_type3A_31, %cond3A_32 : i32
      scf.if %cond3A_33 {
        %sub3A = arith.constant 3 : i32
        %sub3A_34 = arith.subi %scan3A_27, %sub3A : i32
        %jit3A = arith.constant 4 : i32
        %eq3A = arith.constant 0 : i32
        %eq3A_35 = arith.cmpi eq, %jit3A, %eq3A : i32
        %jit3A_36 = arith.constant 1 : i32
        %select_n3A = arith.select %eq3A_35, %jit3A_36, %jit3A : i32
        %rem3A = arith.remsi %sub3A_34, %select_n3A : i32
        %ne3A = arith.constant 0 : i32
        %ne3A_37 = arith.cmpi ne, %rem3A, %ne3A : i32
        %lt3A_38 = arith.constant 0 : i32
        %lt3A_39 = arith.cmpi slt, %rem3A, %lt3A_38 : i32
        %lt3A_40 = arith.constant 0 : i32
        %lt3A_41 = arith.cmpi slt, %select_n3A, %lt3A_40 : i32
        %ne3A_42 = arith.xori %lt3A_39, %lt3A_41 : i1
        %and3A = arith.andi %ne3A_42, %ne3A_37 : i1
        %add3A_43 = arith.addi %rem3A, %select_n3A : i32
        %select_n3A_44 = arith.select %and3A, %add3A_43, %rem3A : i32
        %mul3A_45 = arith.constant 64 : i32
        %mul3A_46 = arith.muli %select_n3A_44, %mul3A_45 : i32
        %jit3A_47 = arith.constant 4 : i32
        %eq3A_48 = arith.constant 0 : i32
        %eq3A_49 = arith.cmpi eq, %jit3A_47, %eq3A_48 : i32
        %jit3A_50 = arith.constant 1 : i32
        %select_n3A_51 = arith.select %eq3A_49, %jit3A_50, %jit3A_47 : i32
        %rem3A_52 = arith.remsi %sub3A_34, %select_n3A_51 : i32
        %ne3A_53 = arith.constant 0 : i32
        %ne3A_54 = arith.cmpi ne, %rem3A_52, %ne3A_53 : i32
        %lt3A_55 = arith.constant 0 : i32
        %lt3A_56 = arith.cmpi slt, %rem3A_52, %lt3A_55 : i32
        %lt3A_57 = arith.constant 0 : i32
        %lt3A_58 = arith.cmpi slt, %select_n3A_51, %lt3A_57 : i32
        %ne3A_59 = arith.xori %lt3A_56, %lt3A_58 : i1
        %and3A_60 = arith.andi %ne3A_59, %ne3A_54 : i1
        %add3A_61 = arith.addi %rem3A_52, %select_n3A_51 : i32
        %select_n3A_62 = arith.select %and3A_60, %add3A_61, %rem3A_52 : i32
        %dma_wait3A = arith.constant 0 : i32
        %dma_wait3A_63 = tpu.memref_slice %arg9[%mul3A_46, %dma_wait3A] : memref<256x128xf32, #tpu.memory_space<vmem>> -> memref<64x128xf32, #tpu.memory_space<vmem>>
        %dma_wait3A_64 = arith.constant 0 : i32
        %dma_wait3A_65 = tpu.memref_slice %arg7[%sub3A_34, %dma_wait3A_64] : memref<40x64xi32, #tpu.memory_space<vmem>> -> memref<1x64xi32, #tpu.memory_space<vmem>>
        %dma_wait3A_66 = tpu.memref_squeeze %dma_wait3A_65 : memref<1x64xi32, #tpu.memory_space<vmem>> -> memref<64xi32, #tpu.memory_space<vmem>>
        %dma_wait3A_67 = arith.constant 0 : i32
        %dma_wait3A_68 = arith.constant 0 : i32
        %dma_wait3A_69 = tpu.memref_slice %arg2[%dma_wait3A_67, %dma_wait3A_68] : memref<10000x128xf32, #tpu.memory_space<hbm>> -> memref<10000x128xf32, #tpu.memory_space<hbm>>
        %dma_wait3A_70 = tpu.memref_slice %arg11[%select_n3A_62] : memref<4x!tpu.dma_semaphore, #tpu.memory_space<semaphore_mem>> -> memref<1x!tpu.dma_semaphore, #tpu.memory_space<semaphore_mem>>
        %dma_wait3A_71 = tpu.memref_squeeze %dma_wait3A_70 : memref<1x!tpu.dma_semaphore, #tpu.memory_space<semaphore_mem>> -> memref<!tpu.dma_semaphore, #tpu.memory_space<semaphore_mem>>
        tpu.wait_indirect_dma semaphore(%dma_wait3A_71 : memref<!tpu.dma_semaphore, #tpu.memory_space<semaphore_mem>>) src(%dma_wait3A_69 : memref<10000x128xf32, #tpu.memory_space<hbm>>) dst(%dma_wait3A_63 : memref<64x128xf32, #tpu.memory_space<vmem>>)
        "tpu.region"() ({
          %run_scoped3A = tpu.sem_alloc : memref<!tpu.dma_semaphore, #tpu.memory_space<semaphore_mem>>
          %dma_start3A = arith.constant 0 : i32
          %dma_start3A_72 = tpu.memref_slice %arg9[%mul3A_46, %dma_start3A] : memref<256x128xf32, #tpu.memory_space<vmem>> -> memref<64x128xf32, #tpu.memory_space<vmem>>
          %dma_start3A_73 = arith.constant 0 : i32
          %dma_start3A_74 = tpu.memref_slice %arg8[%sub3A_34, %dma_start3A_73] : memref<40x64xi32, #tpu.memory_space<vmem>> -> memref<1x64xi32, #tpu.memory_space<vmem>>
          %dma_start3A_75 = tpu.memref_squeeze %dma_start3A_74 : memref<1x64xi32, #tpu.memory_space<vmem>> -> memref<64xi32, #tpu.memory_space<vmem>>
          %dma_start3A_76 = arith.constant 0 : i32
          %dma_start3A_77 = arith.constant 0 : i32
          %dma_start3A_78 = tpu.memref_slice %arg10[%dma_start3A_76, %dma_start3A_77] : memref<10112x128xf32, #tpu.memory_space<vmem_shared>> -> memref<10112x128xf32, #tpu.memory_space<vmem_shared>>
          tpu.enqueue_indirect_dma source(%dma_start3A_72 : memref<64x128xf32, #tpu.memory_space<vmem>>) target(%dma_start3A_78 : memref<10112x128xf32, #tpu.memory_space<vmem_shared>>) offsets(%dma_start3A_75 : memref<64xi32, #tpu.memory_space<vmem>>) semaphore(%run_scoped3A : memref<!tpu.dma_semaphore, #tpu.memory_space<semaphore_mem>>) {add = true}
          %dma_wait3A_79 = arith.constant 0 : i32
          %dma_wait3A_80 = tpu.memref_slice %arg9[%mul3A_46, %dma_wait3A_79] : memref<256x128xf32, #tpu.memory_space<vmem>> -> memref<64x128xf32, #tpu.memory_space<vmem>>
          %dma_wait3A_81 = arith.constant 0 : i32
          %dma_wait3A_82 = tpu.memref_slice %arg8[%sub3A_34, %dma_wait3A_81] : memref<40x64xi32, #tpu.memory_space<vmem>> -> memref<1x64xi32, #tpu.memory_space<vmem>>
          %dma_wait3A_83 = tpu.memref_squeeze %dma_wait3A_82 : memref<1x64xi32, #tpu.memory_space<vmem>> -> memref<64xi32, #tpu.memory_space<vmem>>
          %dma_wait3A_84 = arith.constant 0 : i32
          %dma_wait3A_85 = arith.constant 0 : i32
          %dma_wait3A_86 = tpu.memref_slice %arg10[%dma_wait3A_84, %dma_wait3A_85] : memref<10112x128xf32, #tpu.memory_space<vmem_shared>> -> memref<10112x128xf32, #tpu.memory_space<vmem_shared>>
          tpu.wait_indirect_dma semaphore(%run_scoped3A : memref<!tpu.dma_semaphore, #tpu.memory_space<semaphore_mem>>) src(%dma_wait3A_80 : memref<64x128xf32, #tpu.memory_space<vmem>>) dst(%dma_wait3A_86 : memref<10112x128xf32, #tpu.memory_space<vmem_shared>>)
          tpu.yield
        }) : () -> ()
      } else {
      }
    }
    %scan3A_19 = arith.constant 43 : i32
    "tpu.region"() ({
      %run_scoped3A = tpu.sem_alloc : memref<!tpu.dma_semaphore, #tpu.memory_space<semaphore_mem>>
      %dma_start3A = arith.constant 120 : i32
      %dma_start3A_27 = arith.constant 0 : i32
      %dma_start3A_28 = tpu.memref_slice %arg3[%add3A, %dma_start3A, %dma_start3A_27] : memref<32x160x64xi32, #tpu.memory_space<hbm>> -> memref<1x40x64xi32, #tpu.memory_space<hbm>>
      %dma_start3A_29 = tpu.memref_squeeze %dma_start3A_28 : memref<1x40x64xi32, #tpu.memory_space<hbm>> -> memref<40x64xi32, #tpu.memory_space<hbm>>
      %dma_start3A_30 = arith.constant 120 : i32
      %dma_start3A_31 = arith.constant 0 : i32
      %dma_start3A_32 = tpu.memref_slice %arg3[%add3A, %dma_start3A_30, %dma_start3A_31] : memref<32x160x64xi32, #tpu.memory_space<hbm>> -> memref<1x40x64xi32, #tpu.memory_space<hbm>>
      %dma_start3A_33 = tpu.memref_squeeze %dma_start3A_32 : memref<1x40x64xi32, #tpu.memory_space<hbm>> -> memref<40x64xi32, #tpu.memory_space<hbm>>
      tpu.enqueue_dma source(%dma_start3A_33 : memref<40x64xi32, #tpu.memory_space<hbm>>) target(%arg7 : memref<40x64xi32, #tpu.memory_space<vmem>>) target_semaphore(%run_scoped3A : memref<!tpu.dma_semaphore, #tpu.memory_space<semaphore_mem>>)
      %dma_wait3A = arith.constant 120 : i32
      %dma_wait3A_34 = arith.constant 0 : i32
      %dma_wait3A_35 = tpu.memref_slice %arg3[%add3A, %dma_wait3A, %dma_wait3A_34] : memref<32x160x64xi32, #tpu.memory_space<hbm>> -> memref<1x40x64xi32, #tpu.memory_space<hbm>>
      %dma_wait3A_36 = tpu.memref_squeeze %dma_wait3A_35 : memref<1x40x64xi32, #tpu.memory_space<hbm>> -> memref<40x64xi32, #tpu.memory_space<hbm>>
      %dma_wait3A_37 = arith.constant 120 : i32
      %dma_wait3A_38 = arith.constant 0 : i32
      %dma_wait3A_39 = tpu.memref_slice %arg3[%add3A, %dma_wait3A_37, %dma_wait3A_38] : memref<32x160x64xi32, #tpu.memory_space<hbm>> -> memref<1x40x64xi32, #tpu.memory_space<hbm>>
      %dma_wait3A_40 = tpu.memref_squeeze %dma_wait3A_39 : memref<1x40x64xi32, #tpu.memory_space<hbm>> -> memref<40x64xi32, #tpu.memory_space<hbm>>
      tpu.wait_dma2 semaphore(%run_scoped3A : memref<!tpu.dma_semaphore, #tpu.memory_space<semaphore_mem>>) src(%dma_wait3A_40 : memref<40x64xi32, #tpu.memory_space<hbm>>) dst(%arg7 : memref<40x64xi32, #tpu.memory_space<vmem>>)
      tpu.yield
    }) : () -> ()
    "tpu.region"() ({
      %run_scoped3A = tpu.sem_alloc : memref<!tpu.dma_semaphore, #tpu.memory_space<semaphore_mem>>
      %dma_start3A = arith.constant 120 : i32
      %dma_start3A_27 = arith.constant 0 : i32
      %dma_start3A_28 = tpu.memref_slice %arg4[%add3A, %dma_start3A, %dma_start3A_27] : memref<32x160x64xi32, #tpu.memory_space<hbm>> -> memref<1x40x64xi32, #tpu.memory_space<hbm>>
      %dma_start3A_29 = tpu.memref_squeeze %dma_start3A_28 : memref<1x40x64xi32, #tpu.memory_space<hbm>> -> memref<40x64xi32, #tpu.memory_space<hbm>>
      %dma_start3A_30 = arith.constant 120 : i32
      %dma_start3A_31 = arith.constant 0 : i32
      %dma_start3A_32 = tpu.memref_slice %arg4[%add3A, %dma_start3A_30, %dma_start3A_31] : memref<32x160x64xi32, #tpu.memory_space<hbm>> -> memref<1x40x64xi32, #tpu.memory_space<hbm>>
      %dma_start3A_33 = tpu.memref_squeeze %dma_start3A_32 : memref<1x40x64xi32, #tpu.memory_space<hbm>> -> memref<40x64xi32, #tpu.memory_space<hbm>>
      tpu.enqueue_dma source(%dma_start3A_33 : memref<40x64xi32, #tpu.memory_space<hbm>>) target(%arg8 : memref<40x64xi32, #tpu.memory_space<vmem>>) target_semaphore(%run_scoped3A : memref<!tpu.dma_semaphore, #tpu.memory_space<semaphore_mem>>)
      %dma_wait3A = arith.constant 120 : i32
      %dma_wait3A_34 = arith.constant 0 : i32
      %dma_wait3A_35 = tpu.memref_slice %arg4[%add3A, %dma_wait3A, %dma_wait3A_34] : memref<32x160x64xi32, #tpu.memory_space<hbm>> -> memref<1x40x64xi32, #tpu.memory_space<hbm>>
      %dma_wait3A_36 = tpu.memref_squeeze %dma_wait3A_35 : memref<1x40x64xi32, #tpu.memory_space<hbm>> -> memref<40x64xi32, #tpu.memory_space<hbm>>
      %dma_wait3A_37 = arith.constant 120 : i32
      %dma_wait3A_38 = arith.constant 0 : i32
      %dma_wait3A_39 = tpu.memref_slice %arg4[%add3A, %dma_wait3A_37, %dma_wait3A_38] : memref<32x160x64xi32, #tpu.memory_space<hbm>> -> memref<1x40x64xi32, #tpu.memory_space<hbm>>
      %dma_wait3A_40 = tpu.memref_squeeze %dma_wait3A_39 : memref<1x40x64xi32, #tpu.memory_space<hbm>> -> memref<40x64xi32, #tpu.memory_space<hbm>>
      tpu.wait_dma2 semaphore(%run_scoped3A : memref<!tpu.dma_semaphore, #tpu.memory_space<semaphore_mem>>) src(%dma_wait3A_40 : memref<40x64xi32, #tpu.memory_space<hbm>>) dst(%arg8 : memref<40x64xi32, #tpu.memory_space<vmem>>)
      tpu.yield
    }) : () -> ()
    %scan3A_20 = arith.constant 0 : i32
    %scan3A_21 = arith.constant 0 : i32
    %scan3A_22 = arith.constant 43 : i32
    %scan3A_23 = arith.addi %scan3A_21, %scan3A_22 : i32
    %scan3A_24 = arith.constant 1 : i32
    scf.for %scan3A_27 = %scan3A_21 to %scan3A_23 step %scan3A_24  : i32 {
      %lt3A = arith.constant 40 : i32
      %lt3A_28 = arith.cmpi slt, %scan3A_27, %lt3A : i32
      %convert_element_type3A = arith.extui %lt3A_28 : i1 to i32
      %cond3A = arith.constant 0 : i32
      %cond3A_29 = arith.cmpi ne, %convert_element_type3A, %cond3A : i32
      scf.if %cond3A_29 {
        %jit3A = arith.constant 4 : i32
        %eq3A = arith.constant 0 : i32
        %eq3A_34 = arith.cmpi eq, %jit3A, %eq3A : i32
        %jit3A_35 = arith.constant 1 : i32
        %select_n3A = arith.select %eq3A_34, %jit3A_35, %jit3A : i32
        %rem3A = arith.remsi %scan3A_27, %select_n3A : i32
        %ne3A = arith.constant 0 : i32
        %ne3A_36 = arith.cmpi ne, %rem3A, %ne3A : i32
        %lt3A_37 = arith.constant 0 : i32
        %lt3A_38 = arith.cmpi slt, %rem3A, %lt3A_37 : i32
        %lt3A_39 = arith.constant 0 : i32
        %lt3A_40 = arith.cmpi slt, %select_n3A, %lt3A_39 : i32
        %ne3A_41 = arith.xori %lt3A_38, %lt3A_40 : i1
        %and3A = arith.andi %ne3A_41, %ne3A_36 : i1
        %add3A_42 = arith.addi %rem3A, %select_n3A : i32
        %select_n3A_43 = arith.select %and3A, %add3A_42, %rem3A : i32
        %mul3A_44 = arith.constant 64 : i32
        %mul3A_45 = arith.muli %select_n3A_43, %mul3A_44 : i32
        %jit3A_46 = arith.constant 4 : i32
        %eq3A_47 = arith.constant 0 : i32
        %eq3A_48 = arith.cmpi eq, %jit3A_46, %eq3A_47 : i32
        %jit3A_49 = arith.constant 1 : i32
        %select_n3A_50 = arith.select %eq3A_48, %jit3A_49, %jit3A_46 : i32
        %rem3A_51 = arith.remsi %scan3A_27, %select_n3A_50 : i32
        %ne3A_52 = arith.constant 0 : i32
        %ne3A_53 = arith.cmpi ne, %rem3A_51, %ne3A_52 : i32
        %lt3A_54 = arith.constant 0 : i32
        %lt3A_55 = arith.cmpi slt, %rem3A_51, %lt3A_54 : i32
        %lt3A_56 = arith.constant 0 : i32
        %lt3A_57 = arith.cmpi slt, %select_n3A_50, %lt3A_56 : i32
        %ne3A_58 = arith.xori %lt3A_55, %lt3A_57 : i1
        %and3A_59 = arith.andi %ne3A_58, %ne3A_53 : i1
        %add3A_60 = arith.addi %rem3A_51, %select_n3A_50 : i32
        %select_n3A_61 = arith.select %and3A_59, %add3A_60, %rem3A_51 : i32
        %dma_start3A = arith.constant 0 : i32
        %dma_start3A_62 = tpu.memref_slice %arg9[%mul3A_45, %dma_start3A] : memref<256x128xf32, #tpu.memory_space<vmem>> -> memref<64x128xf32, #tpu.memory_space<vmem>>
        %dma_start3A_63 = arith.constant 0 : i32
        %dma_start3A_64 = tpu.memref_slice %arg7[%scan3A_27, %dma_start3A_63] : memref<40x64xi32, #tpu.memory_space<vmem>> -> memref<1x64xi32, #tpu.memory_space<vmem>>
        %dma_start3A_65 = tpu.memref_squeeze %dma_start3A_64 : memref<1x64xi32, #tpu.memory_space<vmem>> -> memref<64xi32, #tpu.memory_space<vmem>>
        %dma_start3A_66 = arith.constant 0 : i32
        %dma_start3A_67 = arith.constant 0 : i32
        %dma_start3A_68 = tpu.memref_slice %arg2[%dma_start3A_66, %dma_start3A_67] : memref<10000x128xf32, #tpu.memory_space<hbm>> -> memref<10000x128xf32, #tpu.memory_space<hbm>>
        %dma_start3A_69 = tpu.memref_slice %arg11[%select_n3A_61] : memref<4x!tpu.dma_semaphore, #tpu.memory_space<semaphore_mem>> -> memref<1x!tpu.dma_semaphore, #tpu.memory_space<semaphore_mem>>
        %dma_start3A_70 = tpu.memref_squeeze %dma_start3A_69 : memref<1x!tpu.dma_semaphore, #tpu.memory_space<semaphore_mem>> -> memref<!tpu.dma_semaphore, #tpu.memory_space<semaphore_mem>>
        tpu.enqueue_indirect_dma source(%dma_start3A_68 : memref<10000x128xf32, #tpu.memory_space<hbm>>) target(%dma_start3A_62 : memref<64x128xf32, #tpu.memory_space<vmem>>) offsets(%dma_start3A_65 : memref<64xi32, #tpu.memory_space<vmem>>) semaphore(%dma_start3A_70 : memref<!tpu.dma_semaphore, #tpu.memory_space<semaphore_mem>>)
      } else {
      }
      %ge3A = arith.constant 3 : i32
      %ge3A_30 = arith.cmpi sge, %scan3A_27, %ge3A : i32
      %convert_element_type3A_31 = arith.extui %ge3A_30 : i1 to i32
      %cond3A_32 = arith.constant 0 : i32
      %cond3A_33 = arith.cmpi ne, %convert_element_type3A_31, %cond3A_32 : i32
      scf.if %cond3A_33 {
        %sub3A = arith.constant 3 : i32
        %sub3A_34 = arith.subi %scan3A_27, %sub3A : i32
        %jit3A = arith.constant 4 : i32
        %eq3A = arith.constant 0 : i32
        %eq3A_35 = arith.cmpi eq, %jit3A, %eq3A : i32
        %jit3A_36 = arith.constant 1 : i32
        %select_n3A = arith.select %eq3A_35, %jit3A_36, %jit3A : i32
        %rem3A = arith.remsi %sub3A_34, %select_n3A : i32
        %ne3A = arith.constant 0 : i32
        %ne3A_37 = arith.cmpi ne, %rem3A, %ne3A : i32
        %lt3A_38 = arith.constant 0 : i32
        %lt3A_39 = arith.cmpi slt, %rem3A, %lt3A_38 : i32
        %lt3A_40 = arith.constant 0 : i32
        %lt3A_41 = arith.cmpi slt, %select_n3A, %lt3A_40 : i32
        %ne3A_42 = arith.xori %lt3A_39, %lt3A_41 : i1
        %and3A = arith.andi %ne3A_42, %ne3A_37 : i1
        %add3A_43 = arith.addi %rem3A, %select_n3A : i32
        %select_n3A_44 = arith.select %and3A, %add3A_43, %rem3A : i32
        %mul3A_45 = arith.constant 64 : i32
        %mul3A_46 = arith.muli %select_n3A_44, %mul3A_45 : i32
        %jit3A_47 = arith.constant 4 : i32
        %eq3A_48 = arith.constant 0 : i32
        %eq3A_49 = arith.cmpi eq, %jit3A_47, %eq3A_48 : i32
        %jit3A_50 = arith.constant 1 : i32
        %select_n3A_51 = arith.select %eq3A_49, %jit3A_50, %jit3A_47 : i32
        %rem3A_52 = arith.remsi %sub3A_34, %select_n3A_51 : i32
        %ne3A_53 = arith.constant 0 : i32
        %ne3A_54 = arith.cmpi ne, %rem3A_52, %ne3A_53 : i32
        %lt3A_55 = arith.constant 0 : i32
        %lt3A_56 = arith.cmpi slt, %rem3A_52, %lt3A_55 : i32
        %lt3A_57 = arith.constant 0 : i32
        %lt3A_58 = arith.cmpi slt, %select_n3A_51, %lt3A_57 : i32
        %ne3A_59 = arith.xori %lt3A_56, %lt3A_58 : i1
        %and3A_60 = arith.andi %ne3A_59, %ne3A_54 : i1
        %add3A_61 = arith.addi %rem3A_52, %select_n3A_51 : i32
        %select_n3A_62 = arith.select %and3A_60, %add3A_61, %rem3A_52 : i32
        %dma_wait3A = arith.constant 0 : i32
        %dma_wait3A_63 = tpu.memref_slice %arg9[%mul3A_46, %dma_wait3A] : memref<256x128xf32, #tpu.memory_space<vmem>> -> memref<64x128xf32, #tpu.memory_space<vmem>>
        %dma_wait3A_64 = arith.constant 0 : i32
        %dma_wait3A_65 = tpu.memref_slice %arg7[%sub3A_34, %dma_wait3A_64] : memref<40x64xi32, #tpu.memory_space<vmem>> -> memref<1x64xi32, #tpu.memory_space<vmem>>
        %dma_wait3A_66 = tpu.memref_squeeze %dma_wait3A_65 : memref<1x64xi32, #tpu.memory_space<vmem>> -> memref<64xi32, #tpu.memory_space<vmem>>
        %dma_wait3A_67 = arith.constant 0 : i32
        %dma_wait3A_68 = arith.constant 0 : i32
        %dma_wait3A_69 = tpu.memref_slice %arg2[%dma_wait3A_67, %dma_wait3A_68] : memref<10000x128xf32, #tpu.memory_space<hbm>> -> memref<10000x128xf32, #tpu.memory_space<hbm>>
        %dma_wait3A_70 = tpu.memref_slice %arg11[%select_n3A_62] : memref<4x!tpu.dma_semaphore, #tpu.memory_space<semaphore_mem>> -> memref<1x!tpu.dma_semaphore, #tpu.memory_space<semaphore_mem>>
        %dma_wait3A_71 = tpu.memref_squeeze %dma_wait3A_70 : memref<1x!tpu.dma_semaphore, #tpu.memory_space<semaphore_mem>> -> memref<!tpu.dma_semaphore, #tpu.memory_space<semaphore_mem>>
        tpu.wait_indirect_dma semaphore(%dma_wait3A_71 : memref<!tpu.dma_semaphore, #tpu.memory_space<semaphore_mem>>) src(%dma_wait3A_69 : memref<10000x128xf32, #tpu.memory_space<hbm>>) dst(%dma_wait3A_63 : memref<64x128xf32, #tpu.memory_space<vmem>>)
        "tpu.region"() ({
          %run_scoped3A = tpu.sem_alloc : memref<!tpu.dma_semaphore, #tpu.memory_space<semaphore_mem>>
          %dma_start3A = arith.constant 0 : i32
          %dma_start3A_72 = tpu.memref_slice %arg9[%mul3A_46, %dma_start3A] : memref<256x128xf32, #tpu.memory_space<vmem>> -> memref<64x128xf32, #tpu.memory_space<vmem>>
          %dma_start3A_73 = arith.constant 0 : i32
          %dma_start3A_74 = tpu.memref_slice %arg8[%sub3A_34, %dma_start3A_73] : memref<40x64xi32, #tpu.memory_space<vmem>> -> memref<1x64xi32, #tpu.memory_space<vmem>>
          %dma_start3A_75 = tpu.memref_squeeze %dma_start3A_74 : memref<1x64xi32, #tpu.memory_space<vmem>> -> memref<64xi32, #tpu.memory_space<vmem>>
          %dma_start3A_76 = arith.constant 0 : i32
          %dma_start3A_77 = arith.constant 0 : i32
          %dma_start3A_78 = tpu.memref_slice %arg10[%dma_start3A_76, %dma_start3A_77] : memref<10112x128xf32, #tpu.memory_space<vmem_shared>> -> memref<10112x128xf32, #tpu.memory_space<vmem_shared>>
          tpu.enqueue_indirect_dma source(%dma_start3A_72 : memref<64x128xf32, #tpu.memory_space<vmem>>) target(%dma_start3A_78 : memref<10112x128xf32, #tpu.memory_space<vmem_shared>>) offsets(%dma_start3A_75 : memref<64xi32, #tpu.memory_space<vmem>>) semaphore(%run_scoped3A : memref<!tpu.dma_semaphore, #tpu.memory_space<semaphore_mem>>) {add = true}
          %dma_wait3A_79 = arith.constant 0 : i32
          %dma_wait3A_80 = tpu.memref_slice %arg9[%mul3A_46, %dma_wait3A_79] : memref<256x128xf32, #tpu.memory_space<vmem>> -> memref<64x128xf32, #tpu.memory_space<vmem>>
          %dma_wait3A_81 = arith.constant 0 : i32
          %dma_wait3A_82 = tpu.memref_slice %arg8[%sub3A_34, %dma_wait3A_81] : memref<40x64xi32, #tpu.memory_space<vmem>> -> memref<1x64xi32, #tpu.memory_space<vmem>>
          %dma_wait3A_83 = tpu.memref_squeeze %dma_wait3A_82 : memref<1x64xi32, #tpu.memory_space<vmem>> -> memref<64xi32, #tpu.memory_space<vmem>>
          %dma_wait3A_84 = arith.constant 0 : i32
          %dma_wait3A_85 = arith.constant 0 : i32
          %dma_wait3A_86 = tpu.memref_slice %arg10[%dma_wait3A_84, %dma_wait3A_85] : memref<10112x128xf32, #tpu.memory_space<vmem_shared>> -> memref<10112x128xf32, #tpu.memory_space<vmem_shared>>
          tpu.wait_indirect_dma semaphore(%run_scoped3A : memref<!tpu.dma_semaphore, #tpu.memory_space<semaphore_mem>>) src(%dma_wait3A_80 : memref<64x128xf32, #tpu.memory_space<vmem>>) dst(%dma_wait3A_86 : memref<10112x128xf32, #tpu.memory_space<vmem_shared>>)
          tpu.yield
        }) : () -> ()
      } else {
      }
    }
    %scan3A_25 = arith.constant 43 : i32
    %barrier3A_26 = arith.constant 0 : index
    tpu.barrier barrier_id(%barrier3A_26)
    "tpu.region"() ({
      %run_scoped3A = tpu.sem_alloc : memref<!tpu.dma_semaphore, #tpu.memory_space<semaphore_mem>>
      %dma_start3A = arith.constant 0 : i32
      %dma_start3A_27 = tpu.memref_slice %arg6[%arg0, %mul3A_2, %dma_start3A] : memref<2x10112x128xf32, #tpu.memory_space<hbm>> -> memref<1x632x128xf32, #tpu.memory_space<hbm>>
      %dma_start3A_28 = tpu.memref_squeeze %dma_start3A_27 : memref<1x632x128xf32, #tpu.memory_space<hbm>> -> memref<632x128xf32, #tpu.memory_space<hbm>>
      %dma_start3A_29 = arith.constant 0 : i32
      %dma_start3A_30 = tpu.memref_slice %arg10[%mul3A_2, %dma_start3A_29] : memref<10112x128xf32, #tpu.memory_space<vmem_shared>> -> memref<632x128xf32, #tpu.memory_space<vmem_shared>>
      tpu.enqueue_dma source(%dma_start3A_30 : memref<632x128xf32, #tpu.memory_space<vmem_shared>>) target(%dma_start3A_28 : memref<632x128xf32, #tpu.memory_space<hbm>>) target_semaphore(%run_scoped3A : memref<!tpu.dma_semaphore, #tpu.memory_space<semaphore_mem>>)
      %dma_wait3A = arith.constant 0 : i32
      %dma_wait3A_31 = tpu.memref_slice %arg6[%arg0, %mul3A_2, %dma_wait3A] : memref<2x10112x128xf32, #tpu.memory_space<hbm>> -> memref<1x632x128xf32, #tpu.memory_space<hbm>>
      %dma_wait3A_32 = tpu.memref_squeeze %dma_wait3A_31 : memref<1x632x128xf32, #tpu.memory_space<hbm>> -> memref<632x128xf32, #tpu.memory_space<hbm>>
      %dma_wait3A_33 = arith.constant 0 : i32
      %dma_wait3A_34 = tpu.memref_slice %arg10[%mul3A_2, %dma_wait3A_33] : memref<10112x128xf32, #tpu.memory_space<vmem_shared>> -> memref<632x128xf32, #tpu.memory_space<vmem_shared>>
      tpu.wait_dma2 semaphore(%run_scoped3A : memref<!tpu.dma_semaphore, #tpu.memory_space<semaphore_mem>>) src(%dma_wait3A_34 : memref<632x128xf32, #tpu.memory_space<vmem_shared>>) dst(%dma_wait3A_32 : memref<632x128xf32, #tpu.memory_space<hbm>>)
      tpu.yield
    }) : () -> ()
    return
  }
}

module attributes {stable_mosaic.version = 14 : i64} {
  func.func @_tc_in_body(%arg0: i32, %arg1: memref<2000x128xf32, #tpu.memory_space<vmem>>, %arg2: memref<128x128xf32, #tpu.memory_space<vmem>>, %arg3: memref<128x128xf32, #tpu.memory_space<vmem>>, %arg4: memref<2000x128xf32, #tpu.memory_space<vmem>>, %arg5: memref<2000x128xf32, #tpu.memory_space<vmem>>) attributes {dimension_semantics = [#tpu.dimension_semantics<arbitrary>], iteration_bounds = array<i64: 5>, scalar_prefetch = 0 : i64, scratch_operands = 0 : i64, tpu.core_type = #tpu.core_type<tc>, window_params = [{transform_indices = @transform_0, window_bounds = array<i64: 2000, 128>}, {pipeline_mode = #tpu.pipeline_mode<synchronous>, transform_indices = @transform_1, window_bounds = array<i64: 128, 128>}, {pipeline_mode = #tpu.pipeline_mode<synchronous>, transform_indices = @transform_2, window_bounds = array<i64: 128, 128>}, {transform_indices = @transform_3, window_bounds = array<i64: 2000, 128>}, {transform_indices = @transform_4, window_bounds = array<i64: 2000, 128>}]} {
    %get3A = arith.constant 0 : index
    %get3A_0 = arith.constant 0 : index
    %get3A_1 = vector.load %arg1[%get3A, %get3A_0] : memref<2000x128xf32, #tpu.memory_space<vmem>>, vector<2000x128xf32>
    %get3A_2 = arith.constant 0 : index
    %get3A_3 = arith.constant 0 : index
    %get3A_4 = vector.load %arg2[%get3A_2, %get3A_3] : memref<128x128xf32, #tpu.memory_space<vmem>>, vector<128x128xf32>
    %dot_general3A = arith.constant dense<0.000000e+00> : vector<2000x128xf32>
    %dot_general3A_5 = tpu.matmul %get3A_1, %get3A_4, %dot_general3A {dimension_numbers = #tpu.dot_dimension_numbers<[1], [0], [0], [1], [0, 0, 1, 1], [], []>, transpose_lhs_hint = false} : vector<2000x128xf32>, vector<128x128xf32>, vector<2000x128xf32> -> vector<2000x128xf32>
    %swap3A = arith.constant 0 : index
    %swap3A_6 = arith.constant 0 : index
    %swap3A_7 = vector.load %arg4[%swap3A, %swap3A_6] : memref<2000x128xf32, #tpu.memory_space<vmem>>, vector<2000x128xf32>
    tpu.vector_store %arg4[%swap3A, %swap3A_6], %dot_general3A_5 {strides = array<i32>} : memref<2000x128xf32, #tpu.memory_space<vmem>>, vector<2000x128xf32>,
    %get3A_8 = arith.constant 0 : index
    %get3A_9 = arith.constant 0 : index
    %get3A_10 = vector.load %arg3[%get3A_8, %get3A_9] : memref<128x128xf32, #tpu.memory_space<vmem>>, vector<128x128xf32>
    %dot_general3A_11 = arith.constant dense<0.000000e+00> : vector<2000x128xf32>
    %dot_general3A_12 = tpu.matmul %get3A_1, %get3A_10, %dot_general3A_11 {dimension_numbers = #tpu.dot_dimension_numbers<[1], [0], [0], [1], [0, 0, 1, 1], [], []>, transpose_lhs_hint = false} : vector<2000x128xf32>, vector<128x128xf32>, vector<2000x128xf32> -> vector<2000x128xf32>
    %swap3A_13 = arith.constant 0 : index
    %swap3A_14 = arith.constant 0 : index
    %swap3A_15 = vector.load %arg5[%swap3A_13, %swap3A_14] : memref<2000x128xf32, #tpu.memory_space<vmem>>, vector<2000x128xf32>
    tpu.vector_store %arg5[%swap3A_13, %swap3A_14], %dot_general3A_12 {strides = array<i32>} : memref<2000x128xf32, #tpu.memory_space<vmem>>, vector<2000x128xf32>,
    return
  }
  func.func @transform_0(%arg0: i32) -> (i32, i32) {
    %c0_i32 = arith.constant 0 : i32
    %c0_i32_0 = arith.constant 0 : i32
    return %arg0, %c0_i32 : i32, i32
  }
  func.func @transform_1(%arg0: i32) -> (i32, i32) {
    %c0_i32 = arith.constant 0 : i32
    %c0_i32_0 = arith.constant 0 : i32
    %c0_i32_1 = arith.constant 0 : i32
    return %c0_i32, %c0_i32_0 : i32, i32
  }
  func.func @transform_2(%arg0: i32) -> (i32, i32) {
    %c0_i32 = arith.constant 0 : i32
    %c0_i32_0 = arith.constant 0 : i32
    %c0_i32_1 = arith.constant 0 : i32
    return %c0_i32, %c0_i32_0 : i32, i32
  }
  func.func @transform_3(%arg0: i32) -> (i32, i32) {
    %c0_i32 = arith.constant 0 : i32
    %c0_i32_0 = arith.constant 0 : i32
    return %arg0, %c0_i32 : i32, i32
  }
  func.func @transform_4(%arg0: i32) -> (i32, i32) {
    %c0_i32 = arith.constant 0 : i32
    %c0_i32_0 = arith.constant 0 : i32
    return %arg0, %c0_i32 : i32, i32
  }
}

module attributes {stable_mosaic.version = 14 : i64} {
  func.func @_tc_mid_body(%arg0: i32, %arg1: memref<2x2000x128xf32, #tpu.memory_space<vmem>>, %arg2: memref<2x2000x128xf32, #tpu.memory_space<vmem>>, %arg3: memref<1x128xf32, #tpu.memory_space<vmem>>, %arg4: memref<2000x128xf32, #tpu.memory_space<vmem>>, %arg5: memref<128x128xf32, #tpu.memory_space<vmem>>, %arg6: memref<128x128xf32, #tpu.memory_space<vmem>>, %arg7: memref<2000x128xf32, #tpu.memory_space<vmem>>, %arg8: memref<2000x128xf32, #tpu.memory_space<vmem>>) attributes {dimension_semantics = [#tpu.dimension_semantics<arbitrary>], iteration_bounds = array<i64: 5>, scalar_prefetch = 0 : i64, scratch_operands = 0 : i64, tpu.core_type = #tpu.core_type<tc>, window_params = [{transform_indices = @transform_0, window_bounds = array<i64: 2, 2000, 128>}, {transform_indices = @transform_1, window_bounds = array<i64: 2, 2000, 128>}, {pipeline_mode = #tpu.pipeline_mode<synchronous>, transform_indices = @transform_2, window_bounds = array<i64: 1, 128>}, {transform_indices = @transform_3, window_bounds = array<i64: 2000, 128>}, {pipeline_mode = #tpu.pipeline_mode<synchronous>, transform_indices = @transform_4, window_bounds = array<i64: 128, 128>}, {pipeline_mode = #tpu.pipeline_mode<synchronous>, transform_indices = @transform_5, window_bounds = array<i64: 128, 128>}, {transform_indices = @transform_6, window_bounds = array<i64: 2000, 128>}, {transform_indices = @transform_7, window_bounds = array<i64: 2000, 128>}]} {
    %get3A = arith.constant 0 : index
    %get3A_0 = arith.constant 0 : index
    %get3A_1 = arith.constant 0 : index
    %get3A_2 = vector.load %arg1[%get3A, %get3A_0, %get3A_1] : memref<2x2000x128xf32, #tpu.memory_space<vmem>>, vector<2x2000x128xf32>
    %get3A_3 = arith.constant 0 : index
    %get3A_4 = arith.constant 0 : index
    %get3A_5 = arith.constant 0 : index
    %get3A_6 = vector.load %arg2[%get3A_3, %get3A_4, %get3A_5] : memref<2x2000x128xf32, #tpu.memory_space<vmem>>, vector<2x2000x128xf32>
    %slice3A = vector.extract_strided_slice %get3A_2 {offsets = [0, 0, 0], sizes = [1, 2000, 128], strides = [1, 1, 1]} : vector<2x2000x128xf32> to vector<1x2000x128xf32>
    %squeeze3A = vector.shape_cast %slice3A : vector<1x2000x128xf32> to vector<2000x128xf32>
    %slice3A_7 = vector.extract_strided_slice %get3A_2 {offsets = [1, 0, 0], sizes = [1, 2000, 128], strides = [1, 1, 1]} : vector<2x2000x128xf32> to vector<1x2000x128xf32>
    %squeeze3A_8 = vector.shape_cast %slice3A_7 : vector<1x2000x128xf32> to vector<2000x128xf32>
    %add3A = arith.addf %squeeze3A, %squeeze3A_8 : vector<2000x128xf32>
    %slice3A_9 = vector.extract_strided_slice %get3A_6 {offsets = [0, 0, 0], sizes = [1, 2000, 1], strides = [1, 1, 1]} : vector<2x2000x128xf32> to vector<1x2000x1xf32>
    %squeeze3A_10 = vector.shape_cast %slice3A_9 : vector<1x2000x1xf32> to vector<2000x1xf32>
    %slice3A_11 = vector.extract_strided_slice %get3A_6 {offsets = [1, 0, 0], sizes = [1, 2000, 1], strides = [1, 1, 1]} : vector<2x2000x128xf32> to vector<1x2000x1xf32>
    %squeeze3A_12 = vector.shape_cast %slice3A_11 : vector<1x2000x1xf32> to vector<2000x1xf32>
    %add3A_13 = arith.addf %squeeze3A_10, %squeeze3A_12 : vector<2000x1xf32>
    %max3A = arith.constant 1.000000e+00 : f32
    %max3A_14 = vector.broadcast %max3A : f32 to vector<2000x1xf32>
    %max3A_15 = arith.maximumf %add3A_13, %max3A_14 : vector<2000x1xf32>
    %div3A = vector.broadcast %max3A_15 : vector<2000x1xf32> to vector<2000x128xf32>
    %div3A_16 = arith.divf %add3A, %div3A : vector<2000x128xf32>
    %get3A_17 = arith.constant 0 : index
    %get3A_18 = arith.constant 0 : index
    %get3A_19 = vector.load %arg3[%get3A_17, %get3A_18] : memref<1x128xf32, #tpu.memory_space<vmem>>, vector<1x128xf32>
    %add3A_20 = vector.broadcast %get3A_19 : vector<1x128xf32> to vector<2000x128xf32>
    %add3A_21 = arith.addf %div3A_16, %add3A_20 : vector<2000x128xf32>
    %get3A_22 = arith.constant 0 : index
    %get3A_23 = arith.constant 0 : index
    %get3A_24 = vector.load %arg4[%get3A_22, %get3A_23] : memref<2000x128xf32, #tpu.memory_space<vmem>>, vector<2000x128xf32>
    %add3A_25 = arith.addf %add3A_21, %get3A_24 : vector<2000x128xf32>
    %max3A_26 = arith.constant 0.000000e+00 : f32
    %max3A_27 = vector.broadcast %max3A_26 : f32 to vector<2000x128xf32>
    %max3A_28 = arith.maximumf %add3A_25, %max3A_27 : vector<2000x128xf32>
    %get3A_29 = arith.constant 0 : index
    %get3A_30 = arith.constant 0 : index
    %get3A_31 = vector.load %arg5[%get3A_29, %get3A_30] : memref<128x128xf32, #tpu.memory_space<vmem>>, vector<128x128xf32>
    %dot_general3A = arith.constant dense<0.000000e+00> : vector<2000x128xf32>
    %dot_general3A_32 = tpu.matmul %max3A_28, %get3A_31, %dot_general3A {dimension_numbers = #tpu.dot_dimension_numbers<[1], [0], [0], [1], [0, 0, 1, 1], [], []>, transpose_lhs_hint = false} : vector<2000x128xf32>, vector<128x128xf32>, vector<2000x128xf32> -> vector<2000x128xf32>
    %swap3A = arith.constant 0 : index
    %swap3A_33 = arith.constant 0 : index
    %swap3A_34 = vector.load %arg7[%swap3A, %swap3A_33] : memref<2000x128xf32, #tpu.memory_space<vmem>>, vector<2000x128xf32>
    tpu.vector_store %arg7[%swap3A, %swap3A_33], %dot_general3A_32 {strides = array<i32>} : memref<2000x128xf32, #tpu.memory_space<vmem>>, vector<2000x128xf32>,
    %get3A_35 = arith.constant 0 : index
    %get3A_36 = arith.constant 0 : index
    %get3A_37 = vector.load %arg6[%get3A_35, %get3A_36] : memref<128x128xf32, #tpu.memory_space<vmem>>, vector<128x128xf32>
    %dot_general3A_38 = arith.constant dense<0.000000e+00> : vector<2000x128xf32>
    %dot_general3A_39 = tpu.matmul %max3A_28, %get3A_37, %dot_general3A_38 {dimension_numbers = #tpu.dot_dimension_numbers<[1], [0], [0], [1], [0, 0, 1, 1], [], []>, transpose_lhs_hint = false} : vector<2000x128xf32>, vector<128x128xf32>, vector<2000x128xf32> -> vector<2000x128xf32>
    %swap3A_40 = arith.constant 0 : index
    %swap3A_41 = arith.constant 0 : index
    %swap3A_42 = vector.load %arg8[%swap3A_40, %swap3A_41] : memref<2000x128xf32, #tpu.memory_space<vmem>>, vector<2000x128xf32>
    tpu.vector_store %arg8[%swap3A_40, %swap3A_41], %dot_general3A_39 {strides = array<i32>} : memref<2000x128xf32, #tpu.memory_space<vmem>>, vector<2000x128xf32>,
    return
  }
  func.func @transform_0(%arg0: i32) -> (i32, i32, i32) {
    %c0_i32 = arith.constant 0 : i32
    %c0_i32_0 = arith.constant 0 : i32
    %c0_i32_1 = arith.constant 0 : i32
    return %c0_i32, %arg0, %c0_i32_0 : i32, i32, i32
  }
  func.func @transform_1(%arg0: i32) -> (i32, i32, i32) {
    %c0_i32 = arith.constant 0 : i32
    %c0_i32_0 = arith.constant 0 : i32
    %c0_i32_1 = arith.constant 0 : i32
    return %c0_i32, %arg0, %c0_i32_0 : i32, i32, i32
  }
  func.func @transform_2(%arg0: i32) -> (i32, i32) {
    %c0_i32 = arith.constant 0 : i32
    %c0_i32_0 = arith.constant 0 : i32
    %c0_i32_1 = arith.constant 0 : i32
    return %c0_i32, %c0_i32_0 : i32, i32
  }
  func.func @transform_3(%arg0: i32) -> (i32, i32) {
    %c0_i32 = arith.constant 0 : i32
    %c0_i32_0 = arith.constant 0 : i32
    return %arg0, %c0_i32 : i32, i32
  }
  func.func @transform_4(%arg0: i32) -> (i32, i32) {
    %c0_i32 = arith.constant 0 : i32
    %c0_i32_0 = arith.constant 0 : i32
    %c0_i32_1 = arith.constant 0 : i32
    return %c0_i32, %c0_i32_0 : i32, i32
  }
  func.func @transform_5(%arg0: i32) -> (i32, i32) {
    %c0_i32 = arith.constant 0 : i32
    %c0_i32_0 = arith.constant 0 : i32
    %c0_i32_1 = arith.constant 0 : i32
    return %c0_i32, %c0_i32_0 : i32, i32
  }
  func.func @transform_6(%arg0: i32) -> (i32, i32) {
    %c0_i32 = arith.constant 0 : i32
    %c0_i32_0 = arith.constant 0 : i32
    return %arg0, %c0_i32 : i32, i32
  }
  func.func @transform_7(%arg0: i32) -> (i32, i32) {
    %c0_i32 = arith.constant 0 : i32
    %c0_i32_0 = arith.constant 0 : i32
    return %arg0, %c0_i32 : i32, i32
  }
}

module attributes {stable_mosaic.version = 14 : i64} {
  func.func @_tc_final_body(%arg0: i32, %arg1: memref<2x2000x128xf32, #tpu.memory_space<vmem>>, %arg2: memref<2x2000x128xf32, #tpu.memory_space<vmem>>, %arg3: memref<1x128xf32, #tpu.memory_space<vmem>>, %arg4: memref<2000x128xf32, #tpu.memory_space<vmem>>, %arg5: memref<2000x128xf32, #tpu.memory_space<vmem>>) attributes {dimension_semantics = [#tpu.dimension_semantics<arbitrary>], iteration_bounds = array<i64: 5>, scalar_prefetch = 0 : i64, scratch_operands = 0 : i64, tpu.core_type = #tpu.core_type<tc>, window_params = [{transform_indices = @transform_0, window_bounds = array<i64: 2, 2000, 128>}, {transform_indices = @transform_1, window_bounds = array<i64: 2, 2000, 128>}, {pipeline_mode = #tpu.pipeline_mode<synchronous>, transform_indices = @transform_2, window_bounds = array<i64: 1, 128>}, {transform_indices = @transform_3, window_bounds = array<i64: 2000, 128>}, {transform_indices = @transform_4, window_bounds = array<i64: 2000, 128>}]} {
    %get3A = arith.constant 0 : index
    %get3A_0 = arith.constant 0 : index
    %get3A_1 = arith.constant 0 : index
    %get3A_2 = vector.load %arg1[%get3A, %get3A_0, %get3A_1] : memref<2x2000x128xf32, #tpu.memory_space<vmem>>, vector<2x2000x128xf32>
    %get3A_3 = arith.constant 0 : index
    %get3A_4 = arith.constant 0 : index
    %get3A_5 = arith.constant 0 : index
    %get3A_6 = vector.load %arg2[%get3A_3, %get3A_4, %get3A_5] : memref<2x2000x128xf32, #tpu.memory_space<vmem>>, vector<2x2000x128xf32>
    %slice3A = vector.extract_strided_slice %get3A_2 {offsets = [0, 0, 0], sizes = [1, 2000, 128], strides = [1, 1, 1]} : vector<2x2000x128xf32> to vector<1x2000x128xf32>
    %squeeze3A = vector.shape_cast %slice3A : vector<1x2000x128xf32> to vector<2000x128xf32>
    %slice3A_7 = vector.extract_strided_slice %get3A_2 {offsets = [1, 0, 0], sizes = [1, 2000, 128], strides = [1, 1, 1]} : vector<2x2000x128xf32> to vector<1x2000x128xf32>
    %squeeze3A_8 = vector.shape_cast %slice3A_7 : vector<1x2000x128xf32> to vector<2000x128xf32>
    %add3A = arith.addf %squeeze3A, %squeeze3A_8 : vector<2000x128xf32>
    %slice3A_9 = vector.extract_strided_slice %get3A_6 {offsets = [0, 0, 0], sizes = [1, 2000, 1], strides = [1, 1, 1]} : vector<2x2000x128xf32> to vector<1x2000x1xf32>
    %squeeze3A_10 = vector.shape_cast %slice3A_9 : vector<1x2000x1xf32> to vector<2000x1xf32>
    %slice3A_11 = vector.extract_strided_slice %get3A_6 {offsets = [1, 0, 0], sizes = [1, 2000, 1], strides = [1, 1, 1]} : vector<2x2000x128xf32> to vector<1x2000x1xf32>
    %squeeze3A_12 = vector.shape_cast %slice3A_11 : vector<1x2000x1xf32> to vector<2000x1xf32>
    %add3A_13 = arith.addf %squeeze3A_10, %squeeze3A_12 : vector<2000x1xf32>
    %max3A = arith.constant 1.000000e+00 : f32
    %max3A_14 = vector.broadcast %max3A : f32 to vector<2000x1xf32>
    %max3A_15 = arith.maximumf %add3A_13, %max3A_14 : vector<2000x1xf32>
    %div3A = vector.broadcast %max3A_15 : vector<2000x1xf32> to vector<2000x128xf32>
    %div3A_16 = arith.divf %add3A, %div3A : vector<2000x128xf32>
    %get3A_17 = arith.constant 0 : index
    %get3A_18 = arith.constant 0 : index
    %get3A_19 = vector.load %arg3[%get3A_17, %get3A_18] : memref<1x128xf32, #tpu.memory_space<vmem>>, vector<1x128xf32>
    %add3A_20 = vector.broadcast %get3A_19 : vector<1x128xf32> to vector<2000x128xf32>
    %add3A_21 = arith.addf %div3A_16, %add3A_20 : vector<2000x128xf32>
    %get3A_22 = arith.constant 0 : index
    %get3A_23 = arith.constant 0 : index
    %get3A_24 = vector.load %arg4[%get3A_22, %get3A_23] : memref<2000x128xf32, #tpu.memory_space<vmem>>, vector<2000x128xf32>
    %add3A_25 = arith.addf %add3A_21, %get3A_24 : vector<2000x128xf32>
    %reduce_max3A = arith.constant dense<0xFF800000> : vector<2000xf32>
    %reduce_max3A_26 = vector.multi_reduction <maximumf>, %add3A_25, %reduce_max3A [1] : vector<2000x128xf32> to vector<2000xf32>
    %broadcast_in_dim3A = vector.shape_cast %reduce_max3A_26 : vector<2000xf32> to vector<2000x1xf32>
    %sub3A = vector.broadcast %broadcast_in_dim3A : vector<2000x1xf32> to vector<2000x128xf32>
    %sub3A_27 = arith.subf %add3A_25, %sub3A : vector<2000x128xf32>
    %exp3A = math.exp %sub3A_27 : vector<2000x128xf32>
    %reduce_sum3A = arith.constant dense<0.000000e+00> : vector<2000xf32>
    %reduce_sum3A_28 = vector.multi_reduction <add>, %exp3A, %reduce_sum3A [1] : vector<2000x128xf32> to vector<2000xf32>
    %broadcast_in_dim3A_29 = vector.shape_cast %reduce_sum3A_28 : vector<2000xf32> to vector<2000x1xf32>
    %div3A_30 = vector.broadcast %broadcast_in_dim3A_29 : vector<2000x1xf32> to vector<2000x128xf32>
    %div3A_31 = arith.divf %exp3A, %div3A_30 : vector<2000x128xf32>
    %swap3A = arith.constant 0 : index
    %swap3A_32 = arith.constant 0 : index
    %swap3A_33 = vector.load %arg5[%swap3A, %swap3A_32] : memref<2000x128xf32, #tpu.memory_space<vmem>>, vector<2000x128xf32>
    tpu.vector_store %arg5[%swap3A, %swap3A_32], %div3A_31 {strides = array<i32>} : memref<2000x128xf32, #tpu.memory_space<vmem>>, vector<2000x128xf32>,
    return
  }
  func.func @transform_0(%arg0: i32) -> (i32, i32, i32) {
    %c0_i32 = arith.constant 0 : i32
    %c0_i32_0 = arith.constant 0 : i32
    %c0_i32_1 = arith.constant 0 : i32
    return %c0_i32, %arg0, %c0_i32_0 : i32, i32, i32
  }
  func.func @transform_1(%arg0: i32) -> (i32, i32, i32) {
    %c0_i32 = arith.constant 0 : i32
    %c0_i32_0 = arith.constant 0 : i32
    %c0_i32_1 = arith.constant 0 : i32
    return %c0_i32, %arg0, %c0_i32_0 : i32, i32, i32
  }
  func.func @transform_2(%arg0: i32) -> (i32, i32) {
    %c0_i32 = arith.constant 0 : i32
    %c0_i32_0 = arith.constant 0 : i32
    %c0_i32_1 = arith.constant 0 : i32
    return %c0_i32, %c0_i32_0 : i32, i32
  }
  func.func @transform_3(%arg0: i32) -> (i32, i32) {
    %c0_i32 = arith.constant 0 : i32
    %c0_i32_0 = arith.constant 0 : i32
    return %arg0, %c0_i32 : i32, i32
  }
  func.func @transform_4(%arg0: i32) -> (i32, i32) {
    %c0_i32 = arith.constant 0 : i32
    %c0_i32_0 = arith.constant 0 : i32
    return %arg0, %c0_i32 : i32, i32
  }
}

</mosaic_0001>

<sc_bundles>
// kernel: kernel.10.cloned.1.call-start
scs
__scs_entry_jumppad:
0x0: {  	(pc) =	sbr.rel $0x88, $3  }
0x1: {  	(tag) =	ssettag $0x0;
	lr =	simm.s32 $0x1  }
0x2: {  	[smem:$0x3F96] =	sst lr;
	_ =	strace $0xD0000000  }
0x3: {  	_ = 	snop  }
0x4: {  	_ = 	snop  }
0x5: {  	_ = 	snop  }
0x6: {  	_ = 	snop  }
0x7: {  	_ = 	snop  }
__scs_overlays_trampoline_lowered:
0x8: {  	[smem:$0x3FA5] =	sst s0  }
0x9: {  	[smem:$0x3FA6] =	sst s1  }
0xa: {  	[smem:$0x3FA7] =	sst s2  }
0xb: {  	[smem:$0x3FA8] =	sst s3  }
0xc: {  	[smem:$0x3FA9] =	sst s4  }
0xd: {  	[smem:$0x3FAA] =	sst s5  }
0xe: {  	[smem:$0x3FAB] =	sst s6  }
0xf: {  	[smem:$0x3FAC] =	sst s7  }
0x10: {  	[smem:$0x3FAD] =	sst s8  }
0x11: {  	[smem:$0x3FAE] =	sst s9;
	s0 =	simm.s32 @!p0 $0x0  }
0x12: {  	s1 =	sld [smem:$0x3F94];
	s0 =	simm.s32 @p0 $0x1  }
0x13: {  	[smem:$0x3FAF] =	sst s0;
	s0 =	simm.s32 @!p1 $0x0  }
0x14: {  	s2 =	sld [smem:$0x3F93];
	s0 =	simm.s32 @p1 $0x1  }
0x15: {  	[smem:$0x3FB0] =	sst s0;
	s0 =	simm.s32 @!p2 $0x0  }
0x16: {  	s3 =	sld [smem:$0x3FDB];
	s0 =	simm.s32 @p2 $0x1  }
0x17: {  	s4 =	simm.s32 $0x1BF5;
	[smem:$0x3FB2] =	sst s0  }
0x18: {  	s0 =	sld [smem:$0x3F95];
	_ =	swait.ge [sflag:s4], $0x0  }
0x19: {  	s7 =	sld [smem:$0x3F96]  }
0x1a: {  	s8 =	sadd.s32 $0xFFFFE003, lr  }
0x1b: {  	s9 =	sadd.s32 $0xFFFFFEF7, lr;
	s5 =	simm.s32 $0xFFFFFFFF;
	p2 =	slt.u32 s8, $0xFFFFF086  }
0x1c: {  	p1 =	slt.u32 s9, $0xF7A;
	s5 =	simm.s32 @!p2 $0x0  }
0x1d: {  	s5 =	simm.s32 @p1 $0x1;
	p0 =	seq.s32 s7, s2  }
0x1e: {  	s7 =	smul.u32 @!p0 $0xF7A, s2;
	p2 =	seq.s32 @!p0 s5, $0x0  }
0x1f: {  	s9 =	smul.u32 $0xF7A, s1;
	s8 =	simm.s32 @!p0 $0x1BF5;
	p2 =	por !p2, p0  }
0x20: {  	[sflag:s8] =	ssyncset.s32 @!p0 $0xFFFFF086;
	s6 =	sadd.s32 @!p0 s3, s7;
	s7 =	simm.s32 @!p0 $0x108  }
0x21: {  	s3 =	sadd.s32 s3, s9;
	s6 =	sadd.s32 @!p0 $0x88, s6;
	s7 =	simm.s32 @p2 $0x1082  }
0x22: {  	[simem:s7], [sflag:s8] =	dma.local @!p0 [hbm:s6], $0xF7A  }
0x23: {  	s9 =	sor.u32 $0xD0000000, s2;
	s6 =	simm.s32 $0x108;
	_ =	swait.ge @!p0 [sflag:s8], $0x0  }
0x24: {  	s3 =	sadd.s32 $0x88, s3;
	s6 =	simm.s32 @!p1 $0x1082;
	[sflag:s4] =	ssyncset.s32 $0xFFFFF086  }
0x25: {  	[simem:s6], [sflag:s4] =	dma.local [hbm:s3], $0xF7A  }
0x26: {  	[smem:$0x3F96] =	sst s1;
	(tag) =	ssettag s2;
	_ =	strace s9  }
0x27: {  	s1 =	sld [smem:$0x3FA6]  }
0x28: {  	s2 =	sld [smem:$0x3FA7]  }
0x29: {  	s4 =	sld [smem:$0x3FA9]  }
0x2a: {  	p0 =	seq.s32 s5, $0x0;
	s5 =	sld [smem:$0x3FAA]  }
0x2b: {  	s6 =	sld [smem:$0x3FAB]  }
0x2c: {  	s7 =	sld [smem:$0x3FAC]  }
0x2d: {  	s3 =	simm.s32 $0x108;
	s8 =	sld [smem:$0x3FAD]  }
0x2e: {  	s3 =	simm.s32 @!p0 $0x1082;
	s9 =	sld [smem:$0x3FAE]  }
0x2f: {  	lr =	sadd.s32 s0, s3;
	s0 =	sld [smem:$0x3FA5]  }
0x30: {  	s3 =	sld [smem:$0x3FA8]  }
0x31: {  	[smem:$0x3FB1] =	sst s10  }
0x32: {  	s10 =	sld [smem:$0x3FAF];
	_ =	sdelay $0x3  }
0x33: {  	p0 =	seq.s32 s10, $0x1;
	s10 =	sld [smem:$0x3FB1];
	_ =	sdelay $0x3  }
0x34: {  	[smem:$0x3FB1] =	sst s10  }
0x35: {  	s10 =	sld [smem:$0x3FB0];
	_ =	sdelay $0x3  }
0x36: {  	p1 =	seq.s32 s10, $0x1;
	s10 =	sld [smem:$0x3FB1];
	_ =	sdelay $0x3  }
0x37: {  	[smem:$0x3FB1] =	sst s10  }
0x38: {  	s10 =	sld [smem:$0x3FB2]  }
0x39: {  	_ = 	snop;
	(pc) =	sbr.ind lr, $3  }
0x3a: {  	_ = 	snop  }
0x3b: {  	_ = 	snop  }
0x3c: {  	p2 =	seq.s32 s10, $0x1;
	s10 =	sld [smem:$0x3FB1]  }
0x3d: {  	_ =	shalt  }
0x3e: {  	_ =	shalt  }
0x3f: {  	_ =	shalt  }
0x40: {  	_ =	shalt  }
0x41: {  	_ =	shalt  }
0x42: {  	_ =	shalt  }
0x43: {  	_ =	shalt  }
0x44: {  	_ =	shalt  }
0x45: {  	_ =	shalt  }
0x46: {  	_ =	shalt  }
0x47: {  	_ =	shalt  }
0x48: {  	_ =	shalt  }
0x49: {  	_ =	shalt  }
0x4a: {  	_ =	shalt  }
0x4b: {  	_ =	shalt  }
0x4c: {  	_ =	shalt  }
0x4d: {  	_ =	shalt  }
0x4e: {  	_ =	shalt  }
0x4f: {  	_ =	shalt  }
0x50: {  	_ =	shalt  }
0x51: {  	_ =	shalt  }
0x52: {  	_ =	shalt  }
0x53: {  	_ =	shalt  }
0x54: {  	_ =	shalt  }
0x55: {  	_ =	shalt  }
0x56: {  	_ =	shalt  }
0x57: {  	_ =	shalt  }
0x58: {  	_ =	shalt  }
0x59: {  	_ =	shalt  }
0x5a: {  	_ =	shalt  }
0x5b: {  	_ =	shalt  }
0x5c: {  	_ =	shalt  }
0x5d: {  	_ =	shalt  }
0x5e: {  	_ =	shalt  }
0x5f: {  	_ =	shalt  }
0x60: {  	_ =	shalt  }
0x61: {  	_ =	shalt  }
0x62: {  	_ =	shalt  }
0x63: {  	_ =	shalt  }
0x64: {  	_ =	shalt  }
0x65: {  	_ =	shalt  }
0x66: {  	_ =	shalt  }
0x67: {  	_ =	shalt  }
0x68: {  	_ =	shalt  }
0x69: {  	_ =	shalt  }
0x6a: {  	_ =	shalt  }
0x6b: {  	_ =	shalt  }
0x6c: {  	_ =	shalt  }
0x6d: {  	_ =	shalt  }
0x6e: {  	_ =	shalt  }
0x6f: {  	_ =	shalt  }
0x70: {  	_ =	shalt  }
0x71: {  	_ =	shalt  }
0x72: {  	_ =	shalt  }
0x73: {  	_ =	shalt  }
0x74: {  	_ =	shalt  }
0x75: {  	_ =	shalt  }
0x76: {  	_ =	shalt  }
0x77: {  	_ =	shalt  }
0x78: {  	_ =	shalt  }
0x79: {  	_ =	shalt  }
0x7a: {  	_ =	shalt  }
0x7b: {  	_ =	shalt  }
0x7c: {  	_ =	shalt  }
0x7d: {  	_ =	shalt  }
0x7e: {  	_ =	shalt  }
0x7f: {  	_ =	shalt  }
0x80: {  	_ =	shalt  }
0x81: {  	_ =	shalt  }
0x82: {  	_ =	shalt  }
0x83: {  	_ =	shalt  }
0x84: {  	_ =	shalt  }
0x85: {  	_ =	shalt  }
0x86: {  	_ =	shalt  }
0x87: {  	_ =	shalt  }
.Lfunc_end0:
.L_simem_size_0:
called_computation_lowered:
.L_overlay_start_0:
0x88: {  	s2 =	sld [smem:$0x3FD9]  }
0x89: {  	s3 =	sld [smem:$0x3FFE];
	_ =	sdelay $0x1  }
0x8a: {  	s1 =	srdreg.scid  }
0x8b: {  	s0 =	sand.u32 $0x1, s1  }
0x8c: {  	s17 =	sshll.u32 s0, $0xA;
	s2 =	sadd.s32 s3, s2  }
0x8d: {  	s2 =	sadd.s32 s2, s17  }
0x8e: {  	[smem:$0x3FBD] =	sst s2  }
0x8f: {  	_ = 	snop  }
0x90: {  	(tm) =	ssettm $0x1  }
0x91: {  	s18 =	sld [smem:$0x3FFB];
	_ =	sdelay $0x3  }
0x92: {  	_ =	strace s18  }
0x93: {  	s2 =	sld [smem:$0x3FFC];
	_ =	sdelay $0x3  }
0x94: {  	_ =	strace s2  }
0x95: {  	s2 =	sld [smem:$0x3FFD];
	_ =	sdelay $0x3  }
0x96: {  	_ =	strace s2  }
0x97: {  	_ =	strace $0x8FFFFFFF  }
0x98: {  	s19 =	sld [smem:$0x3FDB];
	_ =	sdelay $0x1  }
0x99: {  	s20 =	simm.s32 $_scs_section_size  }
0x9a: {  	s4 =	simm.s32 $_size__tile_overlayer_lowered;
	s5 =	simm.s32 $_tile_overlayer_lowered  }
0x9b: {  	s6 =	simm.s32 $0x1BFF;
	s21 =	sshll.u32 s5, $0x1;
	s3 =	sadd.s32 s20, s19  }
0x9c: {  	s22 =	simm.s32 $0x0;
	s4 =	sshll.u32 s4, $0x1;
	s5 =	sadd.s32 s21, s3  }
0x9d: {  	[timem:s22], [sflag:s6] =	dma.local [hbm:s5], s4  }
0x9e: {  	_ =	swait.ge [sflag:s6], s4  }
0x9f: {  	s4 =	ssub.s32 $0x0, s4;
	[sflag:s6] =	ssyncset.done $0x0  }
0xa0: {  	[sflag:s6] =	ssyncadd.s32 s4;
	_ =	sdelay $0x1  }
0xa1: {  	s23 =	simm.s32 $0x1B8B  }
0xa2: {  	_ =	swait.ge [sflag:s23], $0x1  }
0xa3: {  	[sflag:s23] =	ssyncset.done $0x0  }
0xa4: {  	[sflag:s23] =	ssyncadd.s32 $0xFFFFFFFF  }
0xa5: {  	s4 =	sld [smem:$0x0]  }
0xa6: {  	s5 =	sand.u32 $0xFFFFFFFE, s1  }
0xa7: {  	p0 =	sne.s32 s1, s5  }
0xa8: {  	s5 =	sshll.u32 @p0 s5, $0xE  }
0xa9: {  	s5 =	sadd.s32 @p0 $0x11B8D, s5;
	s6 =	sshll.u32 @p0 s4, $0x11  }
0xaa: {  	s5 =	sor.u32 @p0 s6, s5  }
0xab: {  	[sflag:s5] =	ssyncadd.remote.s32 @p0 $0x1;
	_ =	sdelay $0x1  }
0xac: {  	s5 =	simm.s32 @p0 $0x1B8D  }
0xad: {  	_ =	swait.eq @p0 [sflag:s5], $0x1  }
0xae: {  	[sflag:s5] =	ssyncadd.s32 @p0 $0xFFFFFFFF  }
0xaf: {  	s6 =	sshll.u32 @!p0 s1, $0xE  }
0xb0: {  	s6 =	sor.u32 @!p0 $0x4000, s6;
	s5 =	simm.s32 @!p0 $0x1B8D  }
0xb1: {  	s4 =	sshll.u32 @!p0 s4, $0x11;
	s6 =	sadd.s32 @!p0 $0x11B8D, s6;
	_ =	swait.eq @!p0 [sflag:s5], $0x1  }
0xb2: {  	s4 =	sor.u32 @!p0 s4, s6;
	[sflag:s5] =	ssyncadd.s32 @!p0 $0xFFFFFFFF  }
0xb3: {  	s25 =	simm.s32 $0x1B8E;
	s24 =	sld [smem:$0x3FFE];
	[sflag:s4] =	ssyncadd.remote.s32 @!p0 $0x1  }
0xb4: {  	s26 =	simm.s32 $execute0_lowered;
	[smem:$0x3FD2] =	sst s25  }
0xb5: {  	s5 =	sshll.u32 s26, $0x1;
	_ =	strace $0x80000049;
	[dreg:$0x1] =	wrdreg $0xFFFFFFFF  }
0xb6: {  	s28 =	simm.s32 $_size_execute0_lowered;
	s3 =	sadd.s32 s3, s5;
	[dreg:$0x0] =	wrdreg $0x0  }
0xb7: {  	s5 =	sshll.u32 s28, $0x1;
	[dreg:$0x2] =	wrdreg s3  }
0xb8: {  	[dreg:$0x3] =	wrdreg s5  }
0xb9: {  	[dreg:$0x4] =	wrdreg $0xC0  }
0xba: {  	_ =	task [dreg:s22], $0x5FFFF  }
0xbb: {  	[dreg:$0x1] =	wrdreg $0xFFFFFFFF  }
0xbc: {  	[dreg:$0x0] =	wrdreg $0x60  }
0xbd: {  	[dreg:$0x2] =	wrdreg s24  }
0xbe: {  	[dreg:$0x3] =	wrdreg $0x70000  }
0xbf: {  	[dreg:$0x4] =	wrdreg $0x9  }
0xc0: {  	_ =	task.clear_ibuf [dreg:s22], $0x5FFFF;
	_ =	strace $0x90000049  }
0xc1: {  	s29 =	simm.s32 $0x9;
	_ =	strace $0x8000004B  }
0xc2: {  	_ =	swait.ge [sflag:s29], $0x1  }
0xc3: {  	[sflag:s29] =	ssyncadd.s32 $0xFFFFFFFF  }
0xc4: {  	_ =	strace $0x9000004B  }
0xc5: {  	_ =	sfence  }
0xc6: {  	s30 =	sld [smem:$0x0];
	_ =	sdelay $0x2  }
0xc7: {  	s31 =	sshll.u32 s1, $0xD;
	s1 =	sshrl.u32 s1, $0x2  }
0xc8: {  	s4 =	sand.u32 $0x4000, s31;
	s1 =	sadd.s32 s1, s30  }
0xc9: {  	s0 =	sor.u32 s4, s0;
	s1 =	sshll.u32 s1, $0x11  }
0xca: {  	s0 =	sor.u32 s1, s0  }
0xcb: {  	s0 =	sadd.s32 $0x8F2B, s0  }
0xcc: {  	[sflag:s0] =	ssyncadd.remote.s32 $0x1  }
0xcd: {  	_ =	sfence.sel $0xFFFF  }
0xce: {  	[dreg:$0x0] =	wrdreg $0xFFFFFFFF;
	(pc) =	sbr.abs _section_cstart, $3  }
0xcf: {  	[dreg:$0x1] =	wrdreg $0xFFFFFFFF  }
0xd0: {  	_ =	task.clear_ibuf [dreg:s22], $0x2FFFF;
	_ =	strace $0x9FFFFFFF  }
0xd1: {  	(tm) =	ssettm $0x7FFFFFFF  }
tec
execute0_lowered:
.L_overlay_start_1:
0x0: {  	(tag) =	ssettag $0x1  }
0x1: {  	s1 =	srdreg.scid  }
0x2: {  	s0 =	stileid.u32;
	s7 =	rddreg [dreg:$0x0]  }
0x3: {  	s2 =	rddreg [dreg:$0x1];
	s3 =	simm.s32 $0x0;
	s12 =	simm.s32 $0x5000  }
0x4: {  	s13 =	simm.s32 $0x40;
	s14 =	simm.s32 $0x0;
	s8 =	smul.u32 $0x13C00, s0  }
0x5: {  	s6 =	sand.u32 $0x1, s1;
	s29 =	sshll.u32 s0, $0x1;
	s10 =	smul.u32 $0x4F000, s0  }
0x6: {  	[smem:$0x7FF] =	sst s3;
	s1 =	sor.u32 s6, s29;
	s5 =	smul.u32 $0x13C000, s6  }
0x7: {  	s31 =	sshll.u32 s0, $0x6;
	s6 =	ssub.s32 $0x2, s6;
	s4 =	smul.u32 $0xA00, s1  }
0x8: {  	s1 =	rddreg [dreg:$0x2];
	_ =	strace $0x8000004A;
	s30 =	sshrl.u32 s6, $0x1  }
0x9: {  	s10 =	sshrl.u32 s10, $0x2;
	s8 =	sadd.s32 s8, s5;
	s5 =	sadd.s32 $0x7CA00, s7  }
0xa: {  	s11 =	ssub.s32 s6, s30;
	s10 =	sadd.s32 s10, s2;
	s6 =	sor.u32 $0x1C01, s31  }
0xb: {  	s9 =	sadd.s32 s4, s7;
	s4 =	sadd.s32 $0x2B200, s7;
	s8 =	sshrl.u32 s8, $0x3  }
0xc: {  	s10 =	sshrl.u32 s10, $0x3;
	s8 =	sadd.s32 s8, s7;
	s7 =	sadd.s32 $0x17200, s9  }
0xd: {  	s9 =	smax.u32 s11, $0x1;
	s11 =	simm.s32 $0x1;
	s8 =	sadd.s32 $0x7CE00, s8  }
.LBB2_1:
0xe: {  	[spmem:s10], [sflag:s6] =	dma.local [hbm:s4], $0x2780  }
0xf: {  	_ =	swait.ge [sflag:s11], $0x2780  }
0x10: {  	[sflag:s11] =	ssyncset.done $0x0  }
0x11: {  	[sflag:s11] =	ssyncadd.s32 $0xFFFFD880  }
0x12: {  	[tilespmem:s12], [sflag:$0x1] =	stream.linear.gather [hbm4b:s5+s3], $0x2000, $0x38;
	[tilespmem:$0x1AC00] =	vst v63  }
0x13: {  	_ =	swait.ge [sflag:s11], $0x2000  }
0x14: {  	[sflag:s11] =	ssyncset.done $0x0  }
0x15: {  	[sflag:s11] =	ssyncadd.s32 $0xFFFFE000  }
0x16: {  	[tilespmem:s3], [sflag:$0x1] =	stream.linear.gather [hbm4b:s7+s3], $0x5000, $0x38;
	[tilespmem:$0x1AC00] =	vst v63  }
0x17: {  	_ =	swait.ge [sflag:s11], $0x5000  }
0x18: {  	[sflag:s11] =	ssyncset.done $0x0  }
0x19: {  	[sflag:s11] =	ssyncadd.s32 $0xFFFFB000  }
0x1a: {  	s15 =	simm.s32 $0x0;
	[bflag:$0x0] =	sbarrier.arrive $0xFFFF  }
0x1b: {  	[spmem:s2] =	stream.indirect.scatter.add.f32 [tilespmem:s12], [sflag:$0x1], $0x80, s15, s13, $0xb8;
	[tilespmem:$0x1AC00] =	vst v63  }
0x1c: {  	_ =	swait.ge [sflag:s11], $0x2000  }
0x1d: {  	s15 =	simm.s32 $0x200;
	[sflag:s11] =	ssyncset.done $0x0  }
.LBB2_2:
0x1e: {  	s16 =	sshra.s32 s15, $0x2;
	[sflag:s11] =	ssyncadd.s32 $0xFFFFE000;
	p0 =	sne.s32 s15, $0x13E00  }
0x1f: {  	[spmem:s2] =	stream.indirect.scatter.add.f32 [tilespmem:s12], [sflag:$0x1], $0x80, s16, s13, $0xb8;
	[tilespmem:$0x1AC00] =	vst v63  }
.Ltmp0:
0x20: {  	_ = 	snop;
	(pc) =	sbr.rel @p0 .LBB2_2-.Ltmp0, $4  }
0x21: {  	_ = 	snop  }
0x22: {  	s15 =	sadd.s32 $0x200, s15  }
0x23: {  	_ =	swait.ge [sflag:s11], $0x2000  }
0x24: {  	[sflag:s11] =	ssyncset.done $0x0  }
0x25: {  	s14 =	sadd.s32 $0x1, s14  }
0x26: {  	[sflag:s11] =	ssyncadd.s32 $0xFFFFE000;
	p0 =	sne.s32 s14, s9  }
.Ltmp1:
0x27: {  	[bflag:$0x0] =	sbarrier.arrive $0xFFFF;
	(pc) =	sbr.rel @p0 .LBB2_1-.Ltmp1, $4  }
0x28: {  	[hbm:s8], [sflag:s6] =	dma.local [spmem:s10], $0x2780  }
0x29: {  	_ =	swait.ge [sflag:s11], $0x2780  }
0x2a: {  	[sflag:s11] =	ssyncset.done $0x0  }
0x2b: {  	[sflag:s11] =	ssyncadd.s32 $0xFFFFD880  }
0x2c: {  	_ =	sfence.sel $0x180000  }
0x2d: {  	[bflag:$0x0] =	sbarrier.arrive $0xFFFF  }
0x2e: {  	p0 =	sne.s32 s0, $0x0;
	_ =	strace $0x9000004A  }
0x2f: {  	s0 =	sadd.s32 @!p0 $0x100000, s1;
	[bflag:$0x2] =	sbarrier.arrive $0xFFFF  }
0x30: {  	[sflag:s0] =	ssyncadd.tile.s32 @!p0 $0x1;
	_ =	shalt  }
.Lfunc_end2:
_tile_overlayer_lowered:
.L_overlay_start_2:
0x31: {  	(tag) =	ssettag $0x2  }
0x32: {  	s0 =	rddreg [dreg:$0x0];
	s2 =	stileid.u32  }
0x33: {  	s1 =	rddreg [dreg:$0x1];
	p0 =	sne.s32 s2, $0x0  }
0x34: {  	s3 =	rddreg [dreg:$0x2];
	[bflag:$0x3] =	sbarrier.arrive $0xFFFF;
	s2 =	simm.s32 @!p0 $0x1C01  }
0x35: {  	[timem:s3], [sflag:s2] =	dma.local @!p0 [hbm:s0], s1  }
0x36: {  	s0 =	simm.s32 @!p0 $0x1  }
0x37: {  	_ =	swait.ge @!p0 [sflag:s0], s1  }
0x38: {  	s1 =	ssub.s32 @!p0 $0x0, s1;
	[sflag:s0] =	ssyncset.done @!p0 $0x0  }
0x39: {  	[sflag:s0] =	ssyncadd.s32 @!p0 s1  }
0x3a: {  	[bflag:$0x3] =	sbarrier.arrive $0xFFFF  }
0x3b: {  	_ =	shalt  }

// kernel: kernel.13.cloned.1.call-start
scs
__scs_entry_jumppad:
0x0: {  	(pc) =	sbr.rel $0x88, $3  }
0x1: {  	(tag) =	ssettag $0x0;
	lr =	simm.s32 $0x1  }
0x2: {  	[smem:$0x3F96] =	sst lr;
	_ =	strace $0xD0000000  }
0x3: {  	_ = 	snop  }
0x4: {  	_ = 	snop  }
0x5: {  	_ = 	snop  }
0x6: {  	_ = 	snop  }
0x7: {  	_ = 	snop  }
__scs_overlays_trampoline_lowered:
0x8: {  	[smem:$0x3FA5] =	sst s0  }
0x9: {  	[smem:$0x3FA6] =	sst s1  }
0xa: {  	[smem:$0x3FA7] =	sst s2  }
0xb: {  	[smem:$0x3FA8] =	sst s3  }
0xc: {  	[smem:$0x3FA9] =	sst s4  }
0xd: {  	[smem:$0x3FAA] =	sst s5  }
0xe: {  	[smem:$0x3FAB] =	sst s6  }
0xf: {  	[smem:$0x3FAC] =	sst s7  }
0x10: {  	[smem:$0x3FAD] =	sst s8  }
0x11: {  	[smem:$0x3FAE] =	sst s9;
	s0 =	simm.s32 @!p0 $0x0  }
0x12: {  	s1 =	sld [smem:$0x3F94];
	s0 =	simm.s32 @p0 $0x1  }
0x13: {  	[smem:$0x3FAF] =	sst s0;
	s0 =	simm.s32 @!p1 $0x0  }
0x14: {  	s2 =	sld [smem:$0x3F93];
	s0 =	simm.s32 @p1 $0x1  }
0x15: {  	[smem:$0x3FB0] =	sst s0;
	s0 =	simm.s32 @!p2 $0x0  }
0x16: {  	s3 =	sld [smem:$0x3FDB];
	s0 =	simm.s32 @p2 $0x1  }
0x17: {  	s4 =	simm.s32 $0x1BF5;
	[smem:$0x3FB2] =	sst s0  }
0x18: {  	s0 =	sld [smem:$0x3F95];
	_ =	swait.ge [sflag:s4], $0x0  }
0x19: {  	s7 =	sld [smem:$0x3F96]  }
0x1a: {  	s8 =	sadd.s32 $0xFFFFE003, lr  }
0x1b: {  	s9 =	sadd.s32 $0xFFFFFEF7, lr;
	s5 =	simm.s32 $0xFFFFFFFF;
	p2 =	slt.u32 s8, $0xFFFFF086  }
0x1c: {  	p1 =	slt.u32 s9, $0xF7A;
	s5 =	simm.s32 @!p2 $0x0  }
0x1d: {  	s5 =	simm.s32 @p1 $0x1;
	p0 =	seq.s32 s7, s2  }
0x1e: {  	s7 =	smul.u32 @!p0 $0xF7A, s2;
	p2 =	seq.s32 @!p0 s5, $0x0  }
0x1f: {  	s9 =	smul.u32 $0xF7A, s1;
	s8 =	simm.s32 @!p0 $0x1BF5;
	p2 =	por !p2, p0  }
0x20: {  	[sflag:s8] =	ssyncset.s32 @!p0 $0xFFFFF086;
	s6 =	sadd.s32 @!p0 s3, s7;
	s7 =	simm.s32 @!p0 $0x108  }
0x21: {  	s3 =	sadd.s32 s3, s9;
	s6 =	sadd.s32 @!p0 $0x88, s6;
	s7 =	simm.s32 @p2 $0x1082  }
0x22: {  	[simem:s7], [sflag:s8] =	dma.local @!p0 [hbm:s6], $0xF7A  }
0x23: {  	s9 =	sor.u32 $0xD0000000, s2;
	s6 =	simm.s32 $0x108;
	_ =	swait.ge @!p0 [sflag:s8], $0x0  }
0x24: {  	s3 =	sadd.s32 $0x88, s3;
	s6 =	simm.s32 @!p1 $0x1082;
	[sflag:s4] =	ssyncset.s32 $0xFFFFF086  }
0x25: {  	[simem:s6], [sflag:s4] =	dma.local [hbm:s3], $0xF7A  }
0x26: {  	[smem:$0x3F96] =	sst s1;
	(tag) =	ssettag s2;
	_ =	strace s9  }
0x27: {  	s1 =	sld [smem:$0x3FA6]  }
0x28: {  	s2 =	sld [smem:$0x3FA7]  }
0x29: {  	s4 =	sld [smem:$0x3FA9]  }
0x2a: {  	p0 =	seq.s32 s5, $0x0;
	s5 =	sld [smem:$0x3FAA]  }
0x2b: {  	s6 =	sld [smem:$0x3FAB]  }
0x2c: {  	s7 =	sld [smem:$0x3FAC]  }
0x2d: {  	s3 =	simm.s32 $0x108;
	s8 =	sld [smem:$0x3FAD]  }
0x2e: {  	s3 =	simm.s32 @!p0 $0x1082;
	s9 =	sld [smem:$0x3FAE]  }
0x2f: {  	lr =	sadd.s32 s0, s3;
	s0 =	sld [smem:$0x3FA5]  }
0x30: {  	s3 =	sld [smem:$0x3FA8]  }
0x31: {  	[smem:$0x3FB1] =	sst s10  }
0x32: {  	s10 =	sld [smem:$0x3FAF];
	_ =	sdelay $0x3  }
0x33: {  	p0 =	seq.s32 s10, $0x1;
	s10 =	sld [smem:$0x3FB1];
	_ =	sdelay $0x3  }
0x34: {  	[smem:$0x3FB1] =	sst s10  }
0x35: {  	s10 =	sld [smem:$0x3FB0];
	_ =	sdelay $0x3  }
0x36: {  	p1 =	seq.s32 s10, $0x1;
	s10 =	sld [smem:$0x3FB1];
	_ =	sdelay $0x3  }
0x37: {  	[smem:$0x3FB1] =	sst s10  }
0x38: {  	s10 =	sld [smem:$0x3FB2]  }
0x39: {  	_ = 	snop;
	(pc) =	sbr.ind lr, $3  }
0x3a: {  	_ = 	snop  }
0x3b: {  	_ = 	snop  }
0x3c: {  	p2 =	seq.s32 s10, $0x1;
	s10 =	sld [smem:$0x3FB1]  }
0x3d: {  	_ =	shalt  }
0x3e: {  	_ =	shalt  }
0x3f: {  	_ =	shalt  }
0x40: {  	_ =	shalt  }
0x41: {  	_ =	shalt  }
0x42: {  	_ =	shalt  }
0x43: {  	_ =	shalt  }
0x44: {  	_ =	shalt  }
0x45: {  	_ =	shalt  }
0x46: {  	_ =	shalt  }
0x47: {  	_ =	shalt  }
0x48: {  	_ =	shalt  }
0x49: {  	_ =	shalt  }
0x4a: {  	_ =	shalt  }
0x4b: {  	_ =	shalt  }
0x4c: {  	_ =	shalt  }
0x4d: {  	_ =	shalt  }
0x4e: {  	_ =	shalt  }
0x4f: {  	_ =	shalt  }
0x50: {  	_ =	shalt  }
0x51: {  	_ =	shalt  }
0x52: {  	_ =	shalt  }
0x53: {  	_ =	shalt  }
0x54: {  	_ =	shalt  }
0x55: {  	_ =	shalt  }
0x56: {  	_ =	shalt  }
0x57: {  	_ =	shalt  }
0x58: {  	_ =	shalt  }
0x59: {  	_ =	shalt  }
0x5a: {  	_ =	shalt  }
0x5b: {  	_ =	shalt  }
0x5c: {  	_ =	shalt  }
0x5d: {  	_ =	shalt  }
0x5e: {  	_ =	shalt  }
0x5f: {  	_ =	shalt  }
0x60: {  	_ =	shalt  }
0x61: {  	_ =	shalt  }
0x62: {  	_ =	shalt  }
0x63: {  	_ =	shalt  }
0x64: {  	_ =	shalt  }
0x65: {  	_ =	shalt  }
0x66: {  	_ =	shalt  }
0x67: {  	_ =	shalt  }
0x68: {  	_ =	shalt  }
0x69: {  	_ =	shalt  }
0x6a: {  	_ =	shalt  }
0x6b: {  	_ =	shalt  }
0x6c: {  	_ =	shalt  }
0x6d: {  	_ =	shalt  }
0x6e: {  	_ =	shalt  }
0x6f: {  	_ =	shalt  }
0x70: {  	_ =	shalt  }
0x71: {  	_ =	shalt  }
0x72: {  	_ =	shalt  }
0x73: {  	_ =	shalt  }
0x74: {  	_ =	shalt  }
0x75: {  	_ =	shalt  }
0x76: {  	_ =	shalt  }
0x77: {  	_ =	shalt  }
0x78: {  	_ =	shalt  }
0x79: {  	_ =	shalt  }
0x7a: {  	_ =	shalt  }
0x7b: {  	_ =	shalt  }
0x7c: {  	_ =	shalt  }
0x7d: {  	_ =	shalt  }
0x7e: {  	_ =	shalt  }
0x7f: {  	_ =	shalt  }
0x80: {  	_ =	shalt  }
0x81: {  	_ =	shalt  }
0x82: {  	_ =	shalt  }
0x83: {  	_ =	shalt  }
0x84: {  	_ =	shalt  }
0x85: {  	_ =	shalt  }
0x86: {  	_ =	shalt  }
0x87: {  	_ =	shalt  }
.Lfunc_end0:
.L_simem_size_0:
called_computation.1_lowered:
.L_overlay_start_0:
0x88: {  	s2 =	sld [smem:$0x3FD9]  }
0x89: {  	s3 =	sld [smem:$0x3FFE];
	_ =	sdelay $0x1  }
0x8a: {  	s1 =	srdreg.scid  }
0x8b: {  	s0 =	sand.u32 $0x1, s1  }
0x8c: {  	s17 =	sshll.u32 s0, $0xA;
	s2 =	sadd.s32 s3, s2  }
0x8d: {  	s2 =	sadd.s32 s2, s17  }
0x8e: {  	[smem:$0x3FBD] =	sst s2  }
0x8f: {  	_ = 	snop  }
0x90: {  	s2 =	sld [smem:$0x3FD0];
	(tm) =	ssettm $0x1  }
0x91: {  	s18 =	sld [smem:$0x3FFB];
	_ =	sdelay $0x3  }
0x92: {  	_ =	strace s18  }
0x93: {  	s3 =	sld [smem:$0x3FFC];
	_ =	sdelay $0x3  }
0x94: {  	_ =	strace s3  }
0x95: {  	s3 =	sld [smem:$0x3FFD];
	_ =	sdelay $0x3  }
0x96: {  	_ =	strace s3  }
0x97: {  	_ =	strace $0x8FFFFFFF  }
0x98: {  	s19 =	sld [smem:$0x3FDB];
	_ =	sdelay $0x1  }
0x99: {  	s4 =	simm.s32 $_scs_section_size  }
0x9a: {  	s5 =	simm.s32 $_size__tile_overlayer_lowered;
	s6 =	simm.s32 $_tile_overlayer_lowered  }
0x9b: {  	s22 =	simm.s32 $0x1BFF;
	s21 =	sshll.u32 s6, $0x1;
	s3 =	sadd.s32 s4, s19  }
0x9c: {  	s7 =	simm.s32 $0x0;
	s20 =	sshll.u32 s5, $0x1;
	s5 =	sadd.s32 s21, s3  }
0x9d: {  	[timem:s7], [sflag:s22] =	dma.local [hbm:s5], s20  }
0x9e: {  	_ =	swait.ge [sflag:s22], s20  }
0x9f: {  	s4 =	ssub.s32 $0x0, s20;
	[sflag:s22] =	ssyncset.done $0x0  }
0xa0: {  	[sflag:s22] =	ssyncadd.s32 s4;
	_ =	sdelay $0x1  }
0xa1: {  	s23 =	simm.s32 $0x1B8B  }
0xa2: {  	_ =	swait.ge [sflag:s23], $0x1  }
0xa3: {  	[sflag:s23] =	ssyncset.done $0x0  }
0xa4: {  	s25 =	simm.s32 $0x1B8E;
	s24 =	sld [smem:$0x3FFE];
	[sflag:s23] =	ssyncadd.s32 $0xFFFFFFFF  }
0xa5: {  	s26 =	simm.s32 $execute0_lowered;
	[smem:$0x3FD2] =	sst s25  }
0xa6: {  	s5 =	sshll.u32 s26, $0x1;
	_ =	strace $0x80000046;
	[dreg:$0x1] =	wrdreg $0xFFFFFFFF  }
0xa7: {  	s28 =	simm.s32 $_size_execute0_lowered;
	s3 =	sadd.s32 s3, s5;
	[dreg:$0x0] =	wrdreg $0x0  }
0xa8: {  	s5 =	sshll.u32 s28, $0x1;
	[dreg:$0x2] =	wrdreg s3  }
0xa9: {  	[dreg:$0x3] =	wrdreg s5  }
0xaa: {  	[dreg:$0x4] =	wrdreg $0xC0  }
0xab: {  	_ =	task [dreg:s7], $0x5FFFF  }
0xac: {  	[dreg:$0x1] =	wrdreg $0xFFFFFFFF  }
0xad: {  	[dreg:$0x0] =	wrdreg $0x60  }
0xae: {  	[dreg:$0x2] =	wrdreg s2  }
0xaf: {  	[dreg:$0x3] =	wrdreg s24  }
0xb0: {  	[dreg:$0x4] =	wrdreg $0xA8000  }
0xb1: {  	[dreg:$0x5] =	wrdreg $0xA  }
0xb2: {  	_ =	task.clear_ibuf [dreg:s7], $0x6FFFF;
	_ =	strace $0x90000046  }
0xb3: {  	s29 =	simm.s32 $0xA;
	_ =	strace $0x80000048  }
0xb4: {  	_ =	swait.ge [sflag:s29], $0x1  }
0xb5: {  	[sflag:s29] =	ssyncadd.s32 $0xFFFFFFFF  }
0xb6: {  	_ =	strace $0x90000048  }
0xb7: {  	_ =	sfence  }
0xb8: {  	s30 =	sld [smem:$0x0];
	_ =	sdelay $0x2  }
0xb9: {  	s31 =	sshll.u32 s1, $0xD;
	s1 =	sshrl.u32 s1, $0x2  }
0xba: {  	s3 =	sand.u32 $0x4000, s31;
	s1 =	sadd.s32 s1, s30  }
0xbb: {  	s0 =	sor.u32 s3, s0;
	s1 =	sshll.u32 s1, $0x11  }
0xbc: {  	s0 =	sor.u32 s1, s0  }
0xbd: {  	s0 =	sadd.s32 $0x8F2B, s0  }
0xbe: {  	[sflag:s0] =	ssyncadd.remote.s32 $0x1  }
0xbf: {  	_ =	sfence.sel $0xFFFF  }
0xc0: {  	[dreg:$0x0] =	wrdreg $0xFFFFFFFF;
	(pc) =	sbr.abs _section_cstart, $3  }
0xc1: {  	[dreg:$0x1] =	wrdreg $0xFFFFFFFF  }
0xc2: {  	_ =	task.clear_ibuf [dreg:s7], $0x2FFFF;
	_ =	strace $0x9FFFFFFF  }
0xc3: {  	(tm) =	ssettm $0x7FFFFFFF  }
tec
execute0_lowered:
.L_overlay_start_1:
0x0: {  	(tag) =	ssettag $0x1  }
0x1: {  	s1 =	rddreg [dreg:$0x0]  }
0x2: {  	s6 =	rddreg [dreg:$0x1]  }
0x3: {  	s2 =	rddreg [dreg:$0x2];
	s3 =	srdreg.scid;
	s4 =	simm.s32 $0x0  }
0x4: {  	s0 =	stileid.u32;
	s19 =	simm.s32 $0x40;
	s20 =	simm.s32 $0x2800  }
0x5: {  	s21 =	simm.s32 $0x80;
	s22 =	simm.s32 $0x4800;
	s23 =	simm.s32 $0x100  }
0x6: {  	s5 =	sand.u32 $0x1, s3;
	[smem:$0x7FF] =	sst s4;
	s8 =	smul.u32 $0x13C00, s0  }
0x7: {  	s13 =	sadd.s32 $0x3200, s6;
	s14 =	sadd.s32 $0x17200, s6;
	s24 =	sshll.u32 s0, $0x1  }
0x8: {  	s25 =	smul.u32 $0x4F000, s0;
	s26 =	sadd.s32 $0x2B200, s6;
	s29 =	sshll.u32 s0, $0x6  }
0x9: {  	s7 =	smul.u32 $0x13C000, s5;
	_ =	strace $0x80000047;
	s9 =	ssub.s32 $0x2, s5  }
0xa: {  	s5 =	sor.u32 s5, s24;
	[dreg:$0x4] =	wrdreg s26;
	s24 =	simm.s32 $0x6800  }
0xb: {  	s10 =	sshrl.u32 s9, $0x1;
	s11 =	smul.u32 $0x5000, s5;
	s28 =	sshrl.u32 s25, $0x2  }
0xc: {  	s25 =	simm.s32 $0x0;
	s7 =	sadd.s32 s8, s7;
	s16 =	ssub.s32 s9, s10  }
0xd: {  	s17 =	sadd.s32 s28, s2;
	s7 =	sshrl.u32 s7, $0x3;
	s11 =	sshrl.u32 s11, $0x3  }
0xe: {  	s16 =	smax.u32 s16, $0x1;
	s17 =	sshrl.u32 s17, $0x3;
	s15 =	sadd.s32 s7, s6  }
0xf: {  	s6 =	sor.u32 $0x1C05, s29;
	s30 =	sadd.s32 $0x280, s11;
	s31 =	sadd.s32 s13, s11  }
0x10: {  	s8 =	sadd.s32 s14, s11;
	s12 =	sadd.s32 $0x500, s11;
	s18 =	sadd.s32 $0x780, s11  }
0x11: {  	[dreg:$0x5] =	wrdreg s31;
	s9 =	sadd.s32 s13, s30;
	s10 =	sadd.s32 s14, s30  }
0x12: {  	s11 =	sadd.s32 s13, s12;
	s12 =	sadd.s32 s14, s12;
	s13 =	sadd.s32 s13, s18  }
0x13: {  	s14 =	sadd.s32 s14, s18;
	s15 =	sadd.s32 $0x2DA00, s15;
	s18 =	simm.s32 $0x5  }
.LBB2_1:
0x14: {  	s0 =	rddreg [dreg:$0x4]  }
0x15: {  	[spmem:s17], [sflag:s6] =	dma.local [hbm:s0], $0x2780  }
0x16: {  	_ =	swait.ge [sflag:s18], $0x2780  }
0x17: {  	[sflag:s18] =	ssyncset.done $0x0  }
0x18: {  	[sflag:s18] =	ssyncadd.s32 $0xFFFFD880  }
0x19: {  	[bflag:$0x0] =	sbarrier.arrive $0xFFFF  }
0x1a: {  	s26 =	rddreg [dreg:$0x5]  }
0x1b: {  	[tilespmem:s4], [sflag:$0x5] =	stream.linear.gather [hbm4b:s26+s4], $0x1400, $0x38;
	[tilespmem:$0x1E400] =	vst v63  }
0x1c: {  	_ =	swait.ge [sflag:s18], $0x1400  }
0x1d: {  	[sflag:s18] =	ssyncset.done $0x0  }
0x1e: {  	s26 =	simm.s32 $0x1400;
	[sflag:s18] =	ssyncadd.s32 $0xFFFFEC00  }
0x1f: {  	[tilespmem:s26], [sflag:$0x5] =	stream.linear.gather [hbm4b:s8+s4], $0x1400, $0x38;
	[tilespmem:$0x1E400] =	vst v63  }
0x20: {  	_ =	swait.ge [sflag:s18], $0x1400  }
0x21: {  	[sflag:s18] =	ssyncset.done $0x0  }
0x22: {  	s28 =	simm.s32 $0x3;
	p0 =	por $0x0, $0x0;
	[sflag:s18] =	ssyncadd.s32 $0xFFFFEC00  }
0x23: {  	[tilespmem:s20], [sflag:$0x1] =	stream.indirect.gather [hbm4b:s1+s19], $0x80, s4, s19, $0xb8;
	[tilespmem:$0x1E400] =	vst v63  }
0x24: {  	s29 =	simm.s32 $0x180;
	s28 =	sand.u32 @!p0 $0x3, s28  }
0x25: {  	[tilespmem:s22], [sflag:$0x2] =	stream.indirect.gather [hbm4b:s1+s19], $0x80, s21, s19, $0xb8;
	[tilespmem:$0x1E400] =	vst v63  }
0x26: {  	s30 =	simm.s32 $0x0;
	s0 =	simm.s32 @!p0 $0x40;
	s31 =	sshll.u32 @!p0 s28, $0xD  }
0x27: {  	[tilespmem:s24], [sflag:$0x3] =	stream.indirect.gather [hbm4b:s1+s19], $0x80, s23, s19, $0xb8;
	[tilespmem:$0x1E400] =	vst v63  }
0x28: {  	s30 =	sand.u32 $0x3, s30;
	s28 =	sadd.s32 @!p0 $0x1, s28;
	s31 =	sadd.s32 @!p0 $0x2800, s31  }
0x29: {  	[tilespmem:s31], [sflag:s28] =	stream.indirect.gather @!p0 [hbm4b:s1+s0], $0x80, s29, s0, $0xb8;
	[tilespmem:$0x1E400] =	vst v63  }
0x2a: {  	s31 =	sadd.s32 $0x1, s30  }
0x2b: {  	s28 =	sshll.u32 s30, $0xD;
	_ =	swait.ge [sflag:s31], $0x2000  }
0x2c: {  	s29 =	simm.s32 $0x4;
	s30 =	simm.s32 $0x5;
	[sflag:s31] =	ssyncset.done $0x0  }
0x2d: {  	p0 =	por $0x0, $0x0;
	s28 =	sadd.s32 $0x2800, s28;
	[sflag:s31] =	ssyncadd.s32 $0xFFFFE000  }
0x2e: {  	[spmem:s2] =	stream.indirect.scatter.add.f32 [tilespmem:s28], [sflag:$0x5], $0x80, s26, s19, $0xb8;
	[tilespmem:$0x1E400] =	vst v63  }
0x2f: {  	s26 =	simm.s32 $0x1480;
	s28 =	simm.s32 $0x200;
	_ =	swait.ge [sflag:s18], $0x2000  }
.LBB2_2:
0x30: {  	s0 =	sand.u32 @!p0 $0x3, s29;
	s31 =	sadd.s32 $0xFFFFFFFD, s29;
	[sflag:s18] =	ssyncset.done $0x0  }
0x31: {  	s29 =	smov.u32 s30;
	s3 =	smov.u32 s26;
	s7 =	simm.s32 @!p0 $0x40  }
0x32: {  	s5 =	sshll.u32 @!p0 s0, $0xD;
	s0 =	sadd.s32 @!p0 $0x1, s0;
	[sflag:s18] =	ssyncadd.s32 $0xFFFFE000  }
0x33: {  	s30 =	sadd.s32 $0x1, s30;
	s31 =	sand.u32 $0x3, s31;
	s5 =	sadd.s32 @!p0 $0x2800, s5  }
0x34: {  	[tilespmem:s5], [sflag:s0] =	stream.indirect.gather @!p0 [hbm4b:s1+s7], $0x80, s28, s7, $0xb8;
	[tilespmem:$0x1E400] =	vst v63  }
0x35: {  	p1 =	sne.s32 s30, $0x2B;
	s0 =	sshll.u32 s31, $0xD;
	s5 =	sadd.s32 $0x1, s31  }
.Ltmp0:
0x36: {  	_ =	swait.ge [sflag:s5], $0x2000;
	(pc) =	sbr.rel @p1 .LBB2_2-.Ltmp0, $4  }
0x37: {  	s0 =	sadd.s32 $0x2800, s0;
	[sflag:s5] =	ssyncset.done $0x0  }
0x38: {  	s26 =	sadd.s32 $0x80, s26;
	[sflag:s5] =	ssyncadd.s32 $0xFFFFE000  }
0x39: {  	[spmem:s2] =	stream.indirect.scatter.add.f32 [tilespmem:s0], [sflag:$0x5], $0x80, s3, s19, $0xb8;
	[tilespmem:$0x1E400] =	vst v63  }
0x3a: {  	p0 =	sgt.u32 s29, $0x27;
	s28 =	sadd.s32 $0x80, s28;
	_ =	swait.ge [sflag:s18], $0x2000  }
0x3b: {  	s0 =	sand.u32 @!p0 $0x3, s29;
	s3 =	sadd.s32 $0xFFFFFFFD, s29;
	[sflag:s18] =	ssyncset.done $0x0  }
0x3c: {  	s7 =	simm.s32 @!p0 $0x40;
	s5 =	sshll.u32 @!p0 s0, $0xD;
	s0 =	sadd.s32 @!p0 $0x1, s0  }
0x3d: {  	[sflag:s18] =	ssyncadd.s32 $0xFFFFE000;
	s3 =	sand.u32 $0x3, s3;
	s5 =	sadd.s32 @!p0 $0x2800, s5  }
0x3e: {  	[tilespmem:s5], [sflag:s0] =	stream.indirect.gather @!p0 [hbm4b:s1+s7], $0x80, s28, s7, $0xb8;
	[tilespmem:$0x1E400] =	vst v63  }
0x3f: {  	s7 =	sadd.s32 $0x1, s3  }
0x40: {  	_ =	swait.ge [sflag:s7], $0x2000  }
0x41: {  	s3 =	sshll.u32 s3, $0xD;
	[sflag:s7] =	ssyncset.done $0x0  }
0x42: {  	s3 =	sadd.s32 $0x2800, s3;
	[sflag:s7] =	ssyncadd.s32 $0xFFFFE000  }
0x43: {  	[spmem:s2] =	stream.indirect.scatter.add.f32 [tilespmem:s3], [sflag:$0x5], $0x80, s26, s19, $0xb8;
	[tilespmem:$0x1E400] =	vst v63  }
0x44: {  	_ =	swait.ge [sflag:s18], $0x2000  }
0x45: {  	[sflag:s18] =	ssyncset.done $0x0  }
0x46: {  	[sflag:s18] =	ssyncadd.s32 $0xFFFFE000  }
0x47: {  	[tilespmem:s4], [sflag:$0x5] =	stream.linear.gather [hbm4b:s9+s4], $0x1400, $0x38;
	[tilespmem:$0x1E400] =	vst v63  }
0x48: {  	_ =	swait.ge [sflag:s18], $0x1400  }
0x49: {  	[sflag:s18] =	ssyncset.done $0x0  }
0x4a: {  	s0 =	simm.s32 $0x1400;
	[sflag:s18] =	ssyncadd.s32 $0xFFFFEC00  }
0x4b: {  	[tilespmem:s0], [sflag:$0x5] =	stream.linear.gather [hbm4b:s10+s4], $0x1400, $0x38;
	[tilespmem:$0x1E400] =	vst v63  }
0x4c: {  	_ =	swait.ge [sflag:s18], $0x1400  }
0x4d: {  	[sflag:s18] =	ssyncset.done $0x0  }
0x4e: {  	p0 =	por $0x0, $0x0;
	s3 =	simm.s32 $0x3;
	[sflag:s18] =	ssyncadd.s32 $0xFFFFEC00  }
0x4f: {  	[tilespmem:s20], [sflag:$0x1] =	stream.indirect.gather [hbm4b:s1+s19], $0x80, s4, s19, $0xb8;
	[tilespmem:$0x1E400] =	vst v63  }
0x50: {  	s31 =	simm.s32 $0x0;
	s3 =	sand.u32 @!p0 $0x3, s3  }
0x51: {  	[tilespmem:s22], [sflag:$0x2] =	stream.indirect.gather [hbm4b:s1+s19], $0x80, s21, s19, $0xb8;
	[tilespmem:$0x1E400] =	vst v63  }
0x52: {  	s5 =	simm.s32 $0x180;
	s28 =	simm.s32 @!p0 $0x40;
	s26 =	sshll.u32 @!p0 s3, $0xD  }
0x53: {  	[tilespmem:s24], [sflag:$0x3] =	stream.indirect.gather [hbm4b:s1+s19], $0x80, s23, s19, $0xb8;
	[tilespmem:$0x1E400] =	vst v63  }
0x54: {  	s7 =	sand.u32 $0x3, s31;
	s3 =	sadd.s32 @!p0 $0x1, s3;
	s26 =	sadd.s32 @!p0 $0x2800, s26  }
0x55: {  	[tilespmem:s26], [sflag:s3] =	stream.indirect.gather @!p0 [hbm4b:s1+s28], $0x80, s5, s28, $0xb8;
	[tilespmem:$0x1E400] =	vst v63  }
0x56: {  	s26 =	sadd.s32 $0x1, s7  }
0x57: {  	s29 =	simm.s32 $0x4;
	_ =	swait.ge [sflag:s26], $0x2000  }
0x58: {  	s30 =	simm.s32 $0x5;
	s31 =	sshll.u32 s7, $0xD;
	[sflag:s26] =	ssyncset.done $0x0  }
0x59: {  	s5 =	sadd.s32 $0x2800, s31;
	p0 =	por $0x0, $0x0;
	[sflag:s26] =	ssyncadd.s32 $0xFFFFE000  }
0x5a: {  	[spmem:s2] =	stream.indirect.scatter.add.f32 [tilespmem:s5], [sflag:$0x5], $0x80, s0, s19, $0xb8;
	[tilespmem:$0x1E400] =	vst v63  }
0x5b: {  	s28 =	simm.s32 $0x200;
	s26 =	simm.s32 $0x1480;
	_ =	swait.ge [sflag:s18], $0x2000  }
.LBB2_4:
0x5c: {  	s0 =	sand.u32 @!p0 $0x3, s29;
	s3 =	sadd.s32 $0xFFFFFFFD, s29;
	[sflag:s18] =	ssyncset.done $0x0  }
0x5d: {  	s29 =	smov.u32 s30;
	s5 =	smov.u32 s26;
	s31 =	simm.s32 @!p0 $0x40  }
0x5e: {  	s7 =	sshll.u32 @!p0 s0, $0xD;
	s0 =	sadd.s32 @!p0 $0x1, s0;
	[sflag:s18] =	ssyncadd.s32 $0xFFFFE000  }
0x5f: {  	s30 =	sadd.s32 $0x1, s30;
	s3 =	sand.u32 $0x3, s3;
	s7 =	sadd.s32 @!p0 $0x2800, s7  }
0x60: {  	[tilespmem:s7], [sflag:s0] =	stream.indirect.gather @!p0 [hbm4b:s1+s31], $0x80, s28, s31, $0xb8;
	[tilespmem:$0x1E400] =	vst v63  }
0x61: {  	p1 =	sne.s32 s30, $0x2B;
	s0 =	sshll.u32 s3, $0xD;
	s3 =	sadd.s32 $0x1, s3  }
.Ltmp1:
0x62: {  	_ =	swait.ge [sflag:s3], $0x2000;
	(pc) =	sbr.rel @p1 .LBB2_4-.Ltmp1, $4  }
0x63: {  	s0 =	sadd.s32 $0x2800, s0;
	[sflag:s3] =	ssyncset.done $0x0  }
0x64: {  	s26 =	sadd.s32 $0x80, s26;
	[sflag:s3] =	ssyncadd.s32 $0xFFFFE000  }
0x65: {  	[spmem:s2] =	stream.indirect.scatter.add.f32 [tilespmem:s0], [sflag:$0x5], $0x80, s5, s19, $0xb8;
	[tilespmem:$0x1E400] =	vst v63  }
0x66: {  	p0 =	sgt.u32 s29, $0x27;
	s28 =	sadd.s32 $0x80, s28;
	_ =	swait.ge [sflag:s18], $0x2000  }
0x67: {  	s0 =	sand.u32 @!p0 $0x3, s29;
	s3 =	sadd.s32 $0xFFFFFFFD, s29;
	[sflag:s18] =	ssyncset.done $0x0  }
0x68: {  	s7 =	simm.s32 @!p0 $0x40;
	s5 =	sshll.u32 @!p0 s0, $0xD;
	s0 =	sadd.s32 @!p0 $0x1, s0  }
0x69: {  	[sflag:s18] =	ssyncadd.s32 $0xFFFFE000;
	s3 =	sand.u32 $0x3, s3;
	s5 =	sadd.s32 @!p0 $0x2800, s5  }
0x6a: {  	[tilespmem:s5], [sflag:s0] =	stream.indirect.gather @!p0 [hbm4b:s1+s7], $0x80, s28, s7, $0xb8;
	[tilespmem:$0x1E400] =	vst v63  }
0x6b: {  	s7 =	sadd.s32 $0x1, s3  }
0x6c: {  	_ =	swait.ge [sflag:s7], $0x2000  }
0x6d: {  	s3 =	sshll.u32 s3, $0xD;
	[sflag:s7] =	ssyncset.done $0x0  }
0x6e: {  	s3 =	sadd.s32 $0x2800, s3;
	[sflag:s7] =	ssyncadd.s32 $0xFFFFE000  }
0x6f: {  	[spmem:s2] =	stream.indirect.scatter.add.f32 [tilespmem:s3], [sflag:$0x5], $0x80, s26, s19, $0xb8;
	[tilespmem:$0x1E400] =	vst v63  }
0x70: {  	_ =	swait.ge [sflag:s18], $0x2000  }
0x71: {  	[sflag:s18] =	ssyncset.done $0x0  }
0x72: {  	[sflag:s18] =	ssyncadd.s32 $0xFFFFE000  }
0x73: {  	[tilespmem:s4], [sflag:$0x5] =	stream.linear.gather [hbm4b:s11+s4], $0x1400, $0x38;
	[tilespmem:$0x1E400] =	vst v63  }
0x74: {  	_ =	swait.ge [sflag:s18], $0x1400  }
0x75: {  	[sflag:s18] =	ssyncset.done $0x0  }
0x76: {  	s0 =	simm.s32 $0x1400;
	[sflag:s18] =	ssyncadd.s32 $0xFFFFEC00  }
0x77: {  	[tilespmem:s0], [sflag:$0x5] =	stream.linear.gather [hbm4b:s12+s4], $0x1400, $0x38;
	[tilespmem:$0x1E400] =	vst v63  }
0x78: {  	_ =	swait.ge [sflag:s18], $0x1400  }
0x79: {  	[sflag:s18] =	ssyncset.done $0x0  }
0x7a: {  	p0 =	por $0x0, $0x0;
	s3 =	simm.s32 $0x3;
	[sflag:s18] =	ssyncadd.s32 $0xFFFFEC00  }
0x7b: {  	[tilespmem:s20], [sflag:$0x1] =	stream.indirect.gather [hbm4b:s1+s19], $0x80, s4, s19, $0xb8;
	[tilespmem:$0x1E400] =	vst v63  }
0x7c: {  	s31 =	simm.s32 $0x0;
	s3 =	sand.u32 @!p0 $0x3, s3  }
0x7d: {  	[tilespmem:s22], [sflag:$0x2] =	stream.indirect.gather [hbm4b:s1+s19], $0x80, s21, s19, $0xb8;
	[tilespmem:$0x1E400] =	vst v63  }
0x7e: {  	s5 =	simm.s32 $0x180;
	s28 =	simm.s32 @!p0 $0x40;
	s26 =	sshll.u32 @!p0 s3, $0xD  }
0x7f: {  	[tilespmem:s24], [sflag:$0x3] =	stream.indirect.gather [hbm4b:s1+s19], $0x80, s23, s19, $0xb8;
	[tilespmem:$0x1E400] =	vst v63  }
0x80: {  	s7 =	sand.u32 $0x3, s31;
	s3 =	sadd.s32 @!p0 $0x1, s3;
	s26 =	sadd.s32 @!p0 $0x2800, s26  }
0x81: {  	[tilespmem:s26], [sflag:s3] =	stream.indirect.gather @!p0 [hbm4b:s1+s28], $0x80, s5, s28, $0xb8;
	[tilespmem:$0x1E400] =	vst v63  }
0x82: {  	s26 =	sadd.s32 $0x1, s7  }
0x83: {  	s29 =	simm.s32 $0x4;
	_ =	swait.ge [sflag:s26], $0x2000  }
0x84: {  	s30 =	simm.s32 $0x5;
	s31 =	sshll.u32 s7, $0xD;
	[sflag:s26] =	ssyncset.done $0x0  }
0x85: {  	s5 =	sadd.s32 $0x2800, s31;
	p0 =	por $0x0, $0x0;
	[sflag:s26] =	ssyncadd.s32 $0xFFFFE000  }
0x86: {  	[spmem:s2] =	stream.indirect.scatter.add.f32 [tilespmem:s5], [sflag:$0x5], $0x80, s0, s19, $0xb8;
	[tilespmem:$0x1E400] =	vst v63  }
0x87: {  	s28 =	simm.s32 $0x200;
	s26 =	simm.s32 $0x1480;
	_ =	swait.ge [sflag:s18], $0x2000  }
.LBB2_6:
0x88: {  	s0 =	sand.u32 @!p0 $0x3, s29;
	s3 =	sadd.s32 $0xFFFFFFFD, s29;
	[sflag:s18] =	ssyncset.done $0x0  }
0x89: {  	s29 =	smov.u32 s30;
	s5 =	smov.u32 s26;
	s31 =	simm.s32 @!p0 $0x40  }
0x8a: {  	s7 =	sshll.u32 @!p0 s0, $0xD;
	s0 =	sadd.s32 @!p0 $0x1, s0;
	[sflag:s18] =	ssyncadd.s32 $0xFFFFE000  }
0x8b: {  	s30 =	sadd.s32 $0x1, s30;
	s3 =	sand.u32 $0x3, s3;
	s7 =	sadd.s32 @!p0 $0x2800, s7  }
0x8c: {  	[tilespmem:s7], [sflag:s0] =	stream.indirect.gather @!p0 [hbm4b:s1+s31], $0x80, s28, s31, $0xb8;
	[tilespmem:$0x1E400] =	vst v63  }
0x8d: {  	p1 =	sne.s32 s30, $0x2B;
	s0 =	sshll.u32 s3, $0xD;
	s3 =	sadd.s32 $0x1, s3  }
.Ltmp2:
0x8e: {  	_ =	swait.ge [sflag:s3], $0x2000;
	(pc) =	sbr.rel @p1 .LBB2_6-.Ltmp2, $4  }
0x8f: {  	s0 =	sadd.s32 $0x2800, s0;
	[sflag:s3] =	ssyncset.done $0x0  }
0x90: {  	s26 =	sadd.s32 $0x80, s26;
	[sflag:s3] =	ssyncadd.s32 $0xFFFFE000  }
0x91: {  	[spmem:s2] =	stream.indirect.scatter.add.f32 [tilespmem:s0], [sflag:$0x5], $0x80, s5, s19, $0xb8;
	[tilespmem:$0x1E400] =	vst v63  }
0x92: {  	p0 =	sgt.u32 s29, $0x27;
	s28 =	sadd.s32 $0x80, s28;
	_ =	swait.ge [sflag:s18], $0x2000  }
0x93: {  	s0 =	sand.u32 @!p0 $0x3, s29;
	s3 =	sadd.s32 $0xFFFFFFFD, s29;
	[sflag:s18] =	ssyncset.done $0x0  }
0x94: {  	s7 =	simm.s32 @!p0 $0x40;
	s5 =	sshll.u32 @!p0 s0, $0xD;
	s0 =	sadd.s32 @!p0 $0x1, s0  }
0x95: {  	[sflag:s18] =	ssyncadd.s32 $0xFFFFE000;
	s3 =	sand.u32 $0x3, s3;
	s5 =	sadd.s32 @!p0 $0x2800, s5  }
0x96: {  	[tilespmem:s5], [sflag:s0] =	stream.indirect.gather @!p0 [hbm4b:s1+s7], $0x80, s28, s7, $0xb8;
	[tilespmem:$0x1E400] =	vst v63  }
0x97: {  	s7 =	sadd.s32 $0x1, s3  }
0x98: {  	_ =	swait.ge [sflag:s7], $0x2000  }
0x99: {  	s3 =	sshll.u32 s3, $0xD;
	[sflag:s7] =	ssyncset.done $0x0  }
0x9a: {  	s3 =	sadd.s32 $0x2800, s3;
	[sflag:s7] =	ssyncadd.s32 $0xFFFFE000  }
0x9b: {  	[spmem:s2] =	stream.indirect.scatter.add.f32 [tilespmem:s3], [sflag:$0x5], $0x80, s26, s19, $0xb8;
	[tilespmem:$0x1E400] =	vst v63  }
0x9c: {  	_ =	swait.ge [sflag:s18], $0x2000  }
0x9d: {  	[sflag:s18] =	ssyncset.done $0x0  }
0x9e: {  	[sflag:s18] =	ssyncadd.s32 $0xFFFFE000  }
0x9f: {  	[tilespmem:s4], [sflag:$0x5] =	stream.linear.gather [hbm4b:s13+s4], $0x1400, $0x38;
	[tilespmem:$0x1E400] =	vst v63  }
0xa0: {  	_ =	swait.ge [sflag:s18], $0x1400  }
0xa1: {  	[sflag:s18] =	ssyncset.done $0x0  }
0xa2: {  	s0 =	simm.s32 $0x1400;
	[sflag:s18] =	ssyncadd.s32 $0xFFFFEC00  }
0xa3: {  	[tilespmem:s0], [sflag:$0x5] =	stream.linear.gather [hbm4b:s14+s4], $0x1400, $0x38;
	[tilespmem:$0x1E400] =	vst v63  }
0xa4: {  	_ =	swait.ge [sflag:s18], $0x1400  }
0xa5: {  	[sflag:s18] =	ssyncset.done $0x0  }
0xa6: {  	p0 =	por $0x0, $0x0;
	s3 =	simm.s32 $0x3;
	[sflag:s18] =	ssyncadd.s32 $0xFFFFEC00  }
0xa7: {  	[tilespmem:s20], [sflag:$0x1] =	stream.indirect.gather [hbm4b:s1+s19], $0x80, s4, s19, $0xb8;
	[tilespmem:$0x1E400] =	vst v63  }
0xa8: {  	s31 =	simm.s32 $0x0;
	s3 =	sand.u32 @!p0 $0x3, s3  }
0xa9: {  	[tilespmem:s22], [sflag:$0x2] =	stream.indirect.gather [hbm4b:s1+s19], $0x80, s21, s19, $0xb8;
	[tilespmem:$0x1E400] =	vst v63  }
0xaa: {  	s5 =	simm.s32 $0x180;
	s28 =	simm.s32 @!p0 $0x40;
	s26 =	sshll.u32 @!p0 s3, $0xD  }
0xab: {  	[tilespmem:s24], [sflag:$0x3] =	stream.indirect.gather [hbm4b:s1+s19], $0x80, s23, s19, $0xb8;
	[tilespmem:$0x1E400] =	vst v63  }
0xac: {  	s7 =	sand.u32 $0x3, s31;
	s3 =	sadd.s32 @!p0 $0x1, s3;
	s26 =	sadd.s32 @!p0 $0x2800, s26  }
0xad: {  	[tilespmem:s26], [sflag:s3] =	stream.indirect.gather @!p0 [hbm4b:s1+s28], $0x80, s5, s28, $0xb8;
	[tilespmem:$0x1E400] =	vst v63  }
0xae: {  	s26 =	sadd.s32 $0x1, s7  }
0xaf: {  	s29 =	simm.s32 $0x4;
	_ =	swait.ge [sflag:s26], $0x2000  }
0xb0: {  	s30 =	simm.s32 $0x5;
	s31 =	sshll.u32 s7, $0xD;
	[sflag:s26] =	ssyncset.done $0x0  }
0xb1: {  	s5 =	sadd.s32 $0x2800, s31;
	p0 =	por $0x0, $0x0;
	[sflag:s26] =	ssyncadd.s32 $0xFFFFE000  }
0xb2: {  	[spmem:s2] =	stream.indirect.scatter.add.f32 [tilespmem:s5], [sflag:$0x5], $0x80, s0, s19, $0xb8;
	[tilespmem:$0x1E400] =	vst v63  }
0xb3: {  	s28 =	simm.s32 $0x200;
	s26 =	simm.s32 $0x1480;
	_ =	swait.ge [sflag:s18], $0x2000  }
.LBB2_8:
0xb4: {  	s0 =	sand.u32 @!p0 $0x3, s29;
	s3 =	sadd.s32 $0xFFFFFFFD, s29;
	[sflag:s18] =	ssyncset.done $0x0  }
0xb5: {  	s29 =	smov.u32 s30;
	s5 =	smov.u32 s26;
	s31 =	simm.s32 @!p0 $0x40  }
0xb6: {  	s7 =	sshll.u32 @!p0 s0, $0xD;
	s0 =	sadd.s32 @!p0 $0x1, s0;
	[sflag:s18] =	ssyncadd.s32 $0xFFFFE000  }
0xb7: {  	s30 =	sadd.s32 $0x1, s30;
	s3 =	sand.u32 $0x3, s3;
	s7 =	sadd.s32 @!p0 $0x2800, s7  }
0xb8: {  	[tilespmem:s7], [sflag:s0] =	stream.indirect.gather @!p0 [hbm4b:s1+s31], $0x80, s28, s31, $0xb8;
	[tilespmem:$0x1E400] =	vst v63  }
0xb9: {  	p1 =	sne.s32 s30, $0x2B;
	s0 =	sshll.u32 s3, $0xD;
	s3 =	sadd.s32 $0x1, s3  }
.Ltmp3:
0xba: {  	_ =	swait.ge [sflag:s3], $0x2000;
	(pc) =	sbr.rel @p1 .LBB2_8-.Ltmp3, $4  }
0xbb: {  	s0 =	sadd.s32 $0x2800, s0;
	[sflag:s3] =	ssyncset.done $0x0  }
0xbc: {  	s26 =	sadd.s32 $0x80, s26;
	[sflag:s3] =	ssyncadd.s32 $0xFFFFE000  }
0xbd: {  	[spmem:s2] =	stream.indirect.scatter.add.f32 [tilespmem:s0], [sflag:$0x5], $0x80, s5, s19, $0xb8;
	[tilespmem:$0x1E400] =	vst v63  }
0xbe: {  	p0 =	sgt.u32 s29, $0x27;
	s28 =	sadd.s32 $0x80, s28;
	_ =	swait.ge [sflag:s18], $0x2000  }
0xbf: {  	s0 =	sand.u32 @!p0 $0x3, s29  }
0xc0: {  	s3 =	sadd.s32 $0xFFFFFFFD, s29;
	[sflag:s18] =	ssyncset.done $0x0;
	s7 =	simm.s32 @!p0 $0x40  }
0xc1: {  	s5 =	sshll.u32 @!p0 s0, $0xD;
	s0 =	sadd.s32 @!p0 $0x1, s0;
	s3 =	sand.u32 $0x3, s3  }
0xc2: {  	[sflag:s18] =	ssyncadd.s32 $0xFFFFE000;
	s5 =	sadd.s32 @!p0 $0x2800, s5;
	s31 =	sadd.s32 $0x1, s3  }
0xc3: {  	[tilespmem:s5], [sflag:s0] =	stream.indirect.gather @!p0 [hbm4b:s1+s7], $0x80, s28, s7, $0xb8;
	[tilespmem:$0x1E400] =	vst v63  }
0xc4: {  	_ =	swait.ge [sflag:s31], $0x2000  }
0xc5: {  	s3 =	sshll.u32 s3, $0xD;
	[sflag:s31] =	ssyncset.done $0x0  }
0xc6: {  	s3 =	sadd.s32 $0x2800, s3;
	[sflag:s31] =	ssyncadd.s32 $0xFFFFE000  }
0xc7: {  	[spmem:s2] =	stream.indirect.scatter.add.f32 [tilespmem:s3], [sflag:$0x5], $0x80, s26, s19, $0xb8;
	[tilespmem:$0x1E400] =	vst v63  }
0xc8: {  	_ =	swait.ge [sflag:s18], $0x2000  }
0xc9: {  	s25 =	sadd.s32 $0x1, s25;
	[sflag:s18] =	ssyncset.done $0x0  }
0xca: {  	p0 =	sne.s32 s25, s16;
	[sflag:s18] =	ssyncadd.s32 $0xFFFFE000  }
.Ltmp4:
0xcb: {  	[bflag:$0x0] =	sbarrier.arrive $0xFFFF;
	(pc) =	sbr.rel @p0 .LBB2_1-.Ltmp4, $4  }
0xcc: {  	[hbm:s15], [sflag:s6] =	dma.local [spmem:s17], $0x2780  }
0xcd: {  	_ =	swait.ge [sflag:s18], $0x2780  }
0xce: {  	[sflag:s18] =	ssyncset.done $0x0  }
0xcf: {  	[sflag:s18] =	ssyncadd.s32 $0xFFFFD880  }
0xd0: {  	_ =	sfence.sel $0x180000  }
0xd1: {  	[bflag:$0x0] =	sbarrier.arrive $0xFFFF  }
0xd2: {  	_ =	strace $0x90000047  }
0xd3: {  	s0 =	stileid.u32;
	[bflag:$0x2] =	sbarrier.arrive $0xFFFF  }
0xd4: {  	p0 =	sne.s32 s0, $0x0;
	s0 =	rddreg [dreg:$0x3]  }
0xd5: {  	s0 =	sadd.s32 @!p0 $0x100000, s0  }
0xd6: {  	[sflag:s0] =	ssyncadd.tile.s32 @!p0 $0x1;
	_ =	shalt  }
.Lfunc_end2:
_tile_overlayer_lowered:
.L_overlay_start_2:
0xd7: {  	(tag) =	ssettag $0x2  }
0xd8: {  	s0 =	rddreg [dreg:$0x0];
	s2 =	stileid.u32  }
0xd9: {  	s1 =	rddreg [dreg:$0x1];
	p0 =	sne.s32 s2, $0x0  }
0xda: {  	s3 =	rddreg [dreg:$0x2];
	[bflag:$0x3] =	sbarrier.arrive $0xFFFF;
	s2 =	simm.s32 @!p0 $0x1C05  }
0xdb: {  	[timem:s3], [sflag:s2] =	dma.local @!p0 [hbm:s0], s1  }
0xdc: {  	s0 =	simm.s32 @!p0 $0x5  }
0xdd: {  	_ =	swait.ge @!p0 [sflag:s0], s1  }
0xde: {  	s1 =	ssub.s32 @!p0 $0x0, s1;
	[sflag:s0] =	ssyncset.done @!p0 $0x0  }
0xdf: {  	[sflag:s0] =	ssyncadd.s32 @!p0 s1  }
0xe0: {  	[bflag:$0x3] =	sbarrier.arrive $0xFFFF  }
0xe1: {  	_ =	shalt  }

// kernel: kernel.16.cloned.1.call-start
scs
__scs_entry_jumppad:
0x0: {  	(pc) =	sbr.rel $0x88, $3  }
0x1: {  	(tag) =	ssettag $0x0;
	lr =	simm.s32 $0x1  }
0x2: {  	[smem:$0x3F96] =	sst lr;
	_ =	strace $0xD0000000  }
0x3: {  	_ = 	snop  }
0x4: {  	_ = 	snop  }
0x5: {  	_ = 	snop  }
0x6: {  	_ = 	snop  }
0x7: {  	_ = 	snop  }
__scs_overlays_trampoline_lowered:
0x8: {  	[smem:$0x3FA5] =	sst s0  }
0x9: {  	[smem:$0x3FA6] =	sst s1  }
0xa: {  	[smem:$0x3FA7] =	sst s2  }
0xb: {  	[smem:$0x3FA8] =	sst s3  }
0xc: {  	[smem:$0x3FA9] =	sst s4  }
0xd: {  	[smem:$0x3FAA] =	sst s5  }
0xe: {  	[smem:$0x3FAB] =	sst s6  }
0xf: {  	[smem:$0x3FAC] =	sst s7  }
0x10: {  	[smem:$0x3FAD] =	sst s8  }
0x11: {  	[smem:$0x3FAE] =	sst s9;
	s0 =	simm.s32 @!p0 $0x0  }
0x12: {  	s1 =	sld [smem:$0x3F94];
	s0 =	simm.s32 @p0 $0x1  }
0x13: {  	[smem:$0x3FAF] =	sst s0;
	s0 =	simm.s32 @!p1 $0x0  }
0x14: {  	s2 =	sld [smem:$0x3F93];
	s0 =	simm.s32 @p1 $0x1  }
0x15: {  	[smem:$0x3FB0] =	sst s0;
	s0 =	simm.s32 @!p2 $0x0  }
0x16: {  	s3 =	sld [smem:$0x3FDB];
	s0 =	simm.s32 @p2 $0x1  }
0x17: {  	s4 =	simm.s32 $0x1BF5;
	[smem:$0x3FB2] =	sst s0  }
0x18: {  	s0 =	sld [smem:$0x3F95];
	_ =	swait.ge [sflag:s4], $0x0  }
0x19: {  	s7 =	sld [smem:$0x3F96]  }
0x1a: {  	s8 =	sadd.s32 $0xFFFFE003, lr  }
0x1b: {  	s9 =	sadd.s32 $0xFFFFFEF7, lr;
	s5 =	simm.s32 $0xFFFFFFFF;
	p2 =	slt.u32 s8, $0xFFFFF086  }
0x1c: {  	p1 =	slt.u32 s9, $0xF7A;
	s5 =	simm.s32 @!p2 $0x0  }
0x1d: {  	s5 =	simm.s32 @p1 $0x1;
	p0 =	seq.s32 s7, s2  }
0x1e: {  	s7 =	smul.u32 @!p0 $0xF7A, s2;
	p2 =	seq.s32 @!p0 s5, $0x0  }
0x1f: {  	s9 =	smul.u32 $0xF7A, s1;
	s8 =	simm.s32 @!p0 $0x1BF5;
	p2 =	por !p2, p0  }
0x20: {  	[sflag:s8] =	ssyncset.s32 @!p0 $0xFFFFF086;
	s6 =	sadd.s32 @!p0 s3, s7;
	s7 =	simm.s32 @!p0 $0x108  }
0x21: {  	s3 =	sadd.s32 s3, s9;
	s6 =	sadd.s32 @!p0 $0x88, s6;
	s7 =	simm.s32 @p2 $0x1082  }
0x22: {  	[simem:s7], [sflag:s8] =	dma.local @!p0 [hbm:s6], $0xF7A  }
0x23: {  	s9 =	sor.u32 $0xD0000000, s2;
	s6 =	simm.s32 $0x108;
	_ =	swait.ge @!p0 [sflag:s8], $0x0  }
0x24: {  	s3 =	sadd.s32 $0x88, s3;
	s6 =	simm.s32 @!p1 $0x1082;
	[sflag:s4] =	ssyncset.s32 $0xFFFFF086  }
0x25: {  	[simem:s6], [sflag:s4] =	dma.local [hbm:s3], $0xF7A  }
0x26: {  	[smem:$0x3F96] =	sst s1;
	(tag) =	ssettag s2;
	_ =	strace s9  }
0x27: {  	s1 =	sld [smem:$0x3FA6]  }
0x28: {  	s2 =	sld [smem:$0x3FA7]  }
0x29: {  	s4 =	sld [smem:$0x3FA9]  }
0x2a: {  	p0 =	seq.s32 s5, $0x0;
	s5 =	sld [smem:$0x3FAA]  }
0x2b: {  	s6 =	sld [smem:$0x3FAB]  }
0x2c: {  	s7 =	sld [smem:$0x3FAC]  }
0x2d: {  	s3 =	simm.s32 $0x108;
	s8 =	sld [smem:$0x3FAD]  }
0x2e: {  	s3 =	simm.s32 @!p0 $0x1082;
	s9 =	sld [smem:$0x3FAE]  }
0x2f: {  	lr =	sadd.s32 s0, s3;
	s0 =	sld [smem:$0x3FA5]  }
0x30: {  	s3 =	sld [smem:$0x3FA8]  }
0x31: {  	[smem:$0x3FB1] =	sst s10  }
0x32: {  	s10 =	sld [smem:$0x3FAF];
	_ =	sdelay $0x3  }
0x33: {  	p0 =	seq.s32 s10, $0x1;
	s10 =	sld [smem:$0x3FB1];
	_ =	sdelay $0x3  }
0x34: {  	[smem:$0x3FB1] =	sst s10  }
0x35: {  	s10 =	sld [smem:$0x3FB0];
	_ =	sdelay $0x3  }
0x36: {  	p1 =	seq.s32 s10, $0x1;
	s10 =	sld [smem:$0x3FB1];
	_ =	sdelay $0x3  }
0x37: {  	[smem:$0x3FB1] =	sst s10  }
0x38: {  	s10 =	sld [smem:$0x3FB2]  }
0x39: {  	_ = 	snop;
	(pc) =	sbr.ind lr, $3  }
0x3a: {  	_ = 	snop  }
0x3b: {  	_ = 	snop  }
0x3c: {  	p2 =	seq.s32 s10, $0x1;
	s10 =	sld [smem:$0x3FB1]  }
0x3d: {  	_ =	shalt  }
0x3e: {  	_ =	shalt  }
0x3f: {  	_ =	shalt  }
0x40: {  	_ =	shalt  }
0x41: {  	_ =	shalt  }
0x42: {  	_ =	shalt  }
0x43: {  	_ =	shalt  }
0x44: {  	_ =	shalt  }
0x45: {  	_ =	shalt  }
0x46: {  	_ =	shalt  }
0x47: {  	_ =	shalt  }
0x48: {  	_ =	shalt  }
0x49: {  	_ =	shalt  }
0x4a: {  	_ =	shalt  }
0x4b: {  	_ =	shalt  }
0x4c: {  	_ =	shalt  }
0x4d: {  	_ =	shalt  }
0x4e: {  	_ =	shalt  }
0x4f: {  	_ =	shalt  }
0x50: {  	_ =	shalt  }
0x51: {  	_ =	shalt  }
0x52: {  	_ =	shalt  }
0x53: {  	_ =	shalt  }
0x54: {  	_ =	shalt  }
0x55: {  	_ =	shalt  }
0x56: {  	_ =	shalt  }
0x57: {  	_ =	shalt  }
0x58: {  	_ =	shalt  }
0x59: {  	_ =	shalt  }
0x5a: {  	_ =	shalt  }
0x5b: {  	_ =	shalt  }
0x5c: {  	_ =	shalt  }
0x5d: {  	_ =	shalt  }
0x5e: {  	_ =	shalt  }
0x5f: {  	_ =	shalt  }
0x60: {  	_ =	shalt  }
0x61: {  	_ =	shalt  }
0x62: {  	_ =	shalt  }
0x63: {  	_ =	shalt  }
0x64: {  	_ =	shalt  }
0x65: {  	_ =	shalt  }
0x66: {  	_ =	shalt  }
0x67: {  	_ =	shalt  }
0x68: {  	_ =	shalt  }
0x69: {  	_ =	shalt  }
0x6a: {  	_ =	shalt  }
0x6b: {  	_ =	shalt  }
0x6c: {  	_ =	shalt  }
0x6d: {  	_ =	shalt  }
0x6e: {  	_ =	shalt  }
0x6f: {  	_ =	shalt  }
0x70: {  	_ =	shalt  }
0x71: {  	_ =	shalt  }
0x72: {  	_ =	shalt  }
0x73: {  	_ =	shalt  }
0x74: {  	_ =	shalt  }
0x75: {  	_ =	shalt  }
0x76: {  	_ =	shalt  }
0x77: {  	_ =	shalt  }
0x78: {  	_ =	shalt  }
0x79: {  	_ =	shalt  }
0x7a: {  	_ =	shalt  }
0x7b: {  	_ =	shalt  }
0x7c: {  	_ =	shalt  }
0x7d: {  	_ =	shalt  }
0x7e: {  	_ =	shalt  }
0x7f: {  	_ =	shalt  }
0x80: {  	_ =	shalt  }
0x81: {  	_ =	shalt  }
0x82: {  	_ =	shalt  }
0x83: {  	_ =	shalt  }
0x84: {  	_ =	shalt  }
0x85: {  	_ =	shalt  }
0x86: {  	_ =	shalt  }
0x87: {  	_ =	shalt  }
.Lfunc_end0:
.L_simem_size_0:
called_computation.2_lowered:
.L_overlay_start_0:
0x88: {  	s2 =	sld [smem:$0x3FD9]  }
0x89: {  	s3 =	sld [smem:$0x3FFE];
	_ =	sdelay $0x1  }
0x8a: {  	s1 =	srdreg.scid  }
0x8b: {  	s0 =	sand.u32 $0x1, s1  }
0x8c: {  	s17 =	sshll.u32 s0, $0xA;
	s2 =	sadd.s32 s3, s2  }
0x8d: {  	s2 =	sadd.s32 s2, s17  }
0x8e: {  	[smem:$0x3FBD] =	sst s2  }
0x8f: {  	_ = 	snop  }
0x90: {  	s2 =	sld [smem:$0x3FD0];
	(tm) =	ssettm $0x1  }
0x91: {  	s18 =	sld [smem:$0x3FFB];
	_ =	sdelay $0x3  }
0x92: {  	_ =	strace s18  }
0x93: {  	s3 =	sld [smem:$0x3FFC];
	_ =	sdelay $0x3  }
0x94: {  	_ =	strace s3  }
0x95: {  	s3 =	sld [smem:$0x3FFD];
	_ =	sdelay $0x3  }
0x96: {  	_ =	strace s3  }
0x97: {  	_ =	strace $0x8FFFFFFF  }
0x98: {  	s19 =	sld [smem:$0x3FDB];
	_ =	sdelay $0x1  }
0x99: {  	s4 =	simm.s32 $_scs_section_size  }
0x9a: {  	s5 =	simm.s32 $_size__tile_overlayer_lowered;
	s6 =	simm.s32 $_tile_overlayer_lowered  }
0x9b: {  	s22 =	simm.s32 $0x1BFF;
	s21 =	sshll.u32 s6, $0x1;
	s3 =	sadd.s32 s4, s19  }
0x9c: {  	s7 =	simm.s32 $0x0;
	s20 =	sshll.u32 s5, $0x1;
	s5 =	sadd.s32 s21, s3  }
0x9d: {  	[timem:s7], [sflag:s22] =	dma.local [hbm:s5], s20  }
0x9e: {  	_ =	swait.ge [sflag:s22], s20  }
0x9f: {  	s4 =	ssub.s32 $0x0, s20;
	[sflag:s22] =	ssyncset.done $0x0  }
0xa0: {  	[sflag:s22] =	ssyncadd.s32 s4;
	_ =	sdelay $0x1  }
0xa1: {  	s23 =	simm.s32 $0x1B8B  }
0xa2: {  	_ =	swait.ge [sflag:s23], $0x1  }
0xa3: {  	[sflag:s23] =	ssyncset.done $0x0  }
0xa4: {  	s25 =	simm.s32 $0x1B8E;
	s24 =	sld [smem:$0x3FFE];
	[sflag:s23] =	ssyncadd.s32 $0xFFFFFFFF  }
0xa5: {  	s26 =	simm.s32 $execute0_lowered;
	[smem:$0x3FD2] =	sst s25  }
0xa6: {  	s5 =	sshll.u32 s26, $0x1;
	_ =	strace $0x8000004C;
	[dreg:$0x1] =	wrdreg $0xFFFFFFFF  }
0xa7: {  	s28 =	simm.s32 $_size_execute0_lowered;
	s3 =	sadd.s32 s3, s5;
	[dreg:$0x0] =	wrdreg $0x0  }
0xa8: {  	s5 =	sshll.u32 s28, $0x1;
	[dreg:$0x2] =	wrdreg s3  }
0xa9: {  	[dreg:$0x3] =	wrdreg s5  }
0xaa: {  	[dreg:$0x4] =	wrdreg $0xC0  }
0xab: {  	_ =	task [dreg:s7], $0x5FFFF  }
0xac: {  	[dreg:$0x1] =	wrdreg $0xFFFFFFFF  }
0xad: {  	[dreg:$0x0] =	wrdreg $0x60  }
0xae: {  	[dreg:$0x2] =	wrdreg s2  }
0xaf: {  	[dreg:$0x3] =	wrdreg s24  }
0xb0: {  	[dreg:$0x4] =	wrdreg $0xA8000  }
0xb1: {  	[dreg:$0x5] =	wrdreg $0x9  }
0xb2: {  	_ =	task.clear_ibuf [dreg:s7], $0x6FFFF;
	_ =	strace $0x9000004C  }
0xb3: {  	s29 =	simm.s32 $0x9;
	_ =	strace $0x8000004E  }
0xb4: {  	_ =	swait.ge [sflag:s29], $0x1  }
0xb5: {  	[sflag:s29] =	ssyncadd.s32 $0xFFFFFFFF  }
0xb6: {  	_ =	strace $0x9000004E  }
0xb7: {  	_ =	sfence  }
0xb8: {  	s30 =	sld [smem:$0x0];
	_ =	sdelay $0x2  }
0xb9: {  	s31 =	sshll.u32 s1, $0xD;
	s1 =	sshrl.u32 s1, $0x2  }
0xba: {  	s3 =	sand.u32 $0x4000, s31;
	s1 =	sadd.s32 s1, s30  }
0xbb: {  	s0 =	sor.u32 s3, s0;
	s1 =	sshll.u32 s1, $0x11  }
0xbc: {  	s0 =	sor.u32 s1, s0  }
0xbd: {  	s0 =	sadd.s32 $0x8F2B, s0  }
0xbe: {  	[sflag:s0] =	ssyncadd.remote.s32 $0x1  }
0xbf: {  	_ =	sfence.sel $0xFFFF  }
0xc0: {  	[dreg:$0x0] =	wrdreg $0xFFFFFFFF;
	(pc) =	sbr.abs _section_cstart, $3  }
0xc1: {  	[dreg:$0x1] =	wrdreg $0xFFFFFFFF  }
0xc2: {  	_ =	task.clear_ibuf [dreg:s7], $0x2FFFF;
	_ =	strace $0x9FFFFFFF  }
0xc3: {  	(tm) =	ssettm $0x7FFFFFFF  }
tec
execute0_lowered:
.L_overlay_start_1:
0x0: {  	(tag) =	ssettag $0x1  }
0x1: {  	s1 =	rddreg [dreg:$0x0]  }
0x2: {  	s6 =	rddreg [dreg:$0x1]  }
0x3: {  	s2 =	rddreg [dreg:$0x2];
	s3 =	srdreg.scid;
	s4 =	simm.s32 $0x0  }
0x4: {  	s0 =	stileid.u32;
	s19 =	simm.s32 $0x40;
	s20 =	simm.s32 $0x2800  }
0x5: {  	s21 =	simm.s32 $0x80;
	s22 =	simm.s32 $0x4800;
	s23 =	simm.s32 $0x100  }
0x6: {  	s5 =	sand.u32 $0x1, s3;
	[smem:$0x7FF] =	sst s4;
	s8 =	smul.u32 $0x13C00, s0  }
0x7: {  	s13 =	sadd.s32 $0x3200, s6;
	s14 =	sadd.s32 $0x17200, s6;
	s24 =	sshll.u32 s0, $0x1  }
0x8: {  	s25 =	smul.u32 $0x4F000, s0;
	s26 =	sadd.s32 $0x2B200, s6;
	s29 =	sshll.u32 s0, $0x6  }
0x9: {  	s7 =	smul.u32 $0x13C000, s5;
	_ =	strace $0x8000004D;
	s9 =	ssub.s32 $0x2, s5  }
0xa: {  	s5 =	sor.u32 s5, s24;
	[dreg:$0x4] =	wrdreg s26;
	s24 =	simm.s32 $0x6800  }
0xb: {  	s10 =	sshrl.u32 s9, $0x1;
	s11 =	smul.u32 $0x5000, s5;
	s28 =	sshrl.u32 s25, $0x2  }
0xc: {  	s25 =	simm.s32 $0x0;
	s7 =	sadd.s32 s8, s7;
	s16 =	ssub.s32 s9, s10  }
0xd: {  	s17 =	sadd.s32 s28, s2;
	s7 =	sshrl.u32 s7, $0x3;
	s11 =	sshrl.u32 s11, $0x3  }
0xe: {  	s16 =	smax.u32 s16, $0x1;
	s17 =	sshrl.u32 s17, $0x3;
	s15 =	sadd.s32 s7, s6  }
0xf: {  	s6 =	sor.u32 $0x1C05, s29;
	s30 =	sadd.s32 $0x280, s11;
	s31 =	sadd.s32 s13, s11  }
0x10: {  	s8 =	sadd.s32 s14, s11;
	s12 =	sadd.s32 $0x500, s11;
	s18 =	sadd.s32 $0x780, s11  }
0x11: {  	[dreg:$0x5] =	wrdreg s31;
	s9 =	sadd.s32 s13, s30;
	s10 =	sadd.s32 s14, s30  }
0x12: {  	s11 =	sadd.s32 s13, s12;
	s12 =	sadd.s32 s14, s12;
	s13 =	sadd.s32 s13, s18  }
0x13: {  	s14 =	sadd.s32 s14, s18;
	s15 =	sadd.s32 $0x2DA00, s15;
	s18 =	simm.s32 $0x5  }
.LBB2_1:
0x14: {  	s0 =	rddreg [dreg:$0x4]  }
0x15: {  	[spmem:s17], [sflag:s6] =	dma.local [hbm:s0], $0x2780  }
0x16: {  	_ =	swait.ge [sflag:s18], $0x2780  }
0x17: {  	[sflag:s18] =	ssyncset.done $0x0  }
0x18: {  	[sflag:s18] =	ssyncadd.s32 $0xFFFFD880  }
0x19: {  	[bflag:$0x0] =	sbarrier.arrive $0xFFFF  }
0x1a: {  	s26 =	rddreg [dreg:$0x5]  }
0x1b: {  	[tilespmem:s4], [sflag:$0x5] =	stream.linear.gather [hbm4b:s26+s4], $0x1400, $0x38;
	[tilespmem:$0x1E400] =	vst v63  }
0x1c: {  	_ =	swait.ge [sflag:s18], $0x1400  }
0x1d: {  	[sflag:s18] =	ssyncset.done $0x0  }
0x1e: {  	s26 =	simm.s32 $0x1400;
	[sflag:s18] =	ssyncadd.s32 $0xFFFFEC00  }
0x1f: {  	[tilespmem:s26], [sflag:$0x5] =	stream.linear.gather [hbm4b:s8+s4], $0x1400, $0x38;
	[tilespmem:$0x1E400] =	vst v63  }
0x20: {  	_ =	swait.ge [sflag:s18], $0x1400  }
0x21: {  	[sflag:s18] =	ssyncset.done $0x0  }
0x22: {  	s28 =	simm.s32 $0x3;
	p0 =	por $0x0, $0x0;
	[sflag:s18] =	ssyncadd.s32 $0xFFFFEC00  }
0x23: {  	[tilespmem:s20], [sflag:$0x1] =	stream.indirect.gather [hbm4b:s1+s19], $0x80, s4, s19, $0xb8;
	[tilespmem:$0x1E400] =	vst v63  }
0x24: {  	s29 =	simm.s32 $0x180;
	s28 =	sand.u32 @!p0 $0x3, s28  }
0x25: {  	[tilespmem:s22], [sflag:$0x2] =	stream.indirect.gather [hbm4b:s1+s19], $0x80, s21, s19, $0xb8;
	[tilespmem:$0x1E400] =	vst v63  }
0x26: {  	s30 =	simm.s32 $0x0;
	s0 =	simm.s32 @!p0 $0x40;
	s31 =	sshll.u32 @!p0 s28, $0xD  }
0x27: {  	[tilespmem:s24], [sflag:$0x3] =	stream.indirect.gather [hbm4b:s1+s19], $0x80, s23, s19, $0xb8;
	[tilespmem:$0x1E400] =	vst v63  }
0x28: {  	s30 =	sand.u32 $0x3, s30;
	s28 =	sadd.s32 @!p0 $0x1, s28;
	s31 =	sadd.s32 @!p0 $0x2800, s31  }
0x29: {  	[tilespmem:s31], [sflag:s28] =	stream.indirect.gather @!p0 [hbm4b:s1+s0], $0x80, s29, s0, $0xb8;
	[tilespmem:$0x1E400] =	vst v63  }
0x2a: {  	s31 =	sadd.s32 $0x1, s30  }
0x2b: {  	s28 =	sshll.u32 s30, $0xD;
	_ =	swait.ge [sflag:s31], $0x2000  }
0x2c: {  	s29 =	simm.s32 $0x4;
	s30 =	simm.s32 $0x5;
	[sflag:s31] =	ssyncset.done $0x0  }
0x2d: {  	p0 =	por $0x0, $0x0;
	s28 =	sadd.s32 $0x2800, s28;
	[sflag:s31] =	ssyncadd.s32 $0xFFFFE000  }
0x2e: {  	[spmem:s2] =	stream.indirect.scatter.add.f32 [tilespmem:s28], [sflag:$0x5], $0x80, s26, s19, $0xb8;
	[tilespmem:$0x1E400] =	vst v63  }
0x2f: {  	s26 =	simm.s32 $0x1480;
	s28 =	simm.s32 $0x200;
	_ =	swait.ge [sflag:s18], $0x2000  }
.LBB2_2:
0x30: {  	s0 =	sand.u32 @!p0 $0x3, s29;
	s31 =	sadd.s32 $0xFFFFFFFD, s29;
	[sflag:s18] =	ssyncset.done $0x0  }
0x31: {  	s29 =	smov.u32 s30;
	s3 =	smov.u32 s26;
	s7 =	simm.s32 @!p0 $0x40  }
0x32: {  	s5 =	sshll.u32 @!p0 s0, $0xD;
	s0 =	sadd.s32 @!p0 $0x1, s0;
	[sflag:s18] =	ssyncadd.s32 $0xFFFFE000  }
0x33: {  	s30 =	sadd.s32 $0x1, s30;
	s31 =	sand.u32 $0x3, s31;
	s5 =	sadd.s32 @!p0 $0x2800, s5  }
0x34: {  	[tilespmem:s5], [sflag:s0] =	stream.indirect.gather @!p0 [hbm4b:s1+s7], $0x80, s28, s7, $0xb8;
	[tilespmem:$0x1E400] =	vst v63  }
0x35: {  	p1 =	sne.s32 s30, $0x2B;
	s0 =	sshll.u32 s31, $0xD;
	s5 =	sadd.s32 $0x1, s31  }
.Ltmp0:
0x36: {  	_ =	swait.ge [sflag:s5], $0x2000;
	(pc) =	sbr.rel @p1 .LBB2_2-.Ltmp0, $4  }
0x37: {  	s0 =	sadd.s32 $0x2800, s0;
	[sflag:s5] =	ssyncset.done $0x0  }
0x38: {  	s26 =	sadd.s32 $0x80, s26;
	[sflag:s5] =	ssyncadd.s32 $0xFFFFE000  }
0x39: {  	[spmem:s2] =	stream.indirect.scatter.add.f32 [tilespmem:s0], [sflag:$0x5], $0x80, s3, s19, $0xb8;
	[tilespmem:$0x1E400] =	vst v63  }
0x3a: {  	p0 =	sgt.u32 s29, $0x27;
	s28 =	sadd.s32 $0x80, s28;
	_ =	swait.ge [sflag:s18], $0x2000  }
0x3b: {  	s0 =	sand.u32 @!p0 $0x3, s29;
	s3 =	sadd.s32 $0xFFFFFFFD, s29;
	[sflag:s18] =	ssyncset.done $0x0  }
0x3c: {  	s7 =	simm.s32 @!p0 $0x40;
	s5 =	sshll.u32 @!p0 s0, $0xD;
	s0 =	sadd.s32 @!p0 $0x1, s0  }
0x3d: {  	[sflag:s18] =	ssyncadd.s32 $0xFFFFE000;
	s3 =	sand.u32 $0x3, s3;
	s5 =	sadd.s32 @!p0 $0x2800, s5  }
0x3e: {  	[tilespmem:s5], [sflag:s0] =	stream.indirect.gather @!p0 [hbm4b:s1+s7], $0x80, s28, s7, $0xb8;
	[tilespmem:$0x1E400] =	vst v63  }
0x3f: {  	s7 =	sadd.s32 $0x1, s3  }
0x40: {  	_ =	swait.ge [sflag:s7], $0x2000  }
0x41: {  	s3 =	sshll.u32 s3, $0xD;
	[sflag:s7] =	ssyncset.done $0x0  }
0x42: {  	s3 =	sadd.s32 $0x2800, s3;
	[sflag:s7] =	ssyncadd.s32 $0xFFFFE000  }
0x43: {  	[spmem:s2] =	stream.indirect.scatter.add.f32 [tilespmem:s3], [sflag:$0x5], $0x80, s26, s19, $0xb8;
	[tilespmem:$0x1E400] =	vst v63  }
0x44: {  	_ =	swait.ge [sflag:s18], $0x2000  }
0x45: {  	[sflag:s18] =	ssyncset.done $0x0  }
0x46: {  	[sflag:s18] =	ssyncadd.s32 $0xFFFFE000  }
0x47: {  	[tilespmem:s4], [sflag:$0x5] =	stream.linear.gather [hbm4b:s9+s4], $0x1400, $0x38;
	[tilespmem:$0x1E400] =	vst v63  }
0x48: {  	_ =	swait.ge [sflag:s18], $0x1400  }
0x49: {  	[sflag:s18] =	ssyncset.done $0x0  }
0x4a: {  	s0 =	simm.s32 $0x1400;
	[sflag:s18] =	ssyncadd.s32 $0xFFFFEC00  }
0x4b: {  	[tilespmem:s0], [sflag:$0x5] =	stream.linear.gather [hbm4b:s10+s4], $0x1400, $0x38;
	[tilespmem:$0x1E400] =	vst v63  }
0x4c: {  	_ =	swait.ge [sflag:s18], $0x1400  }
0x4d: {  	[sflag:s18] =	ssyncset.done $0x0  }
0x4e: {  	p0 =	por $0x0, $0x0;
	s3 =	simm.s32 $0x3;
	[sflag:s18] =	ssyncadd.s32 $0xFFFFEC00  }
0x4f: {  	[tilespmem:s20], [sflag:$0x1] =	stream.indirect.gather [hbm4b:s1+s19], $0x80, s4, s19, $0xb8;
	[tilespmem:$0x1E400] =	vst v63  }
0x50: {  	s31 =	simm.s32 $0x0;
	s3 =	sand.u32 @!p0 $0x3, s3  }
0x51: {  	[tilespmem:s22], [sflag:$0x2] =	stream.indirect.gather [hbm4b:s1+s19], $0x80, s21, s19, $0xb8;
	[tilespmem:$0x1E400] =	vst v63  }
0x52: {  	s5 =	simm.s32 $0x180;
	s28 =	simm.s32 @!p0 $0x40;
	s26 =	sshll.u32 @!p0 s3, $0xD  }
0x53: {  	[tilespmem:s24], [sflag:$0x3] =	stream.indirect.gather [hbm4b:s1+s19], $0x80, s23, s19, $0xb8;
	[tilespmem:$0x1E400] =	vst v63  }
0x54: {  	s7 =	sand.u32 $0x3, s31;
	s3 =	sadd.s32 @!p0 $0x1, s3;
	s26 =	sadd.s32 @!p0 $0x2800, s26  }
0x55: {  	[tilespmem:s26], [sflag:s3] =	stream.indirect.gather @!p0 [hbm4b:s1+s28], $0x80, s5, s28, $0xb8;
	[tilespmem:$0x1E400] =	vst v63  }
0x56: {  	s26 =	sadd.s32 $0x1, s7  }
0x57: {  	s29 =	simm.s32 $0x4;
	_ =	swait.ge [sflag:s26], $0x2000  }
0x58: {  	s30 =	simm.s32 $0x5;
	s31 =	sshll.u32 s7, $0xD;
	[sflag:s26] =	ssyncset.done $0x0  }
0x59: {  	s5 =	sadd.s32 $0x2800, s31;
	p0 =	por $0x0, $0x0;
	[sflag:s26] =	ssyncadd.s32 $0xFFFFE000  }
0x5a: {  	[spmem:s2] =	stream.indirect.scatter.add.f32 [tilespmem:s5], [sflag:$0x5], $0x80, s0, s19, $0xb8;
	[tilespmem:$0x1E400] =	vst v63  }
0x5b: {  	s28 =	simm.s32 $0x200;
	s26 =	simm.s32 $0x1480;
	_ =	swait.ge [sflag:s18], $0x2000  }
.LBB2_4:
0x5c: {  	s0 =	sand.u32 @!p0 $0x3, s29;
	s3 =	sadd.s32 $0xFFFFFFFD, s29;
	[sflag:s18] =	ssyncset.done $0x0  }
0x5d: {  	s29 =	smov.u32 s30;
	s5 =	smov.u32 s26;
	s31 =	simm.s32 @!p0 $0x40  }
0x5e: {  	s7 =	sshll.u32 @!p0 s0, $0xD;
	s0 =	sadd.s32 @!p0 $0x1, s0;
	[sflag:s18] =	ssyncadd.s32 $0xFFFFE000  }
0x5f: {  	s30 =	sadd.s32 $0x1, s30;
	s3 =	sand.u32 $0x3, s3;
	s7 =	sadd.s32 @!p0 $0x2800, s7  }
0x60: {  	[tilespmem:s7], [sflag:s0] =	stream.indirect.gather @!p0 [hbm4b:s1+s31], $0x80, s28, s31, $0xb8;
	[tilespmem:$0x1E400] =	vst v63  }
0x61: {  	p1 =	sne.s32 s30, $0x2B;
	s0 =	sshll.u32 s3, $0xD;
	s3 =	sadd.s32 $0x1, s3  }
.Ltmp1:
0x62: {  	_ =	swait.ge [sflag:s3], $0x2000;
	(pc) =	sbr.rel @p1 .LBB2_4-.Ltmp1, $4  }
0x63: {  	s0 =	sadd.s32 $0x2800, s0;
	[sflag:s3] =	ssyncset.done $0x0  }
0x64: {  	s26 =	sadd.s32 $0x80, s26;
	[sflag:s3] =	ssyncadd.s32 $0xFFFFE000  }
0x65: {  	[spmem:s2] =	stream.indirect.scatter.add.f32 [tilespmem:s0], [sflag:$0x5], $0x80, s5, s19, $0xb8;
	[tilespmem:$0x1E400] =	vst v63  }
0x66: {  	p0 =	sgt.u32 s29, $0x27;
	s28 =	sadd.s32 $0x80, s28;
	_ =	swait.ge [sflag:s18], $0x2000  }
0x67: {  	s0 =	sand.u32 @!p0 $0x3, s29;
	s3 =	sadd.s32 $0xFFFFFFFD, s29;
	[sflag:s18] =	ssyncset.done $0x0  }
0x68: {  	s7 =	simm.s32 @!p0 $0x40;
	s5 =	sshll.u32 @!p0 s0, $0xD;
	s0 =	sadd.s32 @!p0 $0x1, s0  }
0x69: {  	[sflag:s18] =	ssyncadd.s32 $0xFFFFE000;
	s3 =	sand.u32 $0x3, s3;
	s5 =	sadd.s32 @!p0 $0x2800, s5  }
0x6a: {  	[tilespmem:s5], [sflag:s0] =	stream.indirect.gather @!p0 [hbm4b:s1+s7], $0x80, s28, s7, $0xb8;
	[tilespmem:$0x1E400] =	vst v63  }
0x6b: {  	s7 =	sadd.s32 $0x1, s3  }
0x6c: {  	_ =	swait.ge [sflag:s7], $0x2000  }
0x6d: {  	s3 =	sshll.u32 s3, $0xD;
	[sflag:s7] =	ssyncset.done $0x0  }
0x6e: {  	s3 =	sadd.s32 $0x2800, s3;
	[sflag:s7] =	ssyncadd.s32 $0xFFFFE000  }
0x6f: {  	[spmem:s2] =	stream.indirect.scatter.add.f32 [tilespmem:s3], [sflag:$0x5], $0x80, s26, s19, $0xb8;
	[tilespmem:$0x1E400] =	vst v63  }
0x70: {  	_ =	swait.ge [sflag:s18], $0x2000  }
0x71: {  	[sflag:s18] =	ssyncset.done $0x0  }
0x72: {  	[sflag:s18] =	ssyncadd.s32 $0xFFFFE000  }
0x73: {  	[tilespmem:s4], [sflag:$0x5] =	stream.linear.gather [hbm4b:s11+s4], $0x1400, $0x38;
	[tilespmem:$0x1E400] =	vst v63  }
0x74: {  	_ =	swait.ge [sflag:s18], $0x1400  }
0x75: {  	[sflag:s18] =	ssyncset.done $0x0  }
0x76: {  	s0 =	simm.s32 $0x1400;
	[sflag:s18] =	ssyncadd.s32 $0xFFFFEC00  }
0x77: {  	[tilespmem:s0], [sflag:$0x5] =	stream.linear.gather [hbm4b:s12+s4], $0x1400, $0x38;
	[tilespmem:$0x1E400] =	vst v63  }
0x78: {  	_ =	swait.ge [sflag:s18], $0x1400  }
0x79: {  	[sflag:s18] =	ssyncset.done $0x0  }
0x7a: {  	p0 =	por $0x0, $0x0;
	s3 =	simm.s32 $0x3;
	[sflag:s18] =	ssyncadd.s32 $0xFFFFEC00  }
0x7b: {  	[tilespmem:s20], [sflag:$0x1] =	stream.indirect.gather [hbm4b:s1+s19], $0x80, s4, s19, $0xb8;
	[tilespmem:$0x1E400] =	vst v63  }
0x7c: {  	s31 =	simm.s32 $0x0;
	s3 =	sand.u32 @!p0 $0x3, s3  }
0x7d: {  	[tilespmem:s22], [sflag:$0x2] =	stream.indirect.gather [hbm4b:s1+s19], $0x80, s21, s19, $0xb8;
	[tilespmem:$0x1E400] =	vst v63  }
0x7e: {  	s5 =	simm.s32 $0x180;
	s28 =	simm.s32 @!p0 $0x40;
	s26 =	sshll.u32 @!p0 s3, $0xD  }
0x7f: {  	[tilespmem:s24], [sflag:$0x3] =	stream.indirect.gather [hbm4b:s1+s19], $0x80, s23, s19, $0xb8;
	[tilespmem:$0x1E400] =	vst v63  }
0x80: {  	s7 =	sand.u32 $0x3, s31;
	s3 =	sadd.s32 @!p0 $0x1, s3;
	s26 =	sadd.s32 @!p0 $0x2800, s26  }
0x81: {  	[tilespmem:s26], [sflag:s3] =	stream.indirect.gather @!p0 [hbm4b:s1+s28], $0x80, s5, s28, $0xb8;
	[tilespmem:$0x1E400] =	vst v63  }
0x82: {  	s26 =	sadd.s32 $0x1, s7  }
0x83: {  	s29 =	simm.s32 $0x4;
	_ =	swait.ge [sflag:s26], $0x2000  }
0x84: {  	s30 =	simm.s32 $0x5;
	s31 =	sshll.u32 s7, $0xD;
	[sflag:s26] =	ssyncset.done $0x0  }
0x85: {  	s5 =	sadd.s32 $0x2800, s31;
	p0 =	por $0x0, $0x0;
	[sflag:s26] =	ssyncadd.s32 $0xFFFFE000  }
0x86: {  	[spmem:s2] =	stream.indirect.scatter.add.f32 [tilespmem:s5], [sflag:$0x5], $0x80, s0, s19, $0xb8;
	[tilespmem:$0x1E400] =	vst v63  }
0x87: {  	s28 =	simm.s32 $0x200;
	s26 =	simm.s32 $0x1480;
	_ =	swait.ge [sflag:s18], $0x2000  }
.LBB2_6:
0x88: {  	s0 =	sand.u32 @!p0 $0x3, s29;
	s3 =	sadd.s32 $0xFFFFFFFD, s29;
	[sflag:s18] =	ssyncset.done $0x0  }
0x89: {  	s29 =	smov.u32 s30;
	s5 =	smov.u32 s26;
	s31 =	simm.s32 @!p0 $0x40  }
0x8a: {  	s7 =	sshll.u32 @!p0 s0, $0xD;
	s0 =	sadd.s32 @!p0 $0x1, s0;
	[sflag:s18] =	ssyncadd.s32 $0xFFFFE000  }
0x8b: {  	s30 =	sadd.s32 $0x1, s30;
	s3 =	sand.u32 $0x3, s3;
	s7 =	sadd.s32 @!p0 $0x2800, s7  }
0x8c: {  	[tilespmem:s7], [sflag:s0] =	stream.indirect.gather @!p0 [hbm4b:s1+s31], $0x80, s28, s31, $0xb8;
	[tilespmem:$0x1E400] =	vst v63  }
0x8d: {  	p1 =	sne.s32 s30, $0x2B;
	s0 =	sshll.u32 s3, $0xD;
	s3 =	sadd.s32 $0x1, s3  }
.Ltmp2:
0x8e: {  	_ =	swait.ge [sflag:s3], $0x2000;
	(pc) =	sbr.rel @p1 .LBB2_6-.Ltmp2, $4  }
0x8f: {  	s0 =	sadd.s32 $0x2800, s0;
	[sflag:s3] =	ssyncset.done $0x0  }
0x90: {  	s26 =	sadd.s32 $0x80, s26;
	[sflag:s3] =	ssyncadd.s32 $0xFFFFE000  }
0x91: {  	[spmem:s2] =	stream.indirect.scatter.add.f32 [tilespmem:s0], [sflag:$0x5], $0x80, s5, s19, $0xb8;
	[tilespmem:$0x1E400] =	vst v63  }
0x92: {  	p0 =	sgt.u32 s29, $0x27;
	s28 =	sadd.s32 $0x80, s28;
	_ =	swait.ge [sflag:s18], $0x2000  }
0x93: {  	s0 =	sand.u32 @!p0 $0x3, s29;
	s3 =	sadd.s32 $0xFFFFFFFD, s29;
	[sflag:s18] =	ssyncset.done $0x0  }
0x94: {  	s7 =	simm.s32 @!p0 $0x40;
	s5 =	sshll.u32 @!p0 s0, $0xD;
	s0 =	sadd.s32 @!p0 $0x1, s0  }
0x95: {  	[sflag:s18] =	ssyncadd.s32 $0xFFFFE000;
	s3 =	sand.u32 $0x3, s3;
	s5 =	sadd.s32 @!p0 $0x2800, s5  }
0x96: {  	[tilespmem:s5], [sflag:s0] =	stream.indirect.gather @!p0 [hbm4b:s1+s7], $0x80, s28, s7, $0xb8;
	[tilespmem:$0x1E400] =	vst v63  }
0x97: {  	s7 =	sadd.s32 $0x1, s3  }
0x98: {  	_ =	swait.ge [sflag:s7], $0x2000  }
0x99: {  	s3 =	sshll.u32 s3, $0xD;
	[sflag:s7] =	ssyncset.done $0x0  }
0x9a: {  	s3 =	sadd.s32 $0x2800, s3;
	[sflag:s7] =	ssyncadd.s32 $0xFFFFE000  }
0x9b: {  	[spmem:s2] =	stream.indirect.scatter.add.f32 [tilespmem:s3], [sflag:$0x5], $0x80, s26, s19, $0xb8;
	[tilespmem:$0x1E400] =	vst v63  }
0x9c: {  	_ =	swait.ge [sflag:s18], $0x2000  }
0x9d: {  	[sflag:s18] =	ssyncset.done $0x0  }
0x9e: {  	[sflag:s18] =	ssyncadd.s32 $0xFFFFE000  }
0x9f: {  	[tilespmem:s4], [sflag:$0x5] =	stream.linear.gather [hbm4b:s13+s4], $0x1400, $0x38;
	[tilespmem:$0x1E400] =	vst v63  }
0xa0: {  	_ =	swait.ge [sflag:s18], $0x1400  }
0xa1: {  	[sflag:s18] =	ssyncset.done $0x0  }
0xa2: {  	s0 =	simm.s32 $0x1400;
	[sflag:s18] =	ssyncadd.s32 $0xFFFFEC00  }
0xa3: {  	[tilespmem:s0], [sflag:$0x5] =	stream.linear.gather [hbm4b:s14+s4], $0x1400, $0x38;
	[tilespmem:$0x1E400] =	vst v63  }
0xa4: {  	_ =	swait.ge [sflag:s18], $0x1400  }
0xa5: {  	[sflag:s18] =	ssyncset.done $0x0  }
0xa6: {  	p0 =	por $0x0, $0x0;
	s3 =	simm.s32 $0x3;
	[sflag:s18] =	ssyncadd.s32 $0xFFFFEC00  }
0xa7: {  	[tilespmem:s20], [sflag:$0x1] =	stream.indirect.gather [hbm4b:s1+s19], $0x80, s4, s19, $0xb8;
	[tilespmem:$0x1E400] =	vst v63  }
0xa8: {  	s31 =	simm.s32 $0x0;
	s3 =	sand.u32 @!p0 $0x3, s3  }
0xa9: {  	[tilespmem:s22], [sflag:$0x2] =	stream.indirect.gather [hbm4b:s1+s19], $0x80, s21, s19, $0xb8;
	[tilespmem:$0x1E400] =	vst v63  }
0xaa: {  	s5 =	simm.s32 $0x180;
	s28 =	simm.s32 @!p0 $0x40;
	s26 =	sshll.u32 @!p0 s3, $0xD  }
0xab: {  	[tilespmem:s24], [sflag:$0x3] =	stream.indirect.gather [hbm4b:s1+s19], $0x80, s23, s19, $0xb8;
	[tilespmem:$0x1E400] =	vst v63  }
0xac: {  	s7 =	sand.u32 $0x3, s31;
	s3 =	sadd.s32 @!p0 $0x1, s3;
	s26 =	sadd.s32 @!p0 $0x2800, s26  }
0xad: {  	[tilespmem:s26], [sflag:s3] =	stream.indirect.gather @!p0 [hbm4b:s1+s28], $0x80, s5, s28, $0xb8;
	[tilespmem:$0x1E400] =	vst v63  }
0xae: {  	s26 =	sadd.s32 $0x1, s7  }
0xaf: {  	s29 =	simm.s32 $0x4;
	_ =	swait.ge [sflag:s26], $0x2000  }
0xb0: {  	s30 =	simm.s32 $0x5;
	s31 =	sshll.u32 s7, $0xD;
	[sflag:s26] =	ssyncset.done $0x0  }
0xb1: {  	s5 =	sadd.s32 $0x2800, s31;
	p0 =	por $0x0, $0x0;
	[sflag:s26] =	ssyncadd.s32 $0xFFFFE000  }
0xb2: {  	[spmem:s2] =	stream.indirect.scatter.add.f32 [tilespmem:s5], [sflag:$0x5], $0x80, s0, s19, $0xb8;
	[tilespmem:$0x1E400] =	vst v63  }
0xb3: {  	s28 =	simm.s32 $0x200;
	s26 =	simm.s32 $0x1480;
	_ =	swait.ge [sflag:s18], $0x2000  }
.LBB2_8:
0xb4: {  	s0 =	sand.u32 @!p0 $0x3, s29;
	s3 =	sadd.s32 $0xFFFFFFFD, s29;
	[sflag:s18] =	ssyncset.done $0x0  }
0xb5: {  	s29 =	smov.u32 s30;
	s5 =	smov.u32 s26;
	s31 =	simm.s32 @!p0 $0x40  }
0xb6: {  	s7 =	sshll.u32 @!p0 s0, $0xD;
	s0 =	sadd.s32 @!p0 $0x1, s0;
	[sflag:s18] =	ssyncadd.s32 $0xFFFFE000  }
0xb7: {  	s30 =	sadd.s32 $0x1, s30;
	s3 =	sand.u32 $0x3, s3;
	s7 =	sadd.s32 @!p0 $0x2800, s7  }
0xb8: {  	[tilespmem:s7], [sflag:s0] =	stream.indirect.gather @!p0 [hbm4b:s1+s31], $0x80, s28, s31, $0xb8;
	[tilespmem:$0x1E400] =	vst v63  }
0xb9: {  	p1 =	sne.s32 s30, $0x2B;
	s0 =	sshll.u32 s3, $0xD;
	s3 =	sadd.s32 $0x1, s3  }
.Ltmp3:
0xba: {  	_ =	swait.ge [sflag:s3], $0x2000;
	(pc) =	sbr.rel @p1 .LBB2_8-.Ltmp3, $4  }
0xbb: {  	s0 =	sadd.s32 $0x2800, s0;
	[sflag:s3] =	ssyncset.done $0x0  }
0xbc: {  	s26 =	sadd.s32 $0x80, s26;
	[sflag:s3] =	ssyncadd.s32 $0xFFFFE000  }
0xbd: {  	[spmem:s2] =	stream.indirect.scatter.add.f32 [tilespmem:s0], [sflag:$0x5], $0x80, s5, s19, $0xb8;
	[tilespmem:$0x1E400] =	vst v63  }
0xbe: {  	p0 =	sgt.u32 s29, $0x27;
	s28 =	sadd.s32 $0x80, s28;
	_ =	swait.ge [sflag:s18], $0x2000  }
0xbf: {  	s0 =	sand.u32 @!p0 $0x3, s29  }
0xc0: {  	s3 =	sadd.s32 $0xFFFFFFFD, s29;
	[sflag:s18] =	ssyncset.done $0x0;
	s7 =	simm.s32 @!p0 $0x40  }
0xc1: {  	s5 =	sshll.u32 @!p0 s0, $0xD;
	s0 =	sadd.s32 @!p0 $0x1, s0;
	s3 =	sand.u32 $0x3, s3  }
0xc2: {  	[sflag:s18] =	ssyncadd.s32 $0xFFFFE000;
	s5 =	sadd.s32 @!p0 $0x2800, s5;
	s31 =	sadd.s32 $0x1, s3  }
0xc3: {  	[tilespmem:s5], [sflag:s0] =	stream.indirect.gather @!p0 [hbm4b:s1+s7], $0x80, s28, s7, $0xb8;
	[tilespmem:$0x1E400] =	vst v63  }
0xc4: {  	_ =	swait.ge [sflag:s31], $0x2000  }
0xc5: {  	s3 =	sshll.u32 s3, $0xD;
	[sflag:s31] =	ssyncset.done $0x0  }
0xc6: {  	s3 =	sadd.s32 $0x2800, s3;
	[sflag:s31] =	ssyncadd.s32 $0xFFFFE000  }
0xc7: {  	[spmem:s2] =	stream.indirect.scatter.add.f32 [tilespmem:s3], [sflag:$0x5], $0x80, s26, s19, $0xb8;
	[tilespmem:$0x1E400] =	vst v63  }
0xc8: {  	_ =	swait.ge [sflag:s18], $0x2000  }
0xc9: {  	s25 =	sadd.s32 $0x1, s25;
	[sflag:s18] =	ssyncset.done $0x0  }
0xca: {  	p0 =	sne.s32 s25, s16;
	[sflag:s18] =	ssyncadd.s32 $0xFFFFE000  }
.Ltmp4:
0xcb: {  	[bflag:$0x0] =	sbarrier.arrive $0xFFFF;
	(pc) =	sbr.rel @p0 .LBB2_1-.Ltmp4, $4  }
0xcc: {  	[hbm:s15], [sflag:s6] =	dma.local [spmem:s17], $0x2780  }
0xcd: {  	_ =	swait.ge [sflag:s18], $0x2780  }
0xce: {  	[sflag:s18] =	ssyncset.done $0x0  }
0xcf: {  	[sflag:s18] =	ssyncadd.s32 $0xFFFFD880  }
0xd0: {  	_ =	sfence.sel $0x180000  }
0xd1: {  	[bflag:$0x0] =	sbarrier.arrive $0xFFFF  }
0xd2: {  	_ =	strace $0x9000004D  }
0xd3: {  	s0 =	stileid.u32;
	[bflag:$0x2] =	sbarrier.arrive $0xFFFF  }
0xd4: {  	p0 =	sne.s32 s0, $0x0;
	s0 =	rddreg [dreg:$0x3]  }
0xd5: {  	s0 =	sadd.s32 @!p0 $0x100000, s0  }
0xd6: {  	[sflag:s0] =	ssyncadd.tile.s32 @!p0 $0x1;
	_ =	shalt  }
.Lfunc_end2:
_tile_overlayer_lowered:
.L_overlay_start_2:
0xd7: {  	(tag) =	ssettag $0x2  }
0xd8: {  	s0 =	rddreg [dreg:$0x0];
	s2 =	stileid.u32  }
0xd9: {  	s1 =	rddreg [dreg:$0x1];
	p0 =	sne.s32 s2, $0x0  }
0xda: {  	s3 =	rddreg [dreg:$0x2];
	[bflag:$0x3] =	sbarrier.arrive $0xFFFF;
	s2 =	simm.s32 @!p0 $0x1C05  }
0xdb: {  	[timem:s3], [sflag:s2] =	dma.local @!p0 [hbm:s0], s1  }
0xdc: {  	s0 =	simm.s32 @!p0 $0x5  }
0xdd: {  	_ =	swait.ge @!p0 [sflag:s0], s1  }
0xde: {  	s1 =	ssub.s32 @!p0 $0x0, s1;
	[sflag:s0] =	ssyncset.done @!p0 $0x0  }
0xdf: {  	[sflag:s0] =	ssyncadd.s32 @!p0 s1  }
0xe0: {  	[bflag:$0x3] =	sbarrier.arrive $0xFFFF  }
0xe1: {  	_ =	shalt  }

// kernel: kernel.19.cloned.1.call-start
scs
__scs_entry_jumppad:
0x0: {  	(pc) =	sbr.rel $0x88, $3  }
0x1: {  	(tag) =	ssettag $0x0;
	lr =	simm.s32 $0x1  }
0x2: {  	[smem:$0x3F96] =	sst lr;
	_ =	strace $0xD0000000  }
0x3: {  	_ = 	snop  }
0x4: {  	_ = 	snop  }
0x5: {  	_ = 	snop  }
0x6: {  	_ = 	snop  }
0x7: {  	_ = 	snop  }
__scs_overlays_trampoline_lowered:
0x8: {  	[smem:$0x3FA5] =	sst s0  }
0x9: {  	[smem:$0x3FA6] =	sst s1  }
0xa: {  	[smem:$0x3FA7] =	sst s2  }
0xb: {  	[smem:$0x3FA8] =	sst s3  }
0xc: {  	[smem:$0x3FA9] =	sst s4  }
0xd: {  	[smem:$0x3FAA] =	sst s5  }
0xe: {  	[smem:$0x3FAB] =	sst s6  }
0xf: {  	[smem:$0x3FAC] =	sst s7  }
0x10: {  	[smem:$0x3FAD] =	sst s8  }
0x11: {  	[smem:$0x3FAE] =	sst s9;
	s0 =	simm.s32 @!p0 $0x0  }
0x12: {  	s1 =	sld [smem:$0x3F94];
	s0 =	simm.s32 @p0 $0x1  }
0x13: {  	[smem:$0x3FAF] =	sst s0;
	s0 =	simm.s32 @!p1 $0x0  }
0x14: {  	s2 =	sld [smem:$0x3F93];
	s0 =	simm.s32 @p1 $0x1  }
0x15: {  	[smem:$0x3FB0] =	sst s0;
	s0 =	simm.s32 @!p2 $0x0  }
0x16: {  	s3 =	sld [smem:$0x3FDB];
	s0 =	simm.s32 @p2 $0x1  }
0x17: {  	s4 =	simm.s32 $0x1BF5;
	[smem:$0x3FB2] =	sst s0  }
0x18: {  	s0 =	sld [smem:$0x3F95];
	_ =	swait.ge [sflag:s4], $0x0  }
0x19: {  	s7 =	sld [smem:$0x3F96]  }
0x1a: {  	s8 =	sadd.s32 $0xFFFFE003, lr  }
0x1b: {  	s9 =	sadd.s32 $0xFFFFFEF7, lr;
	s5 =	simm.s32 $0xFFFFFFFF;
	p2 =	slt.u32 s8, $0xFFFFF086  }
0x1c: {  	p1 =	slt.u32 s9, $0xF7A;
	s5 =	simm.s32 @!p2 $0x0  }
0x1d: {  	s5 =	simm.s32 @p1 $0x1;
	p0 =	seq.s32 s7, s2  }
0x1e: {  	s7 =	smul.u32 @!p0 $0xF7A, s2;
	p2 =	seq.s32 @!p0 s5, $0x0  }
0x1f: {  	s9 =	smul.u32 $0xF7A, s1;
	s8 =	simm.s32 @!p0 $0x1BF5;
	p2 =	por !p2, p0  }
0x20: {  	[sflag:s8] =	ssyncset.s32 @!p0 $0xFFFFF086;
	s6 =	sadd.s32 @!p0 s3, s7;
	s7 =	simm.s32 @!p0 $0x108  }
0x21: {  	s3 =	sadd.s32 s3, s9;
	s6 =	sadd.s32 @!p0 $0x88, s6;
	s7 =	simm.s32 @p2 $0x1082  }
0x22: {  	[simem:s7], [sflag:s8] =	dma.local @!p0 [hbm:s6], $0xF7A  }
0x23: {  	s9 =	sor.u32 $0xD0000000, s2;
	s6 =	simm.s32 $0x108;
	_ =	swait.ge @!p0 [sflag:s8], $0x0  }
0x24: {  	s3 =	sadd.s32 $0x88, s3;
	s6 =	simm.s32 @!p1 $0x1082;
	[sflag:s4] =	ssyncset.s32 $0xFFFFF086  }
0x25: {  	[simem:s6], [sflag:s4] =	dma.local [hbm:s3], $0xF7A  }
0x26: {  	[smem:$0x3F96] =	sst s1;
	(tag) =	ssettag s2;
	_ =	strace s9  }
0x27: {  	s1 =	sld [smem:$0x3FA6]  }
0x28: {  	s2 =	sld [smem:$0x3FA7]  }
0x29: {  	s4 =	sld [smem:$0x3FA9]  }
0x2a: {  	p0 =	seq.s32 s5, $0x0;
	s5 =	sld [smem:$0x3FAA]  }
0x2b: {  	s6 =	sld [smem:$0x3FAB]  }
0x2c: {  	s7 =	sld [smem:$0x3FAC]  }
0x2d: {  	s3 =	simm.s32 $0x108;
	s8 =	sld [smem:$0x3FAD]  }
0x2e: {  	s3 =	simm.s32 @!p0 $0x1082;
	s9 =	sld [smem:$0x3FAE]  }
0x2f: {  	lr =	sadd.s32 s0, s3;
	s0 =	sld [smem:$0x3FA5]  }
0x30: {  	s3 =	sld [smem:$0x3FA8]  }
0x31: {  	[smem:$0x3FB1] =	sst s10  }
0x32: {  	s10 =	sld [smem:$0x3FAF];
	_ =	sdelay $0x3  }
0x33: {  	p0 =	seq.s32 s10, $0x1;
	s10 =	sld [smem:$0x3FB1];
	_ =	sdelay $0x3  }
0x34: {  	[smem:$0x3FB1] =	sst s10  }
0x35: {  	s10 =	sld [smem:$0x3FB0];
	_ =	sdelay $0x3  }
0x36: {  	p1 =	seq.s32 s10, $0x1;
	s10 =	sld [smem:$0x3FB1];
	_ =	sdelay $0x3  }
0x37: {  	[smem:$0x3FB1] =	sst s10  }
0x38: {  	s10 =	sld [smem:$0x3FB2]  }
0x39: {  	_ = 	snop;
	(pc) =	sbr.ind lr, $3  }
0x3a: {  	_ = 	snop  }
0x3b: {  	_ = 	snop  }
0x3c: {  	p2 =	seq.s32 s10, $0x1;
	s10 =	sld [smem:$0x3FB1]  }
0x3d: {  	_ =	shalt  }
0x3e: {  	_ =	shalt  }
0x3f: {  	_ =	shalt  }
0x40: {  	_ =	shalt  }
0x41: {  	_ =	shalt  }
0x42: {  	_ =	shalt  }
0x43: {  	_ =	shalt  }
0x44: {  	_ =	shalt  }
0x45: {  	_ =	shalt  }
0x46: {  	_ =	shalt  }
0x47: {  	_ =	shalt  }
0x48: {  	_ =	shalt  }
0x49: {  	_ =	shalt  }
0x4a: {  	_ =	shalt  }
0x4b: {  	_ =	shalt  }
0x4c: {  	_ =	shalt  }
0x4d: {  	_ =	shalt  }
0x4e: {  	_ =	shalt  }
0x4f: {  	_ =	shalt  }
0x50: {  	_ =	shalt  }
0x51: {  	_ =	shalt  }
0x52: {  	_ =	shalt  }
0x53: {  	_ =	shalt  }
0x54: {  	_ =	shalt  }
0x55: {  	_ =	shalt  }
0x56: {  	_ =	shalt  }
0x57: {  	_ =	shalt  }
0x58: {  	_ =	shalt  }
0x59: {  	_ =	shalt  }
0x5a: {  	_ =	shalt  }
0x5b: {  	_ =	shalt  }
0x5c: {  	_ =	shalt  }
0x5d: {  	_ =	shalt  }
0x5e: {  	_ =	shalt  }
0x5f: {  	_ =	shalt  }
0x60: {  	_ =	shalt  }
0x61: {  	_ =	shalt  }
0x62: {  	_ =	shalt  }
0x63: {  	_ =	shalt  }
0x64: {  	_ =	shalt  }
0x65: {  	_ =	shalt  }
0x66: {  	_ =	shalt  }
0x67: {  	_ =	shalt  }
0x68: {  	_ =	shalt  }
0x69: {  	_ =	shalt  }
0x6a: {  	_ =	shalt  }
0x6b: {  	_ =	shalt  }
0x6c: {  	_ =	shalt  }
0x6d: {  	_ =	shalt  }
0x6e: {  	_ =	shalt  }
0x6f: {  	_ =	shalt  }
0x70: {  	_ =	shalt  }
0x71: {  	_ =	shalt  }
0x72: {  	_ =	shalt  }
0x73: {  	_ =	shalt  }
0x74: {  	_ =	shalt  }
0x75: {  	_ =	shalt  }
0x76: {  	_ =	shalt  }
0x77: {  	_ =	shalt  }
0x78: {  	_ =	shalt  }
0x79: {  	_ =	shalt  }
0x7a: {  	_ =	shalt  }
0x7b: {  	_ =	shalt  }
0x7c: {  	_ =	shalt  }
0x7d: {  	_ =	shalt  }
0x7e: {  	_ =	shalt  }
0x7f: {  	_ =	shalt  }
0x80: {  	_ =	shalt  }
0x81: {  	_ =	shalt  }
0x82: {  	_ =	shalt  }
0x83: {  	_ =	shalt  }
0x84: {  	_ =	shalt  }
0x85: {  	_ =	shalt  }
0x86: {  	_ =	shalt  }
0x87: {  	_ =	shalt  }
.Lfunc_end0:
.L_simem_size_0:
called_computation.3_lowered:
.L_overlay_start_0:
0x88: {  	s2 =	sld [smem:$0x3FD9]  }
0x89: {  	s3 =	sld [smem:$0x3FFE];
	_ =	sdelay $0x1  }
0x8a: {  	s1 =	srdreg.scid  }
0x8b: {  	s0 =	sand.u32 $0x1, s1  }
0x8c: {  	s17 =	sshll.u32 s0, $0xA;
	s2 =	sadd.s32 s3, s2  }
0x8d: {  	s2 =	sadd.s32 s2, s17  }
0x8e: {  	[smem:$0x3FBD] =	sst s2  }
0x8f: {  	_ = 	snop  }
0x90: {  	s2 =	sld [smem:$0x3FD0];
	(tm) =	ssettm $0x1  }
0x91: {  	s18 =	sld [smem:$0x3FFB];
	_ =	sdelay $0x3  }
0x92: {  	_ =	strace s18  }
0x93: {  	s3 =	sld [smem:$0x3FFC];
	_ =	sdelay $0x3  }
0x94: {  	_ =	strace s3  }
0x95: {  	s3 =	sld [smem:$0x3FFD];
	_ =	sdelay $0x3  }
0x96: {  	_ =	strace s3  }
0x97: {  	_ =	strace $0x8FFFFFFF  }
0x98: {  	s19 =	sld [smem:$0x3FDB];
	_ =	sdelay $0x1  }
0x99: {  	s4 =	simm.s32 $_scs_section_size  }
0x9a: {  	s5 =	simm.s32 $_size__tile_overlayer_lowered;
	s6 =	simm.s32 $_tile_overlayer_lowered  }
0x9b: {  	s22 =	simm.s32 $0x1BFF;
	s21 =	sshll.u32 s6, $0x1;
	s3 =	sadd.s32 s4, s19  }
0x9c: {  	s7 =	simm.s32 $0x0;
	s20 =	sshll.u32 s5, $0x1;
	s5 =	sadd.s32 s21, s3  }
0x9d: {  	[timem:s7], [sflag:s22] =	dma.local [hbm:s5], s20  }
0x9e: {  	_ =	swait.ge [sflag:s22], s20  }
0x9f: {  	s4 =	ssub.s32 $0x0, s20;
	[sflag:s22] =	ssyncset.done $0x0  }
0xa0: {  	[sflag:s22] =	ssyncadd.s32 s4;
	_ =	sdelay $0x1  }
0xa1: {  	s23 =	simm.s32 $0x1B8B  }
0xa2: {  	_ =	swait.ge [sflag:s23], $0x1  }
0xa3: {  	[sflag:s23] =	ssyncset.done $0x0  }
0xa4: {  	s25 =	simm.s32 $0x1B8E;
	s24 =	sld [smem:$0x3FFE];
	[sflag:s23] =	ssyncadd.s32 $0xFFFFFFFF  }
0xa5: {  	s26 =	simm.s32 $execute0_lowered;
	[smem:$0x3FD2] =	sst s25  }
0xa6: {  	s5 =	sshll.u32 s26, $0x1;
	_ =	strace $0x8000004F;
	[dreg:$0x1] =	wrdreg $0xFFFFFFFF  }
0xa7: {  	s28 =	simm.s32 $_size_execute0_lowered;
	s3 =	sadd.s32 s3, s5;
	[dreg:$0x0] =	wrdreg $0x0  }
0xa8: {  	s5 =	sshll.u32 s28, $0x1;
	[dreg:$0x2] =	wrdreg s3  }
0xa9: {  	[dreg:$0x3] =	wrdreg s5  }
0xaa: {  	[dreg:$0x4] =	wrdreg $0xC0  }
0xab: {  	_ =	task [dreg:s7], $0x5FFFF  }
0xac: {  	[dreg:$0x1] =	wrdreg $0xFFFFFFFF  }
0xad: {  	[dreg:$0x0] =	wrdreg $0x60  }
0xae: {  	[dreg:$0x2] =	wrdreg s2  }
0xaf: {  	[dreg:$0x3] =	wrdreg s24  }
0xb0: {  	[dreg:$0x4] =	wrdreg $0xA8000  }
0xb1: {  	[dreg:$0x5] =	wrdreg $0x9  }
0xb2: {  	_ =	task.clear_ibuf [dreg:s7], $0x6FFFF;
	_ =	strace $0x9000004F  }
0xb3: {  	s29 =	simm.s32 $0x9;
	_ =	strace $0x80000051  }
0xb4: {  	_ =	swait.ge [sflag:s29], $0x1  }
0xb5: {  	[sflag:s29] =	ssyncadd.s32 $0xFFFFFFFF  }
0xb6: {  	_ =	strace $0x90000051  }
0xb7: {  	_ =	sfence  }
0xb8: {  	s30 =	sld [smem:$0x0];
	_ =	sdelay $0x2  }
0xb9: {  	s31 =	sshll.u32 s1, $0xD;
	s1 =	sshrl.u32 s1, $0x2  }
0xba: {  	s3 =	sand.u32 $0x4000, s31;
	s1 =	sadd.s32 s1, s30  }
0xbb: {  	s0 =	sor.u32 s3, s0;
	s1 =	sshll.u32 s1, $0x11  }
0xbc: {  	s0 =	sor.u32 s1, s0  }
0xbd: {  	s0 =	sadd.s32 $0x8F2B, s0  }
0xbe: {  	[sflag:s0] =	ssyncadd.remote.s32 $0x1  }
0xbf: {  	_ =	sfence.sel $0xFFFF  }
0xc0: {  	[dreg:$0x0] =	wrdreg $0xFFFFFFFF;
	(pc) =	sbr.abs _section_cstart, $3  }
0xc1: {  	[dreg:$0x1] =	wrdreg $0xFFFFFFFF  }
0xc2: {  	_ =	task.clear_ibuf [dreg:s7], $0x2FFFF;
	_ =	strace $0x9FFFFFFF  }
0xc3: {  	(tm) =	ssettm $0x7FFFFFFF  }
tec
execute0_lowered:
.L_overlay_start_1:
0x0: {  	(tag) =	ssettag $0x1  }
0x1: {  	s1 =	rddreg [dreg:$0x0]  }
0x2: {  	s6 =	rddreg [dreg:$0x1]  }
0x3: {  	s2 =	rddreg [dreg:$0x2];
	s3 =	srdreg.scid;
	s4 =	simm.s32 $0x0  }
0x4: {  	s0 =	stileid.u32;
	s19 =	simm.s32 $0x40;
	s20 =	simm.s32 $0x2800  }
0x5: {  	s21 =	simm.s32 $0x80;
	s22 =	simm.s32 $0x4800;
	s23 =	simm.s32 $0x100  }
0x6: {  	s5 =	sand.u32 $0x1, s3;
	[smem:$0x7FF] =	sst s4;
	s8 =	smul.u32 $0x13C00, s0  }
0x7: {  	s13 =	sadd.s32 $0x3200, s6;
	s14 =	sadd.s32 $0x17200, s6;
	s24 =	sshll.u32 s0, $0x1  }
0x8: {  	s25 =	smul.u32 $0x4F000, s0;
	s26 =	sadd.s32 $0x2B200, s6;
	s29 =	sshll.u32 s0, $0x6  }
0x9: {  	s7 =	smul.u32 $0x13C000, s5;
	_ =	strace $0x80000050;
	s9 =	ssub.s32 $0x2, s5  }
0xa: {  	s5 =	sor.u32 s5, s24;
	[dreg:$0x4] =	wrdreg s26;
	s24 =	simm.s32 $0x6800  }
0xb: {  	s10 =	sshrl.u32 s9, $0x1;
	s11 =	smul.u32 $0x5000, s5;
	s28 =	sshrl.u32 s25, $0x2  }
0xc: {  	s25 =	simm.s32 $0x0;
	s7 =	sadd.s32 s8, s7;
	s16 =	ssub.s32 s9, s10  }
0xd: {  	s17 =	sadd.s32 s28, s2;
	s7 =	sshrl.u32 s7, $0x3;
	s11 =	sshrl.u32 s11, $0x3  }
0xe: {  	s16 =	smax.u32 s16, $0x1;
	s17 =	sshrl.u32 s17, $0x3;
	s15 =	sadd.s32 s7, s6  }
0xf: {  	s6 =	sor.u32 $0x1C05, s29;
	s30 =	sadd.s32 $0x280, s11;
	s31 =	sadd.s32 s13, s11  }
0x10: {  	s8 =	sadd.s32 s14, s11;
	s12 =	sadd.s32 $0x500, s11;
	s18 =	sadd.s32 $0x780, s11  }
0x11: {  	[dreg:$0x5] =	wrdreg s31;
	s9 =	sadd.s32 s13, s30;
	s10 =	sadd.s32 s14, s30  }
0x12: {  	s11 =	sadd.s32 s13, s12;
	s12 =	sadd.s32 s14, s12;
	s13 =	sadd.s32 s13, s18  }
0x13: {  	s14 =	sadd.s32 s14, s18;
	s15 =	sadd.s32 $0x2DA00, s15;
	s18 =	simm.s32 $0x5  }
.LBB2_1:
0x14: {  	s0 =	rddreg [dreg:$0x4]  }
0x15: {  	[spmem:s17], [sflag:s6] =	dma.local [hbm:s0], $0x2780  }
0x16: {  	_ =	swait.ge [sflag:s18], $0x2780  }
0x17: {  	[sflag:s18] =	ssyncset.done $0x0  }
0x18: {  	[sflag:s18] =	ssyncadd.s32 $0xFFFFD880  }
0x19: {  	[bflag:$0x0] =	sbarrier.arrive $0xFFFF  }
0x1a: {  	s26 =	rddreg [dreg:$0x5]  }
0x1b: {  	[tilespmem:s4], [sflag:$0x5] =	stream.linear.gather [hbm4b:s26+s4], $0x1400, $0x38;
	[tilespmem:$0x1E400] =	vst v63  }
0x1c: {  	_ =	swait.ge [sflag:s18], $0x1400  }
0x1d: {  	[sflag:s18] =	ssyncset.done $0x0  }
0x1e: {  	s26 =	simm.s32 $0x1400;
	[sflag:s18] =	ssyncadd.s32 $0xFFFFEC00  }
0x1f: {  	[tilespmem:s26], [sflag:$0x5] =	stream.linear.gather [hbm4b:s8+s4], $0x1400, $0x38;
	[tilespmem:$0x1E400] =	vst v63  }
0x20: {  	_ =	swait.ge [sflag:s18], $0x1400  }
0x21: {  	[sflag:s18] =	ssyncset.done $0x0  }
0x22: {  	s28 =	simm.s32 $0x3;
	p0 =	por $0x0, $0x0;
	[sflag:s18] =	ssyncadd.s32 $0xFFFFEC00  }
0x23: {  	[tilespmem:s20], [sflag:$0x1] =	stream.indirect.gather [hbm4b:s1+s19], $0x80, s4, s19, $0xb8;
	[tilespmem:$0x1E400] =	vst v63  }
0x24: {  	s29 =	simm.s32 $0x180;
	s28 =	sand.u32 @!p0 $0x3, s28  }
0x25: {  	[tilespmem:s22], [sflag:$0x2] =	stream.indirect.gather [hbm4b:s1+s19], $0x80, s21, s19, $0xb8;
	[tilespmem:$0x1E400] =	vst v63  }
0x26: {  	s30 =	simm.s32 $0x0;
	s0 =	simm.s32 @!p0 $0x40;
	s31 =	sshll.u32 @!p0 s28, $0xD  }
0x27: {  	[tilespmem:s24], [sflag:$0x3] =	stream.indirect.gather [hbm4b:s1+s19], $0x80, s23, s19, $0xb8;
	[tilespmem:$0x1E400] =	vst v63  }
0x28: {  	s30 =	sand.u32 $0x3, s30;
	s28 =	sadd.s32 @!p0 $0x1, s28;
	s31 =	sadd.s32 @!p0 $0x2800, s31  }
0x29: {  	[tilespmem:s31], [sflag:s28] =	stream.indirect.gather @!p0 [hbm4b:s1+s0], $0x80, s29, s0, $0xb8;
	[tilespmem:$0x1E400] =	vst v63  }
0x2a: {  	s31 =	sadd.s32 $0x1, s30  }
0x2b: {  	s28 =	sshll.u32 s30, $0xD;
	_ =	swait.ge [sflag:s31], $0x2000  }
0x2c: {  	s29 =	simm.s32 $0x4;
	s30 =	simm.s32 $0x5;
	[sflag:s31] =	ssyncset.done $0x0  }
0x2d: {  	p0 =	por $0x0, $0x0;
	s28 =	sadd.s32 $0x2800, s28;
	[sflag:s31] =	ssyncadd.s32 $0xFFFFE000  }
0x2e: {  	[spmem:s2] =	stream.indirect.scatter.add.f32 [tilespmem:s28], [sflag:$0x5], $0x80, s26, s19, $0xb8;
	[tilespmem:$0x1E400] =	vst v63  }
0x2f: {  	s26 =	simm.s32 $0x1480;
	s28 =	simm.s32 $0x200;
	_ =	swait.ge [sflag:s18], $0x2000  }
.LBB2_2:
0x30: {  	s0 =	sand.u32 @!p0 $0x3, s29;
	s31 =	sadd.s32 $0xFFFFFFFD, s29;
	[sflag:s18] =	ssyncset.done $0x0  }
0x31: {  	s29 =	smov.u32 s30;
	s3 =	smov.u32 s26;
	s7 =	simm.s32 @!p0 $0x40  }
0x32: {  	s5 =	sshll.u32 @!p0 s0, $0xD;
	s0 =	sadd.s32 @!p0 $0x1, s0;
	[sflag:s18] =	ssyncadd.s32 $0xFFFFE000  }
0x33: {  	s30 =	sadd.s32 $0x1, s30;
	s31 =	sand.u32 $0x3, s31;
	s5 =	sadd.s32 @!p0 $0x2800, s5  }
0x34: {  	[tilespmem:s5], [sflag:s0] =	stream.indirect.gather @!p0 [hbm4b:s1+s7], $0x80, s28, s7, $0xb8;
	[tilespmem:$0x1E400] =	vst v63  }
0x35: {  	p1 =	sne.s32 s30, $0x2B;
	s0 =	sshll.u32 s31, $0xD;
	s5 =	sadd.s32 $0x1, s31  }
.Ltmp0:
0x36: {  	_ =	swait.ge [sflag:s5], $0x2000;
	(pc) =	sbr.rel @p1 .LBB2_2-.Ltmp0, $4  }
0x37: {  	s0 =	sadd.s32 $0x2800, s0;
	[sflag:s5] =	ssyncset.done $0x0  }
0x38: {  	s26 =	sadd.s32 $0x80, s26;
	[sflag:s5] =	ssyncadd.s32 $0xFFFFE000  }
0x39: {  	[spmem:s2] =	stream.indirect.scatter.add.f32 [tilespmem:s0], [sflag:$0x5], $0x80, s3, s19, $0xb8;
	[tilespmem:$0x1E400] =	vst v63  }
0x3a: {  	p0 =	sgt.u32 s29, $0x27;
	s28 =	sadd.s32 $0x80, s28;
	_ =	swait.ge [sflag:s18], $0x2000  }
0x3b: {  	s0 =	sand.u32 @!p0 $0x3, s29;
	s3 =	sadd.s32 $0xFFFFFFFD, s29;
	[sflag:s18] =	ssyncset.done $0x0  }
0x3c: {  	s7 =	simm.s32 @!p0 $0x40;
	s5 =	sshll.u32 @!p0 s0, $0xD;
	s0 =	sadd.s32 @!p0 $0x1, s0  }
0x3d: {  	[sflag:s18] =	ssyncadd.s32 $0xFFFFE000;
	s3 =	sand.u32 $0x3, s3;
	s5 =	sadd.s32 @!p0 $0x2800, s5  }
0x3e: {  	[tilespmem:s5], [sflag:s0] =	stream.indirect.gather @!p0 [hbm4b:s1+s7], $0x80, s28, s7, $0xb8;
	[tilespmem:$0x1E400] =	vst v63  }
0x3f: {  	s7 =	sadd.s32 $0x1, s3  }
0x40: {  	_ =	swait.ge [sflag:s7], $0x2000  }
0x41: {  	s3 =	sshll.u32 s3, $0xD;
	[sflag:s7] =	ssyncset.done $0x0  }
0x42: {  	s3 =	sadd.s32 $0x2800, s3;
	[sflag:s7] =	ssyncadd.s32 $0xFFFFE000  }
0x43: {  	[spmem:s2] =	stream.indirect.scatter.add.f32 [tilespmem:s3], [sflag:$0x5], $0x80, s26, s19, $0xb8;
	[tilespmem:$0x1E400] =	vst v63  }
0x44: {  	_ =	swait.ge [sflag:s18], $0x2000  }
0x45: {  	[sflag:s18] =	ssyncset.done $0x0  }
0x46: {  	[sflag:s18] =	ssyncadd.s32 $0xFFFFE000  }
0x47: {  	[tilespmem:s4], [sflag:$0x5] =	stream.linear.gather [hbm4b:s9+s4], $0x1400, $0x38;
	[tilespmem:$0x1E400] =	vst v63  }
0x48: {  	_ =	swait.ge [sflag:s18], $0x1400  }
0x49: {  	[sflag:s18] =	ssyncset.done $0x0  }
0x4a: {  	s0 =	simm.s32 $0x1400;
	[sflag:s18] =	ssyncadd.s32 $0xFFFFEC00  }
0x4b: {  	[tilespmem:s0], [sflag:$0x5] =	stream.linear.gather [hbm4b:s10+s4], $0x1400, $0x38;
	[tilespmem:$0x1E400] =	vst v63  }
0x4c: {  	_ =	swait.ge [sflag:s18], $0x1400  }
0x4d: {  	[sflag:s18] =	ssyncset.done $0x0  }
0x4e: {  	p0 =	por $0x0, $0x0;
	s3 =	simm.s32 $0x3;
	[sflag:s18] =	ssyncadd.s32 $0xFFFFEC00  }
0x4f: {  	[tilespmem:s20], [sflag:$0x1] =	stream.indirect.gather [hbm4b:s1+s19], $0x80, s4, s19, $0xb8;
	[tilespmem:$0x1E400] =	vst v63  }
0x50: {  	s31 =	simm.s32 $0x0;
	s3 =	sand.u32 @!p0 $0x3, s3  }
0x51: {  	[tilespmem:s22], [sflag:$0x2] =	stream.indirect.gather [hbm4b:s1+s19], $0x80, s21, s19, $0xb8;
	[tilespmem:$0x1E400] =	vst v63  }
0x52: {  	s5 =	simm.s32 $0x180;
	s28 =	simm.s32 @!p0 $0x40;
	s26 =	sshll.u32 @!p0 s3, $0xD  }
0x53: {  	[tilespmem:s24], [sflag:$0x3] =	stream.indirect.gather [hbm4b:s1+s19], $0x80, s23, s19, $0xb8;
	[tilespmem:$0x1E400] =	vst v63  }
0x54: {  	s7 =	sand.u32 $0x3, s31;
	s3 =	sadd.s32 @!p0 $0x1, s3;
	s26 =	sadd.s32 @!p0 $0x2800, s26  }
0x55: {  	[tilespmem:s26], [sflag:s3] =	stream.indirect.gather @!p0 [hbm4b:s1+s28], $0x80, s5, s28, $0xb8;
	[tilespmem:$0x1E400] =	vst v63  }
0x56: {  	s26 =	sadd.s32 $0x1, s7  }
0x57: {  	s29 =	simm.s32 $0x4;
	_ =	swait.ge [sflag:s26], $0x2000  }
0x58: {  	s30 =	simm.s32 $0x5;
	s31 =	sshll.u32 s7, $0xD;
	[sflag:s26] =	ssyncset.done $0x0  }
0x59: {  	s5 =	sadd.s32 $0x2800, s31;
	p0 =	por $0x0, $0x0;
	[sflag:s26] =	ssyncadd.s32 $0xFFFFE000  }
0x5a: {  	[spmem:s2] =	stream.indirect.scatter.add.f32 [tilespmem:s5], [sflag:$0x5], $0x80, s0, s19, $0xb8;
	[tilespmem:$0x1E400] =	vst v63  }
0x5b: {  	s28 =	simm.s32 $0x200;
	s26 =	simm.s32 $0x1480;
	_ =	swait.ge [sflag:s18], $0x2000  }
.LBB2_4:
0x5c: {  	s0 =	sand.u32 @!p0 $0x3, s29;
	s3 =	sadd.s32 $0xFFFFFFFD, s29;
	[sflag:s18] =	ssyncset.done $0x0  }
0x5d: {  	s29 =	smov.u32 s30;
	s5 =	smov.u32 s26;
	s31 =	simm.s32 @!p0 $0x40  }
0x5e: {  	s7 =	sshll.u32 @!p0 s0, $0xD;
	s0 =	sadd.s32 @!p0 $0x1, s0;
	[sflag:s18] =	ssyncadd.s32 $0xFFFFE000  }
0x5f: {  	s30 =	sadd.s32 $0x1, s30;
	s3 =	sand.u32 $0x3, s3;
	s7 =	sadd.s32 @!p0 $0x2800, s7  }
0x60: {  	[tilespmem:s7], [sflag:s0] =	stream.indirect.gather @!p0 [hbm4b:s1+s31], $0x80, s28, s31, $0xb8;
	[tilespmem:$0x1E400] =	vst v63  }
0x61: {  	p1 =	sne.s32 s30, $0x2B;
	s0 =	sshll.u32 s3, $0xD;
	s3 =	sadd.s32 $0x1, s3  }
.Ltmp1:
0x62: {  	_ =	swait.ge [sflag:s3], $0x2000;
	(pc) =	sbr.rel @p1 .LBB2_4-.Ltmp1, $4  }
0x63: {  	s0 =	sadd.s32 $0x2800, s0;
	[sflag:s3] =	ssyncset.done $0x0  }
0x64: {  	s26 =	sadd.s32 $0x80, s26;
	[sflag:s3] =	ssyncadd.s32 $0xFFFFE000  }
0x65: {  	[spmem:s2] =	stream.indirect.scatter.add.f32 [tilespmem:s0], [sflag:$0x5], $0x80, s5, s19, $0xb8;
	[tilespmem:$0x1E400] =	vst v63  }
0x66: {  	p0 =	sgt.u32 s29, $0x27;
	s28 =	sadd.s32 $0x80, s28;
	_ =	swait.ge [sflag:s18], $0x2000  }
0x67: {  	s0 =	sand.u32 @!p0 $0x3, s29;
	s3 =	sadd.s32 $0xFFFFFFFD, s29;
	[sflag:s18] =	ssyncset.done $0x0  }
0x68: {  	s7 =	simm.s32 @!p0 $0x40;
	s5 =	sshll.u32 @!p0 s0, $0xD;
	s0 =	sadd.s32 @!p0 $0x1, s0  }
0x69: {  	[sflag:s18] =	ssyncadd.s32 $0xFFFFE000;
	s3 =	sand.u32 $0x3, s3;
	s5 =	sadd.s32 @!p0 $0x2800, s5  }
0x6a: {  	[tilespmem:s5], [sflag:s0] =	stream.indirect.gather @!p0 [hbm4b:s1+s7], $0x80, s28, s7, $0xb8;
	[tilespmem:$0x1E400] =	vst v63  }
0x6b: {  	s7 =	sadd.s32 $0x1, s3  }
0x6c: {  	_ =	swait.ge [sflag:s7], $0x2000  }
0x6d: {  	s3 =	sshll.u32 s3, $0xD;
	[sflag:s7] =	ssyncset.done $0x0  }
0x6e: {  	s3 =	sadd.s32 $0x2800, s3;
	[sflag:s7] =	ssyncadd.s32 $0xFFFFE000  }
0x6f: {  	[spmem:s2] =	stream.indirect.scatter.add.f32 [tilespmem:s3], [sflag:$0x5], $0x80, s26, s19, $0xb8;
	[tilespmem:$0x1E400] =	vst v63  }
0x70: {  	_ =	swait.ge [sflag:s18], $0x2000  }
0x71: {  	[sflag:s18] =	ssyncset.done $0x0  }
0x72: {  	[sflag:s18] =	ssyncadd.s32 $0xFFFFE000  }
0x73: {  	[tilespmem:s4], [sflag:$0x5] =	stream.linear.gather [hbm4b:s11+s4], $0x1400, $0x38;
	[tilespmem:$0x1E400] =	vst v63  }
0x74: {  	_ =	swait.ge [sflag:s18], $0x1400  }
0x75: {  	[sflag:s18] =	ssyncset.done $0x0  }
0x76: {  	s0 =	simm.s32 $0x1400;
	[sflag:s18] =	ssyncadd.s32 $0xFFFFEC00  }
0x77: {  	[tilespmem:s0], [sflag:$0x5] =	stream.linear.gather [hbm4b:s12+s4], $0x1400, $0x38;
	[tilespmem:$0x1E400] =	vst v63  }
0x78: {  	_ =	swait.ge [sflag:s18], $0x1400  }
0x79: {  	[sflag:s18] =	ssyncset.done $0x0  }
0x7a: {  	p0 =	por $0x0, $0x0;
	s3 =	simm.s32 $0x3;
	[sflag:s18] =	ssyncadd.s32 $0xFFFFEC00  }
0x7b: {  	[tilespmem:s20], [sflag:$0x1] =	stream.indirect.gather [hbm4b:s1+s19], $0x80, s4, s19, $0xb8;
	[tilespmem:$0x1E400] =	vst v63  }
0x7c: {  	s31 =	simm.s32 $0x0;
	s3 =	sand.u32 @!p0 $0x3, s3  }
0x7d: {  	[tilespmem:s22], [sflag:$0x2] =	stream.indirect.gather [hbm4b:s1+s19], $0x80, s21, s19, $0xb8;
	[tilespmem:$0x1E400] =	vst v63  }
0x7e: {  	s5 =	simm.s32 $0x180;
	s28 =	simm.s32 @!p0 $0x40;
	s26 =	sshll.u32 @!p0 s3, $0xD  }
0x7f: {  	[tilespmem:s24], [sflag:$0x3] =	stream.indirect.gather [hbm4b:s1+s19], $0x80, s23, s19, $0xb8;
	[tilespmem:$0x1E400] =	vst v63  }
0x80: {  	s7 =	sand.u32 $0x3, s31;
	s3 =	sadd.s32 @!p0 $0x1, s3;
	s26 =	sadd.s32 @!p0 $0x2800, s26  }
0x81: {  	[tilespmem:s26], [sflag:s3] =	stream.indirect.gather @!p0 [hbm4b:s1+s28], $0x80, s5, s28, $0xb8;
	[tilespmem:$0x1E400] =	vst v63  }
0x82: {  	s26 =	sadd.s32 $0x1, s7  }
0x83: {  	s29 =	simm.s32 $0x4;
	_ =	swait.ge [sflag:s26], $0x2000  }
0x84: {  	s30 =	simm.s32 $0x5;
	s31 =	sshll.u32 s7, $0xD;
	[sflag:s26] =	ssyncset.done $0x0  }
0x85: {  	s5 =	sadd.s32 $0x2800, s31;
	p0 =	por $0x0, $0x0;
	[sflag:s26] =	ssyncadd.s32 $0xFFFFE000  }
0x86: {  	[spmem:s2] =	stream.indirect.scatter.add.f32 [tilespmem:s5], [sflag:$0x5], $0x80, s0, s19, $0xb8;
	[tilespmem:$0x1E400] =	vst v63  }
0x87: {  	s28 =	simm.s32 $0x200;
	s26 =	simm.s32 $0x1480;
	_ =	swait.ge [sflag:s18], $0x2000  }
.LBB2_6:
0x88: {  	s0 =	sand.u32 @!p0 $0x3, s29;
	s3 =	sadd.s32 $0xFFFFFFFD, s29;
	[sflag:s18] =	ssyncset.done $0x0  }
0x89: {  	s29 =	smov.u32 s30;
	s5 =	smov.u32 s26;
	s31 =	simm.s32 @!p0 $0x40  }
0x8a: {  	s7 =	sshll.u32 @!p0 s0, $0xD;
	s0 =	sadd.s32 @!p0 $0x1, s0;
	[sflag:s18] =	ssyncadd.s32 $0xFFFFE000  }
0x8b: {  	s30 =	sadd.s32 $0x1, s30;
	s3 =	sand.u32 $0x3, s3;
	s7 =	sadd.s32 @!p0 $0x2800, s7  }
0x8c: {  	[tilespmem:s7], [sflag:s0] =	stream.indirect.gather @!p0 [hbm4b:s1+s31], $0x80, s28, s31, $0xb8;
	[tilespmem:$0x1E400] =	vst v63  }
0x8d: {  	p1 =	sne.s32 s30, $0x2B;
	s0 =	sshll.u32 s3, $0xD;
	s3 =	sadd.s32 $0x1, s3  }
.Ltmp2:
0x8e: {  	_ =	swait.ge [sflag:s3], $0x2000;
	(pc) =	sbr.rel @p1 .LBB2_6-.Ltmp2, $4  }
0x8f: {  	s0 =	sadd.s32 $0x2800, s0;
	[sflag:s3] =	ssyncset.done $0x0  }
0x90: {  	s26 =	sadd.s32 $0x80, s26;
	[sflag:s3] =	ssyncadd.s32 $0xFFFFE000  }
0x91: {  	[spmem:s2] =	stream.indirect.scatter.add.f32 [tilespmem:s0], [sflag:$0x5], $0x80, s5, s19, $0xb8;
	[tilespmem:$0x1E400] =	vst v63  }
0x92: {  	p0 =	sgt.u32 s29, $0x27;
	s28 =	sadd.s32 $0x80, s28;
	_ =	swait.ge [sflag:s18], $0x2000  }
0x93: {  	s0 =	sand.u32 @!p0 $0x3, s29;
	s3 =	sadd.s32 $0xFFFFFFFD, s29;
	[sflag:s18] =	ssyncset.done $0x0  }
0x94: {  	s7 =	simm.s32 @!p0 $0x40;
	s5 =	sshll.u32 @!p0 s0, $0xD;
	s0 =	sadd.s32 @!p0 $0x1, s0  }
0x95: {  	[sflag:s18] =	ssyncadd.s32 $0xFFFFE000;
	s3 =	sand.u32 $0x3, s3;
	s5 =	sadd.s32 @!p0 $0x2800, s5  }
0x96: {  	[tilespmem:s5], [sflag:s0] =	stream.indirect.gather @!p0 [hbm4b:s1+s7], $0x80, s28, s7, $0xb8;
	[tilespmem:$0x1E400] =	vst v63  }
0x97: {  	s7 =	sadd.s32 $0x1, s3  }
0x98: {  	_ =	swait.ge [sflag:s7], $0x2000  }
0x99: {  	s3 =	sshll.u32 s3, $0xD;
	[sflag:s7] =	ssyncset.done $0x0  }
0x9a: {  	s3 =	sadd.s32 $0x2800, s3;
	[sflag:s7] =	ssyncadd.s32 $0xFFFFE000  }
0x9b: {  	[spmem:s2] =	stream.indirect.scatter.add.f32 [tilespmem:s3], [sflag:$0x5], $0x80, s26, s19, $0xb8;
	[tilespmem:$0x1E400] =	vst v63  }
0x9c: {  	_ =	swait.ge [sflag:s18], $0x2000  }
0x9d: {  	[sflag:s18] =	ssyncset.done $0x0  }
0x9e: {  	[sflag:s18] =	ssyncadd.s32 $0xFFFFE000  }
0x9f: {  	[tilespmem:s4], [sflag:$0x5] =	stream.linear.gather [hbm4b:s13+s4], $0x1400, $0x38;
	[tilespmem:$0x1E400] =	vst v63  }
0xa0: {  	_ =	swait.ge [sflag:s18], $0x1400  }
0xa1: {  	[sflag:s18] =	ssyncset.done $0x0  }
0xa2: {  	s0 =	simm.s32 $0x1400;
	[sflag:s18] =	ssyncadd.s32 $0xFFFFEC00  }
0xa3: {  	[tilespmem:s0], [sflag:$0x5] =	stream.linear.gather [hbm4b:s14+s4], $0x1400, $0x38;
	[tilespmem:$0x1E400] =	vst v63  }
0xa4: {  	_ =	swait.ge [sflag:s18], $0x1400  }
0xa5: {  	[sflag:s18] =	ssyncset.done $0x0  }
0xa6: {  	p0 =	por $0x0, $0x0;
	s3 =	simm.s32 $0x3;
	[sflag:s18] =	ssyncadd.s32 $0xFFFFEC00  }
0xa7: {  	[tilespmem:s20], [sflag:$0x1] =	stream.indirect.gather [hbm4b:s1+s19], $0x80, s4, s19, $0xb8;
	[tilespmem:$0x1E400] =	vst v63  }
0xa8: {  	s31 =	simm.s32 $0x0;
	s3 =	sand.u32 @!p0 $0x3, s3  }
0xa9: {  	[tilespmem:s22], [sflag:$0x2] =	stream.indirect.gather [hbm4b:s1+s19], $0x80, s21, s19, $0xb8;
	[tilespmem:$0x1E400] =	vst v63  }
0xaa: {  	s5 =	simm.s32 $0x180;
	s28 =	simm.s32 @!p0 $0x40;
	s26 =	sshll.u32 @!p0 s3, $0xD  }
0xab: {  	[tilespmem:s24], [sflag:$0x3] =	stream.indirect.gather [hbm4b:s1+s19], $0x80, s23, s19, $0xb8;
	[tilespmem:$0x1E400] =	vst v63  }
0xac: {  	s7 =	sand.u32 $0x3, s31;
	s3 =	sadd.s32 @!p0 $0x1, s3;
	s26 =	sadd.s32 @!p0 $0x2800, s26  }
0xad: {  	[tilespmem:s26], [sflag:s3] =	stream.indirect.gather @!p0 [hbm4b:s1+s28], $0x80, s5, s28, $0xb8;
	[tilespmem:$0x1E400] =	vst v63  }
0xae: {  	s26 =	sadd.s32 $0x1, s7  }
0xaf: {  	s29 =	simm.s32 $0x4;
	_ =	swait.ge [sflag:s26], $0x2000  }
0xb0: {  	s30 =	simm.s32 $0x5;
	s31 =	sshll.u32 s7, $0xD;
	[sflag:s26] =	ssyncset.done $0x0  }
0xb1: {  	s5 =	sadd.s32 $0x2800, s31;
	p0 =	por $0x0, $0x0;
	[sflag:s26] =	ssyncadd.s32 $0xFFFFE000  }
0xb2: {  	[spmem:s2] =	stream.indirect.scatter.add.f32 [tilespmem:s5], [sflag:$0x5], $0x80, s0, s19, $0xb8;
	[tilespmem:$0x1E400] =	vst v63  }
0xb3: {  	s28 =	simm.s32 $0x200;
	s26 =	simm.s32 $0x1480;
	_ =	swait.ge [sflag:s18], $0x2000  }
.LBB2_8:
0xb4: {  	s0 =	sand.u32 @!p0 $0x3, s29;
	s3 =	sadd.s32 $0xFFFFFFFD, s29;
	[sflag:s18] =	ssyncset.done $0x0  }
0xb5: {  	s29 =	smov.u32 s30;
	s5 =	smov.u32 s26;
	s31 =	simm.s32 @!p0 $0x40  }
0xb6: {  	s7 =	sshll.u32 @!p0 s0, $0xD;
	s0 =	sadd.s32 @!p0 $0x1, s0;
	[sflag:s18] =	ssyncadd.s32 $0xFFFFE000  }
0xb7: {  	s30 =	sadd.s32 $0x1, s30;
	s3 =	sand.u32 $0x3, s3;
	s7 =	sadd.s32 @!p0 $0x2800, s7  }
0xb8: {  	[tilespmem:s7], [sflag:s0] =	stream.indirect.gather @!p0 [hbm4b:s1+s31], $0x80, s28, s31, $0xb8;
	[tilespmem:$0x1E400] =	vst v63  }
0xb9: {  	p1 =	sne.s32 s30, $0x2B;
	s0 =	sshll.u32 s3, $0xD;
	s3 =	sadd.s32 $0x1, s3  }
.Ltmp3:
0xba: {  	_ =	swait.ge [sflag:s3], $0x2000;
	(pc) =	sbr.rel @p1 .LBB2_8-.Ltmp3, $4  }
0xbb: {  	s0 =	sadd.s32 $0x2800, s0;
	[sflag:s3] =	ssyncset.done $0x0  }
0xbc: {  	s26 =	sadd.s32 $0x80, s26;
	[sflag:s3] =	ssyncadd.s32 $0xFFFFE000  }
0xbd: {  	[spmem:s2] =	stream.indirect.scatter.add.f32 [tilespmem:s0], [sflag:$0x5], $0x80, s5, s19, $0xb8;
	[tilespmem:$0x1E400] =	vst v63  }
0xbe: {  	p0 =	sgt.u32 s29, $0x27;
	s28 =	sadd.s32 $0x80, s28;
	_ =	swait.ge [sflag:s18], $0x2000  }
0xbf: {  	s0 =	sand.u32 @!p0 $0x3, s29  }
0xc0: {  	s3 =	sadd.s32 $0xFFFFFFFD, s29;
	[sflag:s18] =	ssyncset.done $0x0;
	s7 =	simm.s32 @!p0 $0x40  }
0xc1: {  	s5 =	sshll.u32 @!p0 s0, $0xD;
	s0 =	sadd.s32 @!p0 $0x1, s0;
	s3 =	sand.u32 $0x3, s3  }
0xc2: {  	[sflag:s18] =	ssyncadd.s32 $0xFFFFE000;
	s5 =	sadd.s32 @!p0 $0x2800, s5;
	s31 =	sadd.s32 $0x1, s3  }
0xc3: {  	[tilespmem:s5], [sflag:s0] =	stream.indirect.gather @!p0 [hbm4b:s1+s7], $0x80, s28, s7, $0xb8;
	[tilespmem:$0x1E400] =	vst v63  }
0xc4: {  	_ =	swait.ge [sflag:s31], $0x2000  }
0xc5: {  	s3 =	sshll.u32 s3, $0xD;
	[sflag:s31] =	ssyncset.done $0x0  }
0xc6: {  	s3 =	sadd.s32 $0x2800, s3;
	[sflag:s31] =	ssyncadd.s32 $0xFFFFE000  }
0xc7: {  	[spmem:s2] =	stream.indirect.scatter.add.f32 [tilespmem:s3], [sflag:$0x5], $0x80, s26, s19, $0xb8;
	[tilespmem:$0x1E400] =	vst v63  }
0xc8: {  	_ =	swait.ge [sflag:s18], $0x2000  }
0xc9: {  	s25 =	sadd.s32 $0x1, s25;
	[sflag:s18] =	ssyncset.done $0x0  }
0xca: {  	p0 =	sne.s32 s25, s16;
	[sflag:s18] =	ssyncadd.s32 $0xFFFFE000  }
.Ltmp4:
0xcb: {  	[bflag:$0x0] =	sbarrier.arrive $0xFFFF;
	(pc) =	sbr.rel @p0 .LBB2_1-.Ltmp4, $4  }
0xcc: {  	[hbm:s15], [sflag:s6] =	dma.local [spmem:s17], $0x2780  }
0xcd: {  	_ =	swait.ge [sflag:s18], $0x2780  }
0xce: {  	[sflag:s18] =	ssyncset.done $0x0  }
0xcf: {  	[sflag:s18] =	ssyncadd.s32 $0xFFFFD880  }
0xd0: {  	_ =	sfence.sel $0x180000  }
0xd1: {  	[bflag:$0x0] =	sbarrier.arrive $0xFFFF  }
0xd2: {  	_ =	strace $0x90000050  }
0xd3: {  	s0 =	stileid.u32;
	[bflag:$0x2] =	sbarrier.arrive $0xFFFF  }
0xd4: {  	p0 =	sne.s32 s0, $0x0;
	s0 =	rddreg [dreg:$0x3]  }
0xd5: {  	s0 =	sadd.s32 @!p0 $0x100000, s0  }
0xd6: {  	[sflag:s0] =	ssyncadd.tile.s32 @!p0 $0x1;
	_ =	shalt  }
.Lfunc_end2:
_tile_overlayer_lowered:
.L_overlay_start_2:
0xd7: {  	(tag) =	ssettag $0x2  }
0xd8: {  	s0 =	rddreg [dreg:$0x0];
	s2 =	stileid.u32  }
0xd9: {  	s1 =	rddreg [dreg:$0x1];
	p0 =	sne.s32 s2, $0x0  }
0xda: {  	s3 =	rddreg [dreg:$0x2];
	[bflag:$0x3] =	sbarrier.arrive $0xFFFF;
	s2 =	simm.s32 @!p0 $0x1C05  }
0xdb: {  	[timem:s3], [sflag:s2] =	dma.local @!p0 [hbm:s0], s1  }
0xdc: {  	s0 =	simm.s32 @!p0 $0x5  }
0xdd: {  	_ =	swait.ge @!p0 [sflag:s0], s1  }
0xde: {  	s1 =	ssub.s32 @!p0 $0x0, s1;
	[sflag:s0] =	ssyncset.done @!p0 $0x0  }
0xdf: {  	[sflag:s0] =	ssyncadd.s32 @!p0 s1  }
0xe0: {  	[bflag:$0x3] =	sbarrier.arrive $0xFFFF  }
0xe1: {  	_ =	shalt  }

</sc_bundles>
